<compile_context>
chip_gen: v7x
topology: tpu7x:2x2x1
jax: 0.10.2.dev20260603
libtpu: 0.0.44.dev20260713+nightly
codegen_flags: <defaults>
</compile_context>

<pallas_src>
import functools

import jax
import jax.numpy as jnp
from jax import lax
from jax.experimental import pallas as pl
from jax.experimental.pallas import tpu as pltpu
from jax.experimental.pallas import tpu_sc as plsc


C = 12
GRID_W = 24576


B_SC = 1
NW = 32
TPB = NW // B_SC
ROWS_PER_W = 512 * B_SC // NW
NIT = 512 // 16


def _sc_body(a_hbm, g_hbm, irow_hbm, fxrow_hbm, jrow_hbm, fyrow_hbm, out_hbm,
             a_v, gh_v, g_v, o_v, irow_v, fxrow_v, jrow_v, fyrow_v, sem):
    wid = lax.axis_index("s") * 2 + lax.axis_index("c")
    b = wid // TPB
    t = wid % TPB
    pltpu.sync_copy(a_hbm.at[pl.ds(b * GRID_W, GRID_W)], a_v)
    pltpu.sync_copy(irow_hbm, irow_v)
    pltpu.sync_copy(fxrow_hbm, fxrow_v)
    pltpu.sync_copy(jrow_hbm, jrow_v)
    pltpu.sync_copy(fyrow_hbm, fyrow_v)
    lane = lax.iota(jnp.int32, 16)

    def row_body(ri, carry):
        row = t * ROWS_PER_W + ri
        p_in_b = row * 512
        pltpu.sync_copy(
            g_hbm.at[pl.ds(pl.multiple_of(b * 262144 + p_in_b, 512), 512)], g_v)

        rowv = jnp.full((16,), row, jnp.int32)
        i_off = plsc.load_gather(irow_v, [rowv]) + lane
        fxv = plsc.load_gather(fxrow_v, [rowv])
        wx0 = 1.0 - fxv
        for c in range(C):
            for r in range(8):
                idx = i_off + (c * 2048 + r * 16)
                v0 = plsc.load_gather(a_v, [idx])
                v1 = plsc.load_gather(a_v, [idx + 128])
                gh_v[pl.ds(c * 128 + r * 16, 16)] = wx0 * v0 + fxv * v1

        def it_body(ii, carry2):
            w0 = ii * 16
            g = g_v[pl.ds(pl.multiple_of(w0, 16), 16)]
            j8 = jrow_v[pl.ds(pl.multiple_of(w0, 16), 16)]
            fy = fyrow_v[pl.ds(pl.multiple_of(w0, 16), 16)]
            tz = jnp.clip((g + 1.0) * 3.5, 0.0, 7.0)
            k0 = jnp.minimum(tz.astype(jnp.int32), 6)
            fz = tz - k0.astype(jnp.float32)
            wy0, wz0 = 1.0 - fy, 1.0 - fz
            w00, w01 = wy0 * wz0, wy0 * fz
            w10, w11 = fy * wz0, fy * fz
            base = j8 + k0
            for c in range(C):
                b0 = base + c * 128
                v00 = plsc.load_gather(gh_v, [b0])
                v01 = plsc.load_gather(gh_v, [b0 + 1])
                v10 = plsc.load_gather(gh_v, [b0 + 8])
                v11 = plsc.load_gather(gh_v, [b0 + 9])
                o_v[c, pl.ds(pl.multiple_of(w0, 16), 16)] = (
                    (w00 * v00 + w01 * v01) + (w10 * v10 + w11 * v11))
            return carry2

        lax.fori_loop(0, NIT, it_body, 0)
        copies = [
            pltpu.async_copy(o_v.at[c], out_hbm.at[(b * C + c) * 512 + row], sem)
            for c in range(C)
        ]
        for cp in copies:
            cp.wait()
        return carry

    lax.fori_loop(0, ROWS_PER_W, row_body, 0)


def _tent_tables(npix, ngrid):
    gx = jnp.linspace(-1.0, 1.0, npix, dtype=jnp.float32)
    tx = jnp.clip((gx + 1.0) * 0.5 * (ngrid - 1), 0.0, float(ngrid - 1))
    i0 = jnp.minimum(jnp.floor(tx), float(ngrid - 2)).astype(jnp.int32)
    f = tx - i0.astype(jnp.float32)
    return i0, f


def _tent_matrix(npix, ngrid):
    gx = jnp.linspace(-1.0, 1.0, npix, dtype=jnp.float32)
    t = jnp.clip((gx + 1.0) * 0.5 * (ngrid - 1), 0.0, float(ngrid - 1))
    i = jnp.arange(ngrid, dtype=jnp.float32)
    return jnp.maximum(0.0, 1.0 - jnp.abs(t[:, None] - i[None, :]))



BH = 256
CQ = 3
NQ = C // CQ


def _upsample_body(a_ref, v_ref, t_ref):
    t_ref[0] = jnp.dot(a_ref[0], v_ref[...], preferred_element_type=jnp.float32)


def _slice_body(t_ref, u_ref, g_ref, o_ref):
    cmat = jnp.dot(u_ref[...], t_ref[0], preferred_element_type=jnp.float32)
    g = g_ref[0]
    tz = jnp.clip((g + 1.0) * 3.5, 0.0, 7.0)
    wzs = [jnp.maximum(0.0, 1.0 - jnp.abs(tz - z)) for z in range(8)]
    for cc in range(CQ):
        acc = wzs[0] * cmat[:, (cc * 8) * 512:(cc * 8 + 1) * 512]
        for z in range(1, 8):
            acc = acc + wzs[z] * cmat[:, (cc * 8 + z) * 512:(cc * 8 + z + 1) * 512]
        o_ref[0, cc] = acc


def _tc_slice(A, guide2):
    bs, H, W = guide2.shape
    g1, g2, g3 = 16, 16, 8
    U = _tent_matrix(H, g1)
    VT = U.T
    A5 = jnp.transpose(A, (0, 2, 1, 4, 3)).reshape(bs, g1 * C * g3, g2)
    T0 = pl.pallas_call(
        _upsample_body,
        grid=(bs,),
        in_specs=[
            pl.BlockSpec((1, g1 * C * g3, g2), lambda b: (b, 0, 0)),
            pl.BlockSpec((g2, W), lambda b: (0, 0)),
        ],
        out_specs=pl.BlockSpec((1, g1 * C * g3, W), lambda b: (b, 0, 0)),
        out_shape=jax.ShapeDtypeStruct((bs, g1 * C * g3, W), jnp.float32),
    )(A5, VT)
    T = T0.reshape(bs, g1, C * g3 * W)
    O = pl.pallas_call(
        _slice_body,
        grid=(bs, NQ, H // BH),
        in_specs=[
            pl.BlockSpec((1, g1, CQ * g3 * W), lambda b, q, h: (b, 0, q)),
            pl.BlockSpec((BH, g1), lambda b, q, h: (h, 0)),
            pl.BlockSpec((1, BH, W), lambda b, q, h: (b, h, 0)),
        ],
        out_specs=pl.BlockSpec((1, CQ, BH, W), lambda b, q, h: (b, q, h, 0)),
        out_shape=jax.ShapeDtypeStruct((bs, C, H, W), jnp.float32),
    )(T, U, guide2)
    return O


@jax.jit
def kernel(A, guide):
    bs, H, W, _ = guide.shape
    i0h, fxh = _tent_tables(H, A.shape[2])
    j0w, fyw = _tent_tables(W, A.shape[3])

    a_sc = A[:B_SC].reshape(B_SC * GRID_W)
    g_sc = guide[:B_SC].reshape(B_SC * H * W)
    mesh = plsc.VectorSubcoreMesh(
        core_axis_name="c", subcore_axis_name="s", num_cores=2, num_subcores=16)
    sc_slice = functools.partial(
        pl.kernel,
        out_type=jax.ShapeDtypeStruct((B_SC * C * H, W), jnp.float32),
        mesh=mesh,
        compiler_params=pltpu.CompilerParams(needs_layout_passes=False),
        scratch_types=[
            pltpu.VMEM((GRID_W,), jnp.float32),
            pltpu.VMEM((C * 128,), jnp.float32),
            pltpu.VMEM((512,), jnp.float32),
            pltpu.VMEM((C, 512), jnp.float32),
            pltpu.VMEM((512,), jnp.int32),
            pltpu.VMEM((512,), jnp.float32),
            pltpu.VMEM((512,), jnp.int32),
            pltpu.VMEM((512,), jnp.float32),
            pltpu.SemaphoreType.DMA,
        ],
    )(_sc_body)
    out_sc = sc_slice(a_sc, g_sc, i0h * 128, fxh, j0w * 8, fyw)

    out_tc = _tc_slice(A[B_SC:], guide[B_SC:].reshape(bs - B_SC, H, W))

    out = jnp.concatenate(
        [out_sc.reshape(B_SC, C, H, W), out_tc], axis=0)
    return jnp.transpose(out, (0, 2, 3, 1))

# --- scband reference (transcript-rebuilt; emitter-appended) ---
"""Pipeline reference for scband-slice-25031069401469 (READ-ONLY COPY).

The authoritative reference and input builder live on the scoring server;
editing this copy changes nothing except your own understanding.
"""

import jax, jax.numpy as jnp
import numpy as np


def _trilinear_interp(A, pts):
    # A: [bs, C, g1, g2, g3]; pts: [bs, C, P, 3] with coords in [-1, 1]
    g1, g2, g3 = A.shape[-3], A.shape[-2], A.shape[-1]

    def coord(c, n):
        t = (c + 1.0) * 0.5 * (n - 1)
        t = jnp.clip(t, 0.0, float(n - 1))
        i0 = jnp.clip(jnp.floor(t), 0.0, float(n - 2)).astype(jnp.int32)
        f = t - i0.astype(t.dtype)
        return i0, f

    ix, fx = coord(pts[..., 0], g1)
    iy, fy = coord(pts[..., 1], g2)
    iz, fz = coord(pts[..., 2], g3)
    bs, C, P = ix.shape
    b = jnp.arange(bs)[:, None, None]
    c = jnp.arange(C)[None, :, None]
    out = jnp.zeros(ix.shape, dtype=A.dtype)
    for dx in (0, 1):
        wx = fx if dx == 1 else (1.0 - fx)
        for dy in (0, 1):
            wy = fy if dy == 1 else (1.0 - fy)
            for dz in (0, 1):
                wz = fz if dz == 1 else (1.0 - fz)
                v = A[b, c, ix + dx, iy + dy, iz + dz]
                out = out + wx * wy * wz * v
    return out


def setup_inputs(seed: int = 0) -> dict:
    key = jax.random.key(seed)
    k1, k2 = jax.random.split(key)
    A = jax.random.normal(k1, (4, 12, 16, 16, 8), dtype=jnp.float32)
    guide = jax.random.uniform(k2, (4, 512, 512, 1), dtype=jnp.float32)
    return {"A": A, "guide": guide}


def reference(A, guide):
    bs, H, W, _ = guide.shape
    gx = jnp.linspace(-1.0, 1.0, W, dtype=jnp.float32)
    gy = jnp.linspace(-1.0, 1.0, H, dtype=jnp.float32)
    mx, my = jnp.meshgrid(gx, gy, indexing='ij')  # [W, H] each
    mesh = jnp.stack([mx, my], axis=-1).reshape(-1, 2)  # [W*H, 2]
    mesh = jnp.broadcast_to(mesh[None, None], (bs, 12, W * H, 2)).astype(jnp.float32)
    intensity = jnp.reshape(guide, (bs, 1, W * H, 1))
    intensity = jnp.broadcast_to(intensity, (bs, 12, W * H, 1)).astype(jnp.float32)
    guidemap = jnp.concatenate([mesh, intensity], axis=-1)  # [bs, 12, W*H, 3]
    coeffs = _trilinear_interp(A, guidemap)  # [bs, 12, W*H]
    coeffs = jnp.reshape(coeffs, (bs, 12, H, W))
    coeffs = jnp.transpose(coeffs, (0, 2, 3, 1))
    return coeffs

if __name__ == "__main__":
    import jax
    _d = setup_inputs()
    print(jax.jit(kernel)(*tuple(_d.values())))

</pallas_src>

<mosaic_0001>
#map = affine_map<(d0, d1) -> (0)>
#map1 = affine_map<(d0, d1) -> (0, 0)>
module attributes {stable_mosaic.version = 14 : i64} {
  func.func @_sc_body(%arg0: i32, %arg1: i32, %arg2: memref<24576xf32, #tpu.memory_space<hbm>>, %arg3: memref<262144xf32, #tpu.memory_space<hbm>>, %arg4: memref<512xi32, #tpu.memory_space<hbm>>, %arg5: memref<512xf32, #tpu.memory_space<hbm>>, %arg6: memref<512xi32, #tpu.memory_space<hbm>>, %arg7: memref<512xf32, #tpu.memory_space<hbm>>, %arg8: memref<6144x512xf32, #tpu.memory_space<hbm>>, %arg9: memref<24576xf32, #tpu.memory_space<vmem>>, %arg10: memref<1536xf32, #tpu.memory_space<vmem>>, %arg11: memref<512xf32, #tpu.memory_space<vmem>>, %arg12: memref<12x512xf32, #tpu.memory_space<vmem>>, %arg13: memref<512xi32, #tpu.memory_space<vmem>>, %arg14: memref<512xf32, #tpu.memory_space<vmem>>, %arg15: memref<512xi32, #tpu.memory_space<vmem>>, %arg16: memref<512xf32, #tpu.memory_space<vmem>>, %arg17: memref<!tpu.dma_semaphore, #tpu.memory_space<semaphore_mem>>) attributes {dimension_semantics = [#tpu.dimension_semantics<core_parallel>, #tpu.dimension_semantics<subcore_parallel>], iteration_bounds = array<i64: 2, 16>, scalar_prefetch = 0 : i64, scratch_operands = 9 : i64, tpu.core_type = #tpu.core_type<sc_vector_subcore>, window_params = [{transform_indices = #map}, {transform_indices = #map}, {transform_indices = #map}, {transform_indices = #map}, {transform_indices = #map}, {transform_indices = #map}, {transform_indices = #map1}]} {
    %mul3A = arith.constant 2 : i32
    %mul3A_0 = arith.muli %arg1, %mul3A : i32
    %add3A = arith.addi %mul3A_0, %arg0 : i32
    %jit3A = arith.constant 32 : i32
    %div3A = arith.divsi %add3A, %jit3A : i32
    %sign3A = arith.constant 0 : i32
    %sign3A_1 = arith.cmpi sgt, %add3A, %sign3A : i32
    %sign3A_2 = arith.extui %sign3A_1 : i1 to i32
    %sign3A_3 = arith.constant 0 : i32
    %sign3A_4 = arith.cmpi slt, %add3A, %sign3A_3 : i32
    %sign3A_5 = arith.extui %sign3A_4 : i1 to i32
    %sign3A_6 = arith.subi %sign3A_2, %sign3A_5 : i32
    %sign3A_7 = arith.constant 0 : i32
    %sign3A_8 = arith.cmpi sgt, %jit3A, %sign3A_7 : i32
    %sign3A_9 = arith.extui %sign3A_8 : i1 to i32
    %sign3A_10 = arith.constant 0 : i32
    %sign3A_11 = arith.cmpi slt, %jit3A, %sign3A_10 : i32
    %sign3A_12 = arith.extui %sign3A_11 : i1 to i32
    %sign3A_13 = arith.subi %sign3A_9, %sign3A_12 : i32
    %ne3A = arith.cmpi ne, %sign3A_6, %sign3A_13 : i32
    %rem3A = arith.remsi %add3A, %jit3A : i32
    %ne3A_14 = arith.constant 0 : i32
    %ne3A_15 = arith.cmpi ne, %rem3A, %ne3A_14 : i32
    %and3A = arith.andi %ne3A, %ne3A_15 : i1
    %sub3A = arith.constant 1 : i32
    %sub3A_16 = arith.subi %div3A, %sub3A : i32
    %select_n3A = arith.select %and3A, %sub3A_16, %div3A : i32
    %jit3A_17 = arith.constant 32 : i32
    %eq3A = arith.constant 0 : i32
    %eq3A_18 = arith.cmpi eq, %jit3A_17, %eq3A : i32
    %jit3A_19 = arith.constant 1 : i32
    %select_n3A_20 = arith.select %eq3A_18, %jit3A_19, %jit3A_17 : i32
    %rem3A_21 = arith.remsi %add3A, %select_n3A_20 : i32
    %ne3A_22 = arith.constant 0 : i32
    %ne3A_23 = arith.cmpi ne, %rem3A_21, %ne3A_22 : i32
    %lt3A = arith.constant 0 : i32
    %lt3A_24 = arith.cmpi slt, %rem3A_21, %lt3A : i32
    %lt3A_25 = arith.constant 0 : i32
    %lt3A_26 = arith.cmpi slt, %select_n3A_20, %lt3A_25 : i32
    %ne3A_27 = arith.xori %lt3A_24, %lt3A_26 : i1
    %and3A_28 = arith.andi %ne3A_27, %ne3A_23 : i1
    %add3A_29 = arith.addi %rem3A_21, %select_n3A_20 : i32
    %select_n3A_30 = arith.select %and3A_28, %add3A_29, %rem3A_21 : i32
    %mul3A_31 = arith.constant 24576 : i32
    %mul3A_32 = arith.muli %select_n3A, %mul3A_31 : i32
    "tpu.region"() ({
      %run_scoped3A = tpu.sem_alloc : memref<!tpu.dma_semaphore, #tpu.memory_space<semaphore_mem>>
      %dma_start3A = tpu.memref_slice %arg2[%mul3A_32] : memref<24576xf32, #tpu.memory_space<hbm>> -> memref<24576xf32, #tpu.memory_space<hbm>>
      %dma_start3A_38 = tpu.memref_slice %arg2[%mul3A_32] : memref<24576xf32, #tpu.memory_space<hbm>> -> memref<24576xf32, #tpu.memory_space<hbm>>
      tpu.enqueue_dma source(%dma_start3A_38 : memref<24576xf32, #tpu.memory_space<hbm>>) target(%arg9 : memref<24576xf32, #tpu.memory_space<vmem>>) target_semaphore(%run_scoped3A : memref<!tpu.dma_semaphore, #tpu.memory_space<semaphore_mem>>)
      %dma_wait3A = tpu.memref_slice %arg2[%mul3A_32] : memref<24576xf32, #tpu.memory_space<hbm>> -> memref<24576xf32, #tpu.memory_space<hbm>>
      %dma_wait3A_39 = tpu.memref_slice %arg2[%mul3A_32] : memref<24576xf32, #tpu.memory_space<hbm>> -> memref<24576xf32, #tpu.memory_space<hbm>>
      tpu.wait_dma2 semaphore(%run_scoped3A : memref<!tpu.dma_semaphore, #tpu.memory_space<semaphore_mem>>) src(%dma_wait3A_39 : memref<24576xf32, #tpu.memory_space<hbm>>) dst(%arg9 : memref<24576xf32, #tpu.memory_space<vmem>>)
      tpu.yield
    }) : () -> ()
    "tpu.region"() ({
      %run_scoped3A = tpu.sem_alloc : memref<!tpu.dma_semaphore, #tpu.memory_space<semaphore_mem>>
      tpu.enqueue_dma source(%arg4 : memref<512xi32, #tpu.memory_space<hbm>>) target(%arg13 : memref<512xi32, #tpu.memory_space<vmem>>) target_semaphore(%run_scoped3A : memref<!tpu.dma_semaphore, #tpu.memory_space<semaphore_mem>>)
      tpu.wait_dma2 semaphore(%run_scoped3A : memref<!tpu.dma_semaphore, #tpu.memory_space<semaphore_mem>>) src(%arg4 : memref<512xi32, #tpu.memory_space<hbm>>) dst(%arg13 : memref<512xi32, #tpu.memory_space<vmem>>)
      tpu.yield
    }) : () -> ()
    "tpu.region"() ({
      %run_scoped3A = tpu.sem_alloc : memref<!tpu.dma_semaphore, #tpu.memory_space<semaphore_mem>>
      tpu.enqueue_dma source(%arg5 : memref<512xf32, #tpu.memory_space<hbm>>) target(%arg14 : memref<512xf32, #tpu.memory_space<vmem>>) target_semaphore(%run_scoped3A : memref<!tpu.dma_semaphore, #tpu.memory_space<semaphore_mem>>)
      tpu.wait_dma2 semaphore(%run_scoped3A : memref<!tpu.dma_semaphore, #tpu.memory_space<semaphore_mem>>) src(%arg5 : memref<512xf32, #tpu.memory_space<hbm>>) dst(%arg14 : memref<512xf32, #tpu.memory_space<vmem>>)
      tpu.yield
    }) : () -> ()
    "tpu.region"() ({
      %run_scoped3A = tpu.sem_alloc : memref<!tpu.dma_semaphore, #tpu.memory_space<semaphore_mem>>
      tpu.enqueue_dma source(%arg6 : memref<512xi32, #tpu.memory_space<hbm>>) target(%arg15 : memref<512xi32, #tpu.memory_space<vmem>>) target_semaphore(%run_scoped3A : memref<!tpu.dma_semaphore, #tpu.memory_space<semaphore_mem>>)
      tpu.wait_dma2 semaphore(%run_scoped3A : memref<!tpu.dma_semaphore, #tpu.memory_space<semaphore_mem>>) src(%arg6 : memref<512xi32, #tpu.memory_space<hbm>>) dst(%arg15 : memref<512xi32, #tpu.memory_space<vmem>>)
      tpu.yield
    }) : () -> ()
    "tpu.region"() ({
      %run_scoped3A = tpu.sem_alloc : memref<!tpu.dma_semaphore, #tpu.memory_space<semaphore_mem>>
      tpu.enqueue_dma source(%arg7 : memref<512xf32, #tpu.memory_space<hbm>>) target(%arg16 : memref<512xf32, #tpu.memory_space<vmem>>) target_semaphore(%run_scoped3A : memref<!tpu.dma_semaphore, #tpu.memory_space<semaphore_mem>>)
      tpu.wait_dma2 semaphore(%run_scoped3A : memref<!tpu.dma_semaphore, #tpu.memory_space<semaphore_mem>>) src(%arg7 : memref<512xf32, #tpu.memory_space<hbm>>) dst(%arg16 : memref<512xf32, #tpu.memory_space<vmem>>)
      tpu.yield
    }) : () -> ()
    %iota3A = tpu.iota {dimensions = array<i32: 0>} : vector<16xi32>
    %scan3A = arith.constant 0 : i32
    %scan3A_33 = arith.constant 0 : i32
    %scan3A_34 = arith.constant 16 : i32
    %scan3A_35 = arith.addi %scan3A_33, %scan3A_34 : i32
    %scan3A_36 = arith.constant 1 : i32
    scf.for %scan3A_38 = %scan3A_33 to %scan3A_35 step %scan3A_36  : i32 {
      %mul3A_39 = arith.constant 16 : i32
      %mul3A_40 = arith.muli %select_n3A_30, %mul3A_39 : i32
      %add3A_41 = arith.addi %mul3A_40, %scan3A_38 : i32
      %mul3A_42 = arith.constant 512 : i32
      %mul3A_43 = arith.muli %add3A_41, %mul3A_42 : i32
      %mul3A_44 = arith.constant 262144 : i32
      %mul3A_45 = arith.muli %select_n3A, %mul3A_44 : i32
      %add3A_46 = arith.addi %mul3A_45, %mul3A_43 : i32
      %multiple_of3A = tpu.assume_multiple %add3A_46, 512 : i32
      "tpu.region"() ({
        %run_scoped3A = tpu.sem_alloc : memref<!tpu.dma_semaphore, #tpu.memory_space<semaphore_mem>>
        %dma_start3A_1699 = tpu.memref_slice %arg3[%multiple_of3A] : memref<262144xf32, #tpu.memory_space<hbm>> -> memref<512xf32, #tpu.memory_space<hbm>>
        %dma_start3A_1700 = tpu.memref_slice %arg3[%multiple_of3A] : memref<262144xf32, #tpu.memory_space<hbm>> -> memref<512xf32, #tpu.memory_space<hbm>>
        tpu.enqueue_dma source(%dma_start3A_1700 : memref<512xf32, #tpu.memory_space<hbm>>) target(%arg11 : memref<512xf32, #tpu.memory_space<vmem>>) target_semaphore(%run_scoped3A : memref<!tpu.dma_semaphore, #tpu.memory_space<semaphore_mem>>)
        %dma_wait3A_1701 = tpu.memref_slice %arg3[%multiple_of3A] : memref<262144xf32, #tpu.memory_space<hbm>> -> memref<512xf32, #tpu.memory_space<hbm>>
        %dma_wait3A_1702 = tpu.memref_slice %arg3[%multiple_of3A] : memref<262144xf32, #tpu.memory_space<hbm>> -> memref<512xf32, #tpu.memory_space<hbm>>
        tpu.wait_dma2 semaphore(%run_scoped3A : memref<!tpu.dma_semaphore, #tpu.memory_space<semaphore_mem>>) src(%dma_wait3A_1702 : memref<512xf32, #tpu.memory_space<hbm>>) dst(%arg11 : memref<512xf32, #tpu.memory_space<vmem>>)
        tpu.yield
      }) : () -> ()
      %broadcast_in_dim3A = vector.broadcast %add3A_41 : i32 to vector<16xi32>
      %gather3A = tpu.vector_load_idx %arg13[%broadcast_in_dim3A] : memref<512xi32, #tpu.memory_space<vmem>>[vector<16xi32>], vector<16xi32>,
      %add3A_47 = arith.addi %gather3A, %iota3A : vector<16xi32>
      %gather3A_48 = tpu.vector_load_idx %arg14[%broadcast_in_dim3A] : memref<512xf32, #tpu.memory_space<vmem>>[vector<16xi32>], vector<16xf32>,
      %sub3A_49 = arith.constant 1.000000e+00 : f32
      %sub3A_50 = vector.broadcast %sub3A_49 : f32 to vector<16xf32>
      %sub3A_51 = arith.subf %sub3A_50, %gather3A_48 : vector<16xf32>
      %add3A_52 = arith.constant 0 : i32
      %add3A_53 = vector.broadcast %add3A_52 : i32 to vector<16xi32>
      %add3A_54 = arith.addi %add3A_47, %add3A_53 : vector<16xi32>
      %gather3A_55 = tpu.vector_load_idx %arg9[%add3A_54] : memref<24576xf32, #tpu.memory_space<vmem>>[vector<16xi32>], vector<16xf32>,
      %add3A_56 = arith.constant 128 : i32
      %add3A_57 = vector.broadcast %add3A_56 : i32 to vector<16xi32>
      %add3A_58 = arith.addi %add3A_54, %add3A_57 : vector<16xi32>
      %gather3A_59 = tpu.vector_load_idx %arg9[%add3A_58] : memref<24576xf32, #tpu.memory_space<vmem>>[vector<16xi32>], vector<16xf32>,
      %mul3A_60 = arith.mulf %sub3A_51, %gather3A_55 : vector<16xf32>
      %mul3A_61 = arith.mulf %gather3A_48, %gather3A_59 : vector<16xf32>
      %add3A_62 = arith.addf %mul3A_60, %mul3A_61 : vector<16xf32>
      %swap3A = arith.constant 0 : index
      %swap3A_63 = tpu.vector_load %arg10[%swap3A] {strides = array<i32>} : memref<1536xf32, #tpu.memory_space<vmem>>, vector<16xf32>,
      tpu.vector_store %arg10[%swap3A], %add3A_62 {strides = array<i32>} : memref<1536xf32, #tpu.memory_space<vmem>>, vector<16xf32>,
      %add3A_64 = arith.constant 16 : i32
      %add3A_65 = vector.broadcast %add3A_64 : i32 to vector<16xi32>
      %add3A_66 = arith.addi %add3A_47, %add3A_65 : vector<16xi32>
      %gather3A_67 = tpu.vector_load_idx %arg9[%add3A_66] : memref<24576xf32, #tpu.memory_space<vmem>>[vector<16xi32>], vector<16xf32>,
      %add3A_68 = arith.constant 128 : i32
      %add3A_69 = vector.broadcast %add3A_68 : i32 to vector<16xi32>
      %add3A_70 = arith.addi %add3A_66, %add3A_69 : vector<16xi32>
      %gather3A_71 = tpu.vector_load_idx %arg9[%add3A_70] : memref<24576xf32, #tpu.memory_space<vmem>>[vector<16xi32>], vector<16xf32>,
      %mul3A_72 = arith.mulf %sub3A_51, %gather3A_67 : vector<16xf32>
      %mul3A_73 = arith.mulf %gather3A_48, %gather3A_71 : vector<16xf32>
      %add3A_74 = arith.addf %mul3A_72, %mul3A_73 : vector<16xf32>
      %swap3A_75 = arith.constant 16 : index
      %swap3A_76 = tpu.vector_load %arg10[%swap3A_75] {strides = array<i32>} : memref<1536xf32, #tpu.memory_space<vmem>>, vector<16xf32>,
      tpu.vector_store %arg10[%swap3A_75], %add3A_74 {strides = array<i32>} : memref<1536xf32, #tpu.memory_space<vmem>>, vector<16xf32>,
      %add3A_77 = arith.constant 32 : i32
      %add3A_78 = vector.broadcast %add3A_77 : i32 to vector<16xi32>
      %add3A_79 = arith.addi %add3A_47, %add3A_78 : vector<16xi32>
      %gather3A_80 = tpu.vector_load_idx %arg9[%add3A_79] : memref<24576xf32, #tpu.memory_space<vmem>>[vector<16xi32>], vector<16xf32>,
      %add3A_81 = arith.constant 128 : i32
      %add3A_82 = vector.broadcast %add3A_81 : i32 to vector<16xi32>
      %add3A_83 = arith.addi %add3A_79, %add3A_82 : vector<16xi32>
      %gather3A_84 = tpu.vector_load_idx %arg9[%add3A_83] : memref<24576xf32, #tpu.memory_space<vmem>>[vector<16xi32>], vector<16xf32>,
      %mul3A_85 = arith.mulf %sub3A_51, %gather3A_80 : vector<16xf32>
      %mul3A_86 = arith.mulf %gather3A_48, %gather3A_84 : vector<16xf32>
      %add3A_87 = arith.addf %mul3A_85, %mul3A_86 : vector<16xf32>
      %swap3A_88 = arith.constant 32 : index
      %swap3A_89 = tpu.vector_load %arg10[%swap3A_88] {strides = array<i32>} : memref<1536xf32, #tpu.memory_space<vmem>>, vector<16xf32>,
      tpu.vector_store %arg10[%swap3A_88], %add3A_87 {strides = array<i32>} : memref<1536xf32, #tpu.memory_space<vmem>>, vector<16xf32>,
      %add3A_90 = arith.constant 48 : i32
      %add3A_91 = vector.broadcast %add3A_90 : i32 to vector<16xi32>
      %add3A_92 = arith.addi %add3A_47, %add3A_91 : vector<16xi32>
      %gather3A_93 = tpu.vector_load_idx %arg9[%add3A_92] : memref<24576xf32, #tpu.memory_space<vmem>>[vector<16xi32>], vector<16xf32>,
      %add3A_94 = arith.constant 128 : i32
      %add3A_95 = vector.broadcast %add3A_94 : i32 to vector<16xi32>
      %add3A_96 = arith.addi %add3A_92, %add3A_95 : vector<16xi32>
      %gather3A_97 = tpu.vector_load_idx %arg9[%add3A_96] : memref<24576xf32, #tpu.memory_space<vmem>>[vector<16xi32>], vector<16xf32>,
      %mul3A_98 = arith.mulf %sub3A_51, %gather3A_93 : vector<16xf32>
      %mul3A_99 = arith.mulf %gather3A_48, %gather3A_97 : vector<16xf32>
      %add3A_100 = arith.addf %mul3A_98, %mul3A_99 : vector<16xf32>
      %swap3A_101 = arith.constant 48 : index
      %swap3A_102 = tpu.vector_load %arg10[%swap3A_101] {strides = array<i32>} : memref<1536xf32, #tpu.memory_space<vmem>>, vector<16xf32>,
      tpu.vector_store %arg10[%swap3A_101], %add3A_100 {strides = array<i32>} : memref<1536xf32, #tpu.memory_space<vmem>>, vector<16xf32>,
      %add3A_103 = arith.constant 64 : i32
      %add3A_104 = vector.broadcast %add3A_103 : i32 to vector<16xi32>
      %add3A_105 = arith.addi %add3A_47, %add3A_104 : vector<16xi32>
      %gather3A_106 = tpu.vector_load_idx %arg9[%add3A_105] : memref<24576xf32, #tpu.memory_space<vmem>>[vector<16xi32>], vector<16xf32>,
      %add3A_107 = arith.constant 128 : i32
      %add3A_108 = vector.broadcast %add3A_107 : i32 to vector<16xi32>
      %add3A_109 = arith.addi %add3A_105, %add3A_108 : vector<16xi32>
      %gather3A_110 = tpu.vector_load_idx %arg9[%add3A_109] : memref<24576xf32, #tpu.memory_space<vmem>>[vector<16xi32>], vector<16xf32>,
      %mul3A_111 = arith.mulf %sub3A_51, %gather3A_106 : vector<16xf32>
      %mul3A_112 = arith.mulf %gather3A_48, %gather3A_110 : vector<16xf32>
      %add3A_113 = arith.addf %mul3A_111, %mul3A_112 : vector<16xf32>
      %swap3A_114 = arith.constant 64 : index
      %swap3A_115 = tpu.vector_load %arg10[%swap3A_114] {strides = array<i32>} : memref<1536xf32, #tpu.memory_space<vmem>>, vector<16xf32>,
      tpu.vector_store %arg10[%swap3A_114], %add3A_113 {strides = array<i32>} : memref<1536xf32, #tpu.memory_space<vmem>>, vector<16xf32>,
      %add3A_116 = arith.constant 80 : i32
      %add3A_117 = vector.broadcast %add3A_116 : i32 to vector<16xi32>
      %add3A_118 = arith.addi %add3A_47, %add3A_117 : vector<16xi32>
      %gather3A_119 = tpu.vector_load_idx %arg9[%add3A_118] : memref<24576xf32, #tpu.memory_space<vmem>>[vector<16xi32>], vector<16xf32>,
      %add3A_120 = arith.constant 128 : i32
      %add3A_121 = vector.broadcast %add3A_120 : i32 to vector<16xi32>
      %add3A_122 = arith.addi %add3A_118, %add3A_121 : vector<16xi32>
      %gather3A_123 = tpu.vector_load_idx %arg9[%add3A_122] : memref<24576xf32, #tpu.memory_space<vmem>>[vector<16xi32>], vector<16xf32>,
      %mul3A_124 = arith.mulf %sub3A_51, %gather3A_119 : vector<16xf32>
      %mul3A_125 = arith.mulf %gather3A_48, %gather3A_123 : vector<16xf32>
      %add3A_126 = arith.addf %mul3A_124, %mul3A_125 : vector<16xf32>
      %swap3A_127 = arith.constant 80 : index
      %swap3A_128 = tpu.vector_load %arg10[%swap3A_127] {strides = array<i32>} : memref<1536xf32, #tpu.memory_space<vmem>>, vector<16xf32>,
      tpu.vector_store %arg10[%swap3A_127], %add3A_126 {strides = array<i32>} : memref<1536xf32, #tpu.memory_space<vmem>>, vector<16xf32>,
      %add3A_129 = arith.constant 96 : i32
      %add3A_130 = vector.broadcast %add3A_129 : i32 to vector<16xi32>
      %add3A_131 = arith.addi %add3A_47, %add3A_130 : vector<16xi32>
      %gather3A_132 = tpu.vector_load_idx %arg9[%add3A_131] : memref<24576xf32, #tpu.memory_space<vmem>>[vector<16xi32>], vector<16xf32>,
      %add3A_133 = arith.constant 128 : i32
      %add3A_134 = vector.broadcast %add3A_133 : i32 to vector<16xi32>
      %add3A_135 = arith.addi %add3A_131, %add3A_134 : vector<16xi32>
      %gather3A_136 = tpu.vector_load_idx %arg9[%add3A_135] : memref<24576xf32, #tpu.memory_space<vmem>>[vector<16xi32>], vector<16xf32>,
      %mul3A_137 = arith.mulf %sub3A_51, %gather3A_132 : vector<16xf32>
      %mul3A_138 = arith.mulf %gather3A_48, %gather3A_136 : vector<16xf32>
      %add3A_139 = arith.addf %mul3A_137, %mul3A_138 : vector<16xf32>
      %swap3A_140 = arith.constant 96 : index
      %swap3A_141 = tpu.vector_load %arg10[%swap3A_140] {strides = array<i32>} : memref<1536xf32, #tpu.memory_space<vmem>>, vector<16xf32>,
      tpu.vector_store %arg10[%swap3A_140], %add3A_139 {strides = array<i32>} : memref<1536xf32, #tpu.memory_space<vmem>>, vector<16xf32>,
      %add3A_142 = arith.constant 112 : i32
      %add3A_143 = vector.broadcast %add3A_142 : i32 to vector<16xi32>
      %add3A_144 = arith.addi %add3A_47, %add3A_143 : vector<16xi32>
      %gather3A_145 = tpu.vector_load_idx %arg9[%add3A_144] : memref<24576xf32, #tpu.memory_space<vmem>>[vector<16xi32>], vector<16xf32>,
      %add3A_146 = arith.constant 128 : i32
      %add3A_147 = vector.broadcast %add3A_146 : i32 to vector<16xi32>
      %add3A_148 = arith.addi %add3A_144, %add3A_147 : vector<16xi32>
      %gather3A_149 = tpu.vector_load_idx %arg9[%add3A_148] : memref<24576xf32, #tpu.memory_space<vmem>>[vector<16xi32>], vector<16xf32>,
      %mul3A_150 = arith.mulf %sub3A_51, %gather3A_145 : vector<16xf32>
      %mul3A_151 = arith.mulf %gather3A_48, %gather3A_149 : vector<16xf32>
      %add3A_152 = arith.addf %mul3A_150, %mul3A_151 : vector<16xf32>
      %swap3A_153 = arith.constant 112 : index
      %swap3A_154 = tpu.vector_load %arg10[%swap3A_153] {strides = array<i32>} : memref<1536xf32, #tpu.memory_space<vmem>>, vector<16xf32>,
      tpu.vector_store %arg10[%swap3A_153], %add3A_152 {strides = array<i32>} : memref<1536xf32, #tpu.memory_space<vmem>>, vector<16xf32>,
      %add3A_155 = arith.constant 2048 : i32
      %add3A_156 = vector.broadcast %add3A_155 : i32 to vector<16xi32>
      %add3A_157 = arith.addi %add3A_47, %add3A_156 : vector<16xi32>
      %gather3A_158 = tpu.vector_load_idx %arg9[%add3A_157] : memref<24576xf32, #tpu.memory_space<vmem>>[vector<16xi32>], vector<16xf32>,
      %add3A_159 = arith.constant 128 : i32
      %add3A_160 = vector.broadcast %add3A_159 : i32 to vector<16xi32>
      %add3A_161 = arith.addi %add3A_157, %add3A_160 : vector<16xi32>
      %gather3A_162 = tpu.vector_load_idx %arg9[%add3A_161] : memref<24576xf32, #tpu.memory_space<vmem>>[vector<16xi32>], vector<16xf32>,
      %mul3A_163 = arith.mulf %sub3A_51, %gather3A_158 : vector<16xf32>
      %mul3A_164 = arith.mulf %gather3A_48, %gather3A_162 : vector<16xf32>
      %add3A_165 = arith.addf %mul3A_163, %mul3A_164 : vector<16xf32>
      %swap3A_166 = arith.constant 128 : index
      %swap3A_167 = tpu.vector_load %arg10[%swap3A_166] {strides = array<i32>} : memref<1536xf32, #tpu.memory_space<vmem>>, vector<16xf32>,
      tpu.vector_store %arg10[%swap3A_166], %add3A_165 {strides = array<i32>} : memref<1536xf32, #tpu.memory_space<vmem>>, vector<16xf32>,
      %add3A_168 = arith.constant 2064 : i32
      %add3A_169 = vector.broadcast %add3A_168 : i32 to vector<16xi32>
      %add3A_170 = arith.addi %add3A_47, %add3A_169 : vector<16xi32>
      %gather3A_171 = tpu.vector_load_idx %arg9[%add3A_170] : memref<24576xf32, #tpu.memory_space<vmem>>[vector<16xi32>], vector<16xf32>,
      %add3A_172 = arith.constant 128 : i32
      %add3A_173 = vector.broadcast %add3A_172 : i32 to vector<16xi32>
      %add3A_174 = arith.addi %add3A_170, %add3A_173 : vector<16xi32>
      %gather3A_175 = tpu.vector_load_idx %arg9[%add3A_174] : memref<24576xf32, #tpu.memory_space<vmem>>[vector<16xi32>], vector<16xf32>,
      %mul3A_176 = arith.mulf %sub3A_51, %gather3A_171 : vector<16xf32>
      %mul3A_177 = arith.mulf %gather3A_48, %gather3A_175 : vector<16xf32>
      %add3A_178 = arith.addf %mul3A_176, %mul3A_177 : vector<16xf32>
      %swap3A_179 = arith.constant 144 : index
      %swap3A_180 = tpu.vector_load %arg10[%swap3A_179] {strides = array<i32>} : memref<1536xf32, #tpu.memory_space<vmem>>, vector<16xf32>,
      tpu.vector_store %arg10[%swap3A_179], %add3A_178 {strides = array<i32>} : memref<1536xf32, #tpu.memory_space<vmem>>, vector<16xf32>,
      %add3A_181 = arith.constant 2080 : i32
      %add3A_182 = vector.broadcast %add3A_181 : i32 to vector<16xi32>
      %add3A_183 = arith.addi %add3A_47, %add3A_182 : vector<16xi32>
      %gather3A_184 = tpu.vector_load_idx %arg9[%add3A_183] : memref<24576xf32, #tpu.memory_space<vmem>>[vector<16xi32>], vector<16xf32>,
      %add3A_185 = arith.constant 128 : i32
      %add3A_186 = vector.broadcast %add3A_185 : i32 to vector<16xi32>
      %add3A_187 = arith.addi %add3A_183, %add3A_186 : vector<16xi32>
      %gather3A_188 = tpu.vector_load_idx %arg9[%add3A_187] : memref<24576xf32, #tpu.memory_space<vmem>>[vector<16xi32>], vector<16xf32>,
      %mul3A_189 = arith.mulf %sub3A_51, %gather3A_184 : vector<16xf32>
      %mul3A_190 = arith.mulf %gather3A_48, %gather3A_188 : vector<16xf32>
      %add3A_191 = arith.addf %mul3A_189, %mul3A_190 : vector<16xf32>
      %swap3A_192 = arith.constant 160 : index
      %swap3A_193 = tpu.vector_load %arg10[%swap3A_192] {strides = array<i32>} : memref<1536xf32, #tpu.memory_space<vmem>>, vector<16xf32>,
      tpu.vector_store %arg10[%swap3A_192], %add3A_191 {strides = array<i32>} : memref<1536xf32, #tpu.memory_space<vmem>>, vector<16xf32>,
      %add3A_194 = arith.constant 2096 : i32
      %add3A_195 = vector.broadcast %add3A_194 : i32 to vector<16xi32>
      %add3A_196 = arith.addi %add3A_47, %add3A_195 : vector<16xi32>
      %gather3A_197 = tpu.vector_load_idx %arg9[%add3A_196] : memref<24576xf32, #tpu.memory_space<vmem>>[vector<16xi32>], vector<16xf32>,
      %add3A_198 = arith.constant 128 : i32
      %add3A_199 = vector.broadcast %add3A_198 : i32 to vector<16xi32>
      %add3A_200 = arith.addi %add3A_196, %add3A_199 : vector<16xi32>
      %gather3A_201 = tpu.vector_load_idx %arg9[%add3A_200] : memref<24576xf32, #tpu.memory_space<vmem>>[vector<16xi32>], vector<16xf32>,
      %mul3A_202 = arith.mulf %sub3A_51, %gather3A_197 : vector<16xf32>
      %mul3A_203 = arith.mulf %gather3A_48, %gather3A_201 : vector<16xf32>
      %add3A_204 = arith.addf %mul3A_202, %mul3A_203 : vector<16xf32>
      %swap3A_205 = arith.constant 176 : index
      %swap3A_206 = tpu.vector_load %arg10[%swap3A_205] {strides = array<i32>} : memref<1536xf32, #tpu.memory_space<vmem>>, vector<16xf32>,
      tpu.vector_store %arg10[%swap3A_205], %add3A_204 {strides = array<i32>} : memref<1536xf32, #tpu.memory_space<vmem>>, vector<16xf32>,
      %add3A_207 = arith.constant 2112 : i32
      %add3A_208 = vector.broadcast %add3A_207 : i32 to vector<16xi32>
      %add3A_209 = arith.addi %add3A_47, %add3A_208 : vector<16xi32>
      %gather3A_210 = tpu.vector_load_idx %arg9[%add3A_209] : memref<24576xf32, #tpu.memory_space<vmem>>[vector<16xi32>], vector<16xf32>,
      %add3A_211 = arith.constant 128 : i32
      %add3A_212 = vector.broadcast %add3A_211 : i32 to vector<16xi32>
      %add3A_213 = arith.addi %add3A_209, %add3A_212 : vector<16xi32>
      %gather3A_214 = tpu.vector_load_idx %arg9[%add3A_213] : memref<24576xf32, #tpu.memory_space<vmem>>[vector<16xi32>], vector<16xf32>,
      %mul3A_215 = arith.mulf %sub3A_51, %gather3A_210 : vector<16xf32>
      %mul3A_216 = arith.mulf %gather3A_48, %gather3A_214 : vector<16xf32>
      %add3A_217 = arith.addf %mul3A_215, %mul3A_216 : vector<16xf32>
      %swap3A_218 = arith.constant 192 : index
      %swap3A_219 = tpu.vector_load %arg10[%swap3A_218] {strides = array<i32>} : memref<1536xf32, #tpu.memory_space<vmem>>, vector<16xf32>,
      tpu.vector_store %arg10[%swap3A_218], %add3A_217 {strides = array<i32>} : memref<1536xf32, #tpu.memory_space<vmem>>, vector<16xf32>,
      %add3A_220 = arith.constant 2128 : i32
      %add3A_221 = vector.broadcast %add3A_220 : i32 to vector<16xi32>
      %add3A_222 = arith.addi %add3A_47, %add3A_221 : vector<16xi32>
      %gather3A_223 = tpu.vector_load_idx %arg9[%add3A_222] : memref<24576xf32, #tpu.memory_space<vmem>>[vector<16xi32>], vector<16xf32>,
      %add3A_224 = arith.constant 128 : i32
      %add3A_225 = vector.broadcast %add3A_224 : i32 to vector<16xi32>
      %add3A_226 = arith.addi %add3A_222, %add3A_225 : vector<16xi32>
      %gather3A_227 = tpu.vector_load_idx %arg9[%add3A_226] : memref<24576xf32, #tpu.memory_space<vmem>>[vector<16xi32>], vector<16xf32>,
      %mul3A_228 = arith.mulf %sub3A_51, %gather3A_223 : vector<16xf32>
      %mul3A_229 = arith.mulf %gather3A_48, %gather3A_227 : vector<16xf32>
      %add3A_230 = arith.addf %mul3A_228, %mul3A_229 : vector<16xf32>
      %swap3A_231 = arith.constant 208 : index
      %swap3A_232 = tpu.vector_load %arg10[%swap3A_231] {strides = array<i32>} : memref<1536xf32, #tpu.memory_space<vmem>>, vector<16xf32>,
      tpu.vector_store %arg10[%swap3A_231], %add3A_230 {strides = array<i32>} : memref<1536xf32, #tpu.memory_space<vmem>>, vector<16xf32>,
      %add3A_233 = arith.constant 2144 : i32
      %add3A_234 = vector.broadcast %add3A_233 : i32 to vector<16xi32>
      %add3A_235 = arith.addi %add3A_47, %add3A_234 : vector<16xi32>
      %gather3A_236 = tpu.vector_load_idx %arg9[%add3A_235] : memref<24576xf32, #tpu.memory_space<vmem>>[vector<16xi32>], vector<16xf32>,
      %add3A_237 = arith.constant 128 : i32
      %add3A_238 = vector.broadcast %add3A_237 : i32 to vector<16xi32>
      %add3A_239 = arith.addi %add3A_235, %add3A_238 : vector<16xi32>
      %gather3A_240 = tpu.vector_load_idx %arg9[%add3A_239] : memref<24576xf32, #tpu.memory_space<vmem>>[vector<16xi32>], vector<16xf32>,
      %mul3A_241 = arith.mulf %sub3A_51, %gather3A_236 : vector<16xf32>
      %mul3A_242 = arith.mulf %gather3A_48, %gather3A_240 : vector<16xf32>
      %add3A_243 = arith.addf %mul3A_241, %mul3A_242 : vector<16xf32>
      %swap3A_244 = arith.constant 224 : index
      %swap3A_245 = tpu.vector_load %arg10[%swap3A_244] {strides = array<i32>} : memref<1536xf32, #tpu.memory_space<vmem>>, vector<16xf32>,
      tpu.vector_store %arg10[%swap3A_244], %add3A_243 {strides = array<i32>} : memref<1536xf32, #tpu.memory_space<vmem>>, vector<16xf32>,
      %add3A_246 = arith.constant 2160 : i32
      %add3A_247 = vector.broadcast %add3A_246 : i32 to vector<16xi32>
      %add3A_248 = arith.addi %add3A_47, %add3A_247 : vector<16xi32>
      %gather3A_249 = tpu.vector_load_idx %arg9[%add3A_248] : memref<24576xf32, #tpu.memory_space<vmem>>[vector<16xi32>], vector<16xf32>,
      %add3A_250 = arith.constant 128 : i32
      %add3A_251 = vector.broadcast %add3A_250 : i32 to vector<16xi32>
      %add3A_252 = arith.addi %add3A_248, %add3A_251 : vector<16xi32>
      %gather3A_253 = tpu.vector_load_idx %arg9[%add3A_252] : memref<24576xf32, #tpu.memory_space<vmem>>[vector<16xi32>], vector<16xf32>,
      %mul3A_254 = arith.mulf %sub3A_51, %gather3A_249 : vector<16xf32>
      %mul3A_255 = arith.mulf %gather3A_48, %gather3A_253 : vector<16xf32>
      %add3A_256 = arith.addf %mul3A_254, %mul3A_255 : vector<16xf32>
      %swap3A_257 = arith.constant 240 : index
      %swap3A_258 = tpu.vector_load %arg10[%swap3A_257] {strides = array<i32>} : memref<1536xf32, #tpu.memory_space<vmem>>, vector<16xf32>,
      tpu.vector_store %arg10[%swap3A_257], %add3A_256 {strides = array<i32>} : memref<1536xf32, #tpu.memory_space<vmem>>, vector<16xf32>,
      %add3A_259 = arith.constant 4096 : i32
      %add3A_260 = vector.broadcast %add3A_259 : i32 to vector<16xi32>
      %add3A_261 = arith.addi %add3A_47, %add3A_260 : vector<16xi32>
      %gather3A_262 = tpu.vector_load_idx %arg9[%add3A_261] : memref<24576xf32, #tpu.memory_space<vmem>>[vector<16xi32>], vector<16xf32>,
      %add3A_263 = arith.constant 128 : i32
      %add3A_264 = vector.broadcast %add3A_263 : i32 to vector<16xi32>
      %add3A_265 = arith.addi %add3A_261, %add3A_264 : vector<16xi32>
      %gather3A_266 = tpu.vector_load_idx %arg9[%add3A_265] : memref<24576xf32, #tpu.memory_space<vmem>>[vector<16xi32>], vector<16xf32>,
      %mul3A_267 = arith.mulf %sub3A_51, %gather3A_262 : vector<16xf32>
      %mul3A_268 = arith.mulf %gather3A_48, %gather3A_266 : vector<16xf32>
      %add3A_269 = arith.addf %mul3A_267, %mul3A_268 : vector<16xf32>
      %swap3A_270 = arith.constant 256 : index
      %swap3A_271 = tpu.vector_load %arg10[%swap3A_270] {strides = array<i32>} : memref<1536xf32, #tpu.memory_space<vmem>>, vector<16xf32>,
      tpu.vector_store %arg10[%swap3A_270], %add3A_269 {strides = array<i32>} : memref<1536xf32, #tpu.memory_space<vmem>>, vector<16xf32>,
      %add3A_272 = arith.constant 4112 : i32
      %add3A_273 = vector.broadcast %add3A_272 : i32 to vector<16xi32>
      %add3A_274 = arith.addi %add3A_47, %add3A_273 : vector<16xi32>
      %gather3A_275 = tpu.vector_load_idx %arg9[%add3A_274] : memref<24576xf32, #tpu.memory_space<vmem>>[vector<16xi32>], vector<16xf32>,
      %add3A_276 = arith.constant 128 : i32
      %add3A_277 = vector.broadcast %add3A_276 : i32 to vector<16xi32>
      %add3A_278 = arith.addi %add3A_274, %add3A_277 : vector<16xi32>
      %gather3A_279 = tpu.vector_load_idx %arg9[%add3A_278] : memref<24576xf32, #tpu.memory_space<vmem>>[vector<16xi32>], vector<16xf32>,
      %mul3A_280 = arith.mulf %sub3A_51, %gather3A_275 : vector<16xf32>
      %mul3A_281 = arith.mulf %gather3A_48, %gather3A_279 : vector<16xf32>
      %add3A_282 = arith.addf %mul3A_280, %mul3A_281 : vector<16xf32>
      %swap3A_283 = arith.constant 272 : index
      %swap3A_284 = tpu.vector_load %arg10[%swap3A_283] {strides = array<i32>} : memref<1536xf32, #tpu.memory_space<vmem>>, vector<16xf32>,
      tpu.vector_store %arg10[%swap3A_283], %add3A_282 {strides = array<i32>} : memref<1536xf32, #tpu.memory_space<vmem>>, vector<16xf32>,
      %add3A_285 = arith.constant 4128 : i32
      %add3A_286 = vector.broadcast %add3A_285 : i32 to vector<16xi32>
      %add3A_287 = arith.addi %add3A_47, %add3A_286 : vector<16xi32>
      %gather3A_288 = tpu.vector_load_idx %arg9[%add3A_287] : memref<24576xf32, #tpu.memory_space<vmem>>[vector<16xi32>], vector<16xf32>,
      %add3A_289 = arith.constant 128 : i32
      %add3A_290 = vector.broadcast %add3A_289 : i32 to vector<16xi32>
      %add3A_291 = arith.addi %add3A_287, %add3A_290 : vector<16xi32>
      %gather3A_292 = tpu.vector_load_idx %arg9[%add3A_291] : memref<24576xf32, #tpu.memory_space<vmem>>[vector<16xi32>], vector<16xf32>,
      %mul3A_293 = arith.mulf %sub3A_51, %gather3A_288 : vector<16xf32>
      %mul3A_294 = arith.mulf %gather3A_48, %gather3A_292 : vector<16xf32>
      %add3A_295 = arith.addf %mul3A_293, %mul3A_294 : vector<16xf32>
      %swap3A_296 = arith.constant 288 : index
      %swap3A_297 = tpu.vector_load %arg10[%swap3A_296] {strides = array<i32>} : memref<1536xf32, #tpu.memory_space<vmem>>, vector<16xf32>,
      tpu.vector_store %arg10[%swap3A_296], %add3A_295 {strides = array<i32>} : memref<1536xf32, #tpu.memory_space<vmem>>, vector<16xf32>,
      %add3A_298 = arith.constant 4144 : i32
      %add3A_299 = vector.broadcast %add3A_298 : i32 to vector<16xi32>
      %add3A_300 = arith.addi %add3A_47, %add3A_299 : vector<16xi32>
      %gather3A_301 = tpu.vector_load_idx %arg9[%add3A_300] : memref<24576xf32, #tpu.memory_space<vmem>>[vector<16xi32>], vector<16xf32>,
      %add3A_302 = arith.constant 128 : i32
      %add3A_303 = vector.broadcast %add3A_302 : i32 to vector<16xi32>
      %add3A_304 = arith.addi %add3A_300, %add3A_303 : vector<16xi32>
      %gather3A_305 = tpu.vector_load_idx %arg9[%add3A_304] : memref<24576xf32, #tpu.memory_space<vmem>>[vector<16xi32>], vector<16xf32>,
      %mul3A_306 = arith.mulf %sub3A_51, %gather3A_301 : vector<16xf32>
      %mul3A_307 = arith.mulf %gather3A_48, %gather3A_305 : vector<16xf32>
      %add3A_308 = arith.addf %mul3A_306, %mul3A_307 : vector<16xf32>
      %swap3A_309 = arith.constant 304 : index
      %swap3A_310 = tpu.vector_load %arg10[%swap3A_309] {strides = array<i32>} : memref<1536xf32, #tpu.memory_space<vmem>>, vector<16xf32>,
      tpu.vector_store %arg10[%swap3A_309], %add3A_308 {strides = array<i32>} : memref<1536xf32, #tpu.memory_space<vmem>>, vector<16xf32>,
      %add3A_311 = arith.constant 4160 : i32
      %add3A_312 = vector.broadcast %add3A_311 : i32 to vector<16xi32>
      %add3A_313 = arith.addi %add3A_47, %add3A_312 : vector<16xi32>
      %gather3A_314 = tpu.vector_load_idx %arg9[%add3A_313] : memref<24576xf32, #tpu.memory_space<vmem>>[vector<16xi32>], vector<16xf32>,
      %add3A_315 = arith.constant 128 : i32
      %add3A_316 = vector.broadcast %add3A_315 : i32 to vector<16xi32>
      %add3A_317 = arith.addi %add3A_313, %add3A_316 : vector<16xi32>
      %gather3A_318 = tpu.vector_load_idx %arg9[%add3A_317] : memref<24576xf32, #tpu.memory_space<vmem>>[vector<16xi32>], vector<16xf32>,
      %mul3A_319 = arith.mulf %sub3A_51, %gather3A_314 : vector<16xf32>
      %mul3A_320 = arith.mulf %gather3A_48, %gather3A_318 : vector<16xf32>
      %add3A_321 = arith.addf %mul3A_319, %mul3A_320 : vector<16xf32>
      %swap3A_322 = arith.constant 320 : index
      %swap3A_323 = tpu.vector_load %arg10[%swap3A_322] {strides = array<i32>} : memref<1536xf32, #tpu.memory_space<vmem>>, vector<16xf32>,
      tpu.vector_store %arg10[%swap3A_322], %add3A_321 {strides = array<i32>} : memref<1536xf32, #tpu.memory_space<vmem>>, vector<16xf32>,
      %add3A_324 = arith.constant 4176 : i32
      %add3A_325 = vector.broadcast %add3A_324 : i32 to vector<16xi32>
      %add3A_326 = arith.addi %add3A_47, %add3A_325 : vector<16xi32>
      %gather3A_327 = tpu.vector_load_idx %arg9[%add3A_326] : memref<24576xf32, #tpu.memory_space<vmem>>[vector<16xi32>], vector<16xf32>,
      %add3A_328 = arith.constant 128 : i32
      %add3A_329 = vector.broadcast %add3A_328 : i32 to vector<16xi32>
      %add3A_330 = arith.addi %add3A_326, %add3A_329 : vector<16xi32>
      %gather3A_331 = tpu.vector_load_idx %arg9[%add3A_330] : memref<24576xf32, #tpu.memory_space<vmem>>[vector<16xi32>], vector<16xf32>,
      %mul3A_332 = arith.mulf %sub3A_51, %gather3A_327 : vector<16xf32>
      %mul3A_333 = arith.mulf %gather3A_48, %gather3A_331 : vector<16xf32>
      %add3A_334 = arith.addf %mul3A_332, %mul3A_333 : vector<16xf32>
      %swap3A_335 = arith.constant 336 : index
      %swap3A_336 = tpu.vector_load %arg10[%swap3A_335] {strides = array<i32>} : memref<1536xf32, #tpu.memory_space<vmem>>, vector<16xf32>,
      tpu.vector_store %arg10[%swap3A_335], %add3A_334 {strides = array<i32>} : memref<1536xf32, #tpu.memory_space<vmem>>, vector<16xf32>,
      %add3A_337 = arith.constant 4192 : i32
      %add3A_338 = vector.broadcast %add3A_337 : i32 to vector<16xi32>
      %add3A_339 = arith.addi %add3A_47, %add3A_338 : vector<16xi32>
      %gather3A_340 = tpu.vector_load_idx %arg9[%add3A_339] : memref<24576xf32, #tpu.memory_space<vmem>>[vector<16xi32>], vector<16xf32>,
      %add3A_341 = arith.constant 128 : i32
      %add3A_342 = vector.broadcast %add3A_341 : i32 to vector<16xi32>
      %add3A_343 = arith.addi %add3A_339, %add3A_342 : vector<16xi32>
      %gather3A_344 = tpu.vector_load_idx %arg9[%add3A_343] : memref<24576xf32, #tpu.memory_space<vmem>>[vector<16xi32>], vector<16xf32>,
      %mul3A_345 = arith.mulf %sub3A_51, %gather3A_340 : vector<16xf32>
      %mul3A_346 = arith.mulf %gather3A_48, %gather3A_344 : vector<16xf32>
      %add3A_347 = arith.addf %mul3A_345, %mul3A_346 : vector<16xf32>
      %swap3A_348 = arith.constant 352 : index
      %swap3A_349 = tpu.vector_load %arg10[%swap3A_348] {strides = array<i32>} : memref<1536xf32, #tpu.memory_space<vmem>>, vector<16xf32>,
      tpu.vector_store %arg10[%swap3A_348], %add3A_347 {strides = array<i32>} : memref<1536xf32, #tpu.memory_space<vmem>>, vector<16xf32>,
      %add3A_350 = arith.constant 4208 : i32
      %add3A_351 = vector.broadcast %add3A_350 : i32 to vector<16xi32>
      %add3A_352 = arith.addi %add3A_47, %add3A_351 : vector<16xi32>
      %gather3A_353 = tpu.vector_load_idx %arg9[%add3A_352] : memref<24576xf32, #tpu.memory_space<vmem>>[vector<16xi32>], vector<16xf32>,
      %add3A_354 = arith.constant 128 : i32
      %add3A_355 = vector.broadcast %add3A_354 : i32 to vector<16xi32>
      %add3A_356 = arith.addi %add3A_352, %add3A_355 : vector<16xi32>
      %gather3A_357 = tpu.vector_load_idx %arg9[%add3A_356] : memref<24576xf32, #tpu.memory_space<vmem>>[vector<16xi32>], vector<16xf32>,
      %mul3A_358 = arith.mulf %sub3A_51, %gather3A_353 : vector<16xf32>
      %mul3A_359 = arith.mulf %gather3A_48, %gather3A_357 : vector<16xf32>
      %add3A_360 = arith.addf %mul3A_358, %mul3A_359 : vector<16xf32>
      %swap3A_361 = arith.constant 368 : index
      %swap3A_362 = tpu.vector_load %arg10[%swap3A_361] {strides = array<i32>} : memref<1536xf32, #tpu.memory_space<vmem>>, vector<16xf32>,
      tpu.vector_store %arg10[%swap3A_361], %add3A_360 {strides = array<i32>} : memref<1536xf32, #tpu.memory_space<vmem>>, vector<16xf32>,
      %add3A_363 = arith.constant 6144 : i32
      %add3A_364 = vector.broadcast %add3A_363 : i32 to vector<16xi32>
      %add3A_365 = arith.addi %add3A_47, %add3A_364 : vector<16xi32>
      %gather3A_366 = tpu.vector_load_idx %arg9[%add3A_365] : memref<24576xf32, #tpu.memory_space<vmem>>[vector<16xi32>], vector<16xf32>,
      %add3A_367 = arith.constant 128 : i32
      %add3A_368 = vector.broadcast %add3A_367 : i32 to vector<16xi32>
      %add3A_369 = arith.addi %add3A_365, %add3A_368 : vector<16xi32>
      %gather3A_370 = tpu.vector_load_idx %arg9[%add3A_369] : memref<24576xf32, #tpu.memory_space<vmem>>[vector<16xi32>], vector<16xf32>,
      %mul3A_371 = arith.mulf %sub3A_51, %gather3A_366 : vector<16xf32>
      %mul3A_372 = arith.mulf %gather3A_48, %gather3A_370 : vector<16xf32>
      %add3A_373 = arith.addf %mul3A_371, %mul3A_372 : vector<16xf32>
      %swap3A_374 = arith.constant 384 : index
      %swap3A_375 = tpu.vector_load %arg10[%swap3A_374] {strides = array<i32>} : memref<1536xf32, #tpu.memory_space<vmem>>, vector<16xf32>,
      tpu.vector_store %arg10[%swap3A_374], %add3A_373 {strides = array<i32>} : memref<1536xf32, #tpu.memory_space<vmem>>, vector<16xf32>,
      %add3A_376 = arith.constant 6160 : i32
      %add3A_377 = vector.broadcast %add3A_376 : i32 to vector<16xi32>
      %add3A_378 = arith.addi %add3A_47, %add3A_377 : vector<16xi32>
      %gather3A_379 = tpu.vector_load_idx %arg9[%add3A_378] : memref<24576xf32, #tpu.memory_space<vmem>>[vector<16xi32>], vector<16xf32>,
      %add3A_380 = arith.constant 128 : i32
      %add3A_381 = vector.broadcast %add3A_380 : i32 to vector<16xi32>
      %add3A_382 = arith.addi %add3A_378, %add3A_381 : vector<16xi32>
      %gather3A_383 = tpu.vector_load_idx %arg9[%add3A_382] : memref<24576xf32, #tpu.memory_space<vmem>>[vector<16xi32>], vector<16xf32>,
      %mul3A_384 = arith.mulf %sub3A_51, %gather3A_379 : vector<16xf32>
      %mul3A_385 = arith.mulf %gather3A_48, %gather3A_383 : vector<16xf32>
      %add3A_386 = arith.addf %mul3A_384, %mul3A_385 : vector<16xf32>
      %swap3A_387 = arith.constant 400 : index
      %swap3A_388 = tpu.vector_load %arg10[%swap3A_387] {strides = array<i32>} : memref<1536xf32, #tpu.memory_space<vmem>>, vector<16xf32>,
      tpu.vector_store %arg10[%swap3A_387], %add3A_386 {strides = array<i32>} : memref<1536xf32, #tpu.memory_space<vmem>>, vector<16xf32>,
      %add3A_389 = arith.constant 6176 : i32
      %add3A_390 = vector.broadcast %add3A_389 : i32 to vector<16xi32>
      %add3A_391 = arith.addi %add3A_47, %add3A_390 : vector<16xi32>
      %gather3A_392 = tpu.vector_load_idx %arg9[%add3A_391] : memref<24576xf32, #tpu.memory_space<vmem>>[vector<16xi32>], vector<16xf32>,
      %add3A_393 = arith.constant 128 : i32
      %add3A_394 = vector.broadcast %add3A_393 : i32 to vector<16xi32>
      %add3A_395 = arith.addi %add3A_391, %add3A_394 : vector<16xi32>
      %gather3A_396 = tpu.vector_load_idx %arg9[%add3A_395] : memref<24576xf32, #tpu.memory_space<vmem>>[vector<16xi32>], vector<16xf32>,
      %mul3A_397 = arith.mulf %sub3A_51, %gather3A_392 : vector<16xf32>
      %mul3A_398 = arith.mulf %gather3A_48, %gather3A_396 : vector<16xf32>
      %add3A_399 = arith.addf %mul3A_397, %mul3A_398 : vector<16xf32>
      %swap3A_400 = arith.constant 416 : index
      %swap3A_401 = tpu.vector_load %arg10[%swap3A_400] {strides = array<i32>} : memref<1536xf32, #tpu.memory_space<vmem>>, vector<16xf32>,
      tpu.vector_store %arg10[%swap3A_400], %add3A_399 {strides = array<i32>} : memref<1536xf32, #tpu.memory_space<vmem>>, vector<16xf32>,
      %add3A_402 = arith.constant 6192 : i32
      %add3A_403 = vector.broadcast %add3A_402 : i32 to vector<16xi32>
      %add3A_404 = arith.addi %add3A_47, %add3A_403 : vector<16xi32>
      %gather3A_405 = tpu.vector_load_idx %arg9[%add3A_404] : memref<24576xf32, #tpu.memory_space<vmem>>[vector<16xi32>], vector<16xf32>,
      %add3A_406 = arith.constant 128 : i32
      %add3A_407 = vector.broadcast %add3A_406 : i32 to vector<16xi32>
      %add3A_408 = arith.addi %add3A_404, %add3A_407 : vector<16xi32>
      %gather3A_409 = tpu.vector_load_idx %arg9[%add3A_408] : memref<24576xf32, #tpu.memory_space<vmem>>[vector<16xi32>], vector<16xf32>,
      %mul3A_410 = arith.mulf %sub3A_51, %gather3A_405 : vector<16xf32>
      %mul3A_411 = arith.mulf %gather3A_48, %gather3A_409 : vector<16xf32>
      %add3A_412 = arith.addf %mul3A_410, %mul3A_411 : vector<16xf32>
      %swap3A_413 = arith.constant 432 : index
      %swap3A_414 = tpu.vector_load %arg10[%swap3A_413] {strides = array<i32>} : memref<1536xf32, #tpu.memory_space<vmem>>, vector<16xf32>,
      tpu.vector_store %arg10[%swap3A_413], %add3A_412 {strides = array<i32>} : memref<1536xf32, #tpu.memory_space<vmem>>, vector<16xf32>,
      %add3A_415 = arith.constant 6208 : i32
      %add3A_416 = vector.broadcast %add3A_415 : i32 to vector<16xi32>
      %add3A_417 = arith.addi %add3A_47, %add3A_416 : vector<16xi32>
      %gather3A_418 = tpu.vector_load_idx %arg9[%add3A_417] : memref<24576xf32, #tpu.memory_space<vmem>>[vector<16xi32>], vector<16xf32>,
      %add3A_419 = arith.constant 128 : i32
      %add3A_420 = vector.broadcast %add3A_419 : i32 to vector<16xi32>
      %add3A_421 = arith.addi %add3A_417, %add3A_420 : vector<16xi32>
      %gather3A_422 = tpu.vector_load_idx %arg9[%add3A_421] : memref<24576xf32, #tpu.memory_space<vmem>>[vector<16xi32>], vector<16xf32>,
      %mul3A_423 = arith.mulf %sub3A_51, %gather3A_418 : vector<16xf32>
      %mul3A_424 = arith.mulf %gather3A_48, %gather3A_422 : vector<16xf32>
      %add3A_425 = arith.addf %mul3A_423, %mul3A_424 : vector<16xf32>
      %swap3A_426 = arith.constant 448 : index
      %swap3A_427 = tpu.vector_load %arg10[%swap3A_426] {strides = array<i32>} : memref<1536xf32, #tpu.memory_space<vmem>>, vector<16xf32>,
      tpu.vector_store %arg10[%swap3A_426], %add3A_425 {strides = array<i32>} : memref<1536xf32, #tpu.memory_space<vmem>>, vector<16xf32>,
      %add3A_428 = arith.constant 6224 : i32
      %add3A_429 = vector.broadcast %add3A_428 : i32 to vector<16xi32>
      %add3A_430 = arith.addi %add3A_47, %add3A_429 : vector<16xi32>
      %gather3A_431 = tpu.vector_load_idx %arg9[%add3A_430] : memref<24576xf32, #tpu.memory_space<vmem>>[vector<16xi32>], vector<16xf32>,
      %add3A_432 = arith.constant 128 : i32
      %add3A_433 = vector.broadcast %add3A_432 : i32 to vector<16xi32>
      %add3A_434 = arith.addi %add3A_430, %add3A_433 : vector<16xi32>
      %gather3A_435 = tpu.vector_load_idx %arg9[%add3A_434] : memref<24576xf32, #tpu.memory_space<vmem>>[vector<16xi32>], vector<16xf32>,
      %mul3A_436 = arith.mulf %sub3A_51, %gather3A_431 : vector<16xf32>
      %mul3A_437 = arith.mulf %gather3A_48, %gather3A_435 : vector<16xf32>
      %add3A_438 = arith.addf %mul3A_436, %mul3A_437 : vector<16xf32>
      %swap3A_439 = arith.constant 464 : index
      %swap3A_440 = tpu.vector_load %arg10[%swap3A_439] {strides = array<i32>} : memref<1536xf32, #tpu.memory_space<vmem>>, vector<16xf32>,
      tpu.vector_store %arg10[%swap3A_439], %add3A_438 {strides = array<i32>} : memref<1536xf32, #tpu.memory_space<vmem>>, vector<16xf32>,
      %add3A_441 = arith.constant 6240 : i32
      %add3A_442 = vector.broadcast %add3A_441 : i32 to vector<16xi32>
      %add3A_443 = arith.addi %add3A_47, %add3A_442 : vector<16xi32>
      %gather3A_444 = tpu.vector_load_idx %arg9[%add3A_443] : memref<24576xf32, #tpu.memory_space<vmem>>[vector<16xi32>], vector<16xf32>,
      %add3A_445 = arith.constant 128 : i32
      %add3A_446 = vector.broadcast %add3A_445 : i32 to vector<16xi32>
      %add3A_447 = arith.addi %add3A_443, %add3A_446 : vector<16xi32>
      %gather3A_448 = tpu.vector_load_idx %arg9[%add3A_447] : memref<24576xf32, #tpu.memory_space<vmem>>[vector<16xi32>], vector<16xf32>,
      %mul3A_449 = arith.mulf %sub3A_51, %gather3A_444 : vector<16xf32>
      %mul3A_450 = arith.mulf %gather3A_48, %gather3A_448 : vector<16xf32>
      %add3A_451 = arith.addf %mul3A_449, %mul3A_450 : vector<16xf32>
      %swap3A_452 = arith.constant 480 : index
      %swap3A_453 = tpu.vector_load %arg10[%swap3A_452] {strides = array<i32>} : memref<1536xf32, #tpu.memory_space<vmem>>, vector<16xf32>,
      tpu.vector_store %arg10[%swap3A_452], %add3A_451 {strides = array<i32>} : memref<1536xf32, #tpu.memory_space<vmem>>, vector<16xf32>,
      %add3A_454 = arith.constant 6256 : i32
      %add3A_455 = vector.broadcast %add3A_454 : i32 to vector<16xi32>
      %add3A_456 = arith.addi %add3A_47, %add3A_455 : vector<16xi32>
      %gather3A_457 = tpu.vector_load_idx %arg9[%add3A_456] : memref<24576xf32, #tpu.memory_space<vmem>>[vector<16xi32>], vector<16xf32>,
      %add3A_458 = arith.constant 128 : i32
      %add3A_459 = vector.broadcast %add3A_458 : i32 to vector<16xi32>
      %add3A_460 = arith.addi %add3A_456, %add3A_459 : vector<16xi32>
      %gather3A_461 = tpu.vector_load_idx %arg9[%add3A_460] : memref<24576xf32, #tpu.memory_space<vmem>>[vector<16xi32>], vector<16xf32>,
      %mul3A_462 = arith.mulf %sub3A_51, %gather3A_457 : vector<16xf32>
      %mul3A_463 = arith.mulf %gather3A_48, %gather3A_461 : vector<16xf32>
      %add3A_464 = arith.addf %mul3A_462, %mul3A_463 : vector<16xf32>
      %swap3A_465 = arith.constant 496 : index
      %swap3A_466 = tpu.vector_load %arg10[%swap3A_465] {strides = array<i32>} : memref<1536xf32, #tpu.memory_space<vmem>>, vector<16xf32>,
      tpu.vector_store %arg10[%swap3A_465], %add3A_464 {strides = array<i32>} : memref<1536xf32, #tpu.memory_space<vmem>>, vector<16xf32>,
      %add3A_467 = arith.constant 8192 : i32
      %add3A_468 = vector.broadcast %add3A_467 : i32 to vector<16xi32>
      %add3A_469 = arith.addi %add3A_47, %add3A_468 : vector<16xi32>
      %gather3A_470 = tpu.vector_load_idx %arg9[%add3A_469] : memref<24576xf32, #tpu.memory_space<vmem>>[vector<16xi32>], vector<16xf32>,
      %add3A_471 = arith.constant 128 : i32
      %add3A_472 = vector.broadcast %add3A_471 : i32 to vector<16xi32>
      %add3A_473 = arith.addi %add3A_469, %add3A_472 : vector<16xi32>
      %gather3A_474 = tpu.vector_load_idx %arg9[%add3A_473] : memref<24576xf32, #tpu.memory_space<vmem>>[vector<16xi32>], vector<16xf32>,
      %mul3A_475 = arith.mulf %sub3A_51, %gather3A_470 : vector<16xf32>
      %mul3A_476 = arith.mulf %gather3A_48, %gather3A_474 : vector<16xf32>
      %add3A_477 = arith.addf %mul3A_475, %mul3A_476 : vector<16xf32>
      %swap3A_478 = arith.constant 512 : index
      %swap3A_479 = tpu.vector_load %arg10[%swap3A_478] {strides = array<i32>} : memref<1536xf32, #tpu.memory_space<vmem>>, vector<16xf32>,
      tpu.vector_store %arg10[%swap3A_478], %add3A_477 {strides = array<i32>} : memref<1536xf32, #tpu.memory_space<vmem>>, vector<16xf32>,
      %add3A_480 = arith.constant 8208 : i32
      %add3A_481 = vector.broadcast %add3A_480 : i32 to vector<16xi32>
      %add3A_482 = arith.addi %add3A_47, %add3A_481 : vector<16xi32>
      %gather3A_483 = tpu.vector_load_idx %arg9[%add3A_482] : memref<24576xf32, #tpu.memory_space<vmem>>[vector<16xi32>], vector<16xf32>,
      %add3A_484 = arith.constant 128 : i32
      %add3A_485 = vector.broadcast %add3A_484 : i32 to vector<16xi32>
      %add3A_486 = arith.addi %add3A_482, %add3A_485 : vector<16xi32>
      %gather3A_487 = tpu.vector_load_idx %arg9[%add3A_486] : memref<24576xf32, #tpu.memory_space<vmem>>[vector<16xi32>], vector<16xf32>,
      %mul3A_488 = arith.mulf %sub3A_51, %gather3A_483 : vector<16xf32>
      %mul3A_489 = arith.mulf %gather3A_48, %gather3A_487 : vector<16xf32>
      %add3A_490 = arith.addf %mul3A_488, %mul3A_489 : vector<16xf32>
      %swap3A_491 = arith.constant 528 : index
      %swap3A_492 = tpu.vector_load %arg10[%swap3A_491] {strides = array<i32>} : memref<1536xf32, #tpu.memory_space<vmem>>, vector<16xf32>,
      tpu.vector_store %arg10[%swap3A_491], %add3A_490 {strides = array<i32>} : memref<1536xf32, #tpu.memory_space<vmem>>, vector<16xf32>,
      %add3A_493 = arith.constant 8224 : i32
      %add3A_494 = vector.broadcast %add3A_493 : i32 to vector<16xi32>
      %add3A_495 = arith.addi %add3A_47, %add3A_494 : vector<16xi32>
      %gather3A_496 = tpu.vector_load_idx %arg9[%add3A_495] : memref<24576xf32, #tpu.memory_space<vmem>>[vector<16xi32>], vector<16xf32>,
      %add3A_497 = arith.constant 128 : i32
      %add3A_498 = vector.broadcast %add3A_497 : i32 to vector<16xi32>
      %add3A_499 = arith.addi %add3A_495, %add3A_498 : vector<16xi32>
      %gather3A_500 = tpu.vector_load_idx %arg9[%add3A_499] : memref<24576xf32, #tpu.memory_space<vmem>>[vector<16xi32>], vector<16xf32>,
      %mul3A_501 = arith.mulf %sub3A_51, %gather3A_496 : vector<16xf32>
      %mul3A_502 = arith.mulf %gather3A_48, %gather3A_500 : vector<16xf32>
      %add3A_503 = arith.addf %mul3A_501, %mul3A_502 : vector<16xf32>
      %swap3A_504 = arith.constant 544 : index
      %swap3A_505 = tpu.vector_load %arg10[%swap3A_504] {strides = array<i32>} : memref<1536xf32, #tpu.memory_space<vmem>>, vector<16xf32>,
      tpu.vector_store %arg10[%swap3A_504], %add3A_503 {strides = array<i32>} : memref<1536xf32, #tpu.memory_space<vmem>>, vector<16xf32>,
      %add3A_506 = arith.constant 8240 : i32
      %add3A_507 = vector.broadcast %add3A_506 : i32 to vector<16xi32>
      %add3A_508 = arith.addi %add3A_47, %add3A_507 : vector<16xi32>
      %gather3A_509 = tpu.vector_load_idx %arg9[%add3A_508] : memref<24576xf32, #tpu.memory_space<vmem>>[vector<16xi32>], vector<16xf32>,
      %add3A_510 = arith.constant 128 : i32
      %add3A_511 = vector.broadcast %add3A_510 : i32 to vector<16xi32>
      %add3A_512 = arith.addi %add3A_508, %add3A_511 : vector<16xi32>
      %gather3A_513 = tpu.vector_load_idx %arg9[%add3A_512] : memref<24576xf32, #tpu.memory_space<vmem>>[vector<16xi32>], vector<16xf32>,
      %mul3A_514 = arith.mulf %sub3A_51, %gather3A_509 : vector<16xf32>
      %mul3A_515 = arith.mulf %gather3A_48, %gather3A_513 : vector<16xf32>
      %add3A_516 = arith.addf %mul3A_514, %mul3A_515 : vector<16xf32>
      %swap3A_517 = arith.constant 560 : index
      %swap3A_518 = tpu.vector_load %arg10[%swap3A_517] {strides = array<i32>} : memref<1536xf32, #tpu.memory_space<vmem>>, vector<16xf32>,
      tpu.vector_store %arg10[%swap3A_517], %add3A_516 {strides = array<i32>} : memref<1536xf32, #tpu.memory_space<vmem>>, vector<16xf32>,
      %add3A_519 = arith.constant 8256 : i32
      %add3A_520 = vector.broadcast %add3A_519 : i32 to vector<16xi32>
      %add3A_521 = arith.addi %add3A_47, %add3A_520 : vector<16xi32>
      %gather3A_522 = tpu.vector_load_idx %arg9[%add3A_521] : memref<24576xf32, #tpu.memory_space<vmem>>[vector<16xi32>], vector<16xf32>,
      %add3A_523 = arith.constant 128 : i32
      %add3A_524 = vector.broadcast %add3A_523 : i32 to vector<16xi32>
      %add3A_525 = arith.addi %add3A_521, %add3A_524 : vector<16xi32>
      %gather3A_526 = tpu.vector_load_idx %arg9[%add3A_525] : memref<24576xf32, #tpu.memory_space<vmem>>[vector<16xi32>], vector<16xf32>,
      %mul3A_527 = arith.mulf %sub3A_51, %gather3A_522 : vector<16xf32>
      %mul3A_528 = arith.mulf %gather3A_48, %gather3A_526 : vector<16xf32>
      %add3A_529 = arith.addf %mul3A_527, %mul3A_528 : vector<16xf32>
      %swap3A_530 = arith.constant 576 : index
      %swap3A_531 = tpu.vector_load %arg10[%swap3A_530] {strides = array<i32>} : memref<1536xf32, #tpu.memory_space<vmem>>, vector<16xf32>,
      tpu.vector_store %arg10[%swap3A_530], %add3A_529 {strides = array<i32>} : memref<1536xf32, #tpu.memory_space<vmem>>, vector<16xf32>,
      %add3A_532 = arith.constant 8272 : i32
      %add3A_533 = vector.broadcast %add3A_532 : i32 to vector<16xi32>
      %add3A_534 = arith.addi %add3A_47, %add3A_533 : vector<16xi32>
      %gather3A_535 = tpu.vector_load_idx %arg9[%add3A_534] : memref<24576xf32, #tpu.memory_space<vmem>>[vector<16xi32>], vector<16xf32>,
      %add3A_536 = arith.constant 128 : i32
      %add3A_537 = vector.broadcast %add3A_536 : i32 to vector<16xi32>
      %add3A_538 = arith.addi %add3A_534, %add3A_537 : vector<16xi32>
      %gather3A_539 = tpu.vector_load_idx %arg9[%add3A_538] : memref<24576xf32, #tpu.memory_space<vmem>>[vector<16xi32>], vector<16xf32>,
      %mul3A_540 = arith.mulf %sub3A_51, %gather3A_535 : vector<16xf32>
      %mul3A_541 = arith.mulf %gather3A_48, %gather3A_539 : vector<16xf32>
      %add3A_542 = arith.addf %mul3A_540, %mul3A_541 : vector<16xf32>
      %swap3A_543 = arith.constant 592 : index
      %swap3A_544 = tpu.vector_load %arg10[%swap3A_543] {strides = array<i32>} : memref<1536xf32, #tpu.memory_space<vmem>>, vector<16xf32>,
      tpu.vector_store %arg10[%swap3A_543], %add3A_542 {strides = array<i32>} : memref<1536xf32, #tpu.memory_space<vmem>>, vector<16xf32>,
      %add3A_545 = arith.constant 8288 : i32
      %add3A_546 = vector.broadcast %add3A_545 : i32 to vector<16xi32>
      %add3A_547 = arith.addi %add3A_47, %add3A_546 : vector<16xi32>
      %gather3A_548 = tpu.vector_load_idx %arg9[%add3A_547] : memref<24576xf32, #tpu.memory_space<vmem>>[vector<16xi32>], vector<16xf32>,
      %add3A_549 = arith.constant 128 : i32
      %add3A_550 = vector.broadcast %add3A_549 : i32 to vector<16xi32>
      %add3A_551 = arith.addi %add3A_547, %add3A_550 : vector<16xi32>
      %gather3A_552 = tpu.vector_load_idx %arg9[%add3A_551] : memref<24576xf32, #tpu.memory_space<vmem>>[vector<16xi32>], vector<16xf32>,
      %mul3A_553 = arith.mulf %sub3A_51, %gather3A_548 : vector<16xf32>
      %mul3A_554 = arith.mulf %gather3A_48, %gather3A_552 : vector<16xf32>
      %add3A_555 = arith.addf %mul3A_553, %mul3A_554 : vector<16xf32>
      %swap3A_556 = arith.constant 608 : index
      %swap3A_557 = tpu.vector_load %arg10[%swap3A_556] {strides = array<i32>} : memref<1536xf32, #tpu.memory_space<vmem>>, vector<16xf32>,
      tpu.vector_store %arg10[%swap3A_556], %add3A_555 {strides = array<i32>} : memref<1536xf32, #tpu.memory_space<vmem>>, vector<16xf32>,
      %add3A_558 = arith.constant 8304 : i32
      %add3A_559 = vector.broadcast %add3A_558 : i32 to vector<16xi32>
      %add3A_560 = arith.addi %add3A_47, %add3A_559 : vector<16xi32>
      %gather3A_561 = tpu.vector_load_idx %arg9[%add3A_560] : memref<24576xf32, #tpu.memory_space<vmem>>[vector<16xi32>], vector<16xf32>,
      %add3A_562 = arith.constant 128 : i32
      %add3A_563 = vector.broadcast %add3A_562 : i32 to vector<16xi32>
      %add3A_564 = arith.addi %add3A_560, %add3A_563 : vector<16xi32>
      %gather3A_565 = tpu.vector_load_idx %arg9[%add3A_564] : memref<24576xf32, #tpu.memory_space<vmem>>[vector<16xi32>], vector<16xf32>,
      %mul3A_566 = arith.mulf %sub3A_51, %gather3A_561 : vector<16xf32>
      %mul3A_567 = arith.mulf %gather3A_48, %gather3A_565 : vector<16xf32>
      %add3A_568 = arith.addf %mul3A_566, %mul3A_567 : vector<16xf32>
      %swap3A_569 = arith.constant 624 : index
      %swap3A_570 = tpu.vector_load %arg10[%swap3A_569] {strides = array<i32>} : memref<1536xf32, #tpu.memory_space<vmem>>, vector<16xf32>,
      tpu.vector_store %arg10[%swap3A_569], %add3A_568 {strides = array<i32>} : memref<1536xf32, #tpu.memory_space<vmem>>, vector<16xf32>,
      %add3A_571 = arith.constant 10240 : i32
      %add3A_572 = vector.broadcast %add3A_571 : i32 to vector<16xi32>
      %add3A_573 = arith.addi %add3A_47, %add3A_572 : vector<16xi32>
      %gather3A_574 = tpu.vector_load_idx %arg9[%add3A_573] : memref<24576xf32, #tpu.memory_space<vmem>>[vector<16xi32>], vector<16xf32>,
      %add3A_575 = arith.constant 128 : i32
      %add3A_576 = vector.broadcast %add3A_575 : i32 to vector<16xi32>
      %add3A_577 = arith.addi %add3A_573, %add3A_576 : vector<16xi32>
      %gather3A_578 = tpu.vector_load_idx %arg9[%add3A_577] : memref<24576xf32, #tpu.memory_space<vmem>>[vector<16xi32>], vector<16xf32>,
      %mul3A_579 = arith.mulf %sub3A_51, %gather3A_574 : vector<16xf32>
      %mul3A_580 = arith.mulf %gather3A_48, %gather3A_578 : vector<16xf32>
      %add3A_581 = arith.addf %mul3A_579, %mul3A_580 : vector<16xf32>
      %swap3A_582 = arith.constant 640 : index
      %swap3A_583 = tpu.vector_load %arg10[%swap3A_582] {strides = array<i32>} : memref<1536xf32, #tpu.memory_space<vmem>>, vector<16xf32>,
      tpu.vector_store %arg10[%swap3A_582], %add3A_581 {strides = array<i32>} : memref<1536xf32, #tpu.memory_space<vmem>>, vector<16xf32>,
      %add3A_584 = arith.constant 10256 : i32
      %add3A_585 = vector.broadcast %add3A_584 : i32 to vector<16xi32>
      %add3A_586 = arith.addi %add3A_47, %add3A_585 : vector<16xi32>
      %gather3A_587 = tpu.vector_load_idx %arg9[%add3A_586] : memref<24576xf32, #tpu.memory_space<vmem>>[vector<16xi32>], vector<16xf32>,
      %add3A_588 = arith.constant 128 : i32
      %add3A_589 = vector.broadcast %add3A_588 : i32 to vector<16xi32>
      %add3A_590 = arith.addi %add3A_586, %add3A_589 : vector<16xi32>
      %gather3A_591 = tpu.vector_load_idx %arg9[%add3A_590] : memref<24576xf32, #tpu.memory_space<vmem>>[vector<16xi32>], vector<16xf32>,
      %mul3A_592 = arith.mulf %sub3A_51, %gather3A_587 : vector<16xf32>
      %mul3A_593 = arith.mulf %gather3A_48, %gather3A_591 : vector<16xf32>
      %add3A_594 = arith.addf %mul3A_592, %mul3A_593 : vector<16xf32>
      %swap3A_595 = arith.constant 656 : index
      %swap3A_596 = tpu.vector_load %arg10[%swap3A_595] {strides = array<i32>} : memref<1536xf32, #tpu.memory_space<vmem>>, vector<16xf32>,
      tpu.vector_store %arg10[%swap3A_595], %add3A_594 {strides = array<i32>} : memref<1536xf32, #tpu.memory_space<vmem>>, vector<16xf32>,
      %add3A_597 = arith.constant 10272 : i32
      %add3A_598 = vector.broadcast %add3A_597 : i32 to vector<16xi32>
      %add3A_599 = arith.addi %add3A_47, %add3A_598 : vector<16xi32>
      %gather3A_600 = tpu.vector_load_idx %arg9[%add3A_599] : memref<24576xf32, #tpu.memory_space<vmem>>[vector<16xi32>], vector<16xf32>,
      %add3A_601 = arith.constant 128 : i32
      %add3A_602 = vector.broadcast %add3A_601 : i32 to vector<16xi32>
      %add3A_603 = arith.addi %add3A_599, %add3A_602 : vector<16xi32>
      %gather3A_604 = tpu.vector_load_idx %arg9[%add3A_603] : memref<24576xf32, #tpu.memory_space<vmem>>[vector<16xi32>], vector<16xf32>,
      %mul3A_605 = arith.mulf %sub3A_51, %gather3A_600 : vector<16xf32>
      %mul3A_606 = arith.mulf %gather3A_48, %gather3A_604 : vector<16xf32>
      %add3A_607 = arith.addf %mul3A_605, %mul3A_606 : vector<16xf32>
      %swap3A_608 = arith.constant 672 : index
      %swap3A_609 = tpu.vector_load %arg10[%swap3A_608] {strides = array<i32>} : memref<1536xf32, #tpu.memory_space<vmem>>, vector<16xf32>,
      tpu.vector_store %arg10[%swap3A_608], %add3A_607 {strides = array<i32>} : memref<1536xf32, #tpu.memory_space<vmem>>, vector<16xf32>,
      %add3A_610 = arith.constant 10288 : i32
      %add3A_611 = vector.broadcast %add3A_610 : i32 to vector<16xi32>
      %add3A_612 = arith.addi %add3A_47, %add3A_611 : vector<16xi32>
      %gather3A_613 = tpu.vector_load_idx %arg9[%add3A_612] : memref<24576xf32, #tpu.memory_space<vmem>>[vector<16xi32>], vector<16xf32>,
      %add3A_614 = arith.constant 128 : i32
      %add3A_615 = vector.broadcast %add3A_614 : i32 to vector<16xi32>
      %add3A_616 = arith.addi %add3A_612, %add3A_615 : vector<16xi32>
      %gather3A_617 = tpu.vector_load_idx %arg9[%add3A_616] : memref<24576xf32, #tpu.memory_space<vmem>>[vector<16xi32>], vector<16xf32>,
      %mul3A_618 = arith.mulf %sub3A_51, %gather3A_613 : vector<16xf32>
      %mul3A_619 = arith.mulf %gather3A_48, %gather3A_617 : vector<16xf32>
      %add3A_620 = arith.addf %mul3A_618, %mul3A_619 : vector<16xf32>
      %swap3A_621 = arith.constant 688 : index
      %swap3A_622 = tpu.vector_load %arg10[%swap3A_621] {strides = array<i32>} : memref<1536xf32, #tpu.memory_space<vmem>>, vector<16xf32>,
      tpu.vector_store %arg10[%swap3A_621], %add3A_620 {strides = array<i32>} : memref<1536xf32, #tpu.memory_space<vmem>>, vector<16xf32>,
      %add3A_623 = arith.constant 10304 : i32
      %add3A_624 = vector.broadcast %add3A_623 : i32 to vector<16xi32>
      %add3A_625 = arith.addi %add3A_47, %add3A_624 : vector<16xi32>
      %gather3A_626 = tpu.vector_load_idx %arg9[%add3A_625] : memref<24576xf32, #tpu.memory_space<vmem>>[vector<16xi32>], vector<16xf32>,
      %add3A_627 = arith.constant 128 : i32
      %add3A_628 = vector.broadcast %add3A_627 : i32 to vector<16xi32>
      %add3A_629 = arith.addi %add3A_625, %add3A_628 : vector<16xi32>
      %gather3A_630 = tpu.vector_load_idx %arg9[%add3A_629] : memref<24576xf32, #tpu.memory_space<vmem>>[vector<16xi32>], vector<16xf32>,
      %mul3A_631 = arith.mulf %sub3A_51, %gather3A_626 : vector<16xf32>
      %mul3A_632 = arith.mulf %gather3A_48, %gather3A_630 : vector<16xf32>
      %add3A_633 = arith.addf %mul3A_631, %mul3A_632 : vector<16xf32>
      %swap3A_634 = arith.constant 704 : index
      %swap3A_635 = tpu.vector_load %arg10[%swap3A_634] {strides = array<i32>} : memref<1536xf32, #tpu.memory_space<vmem>>, vector<16xf32>,
      tpu.vector_store %arg10[%swap3A_634], %add3A_633 {strides = array<i32>} : memref<1536xf32, #tpu.memory_space<vmem>>, vector<16xf32>,
      %add3A_636 = arith.constant 10320 : i32
      %add3A_637 = vector.broadcast %add3A_636 : i32 to vector<16xi32>
      %add3A_638 = arith.addi %add3A_47, %add3A_637 : vector<16xi32>
      %gather3A_639 = tpu.vector_load_idx %arg9[%add3A_638] : memref<24576xf32, #tpu.memory_space<vmem>>[vector<16xi32>], vector<16xf32>,
      %add3A_640 = arith.constant 128 : i32
      %add3A_641 = vector.broadcast %add3A_640 : i32 to vector<16xi32>
      %add3A_642 = arith.addi %add3A_638, %add3A_641 : vector<16xi32>
      %gather3A_643 = tpu.vector_load_idx %arg9[%add3A_642] : memref<24576xf32, #tpu.memory_space<vmem>>[vector<16xi32>], vector<16xf32>,
      %mul3A_644 = arith.mulf %sub3A_51, %gather3A_639 : vector<16xf32>
      %mul3A_645 = arith.mulf %gather3A_48, %gather3A_643 : vector<16xf32>
      %add3A_646 = arith.addf %mul3A_644, %mul3A_645 : vector<16xf32>
      %swap3A_647 = arith.constant 720 : index
      %swap3A_648 = tpu.vector_load %arg10[%swap3A_647] {strides = array<i32>} : memref<1536xf32, #tpu.memory_space<vmem>>, vector<16xf32>,
      tpu.vector_store %arg10[%swap3A_647], %add3A_646 {strides = array<i32>} : memref<1536xf32, #tpu.memory_space<vmem>>, vector<16xf32>,
      %add3A_649 = arith.constant 10336 : i32
      %add3A_650 = vector.broadcast %add3A_649 : i32 to vector<16xi32>
      %add3A_651 = arith.addi %add3A_47, %add3A_650 : vector<16xi32>
      %gather3A_652 = tpu.vector_load_idx %arg9[%add3A_651] : memref<24576xf32, #tpu.memory_space<vmem>>[vector<16xi32>], vector<16xf32>,
      %add3A_653 = arith.constant 128 : i32
      %add3A_654 = vector.broadcast %add3A_653 : i32 to vector<16xi32>
      %add3A_655 = arith.addi %add3A_651, %add3A_654 : vector<16xi32>
      %gather3A_656 = tpu.vector_load_idx %arg9[%add3A_655] : memref<24576xf32, #tpu.memory_space<vmem>>[vector<16xi32>], vector<16xf32>,
      %mul3A_657 = arith.mulf %sub3A_51, %gather3A_652 : vector<16xf32>
      %mul3A_658 = arith.mulf %gather3A_48, %gather3A_656 : vector<16xf32>
      %add3A_659 = arith.addf %mul3A_657, %mul3A_658 : vector<16xf32>
      %swap3A_660 = arith.constant 736 : index
      %swap3A_661 = tpu.vector_load %arg10[%swap3A_660] {strides = array<i32>} : memref<1536xf32, #tpu.memory_space<vmem>>, vector<16xf32>,
      tpu.vector_store %arg10[%swap3A_660], %add3A_659 {strides = array<i32>} : memref<1536xf32, #tpu.memory_space<vmem>>, vector<16xf32>,
      %add3A_662 = arith.constant 10352 : i32
      %add3A_663 = vector.broadcast %add3A_662 : i32 to vector<16xi32>
      %add3A_664 = arith.addi %add3A_47, %add3A_663 : vector<16xi32>
      %gather3A_665 = tpu.vector_load_idx %arg9[%add3A_664] : memref<24576xf32, #tpu.memory_space<vmem>>[vector<16xi32>], vector<16xf32>,
      %add3A_666 = arith.constant 128 : i32
      %add3A_667 = vector.broadcast %add3A_666 : i32 to vector<16xi32>
      %add3A_668 = arith.addi %add3A_664, %add3A_667 : vector<16xi32>
      %gather3A_669 = tpu.vector_load_idx %arg9[%add3A_668] : memref<24576xf32, #tpu.memory_space<vmem>>[vector<16xi32>], vector<16xf32>,
      %mul3A_670 = arith.mulf %sub3A_51, %gather3A_665 : vector<16xf32>
      %mul3A_671 = arith.mulf %gather3A_48, %gather3A_669 : vector<16xf32>
      %add3A_672 = arith.addf %mul3A_670, %mul3A_671 : vector<16xf32>
      %swap3A_673 = arith.constant 752 : index
      %swap3A_674 = tpu.vector_load %arg10[%swap3A_673] {strides = array<i32>} : memref<1536xf32, #tpu.memory_space<vmem>>, vector<16xf32>,
      tpu.vector_store %arg10[%swap3A_673], %add3A_672 {strides = array<i32>} : memref<1536xf32, #tpu.memory_space<vmem>>, vector<16xf32>,
      %add3A_675 = arith.constant 12288 : i32
      %add3A_676 = vector.broadcast %add3A_675 : i32 to vector<16xi32>
      %add3A_677 = arith.addi %add3A_47, %add3A_676 : vector<16xi32>
      %gather3A_678 = tpu.vector_load_idx %arg9[%add3A_677] : memref<24576xf32, #tpu.memory_space<vmem>>[vector<16xi32>], vector<16xf32>,
      %add3A_679 = arith.constant 128 : i32
      %add3A_680 = vector.broadcast %add3A_679 : i32 to vector<16xi32>
      %add3A_681 = arith.addi %add3A_677, %add3A_680 : vector<16xi32>
      %gather3A_682 = tpu.vector_load_idx %arg9[%add3A_681] : memref<24576xf32, #tpu.memory_space<vmem>>[vector<16xi32>], vector<16xf32>,
      %mul3A_683 = arith.mulf %sub3A_51, %gather3A_678 : vector<16xf32>
      %mul3A_684 = arith.mulf %gather3A_48, %gather3A_682 : vector<16xf32>
      %add3A_685 = arith.addf %mul3A_683, %mul3A_684 : vector<16xf32>
      %swap3A_686 = arith.constant 768 : index
      %swap3A_687 = tpu.vector_load %arg10[%swap3A_686] {strides = array<i32>} : memref<1536xf32, #tpu.memory_space<vmem>>, vector<16xf32>,
      tpu.vector_store %arg10[%swap3A_686], %add3A_685 {strides = array<i32>} : memref<1536xf32, #tpu.memory_space<vmem>>, vector<16xf32>,
      %add3A_688 = arith.constant 12304 : i32
      %add3A_689 = vector.broadcast %add3A_688 : i32 to vector<16xi32>
      %add3A_690 = arith.addi %add3A_47, %add3A_689 : vector<16xi32>
      %gather3A_691 = tpu.vector_load_idx %arg9[%add3A_690] : memref<24576xf32, #tpu.memory_space<vmem>>[vector<16xi32>], vector<16xf32>,
      %add3A_692 = arith.constant 128 : i32
      %add3A_693 = vector.broadcast %add3A_692 : i32 to vector<16xi32>
      %add3A_694 = arith.addi %add3A_690, %add3A_693 : vector<16xi32>
      %gather3A_695 = tpu.vector_load_idx %arg9[%add3A_694] : memref<24576xf32, #tpu.memory_space<vmem>>[vector<16xi32>], vector<16xf32>,
      %mul3A_696 = arith.mulf %sub3A_51, %gather3A_691 : vector<16xf32>
      %mul3A_697 = arith.mulf %gather3A_48, %gather3A_695 : vector<16xf32>
      %add3A_698 = arith.addf %mul3A_696, %mul3A_697 : vector<16xf32>
      %swap3A_699 = arith.constant 784 : index
      %swap3A_700 = tpu.vector_load %arg10[%swap3A_699] {strides = array<i32>} : memref<1536xf32, #tpu.memory_space<vmem>>, vector<16xf32>,
      tpu.vector_store %arg10[%swap3A_699], %add3A_698 {strides = array<i32>} : memref<1536xf32, #tpu.memory_space<vmem>>, vector<16xf32>,
      %add3A_701 = arith.constant 12320 : i32
      %add3A_702 = vector.broadcast %add3A_701 : i32 to vector<16xi32>
      %add3A_703 = arith.addi %add3A_47, %add3A_702 : vector<16xi32>
      %gather3A_704 = tpu.vector_load_idx %arg9[%add3A_703] : memref<24576xf32, #tpu.memory_space<vmem>>[vector<16xi32>], vector<16xf32>,
      %add3A_705 = arith.constant 128 : i32
      %add3A_706 = vector.broadcast %add3A_705 : i32 to vector<16xi32>
      %add3A_707 = arith.addi %add3A_703, %add3A_706 : vector<16xi32>
      %gather3A_708 = tpu.vector_load_idx %arg9[%add3A_707] : memref<24576xf32, #tpu.memory_space<vmem>>[vector<16xi32>], vector<16xf32>,
      %mul3A_709 = arith.mulf %sub3A_51, %gather3A_704 : vector<16xf32>
      %mul3A_710 = arith.mulf %gather3A_48, %gather3A_708 : vector<16xf32>
      %add3A_711 = arith.addf %mul3A_709, %mul3A_710 : vector<16xf32>
      %swap3A_712 = arith.constant 800 : index
      %swap3A_713 = tpu.vector_load %arg10[%swap3A_712] {strides = array<i32>} : memref<1536xf32, #tpu.memory_space<vmem>>, vector<16xf32>,
      tpu.vector_store %arg10[%swap3A_712], %add3A_711 {strides = array<i32>} : memref<1536xf32, #tpu.memory_space<vmem>>, vector<16xf32>,
      %add3A_714 = arith.constant 12336 : i32
      %add3A_715 = vector.broadcast %add3A_714 : i32 to vector<16xi32>
      %add3A_716 = arith.addi %add3A_47, %add3A_715 : vector<16xi32>
      %gather3A_717 = tpu.vector_load_idx %arg9[%add3A_716] : memref<24576xf32, #tpu.memory_space<vmem>>[vector<16xi32>], vector<16xf32>,
      %add3A_718 = arith.constant 128 : i32
      %add3A_719 = vector.broadcast %add3A_718 : i32 to vector<16xi32>
      %add3A_720 = arith.addi %add3A_716, %add3A_719 : vector<16xi32>
      %gather3A_721 = tpu.vector_load_idx %arg9[%add3A_720] : memref<24576xf32, #tpu.memory_space<vmem>>[vector<16xi32>], vector<16xf32>,
      %mul3A_722 = arith.mulf %sub3A_51, %gather3A_717 : vector<16xf32>
      %mul3A_723 = arith.mulf %gather3A_48, %gather3A_721 : vector<16xf32>
      %add3A_724 = arith.addf %mul3A_722, %mul3A_723 : vector<16xf32>
      %swap3A_725 = arith.constant 816 : index
      %swap3A_726 = tpu.vector_load %arg10[%swap3A_725] {strides = array<i32>} : memref<1536xf32, #tpu.memory_space<vmem>>, vector<16xf32>,
      tpu.vector_store %arg10[%swap3A_725], %add3A_724 {strides = array<i32>} : memref<1536xf32, #tpu.memory_space<vmem>>, vector<16xf32>,
      %add3A_727 = arith.constant 12352 : i32
      %add3A_728 = vector.broadcast %add3A_727 : i32 to vector<16xi32>
      %add3A_729 = arith.addi %add3A_47, %add3A_728 : vector<16xi32>
      %gather3A_730 = tpu.vector_load_idx %arg9[%add3A_729] : memref<24576xf32, #tpu.memory_space<vmem>>[vector<16xi32>], vector<16xf32>,
      %add3A_731 = arith.constant 128 : i32
      %add3A_732 = vector.broadcast %add3A_731 : i32 to vector<16xi32>
      %add3A_733 = arith.addi %add3A_729, %add3A_732 : vector<16xi32>
      %gather3A_734 = tpu.vector_load_idx %arg9[%add3A_733] : memref<24576xf32, #tpu.memory_space<vmem>>[vector<16xi32>], vector<16xf32>,
      %mul3A_735 = arith.mulf %sub3A_51, %gather3A_730 : vector<16xf32>
      %mul3A_736 = arith.mulf %gather3A_48, %gather3A_734 : vector<16xf32>
      %add3A_737 = arith.addf %mul3A_735, %mul3A_736 : vector<16xf32>
      %swap3A_738 = arith.constant 832 : index
      %swap3A_739 = tpu.vector_load %arg10[%swap3A_738] {strides = array<i32>} : memref<1536xf32, #tpu.memory_space<vmem>>, vector<16xf32>,
      tpu.vector_store %arg10[%swap3A_738], %add3A_737 {strides = array<i32>} : memref<1536xf32, #tpu.memory_space<vmem>>, vector<16xf32>,
      %add3A_740 = arith.constant 12368 : i32
      %add3A_741 = vector.broadcast %add3A_740 : i32 to vector<16xi32>
      %add3A_742 = arith.addi %add3A_47, %add3A_741 : vector<16xi32>
      %gather3A_743 = tpu.vector_load_idx %arg9[%add3A_742] : memref<24576xf32, #tpu.memory_space<vmem>>[vector<16xi32>], vector<16xf32>,
      %add3A_744 = arith.constant 128 : i32
      %add3A_745 = vector.broadcast %add3A_744 : i32 to vector<16xi32>
      %add3A_746 = arith.addi %add3A_742, %add3A_745 : vector<16xi32>
      %gather3A_747 = tpu.vector_load_idx %arg9[%add3A_746] : memref<24576xf32, #tpu.memory_space<vmem>>[vector<16xi32>], vector<16xf32>,
      %mul3A_748 = arith.mulf %sub3A_51, %gather3A_743 : vector<16xf32>
      %mul3A_749 = arith.mulf %gather3A_48, %gather3A_747 : vector<16xf32>
      %add3A_750 = arith.addf %mul3A_748, %mul3A_749 : vector<16xf32>
      %swap3A_751 = arith.constant 848 : index
      %swap3A_752 = tpu.vector_load %arg10[%swap3A_751] {strides = array<i32>} : memref<1536xf32, #tpu.memory_space<vmem>>, vector<16xf32>,
      tpu.vector_store %arg10[%swap3A_751], %add3A_750 {strides = array<i32>} : memref<1536xf32, #tpu.memory_space<vmem>>, vector<16xf32>,
      %add3A_753 = arith.constant 12384 : i32
      %add3A_754 = vector.broadcast %add3A_753 : i32 to vector<16xi32>
      %add3A_755 = arith.addi %add3A_47, %add3A_754 : vector<16xi32>
      %gather3A_756 = tpu.vector_load_idx %arg9[%add3A_755] : memref<24576xf32, #tpu.memory_space<vmem>>[vector<16xi32>], vector<16xf32>,
      %add3A_757 = arith.constant 128 : i32
      %add3A_758 = vector.broadcast %add3A_757 : i32 to vector<16xi32>
      %add3A_759 = arith.addi %add3A_755, %add3A_758 : vector<16xi32>
      %gather3A_760 = tpu.vector_load_idx %arg9[%add3A_759] : memref<24576xf32, #tpu.memory_space<vmem>>[vector<16xi32>], vector<16xf32>,
      %mul3A_761 = arith.mulf %sub3A_51, %gather3A_756 : vector<16xf32>
      %mul3A_762 = arith.mulf %gather3A_48, %gather3A_760 : vector<16xf32>
      %add3A_763 = arith.addf %mul3A_761, %mul3A_762 : vector<16xf32>
      %swap3A_764 = arith.constant 864 : index
      %swap3A_765 = tpu.vector_load %arg10[%swap3A_764] {strides = array<i32>} : memref<1536xf32, #tpu.memory_space<vmem>>, vector<16xf32>,
      tpu.vector_store %arg10[%swap3A_764], %add3A_763 {strides = array<i32>} : memref<1536xf32, #tpu.memory_space<vmem>>, vector<16xf32>,
      %add3A_766 = arith.constant 12400 : i32
      %add3A_767 = vector.broadcast %add3A_766 : i32 to vector<16xi32>
      %add3A_768 = arith.addi %add3A_47, %add3A_767 : vector<16xi32>
      %gather3A_769 = tpu.vector_load_idx %arg9[%add3A_768] : memref<24576xf32, #tpu.memory_space<vmem>>[vector<16xi32>], vector<16xf32>,
      %add3A_770 = arith.constant 128 : i32
      %add3A_771 = vector.broadcast %add3A_770 : i32 to vector<16xi32>
      %add3A_772 = arith.addi %add3A_768, %add3A_771 : vector<16xi32>
      %gather3A_773 = tpu.vector_load_idx %arg9[%add3A_772] : memref<24576xf32, #tpu.memory_space<vmem>>[vector<16xi32>], vector<16xf32>,
      %mul3A_774 = arith.mulf %sub3A_51, %gather3A_769 : vector<16xf32>
      %mul3A_775 = arith.mulf %gather3A_48, %gather3A_773 : vector<16xf32>
      %add3A_776 = arith.addf %mul3A_774, %mul3A_775 : vector<16xf32>
      %swap3A_777 = arith.constant 880 : index
      %swap3A_778 = tpu.vector_load %arg10[%swap3A_777] {strides = array<i32>} : memref<1536xf32, #tpu.memory_space<vmem>>, vector<16xf32>,
      tpu.vector_store %arg10[%swap3A_777], %add3A_776 {strides = array<i32>} : memref<1536xf32, #tpu.memory_space<vmem>>, vector<16xf32>,
      %add3A_779 = arith.constant 14336 : i32
      %add3A_780 = vector.broadcast %add3A_779 : i32 to vector<16xi32>
      %add3A_781 = arith.addi %add3A_47, %add3A_780 : vector<16xi32>
      %gather3A_782 = tpu.vector_load_idx %arg9[%add3A_781] : memref<24576xf32, #tpu.memory_space<vmem>>[vector<16xi32>], vector<16xf32>,
      %add3A_783 = arith.constant 128 : i32
      %add3A_784 = vector.broadcast %add3A_783 : i32 to vector<16xi32>
      %add3A_785 = arith.addi %add3A_781, %add3A_784 : vector<16xi32>
      %gather3A_786 = tpu.vector_load_idx %arg9[%add3A_785] : memref<24576xf32, #tpu.memory_space<vmem>>[vector<16xi32>], vector<16xf32>,
      %mul3A_787 = arith.mulf %sub3A_51, %gather3A_782 : vector<16xf32>
      %mul3A_788 = arith.mulf %gather3A_48, %gather3A_786 : vector<16xf32>
      %add3A_789 = arith.addf %mul3A_787, %mul3A_788 : vector<16xf32>
      %swap3A_790 = arith.constant 896 : index
      %swap3A_791 = tpu.vector_load %arg10[%swap3A_790] {strides = array<i32>} : memref<1536xf32, #tpu.memory_space<vmem>>, vector<16xf32>,
      tpu.vector_store %arg10[%swap3A_790], %add3A_789 {strides = array<i32>} : memref<1536xf32, #tpu.memory_space<vmem>>, vector<16xf32>,
      %add3A_792 = arith.constant 14352 : i32
      %add3A_793 = vector.broadcast %add3A_792 : i32 to vector<16xi32>
      %add3A_794 = arith.addi %add3A_47, %add3A_793 : vector<16xi32>
      %gather3A_795 = tpu.vector_load_idx %arg9[%add3A_794] : memref<24576xf32, #tpu.memory_space<vmem>>[vector<16xi32>], vector<16xf32>,
      %add3A_796 = arith.constant 128 : i32
      %add3A_797 = vector.broadcast %add3A_796 : i32 to vector<16xi32>
      %add3A_798 = arith.addi %add3A_794, %add3A_797 : vector<16xi32>
      %gather3A_799 = tpu.vector_load_idx %arg9[%add3A_798] : memref<24576xf32, #tpu.memory_space<vmem>>[vector<16xi32>], vector<16xf32>,
      %mul3A_800 = arith.mulf %sub3A_51, %gather3A_795 : vector<16xf32>
      %mul3A_801 = arith.mulf %gather3A_48, %gather3A_799 : vector<16xf32>
      %add3A_802 = arith.addf %mul3A_800, %mul3A_801 : vector<16xf32>
      %swap3A_803 = arith.constant 912 : index
      %swap3A_804 = tpu.vector_load %arg10[%swap3A_803] {strides = array<i32>} : memref<1536xf32, #tpu.memory_space<vmem>>, vector<16xf32>,
      tpu.vector_store %arg10[%swap3A_803], %add3A_802 {strides = array<i32>} : memref<1536xf32, #tpu.memory_space<vmem>>, vector<16xf32>,
      %add3A_805 = arith.constant 14368 : i32
      %add3A_806 = vector.broadcast %add3A_805 : i32 to vector<16xi32>
      %add3A_807 = arith.addi %add3A_47, %add3A_806 : vector<16xi32>
      %gather3A_808 = tpu.vector_load_idx %arg9[%add3A_807] : memref<24576xf32, #tpu.memory_space<vmem>>[vector<16xi32>], vector<16xf32>,
      %add3A_809 = arith.constant 128 : i32
      %add3A_810 = vector.broadcast %add3A_809 : i32 to vector<16xi32>
      %add3A_811 = arith.addi %add3A_807, %add3A_810 : vector<16xi32>
      %gather3A_812 = tpu.vector_load_idx %arg9[%add3A_811] : memref<24576xf32, #tpu.memory_space<vmem>>[vector<16xi32>], vector<16xf32>,
      %mul3A_813 = arith.mulf %sub3A_51, %gather3A_808 : vector<16xf32>
      %mul3A_814 = arith.mulf %gather3A_48, %gather3A_812 : vector<16xf32>
      %add3A_815 = arith.addf %mul3A_813, %mul3A_814 : vector<16xf32>
      %swap3A_816 = arith.constant 928 : index
      %swap3A_817 = tpu.vector_load %arg10[%swap3A_816] {strides = array<i32>} : memref<1536xf32, #tpu.memory_space<vmem>>, vector<16xf32>,
      tpu.vector_store %arg10[%swap3A_816], %add3A_815 {strides = array<i32>} : memref<1536xf32, #tpu.memory_space<vmem>>, vector<16xf32>,
      %add3A_818 = arith.constant 14384 : i32
      %add3A_819 = vector.broadcast %add3A_818 : i32 to vector<16xi32>
      %add3A_820 = arith.addi %add3A_47, %add3A_819 : vector<16xi32>
      %gather3A_821 = tpu.vector_load_idx %arg9[%add3A_820] : memref<24576xf32, #tpu.memory_space<vmem>>[vector<16xi32>], vector<16xf32>,
      %add3A_822 = arith.constant 128 : i32
      %add3A_823 = vector.broadcast %add3A_822 : i32 to vector<16xi32>
      %add3A_824 = arith.addi %add3A_820, %add3A_823 : vector<16xi32>
      %gather3A_825 = tpu.vector_load_idx %arg9[%add3A_824] : memref<24576xf32, #tpu.memory_space<vmem>>[vector<16xi32>], vector<16xf32>,
      %mul3A_826 = arith.mulf %sub3A_51, %gather3A_821 : vector<16xf32>
      %mul3A_827 = arith.mulf %gather3A_48, %gather3A_825 : vector<16xf32>
      %add3A_828 = arith.addf %mul3A_826, %mul3A_827 : vector<16xf32>
      %swap3A_829 = arith.constant 944 : index
      %swap3A_830 = tpu.vector_load %arg10[%swap3A_829] {strides = array<i32>} : memref<1536xf32, #tpu.memory_space<vmem>>, vector<16xf32>,
      tpu.vector_store %arg10[%swap3A_829], %add3A_828 {strides = array<i32>} : memref<1536xf32, #tpu.memory_space<vmem>>, vector<16xf32>,
      %add3A_831 = arith.constant 14400 : i32
      %add3A_832 = vector.broadcast %add3A_831 : i32 to vector<16xi32>
      %add3A_833 = arith.addi %add3A_47, %add3A_832 : vector<16xi32>
      %gather3A_834 = tpu.vector_load_idx %arg9[%add3A_833] : memref<24576xf32, #tpu.memory_space<vmem>>[vector<16xi32>], vector<16xf32>,
      %add3A_835 = arith.constant 128 : i32
      %add3A_836 = vector.broadcast %add3A_835 : i32 to vector<16xi32>
      %add3A_837 = arith.addi %add3A_833, %add3A_836 : vector<16xi32>
      %gather3A_838 = tpu.vector_load_idx %arg9[%add3A_837] : memref<24576xf32, #tpu.memory_space<vmem>>[vector<16xi32>], vector<16xf32>,
      %mul3A_839 = arith.mulf %sub3A_51, %gather3A_834 : vector<16xf32>
      %mul3A_840 = arith.mulf %gather3A_48, %gather3A_838 : vector<16xf32>
      %add3A_841 = arith.addf %mul3A_839, %mul3A_840 : vector<16xf32>
      %swap3A_842 = arith.constant 960 : index
      %swap3A_843 = tpu.vector_load %arg10[%swap3A_842] {strides = array<i32>} : memref<1536xf32, #tpu.memory_space<vmem>>, vector<16xf32>,
      tpu.vector_store %arg10[%swap3A_842], %add3A_841 {strides = array<i32>} : memref<1536xf32, #tpu.memory_space<vmem>>, vector<16xf32>,
      %add3A_844 = arith.constant 14416 : i32
      %add3A_845 = vector.broadcast %add3A_844 : i32 to vector<16xi32>
      %add3A_846 = arith.addi %add3A_47, %add3A_845 : vector<16xi32>
      %gather3A_847 = tpu.vector_load_idx %arg9[%add3A_846] : memref<24576xf32, #tpu.memory_space<vmem>>[vector<16xi32>], vector<16xf32>,
      %add3A_848 = arith.constant 128 : i32
      %add3A_849 = vector.broadcast %add3A_848 : i32 to vector<16xi32>
      %add3A_850 = arith.addi %add3A_846, %add3A_849 : vector<16xi32>
      %gather3A_851 = tpu.vector_load_idx %arg9[%add3A_850] : memref<24576xf32, #tpu.memory_space<vmem>>[vector<16xi32>], vector<16xf32>,
      %mul3A_852 = arith.mulf %sub3A_51, %gather3A_847 : vector<16xf32>
      %mul3A_853 = arith.mulf %gather3A_48, %gather3A_851 : vector<16xf32>
      %add3A_854 = arith.addf %mul3A_852, %mul3A_853 : vector<16xf32>
      %swap3A_855 = arith.constant 976 : index
      %swap3A_856 = tpu.vector_load %arg10[%swap3A_855] {strides = array<i32>} : memref<1536xf32, #tpu.memory_space<vmem>>, vector<16xf32>,
      tpu.vector_store %arg10[%swap3A_855], %add3A_854 {strides = array<i32>} : memref<1536xf32, #tpu.memory_space<vmem>>, vector<16xf32>,
      %add3A_857 = arith.constant 14432 : i32
      %add3A_858 = vector.broadcast %add3A_857 : i32 to vector<16xi32>
      %add3A_859 = arith.addi %add3A_47, %add3A_858 : vector<16xi32>
      %gather3A_860 = tpu.vector_load_idx %arg9[%add3A_859] : memref<24576xf32, #tpu.memory_space<vmem>>[vector<16xi32>], vector<16xf32>,
      %add3A_861 = arith.constant 128 : i32
      %add3A_862 = vector.broadcast %add3A_861 : i32 to vector<16xi32>
      %add3A_863 = arith.addi %add3A_859, %add3A_862 : vector<16xi32>
      %gather3A_864 = tpu.vector_load_idx %arg9[%add3A_863] : memref<24576xf32, #tpu.memory_space<vmem>>[vector<16xi32>], vector<16xf32>,
      %mul3A_865 = arith.mulf %sub3A_51, %gather3A_860 : vector<16xf32>
      %mul3A_866 = arith.mulf %gather3A_48, %gather3A_864 : vector<16xf32>
      %add3A_867 = arith.addf %mul3A_865, %mul3A_866 : vector<16xf32>
      %swap3A_868 = arith.constant 992 : index
      %swap3A_869 = tpu.vector_load %arg10[%swap3A_868] {strides = array<i32>} : memref<1536xf32, #tpu.memory_space<vmem>>, vector<16xf32>,
      tpu.vector_store %arg10[%swap3A_868], %add3A_867 {strides = array<i32>} : memref<1536xf32, #tpu.memory_space<vmem>>, vector<16xf32>,
      %add3A_870 = arith.constant 14448 : i32
      %add3A_871 = vector.broadcast %add3A_870 : i32 to vector<16xi32>
      %add3A_872 = arith.addi %add3A_47, %add3A_871 : vector<16xi32>
      %gather3A_873 = tpu.vector_load_idx %arg9[%add3A_872] : memref<24576xf32, #tpu.memory_space<vmem>>[vector<16xi32>], vector<16xf32>,
      %add3A_874 = arith.constant 128 : i32
      %add3A_875 = vector.broadcast %add3A_874 : i32 to vector<16xi32>
      %add3A_876 = arith.addi %add3A_872, %add3A_875 : vector<16xi32>
      %gather3A_877 = tpu.vector_load_idx %arg9[%add3A_876] : memref<24576xf32, #tpu.memory_space<vmem>>[vector<16xi32>], vector<16xf32>,
      %mul3A_878 = arith.mulf %sub3A_51, %gather3A_873 : vector<16xf32>
      %mul3A_879 = arith.mulf %gather3A_48, %gather3A_877 : vector<16xf32>
      %add3A_880 = arith.addf %mul3A_878, %mul3A_879 : vector<16xf32>
      %swap3A_881 = arith.constant 1008 : index
      %swap3A_882 = tpu.vector_load %arg10[%swap3A_881] {strides = array<i32>} : memref<1536xf32, #tpu.memory_space<vmem>>, vector<16xf32>,
      tpu.vector_store %arg10[%swap3A_881], %add3A_880 {strides = array<i32>} : memref<1536xf32, #tpu.memory_space<vmem>>, vector<16xf32>,
      %add3A_883 = arith.constant 16384 : i32
      %add3A_884 = vector.broadcast %add3A_883 : i32 to vector<16xi32>
      %add3A_885 = arith.addi %add3A_47, %add3A_884 : vector<16xi32>
      %gather3A_886 = tpu.vector_load_idx %arg9[%add3A_885] : memref<24576xf32, #tpu.memory_space<vmem>>[vector<16xi32>], vector<16xf32>,
      %add3A_887 = arith.constant 128 : i32
      %add3A_888 = vector.broadcast %add3A_887 : i32 to vector<16xi32>
      %add3A_889 = arith.addi %add3A_885, %add3A_888 : vector<16xi32>
      %gather3A_890 = tpu.vector_load_idx %arg9[%add3A_889] : memref<24576xf32, #tpu.memory_space<vmem>>[vector<16xi32>], vector<16xf32>,
      %mul3A_891 = arith.mulf %sub3A_51, %gather3A_886 : vector<16xf32>
      %mul3A_892 = arith.mulf %gather3A_48, %gather3A_890 : vector<16xf32>
      %add3A_893 = arith.addf %mul3A_891, %mul3A_892 : vector<16xf32>
      %swap3A_894 = arith.constant 1024 : index
      %swap3A_895 = tpu.vector_load %arg10[%swap3A_894] {strides = array<i32>} : memref<1536xf32, #tpu.memory_space<vmem>>, vector<16xf32>,
      tpu.vector_store %arg10[%swap3A_894], %add3A_893 {strides = array<i32>} : memref<1536xf32, #tpu.memory_space<vmem>>, vector<16xf32>,
      %add3A_896 = arith.constant 16400 : i32
      %add3A_897 = vector.broadcast %add3A_896 : i32 to vector<16xi32>
      %add3A_898 = arith.addi %add3A_47, %add3A_897 : vector<16xi32>
      %gather3A_899 = tpu.vector_load_idx %arg9[%add3A_898] : memref<24576xf32, #tpu.memory_space<vmem>>[vector<16xi32>], vector<16xf32>,
      %add3A_900 = arith.constant 128 : i32
      %add3A_901 = vector.broadcast %add3A_900 : i32 to vector<16xi32>
      %add3A_902 = arith.addi %add3A_898, %add3A_901 : vector<16xi32>
      %gather3A_903 = tpu.vector_load_idx %arg9[%add3A_902] : memref<24576xf32, #tpu.memory_space<vmem>>[vector<16xi32>], vector<16xf32>,
      %mul3A_904 = arith.mulf %sub3A_51, %gather3A_899 : vector<16xf32>
      %mul3A_905 = arith.mulf %gather3A_48, %gather3A_903 : vector<16xf32>
      %add3A_906 = arith.addf %mul3A_904, %mul3A_905 : vector<16xf32>
      %swap3A_907 = arith.constant 1040 : index
      %swap3A_908 = tpu.vector_load %arg10[%swap3A_907] {strides = array<i32>} : memref<1536xf32, #tpu.memory_space<vmem>>, vector<16xf32>,
      tpu.vector_store %arg10[%swap3A_907], %add3A_906 {strides = array<i32>} : memref<1536xf32, #tpu.memory_space<vmem>>, vector<16xf32>,
      %add3A_909 = arith.constant 16416 : i32
      %add3A_910 = vector.broadcast %add3A_909 : i32 to vector<16xi32>
      %add3A_911 = arith.addi %add3A_47, %add3A_910 : vector<16xi32>
      %gather3A_912 = tpu.vector_load_idx %arg9[%add3A_911] : memref<24576xf32, #tpu.memory_space<vmem>>[vector<16xi32>], vector<16xf32>,
      %add3A_913 = arith.constant 128 : i32
      %add3A_914 = vector.broadcast %add3A_913 : i32 to vector<16xi32>
      %add3A_915 = arith.addi %add3A_911, %add3A_914 : vector<16xi32>
      %gather3A_916 = tpu.vector_load_idx %arg9[%add3A_915] : memref<24576xf32, #tpu.memory_space<vmem>>[vector<16xi32>], vector<16xf32>,
      %mul3A_917 = arith.mulf %sub3A_51, %gather3A_912 : vector<16xf32>
      %mul3A_918 = arith.mulf %gather3A_48, %gather3A_916 : vector<16xf32>
      %add3A_919 = arith.addf %mul3A_917, %mul3A_918 : vector<16xf32>
      %swap3A_920 = arith.constant 1056 : index
      %swap3A_921 = tpu.vector_load %arg10[%swap3A_920] {strides = array<i32>} : memref<1536xf32, #tpu.memory_space<vmem>>, vector<16xf32>,
      tpu.vector_store %arg10[%swap3A_920], %add3A_919 {strides = array<i32>} : memref<1536xf32, #tpu.memory_space<vmem>>, vector<16xf32>,
      %add3A_922 = arith.constant 16432 : i32
      %add3A_923 = vector.broadcast %add3A_922 : i32 to vector<16xi32>
      %add3A_924 = arith.addi %add3A_47, %add3A_923 : vector<16xi32>
      %gather3A_925 = tpu.vector_load_idx %arg9[%add3A_924] : memref<24576xf32, #tpu.memory_space<vmem>>[vector<16xi32>], vector<16xf32>,
      %add3A_926 = arith.constant 128 : i32
      %add3A_927 = vector.broadcast %add3A_926 : i32 to vector<16xi32>
      %add3A_928 = arith.addi %add3A_924, %add3A_927 : vector<16xi32>
      %gather3A_929 = tpu.vector_load_idx %arg9[%add3A_928] : memref<24576xf32, #tpu.memory_space<vmem>>[vector<16xi32>], vector<16xf32>,
      %mul3A_930 = arith.mulf %sub3A_51, %gather3A_925 : vector<16xf32>
      %mul3A_931 = arith.mulf %gather3A_48, %gather3A_929 : vector<16xf32>
      %add3A_932 = arith.addf %mul3A_930, %mul3A_931 : vector<16xf32>
      %swap3A_933 = arith.constant 1072 : index
      %swap3A_934 = tpu.vector_load %arg10[%swap3A_933] {strides = array<i32>} : memref<1536xf32, #tpu.memory_space<vmem>>, vector<16xf32>,
      tpu.vector_store %arg10[%swap3A_933], %add3A_932 {strides = array<i32>} : memref<1536xf32, #tpu.memory_space<vmem>>, vector<16xf32>,
      %add3A_935 = arith.constant 16448 : i32
      %add3A_936 = vector.broadcast %add3A_935 : i32 to vector<16xi32>
      %add3A_937 = arith.addi %add3A_47, %add3A_936 : vector<16xi32>
      %gather3A_938 = tpu.vector_load_idx %arg9[%add3A_937] : memref<24576xf32, #tpu.memory_space<vmem>>[vector<16xi32>], vector<16xf32>,
      %add3A_939 = arith.constant 128 : i32
      %add3A_940 = vector.broadcast %add3A_939 : i32 to vector<16xi32>
      %add3A_941 = arith.addi %add3A_937, %add3A_940 : vector<16xi32>
      %gather3A_942 = tpu.vector_load_idx %arg9[%add3A_941] : memref<24576xf32, #tpu.memory_space<vmem>>[vector<16xi32>], vector<16xf32>,
      %mul3A_943 = arith.mulf %sub3A_51, %gather3A_938 : vector<16xf32>
      %mul3A_944 = arith.mulf %gather3A_48, %gather3A_942 : vector<16xf32>
      %add3A_945 = arith.addf %mul3A_943, %mul3A_944 : vector<16xf32>
      %swap3A_946 = arith.constant 1088 : index
      %swap3A_947 = tpu.vector_load %arg10[%swap3A_946] {strides = array<i32>} : memref<1536xf32, #tpu.memory_space<vmem>>, vector<16xf32>,
      tpu.vector_store %arg10[%swap3A_946], %add3A_945 {strides = array<i32>} : memref<1536xf32, #tpu.memory_space<vmem>>, vector<16xf32>,
      %add3A_948 = arith.constant 16464 : i32
      %add3A_949 = vector.broadcast %add3A_948 : i32 to vector<16xi32>
      %add3A_950 = arith.addi %add3A_47, %add3A_949 : vector<16xi32>
      %gather3A_951 = tpu.vector_load_idx %arg9[%add3A_950] : memref<24576xf32, #tpu.memory_space<vmem>>[vector<16xi32>], vector<16xf32>,
      %add3A_952 = arith.constant 128 : i32
      %add3A_953 = vector.broadcast %add3A_952 : i32 to vector<16xi32>
      %add3A_954 = arith.addi %add3A_950, %add3A_953 : vector<16xi32>
      %gather3A_955 = tpu.vector_load_idx %arg9[%add3A_954] : memref<24576xf32, #tpu.memory_space<vmem>>[vector<16xi32>], vector<16xf32>,
      %mul3A_956 = arith.mulf %sub3A_51, %gather3A_951 : vector<16xf32>
      %mul3A_957 = arith.mulf %gather3A_48, %gather3A_955 : vector<16xf32>
      %add3A_958 = arith.addf %mul3A_956, %mul3A_957 : vector<16xf32>
      %swap3A_959 = arith.constant 1104 : index
      %swap3A_960 = tpu.vector_load %arg10[%swap3A_959] {strides = array<i32>} : memref<1536xf32, #tpu.memory_space<vmem>>, vector<16xf32>,
      tpu.vector_store %arg10[%swap3A_959], %add3A_958 {strides = array<i32>} : memref<1536xf32, #tpu.memory_space<vmem>>, vector<16xf32>,
      %add3A_961 = arith.constant 16480 : i32
      %add3A_962 = vector.broadcast %add3A_961 : i32 to vector<16xi32>
      %add3A_963 = arith.addi %add3A_47, %add3A_962 : vector<16xi32>
      %gather3A_964 = tpu.vector_load_idx %arg9[%add3A_963] : memref<24576xf32, #tpu.memory_space<vmem>>[vector<16xi32>], vector<16xf32>,
      %add3A_965 = arith.constant 128 : i32
      %add3A_966 = vector.broadcast %add3A_965 : i32 to vector<16xi32>
      %add3A_967 = arith.addi %add3A_963, %add3A_966 : vector<16xi32>
      %gather3A_968 = tpu.vector_load_idx %arg9[%add3A_967] : memref<24576xf32, #tpu.memory_space<vmem>>[vector<16xi32>], vector<16xf32>,
      %mul3A_969 = arith.mulf %sub3A_51, %gather3A_964 : vector<16xf32>
      %mul3A_970 = arith.mulf %gather3A_48, %gather3A_968 : vector<16xf32>
      %add3A_971 = arith.addf %mul3A_969, %mul3A_970 : vector<16xf32>
      %swap3A_972 = arith.constant 1120 : index
      %swap3A_973 = tpu.vector_load %arg10[%swap3A_972] {strides = array<i32>} : memref<1536xf32, #tpu.memory_space<vmem>>, vector<16xf32>,
      tpu.vector_store %arg10[%swap3A_972], %add3A_971 {strides = array<i32>} : memref<1536xf32, #tpu.memory_space<vmem>>, vector<16xf32>,
      %add3A_974 = arith.constant 16496 : i32
      %add3A_975 = vector.broadcast %add3A_974 : i32 to vector<16xi32>
      %add3A_976 = arith.addi %add3A_47, %add3A_975 : vector<16xi32>
      %gather3A_977 = tpu.vector_load_idx %arg9[%add3A_976] : memref<24576xf32, #tpu.memory_space<vmem>>[vector<16xi32>], vector<16xf32>,
      %add3A_978 = arith.constant 128 : i32
      %add3A_979 = vector.broadcast %add3A_978 : i32 to vector<16xi32>
      %add3A_980 = arith.addi %add3A_976, %add3A_979 : vector<16xi32>
      %gather3A_981 = tpu.vector_load_idx %arg9[%add3A_980] : memref<24576xf32, #tpu.memory_space<vmem>>[vector<16xi32>], vector<16xf32>,
      %mul3A_982 = arith.mulf %sub3A_51, %gather3A_977 : vector<16xf32>
      %mul3A_983 = arith.mulf %gather3A_48, %gather3A_981 : vector<16xf32>
      %add3A_984 = arith.addf %mul3A_982, %mul3A_983 : vector<16xf32>
      %swap3A_985 = arith.constant 1136 : index
      %swap3A_986 = tpu.vector_load %arg10[%swap3A_985] {strides = array<i32>} : memref<1536xf32, #tpu.memory_space<vmem>>, vector<16xf32>,
      tpu.vector_store %arg10[%swap3A_985], %add3A_984 {strides = array<i32>} : memref<1536xf32, #tpu.memory_space<vmem>>, vector<16xf32>,
      %add3A_987 = arith.constant 18432 : i32
      %add3A_988 = vector.broadcast %add3A_987 : i32 to vector<16xi32>
      %add3A_989 = arith.addi %add3A_47, %add3A_988 : vector<16xi32>
      %gather3A_990 = tpu.vector_load_idx %arg9[%add3A_989] : memref<24576xf32, #tpu.memory_space<vmem>>[vector<16xi32>], vector<16xf32>,
      %add3A_991 = arith.constant 128 : i32
      %add3A_992 = vector.broadcast %add3A_991 : i32 to vector<16xi32>
      %add3A_993 = arith.addi %add3A_989, %add3A_992 : vector<16xi32>
      %gather3A_994 = tpu.vector_load_idx %arg9[%add3A_993] : memref<24576xf32, #tpu.memory_space<vmem>>[vector<16xi32>], vector<16xf32>,
      %mul3A_995 = arith.mulf %sub3A_51, %gather3A_990 : vector<16xf32>
      %mul3A_996 = arith.mulf %gather3A_48, %gather3A_994 : vector<16xf32>
      %add3A_997 = arith.addf %mul3A_995, %mul3A_996 : vector<16xf32>
      %swap3A_998 = arith.constant 1152 : index
      %swap3A_999 = tpu.vector_load %arg10[%swap3A_998] {strides = array<i32>} : memref<1536xf32, #tpu.memory_space<vmem>>, vector<16xf32>,
      tpu.vector_store %arg10[%swap3A_998], %add3A_997 {strides = array<i32>} : memref<1536xf32, #tpu.memory_space<vmem>>, vector<16xf32>,
      %add3A_1000 = arith.constant 18448 : i32
      %add3A_1001 = vector.broadcast %add3A_1000 : i32 to vector<16xi32>
      %add3A_1002 = arith.addi %add3A_47, %add3A_1001 : vector<16xi32>
      %gather3A_1003 = tpu.vector_load_idx %arg9[%add3A_1002] : memref<24576xf32, #tpu.memory_space<vmem>>[vector<16xi32>], vector<16xf32>,
      %add3A_1004 = arith.constant 128 : i32
      %add3A_1005 = vector.broadcast %add3A_1004 : i32 to vector<16xi32>
      %add3A_1006 = arith.addi %add3A_1002, %add3A_1005 : vector<16xi32>
      %gather3A_1007 = tpu.vector_load_idx %arg9[%add3A_1006] : memref<24576xf32, #tpu.memory_space<vmem>>[vector<16xi32>], vector<16xf32>,
      %mul3A_1008 = arith.mulf %sub3A_51, %gather3A_1003 : vector<16xf32>
      %mul3A_1009 = arith.mulf %gather3A_48, %gather3A_1007 : vector<16xf32>
      %add3A_1010 = arith.addf %mul3A_1008, %mul3A_1009 : vector<16xf32>
      %swap3A_1011 = arith.constant 1168 : index
      %swap3A_1012 = tpu.vector_load %arg10[%swap3A_1011] {strides = array<i32>} : memref<1536xf32, #tpu.memory_space<vmem>>, vector<16xf32>,
      tpu.vector_store %arg10[%swap3A_1011], %add3A_1010 {strides = array<i32>} : memref<1536xf32, #tpu.memory_space<vmem>>, vector<16xf32>,
      %add3A_1013 = arith.constant 18464 : i32
      %add3A_1014 = vector.broadcast %add3A_1013 : i32 to vector<16xi32>
      %add3A_1015 = arith.addi %add3A_47, %add3A_1014 : vector<16xi32>
      %gather3A_1016 = tpu.vector_load_idx %arg9[%add3A_1015] : memref<24576xf32, #tpu.memory_space<vmem>>[vector<16xi32>], vector<16xf32>,
      %add3A_1017 = arith.constant 128 : i32
      %add3A_1018 = vector.broadcast %add3A_1017 : i32 to vector<16xi32>
      %add3A_1019 = arith.addi %add3A_1015, %add3A_1018 : vector<16xi32>
      %gather3A_1020 = tpu.vector_load_idx %arg9[%add3A_1019] : memref<24576xf32, #tpu.memory_space<vmem>>[vector<16xi32>], vector<16xf32>,
      %mul3A_1021 = arith.mulf %sub3A_51, %gather3A_1016 : vector<16xf32>
      %mul3A_1022 = arith.mulf %gather3A_48, %gather3A_1020 : vector<16xf32>
      %add3A_1023 = arith.addf %mul3A_1021, %mul3A_1022 : vector<16xf32>
      %swap3A_1024 = arith.constant 1184 : index
      %swap3A_1025 = tpu.vector_load %arg10[%swap3A_1024] {strides = array<i32>} : memref<1536xf32, #tpu.memory_space<vmem>>, vector<16xf32>,
      tpu.vector_store %arg10[%swap3A_1024], %add3A_1023 {strides = array<i32>} : memref<1536xf32, #tpu.memory_space<vmem>>, vector<16xf32>,
      %add3A_1026 = arith.constant 18480 : i32
      %add3A_1027 = vector.broadcast %add3A_1026 : i32 to vector<16xi32>
      %add3A_1028 = arith.addi %add3A_47, %add3A_1027 : vector<16xi32>
      %gather3A_1029 = tpu.vector_load_idx %arg9[%add3A_1028] : memref<24576xf32, #tpu.memory_space<vmem>>[vector<16xi32>], vector<16xf32>,
      %add3A_1030 = arith.constant 128 : i32
      %add3A_1031 = vector.broadcast %add3A_1030 : i32 to vector<16xi32>
      %add3A_1032 = arith.addi %add3A_1028, %add3A_1031 : vector<16xi32>
      %gather3A_1033 = tpu.vector_load_idx %arg9[%add3A_1032] : memref<24576xf32, #tpu.memory_space<vmem>>[vector<16xi32>], vector<16xf32>,
      %mul3A_1034 = arith.mulf %sub3A_51, %gather3A_1029 : vector<16xf32>
      %mul3A_1035 = arith.mulf %gather3A_48, %gather3A_1033 : vector<16xf32>
      %add3A_1036 = arith.addf %mul3A_1034, %mul3A_1035 : vector<16xf32>
      %swap3A_1037 = arith.constant 1200 : index
      %swap3A_1038 = tpu.vector_load %arg10[%swap3A_1037] {strides = array<i32>} : memref<1536xf32, #tpu.memory_space<vmem>>, vector<16xf32>,
      tpu.vector_store %arg10[%swap3A_1037], %add3A_1036 {strides = array<i32>} : memref<1536xf32, #tpu.memory_space<vmem>>, vector<16xf32>,
      %add3A_1039 = arith.constant 18496 : i32
      %add3A_1040 = vector.broadcast %add3A_1039 : i32 to vector<16xi32>
      %add3A_1041 = arith.addi %add3A_47, %add3A_1040 : vector<16xi32>
      %gather3A_1042 = tpu.vector_load_idx %arg9[%add3A_1041] : memref<24576xf32, #tpu.memory_space<vmem>>[vector<16xi32>], vector<16xf32>,
      %add3A_1043 = arith.constant 128 : i32
      %add3A_1044 = vector.broadcast %add3A_1043 : i32 to vector<16xi32>
      %add3A_1045 = arith.addi %add3A_1041, %add3A_1044 : vector<16xi32>
      %gather3A_1046 = tpu.vector_load_idx %arg9[%add3A_1045] : memref<24576xf32, #tpu.memory_space<vmem>>[vector<16xi32>], vector<16xf32>,
      %mul3A_1047 = arith.mulf %sub3A_51, %gather3A_1042 : vector<16xf32>
      %mul3A_1048 = arith.mulf %gather3A_48, %gather3A_1046 : vector<16xf32>
      %add3A_1049 = arith.addf %mul3A_1047, %mul3A_1048 : vector<16xf32>
      %swap3A_1050 = arith.constant 1216 : index
      %swap3A_1051 = tpu.vector_load %arg10[%swap3A_1050] {strides = array<i32>} : memref<1536xf32, #tpu.memory_space<vmem>>, vector<16xf32>,
      tpu.vector_store %arg10[%swap3A_1050], %add3A_1049 {strides = array<i32>} : memref<1536xf32, #tpu.memory_space<vmem>>, vector<16xf32>,
      %add3A_1052 = arith.constant 18512 : i32
      %add3A_1053 = vector.broadcast %add3A_1052 : i32 to vector<16xi32>
      %add3A_1054 = arith.addi %add3A_47, %add3A_1053 : vector<16xi32>
      %gather3A_1055 = tpu.vector_load_idx %arg9[%add3A_1054] : memref<24576xf32, #tpu.memory_space<vmem>>[vector<16xi32>], vector<16xf32>,
      %add3A_1056 = arith.constant 128 : i32
      %add3A_1057 = vector.broadcast %add3A_1056 : i32 to vector<16xi32>
      %add3A_1058 = arith.addi %add3A_1054, %add3A_1057 : vector<16xi32>
      %gather3A_1059 = tpu.vector_load_idx %arg9[%add3A_1058] : memref<24576xf32, #tpu.memory_space<vmem>>[vector<16xi32>], vector<16xf32>,
      %mul3A_1060 = arith.mulf %sub3A_51, %gather3A_1055 : vector<16xf32>
      %mul3A_1061 = arith.mulf %gather3A_48, %gather3A_1059 : vector<16xf32>
      %add3A_1062 = arith.addf %mul3A_1060, %mul3A_1061 : vector<16xf32>
      %swap3A_1063 = arith.constant 1232 : index
      %swap3A_1064 = tpu.vector_load %arg10[%swap3A_1063] {strides = array<i32>} : memref<1536xf32, #tpu.memory_space<vmem>>, vector<16xf32>,
      tpu.vector_store %arg10[%swap3A_1063], %add3A_1062 {strides = array<i32>} : memref<1536xf32, #tpu.memory_space<vmem>>, vector<16xf32>,
      %add3A_1065 = arith.constant 18528 : i32
      %add3A_1066 = vector.broadcast %add3A_1065 : i32 to vector<16xi32>
      %add3A_1067 = arith.addi %add3A_47, %add3A_1066 : vector<16xi32>
      %gather3A_1068 = tpu.vector_load_idx %arg9[%add3A_1067] : memref<24576xf32, #tpu.memory_space<vmem>>[vector<16xi32>], vector<16xf32>,
      %add3A_1069 = arith.constant 128 : i32
      %add3A_1070 = vector.broadcast %add3A_1069 : i32 to vector<16xi32>
      %add3A_1071 = arith.addi %add3A_1067, %add3A_1070 : vector<16xi32>
      %gather3A_1072 = tpu.vector_load_idx %arg9[%add3A_1071] : memref<24576xf32, #tpu.memory_space<vmem>>[vector<16xi32>], vector<16xf32>,
      %mul3A_1073 = arith.mulf %sub3A_51, %gather3A_1068 : vector<16xf32>
      %mul3A_1074 = arith.mulf %gather3A_48, %gather3A_1072 : vector<16xf32>
      %add3A_1075 = arith.addf %mul3A_1073, %mul3A_1074 : vector<16xf32>
      %swap3A_1076 = arith.constant 1248 : index
      %swap3A_1077 = tpu.vector_load %arg10[%swap3A_1076] {strides = array<i32>} : memref<1536xf32, #tpu.memory_space<vmem>>, vector<16xf32>,
      tpu.vector_store %arg10[%swap3A_1076], %add3A_1075 {strides = array<i32>} : memref<1536xf32, #tpu.memory_space<vmem>>, vector<16xf32>,
      %add3A_1078 = arith.constant 18544 : i32
      %add3A_1079 = vector.broadcast %add3A_1078 : i32 to vector<16xi32>
      %add3A_1080 = arith.addi %add3A_47, %add3A_1079 : vector<16xi32>
      %gather3A_1081 = tpu.vector_load_idx %arg9[%add3A_1080] : memref<24576xf32, #tpu.memory_space<vmem>>[vector<16xi32>], vector<16xf32>,
      %add3A_1082 = arith.constant 128 : i32
      %add3A_1083 = vector.broadcast %add3A_1082 : i32 to vector<16xi32>
      %add3A_1084 = arith.addi %add3A_1080, %add3A_1083 : vector<16xi32>
      %gather3A_1085 = tpu.vector_load_idx %arg9[%add3A_1084] : memref<24576xf32, #tpu.memory_space<vmem>>[vector<16xi32>], vector<16xf32>,
      %mul3A_1086 = arith.mulf %sub3A_51, %gather3A_1081 : vector<16xf32>
      %mul3A_1087 = arith.mulf %gather3A_48, %gather3A_1085 : vector<16xf32>
      %add3A_1088 = arith.addf %mul3A_1086, %mul3A_1087 : vector<16xf32>
      %swap3A_1089 = arith.constant 1264 : index
      %swap3A_1090 = tpu.vector_load %arg10[%swap3A_1089] {strides = array<i32>} : memref<1536xf32, #tpu.memory_space<vmem>>, vector<16xf32>,
      tpu.vector_store %arg10[%swap3A_1089], %add3A_1088 {strides = array<i32>} : memref<1536xf32, #tpu.memory_space<vmem>>, vector<16xf32>,
      %add3A_1091 = arith.constant 20480 : i32
      %add3A_1092 = vector.broadcast %add3A_1091 : i32 to vector<16xi32>
      %add3A_1093 = arith.addi %add3A_47, %add3A_1092 : vector<16xi32>
      %gather3A_1094 = tpu.vector_load_idx %arg9[%add3A_1093] : memref<24576xf32, #tpu.memory_space<vmem>>[vector<16xi32>], vector<16xf32>,
      %add3A_1095 = arith.constant 128 : i32
      %add3A_1096 = vector.broadcast %add3A_1095 : i32 to vector<16xi32>
      %add3A_1097 = arith.addi %add3A_1093, %add3A_1096 : vector<16xi32>
      %gather3A_1098 = tpu.vector_load_idx %arg9[%add3A_1097] : memref<24576xf32, #tpu.memory_space<vmem>>[vector<16xi32>], vector<16xf32>,
      %mul3A_1099 = arith.mulf %sub3A_51, %gather3A_1094 : vector<16xf32>
      %mul3A_1100 = arith.mulf %gather3A_48, %gather3A_1098 : vector<16xf32>
      %add3A_1101 = arith.addf %mul3A_1099, %mul3A_1100 : vector<16xf32>
      %swap3A_1102 = arith.constant 1280 : index
      %swap3A_1103 = tpu.vector_load %arg10[%swap3A_1102] {strides = array<i32>} : memref<1536xf32, #tpu.memory_space<vmem>>, vector<16xf32>,
      tpu.vector_store %arg10[%swap3A_1102], %add3A_1101 {strides = array<i32>} : memref<1536xf32, #tpu.memory_space<vmem>>, vector<16xf32>,
      %add3A_1104 = arith.constant 20496 : i32
      %add3A_1105 = vector.broadcast %add3A_1104 : i32 to vector<16xi32>
      %add3A_1106 = arith.addi %add3A_47, %add3A_1105 : vector<16xi32>
      %gather3A_1107 = tpu.vector_load_idx %arg9[%add3A_1106] : memref<24576xf32, #tpu.memory_space<vmem>>[vector<16xi32>], vector<16xf32>,
      %add3A_1108 = arith.constant 128 : i32
      %add3A_1109 = vector.broadcast %add3A_1108 : i32 to vector<16xi32>
      %add3A_1110 = arith.addi %add3A_1106, %add3A_1109 : vector<16xi32>
      %gather3A_1111 = tpu.vector_load_idx %arg9[%add3A_1110] : memref<24576xf32, #tpu.memory_space<vmem>>[vector<16xi32>], vector<16xf32>,
      %mul3A_1112 = arith.mulf %sub3A_51, %gather3A_1107 : vector<16xf32>
      %mul3A_1113 = arith.mulf %gather3A_48, %gather3A_1111 : vector<16xf32>
      %add3A_1114 = arith.addf %mul3A_1112, %mul3A_1113 : vector<16xf32>
      %swap3A_1115 = arith.constant 1296 : index
      %swap3A_1116 = tpu.vector_load %arg10[%swap3A_1115] {strides = array<i32>} : memref<1536xf32, #tpu.memory_space<vmem>>, vector<16xf32>,
      tpu.vector_store %arg10[%swap3A_1115], %add3A_1114 {strides = array<i32>} : memref<1536xf32, #tpu.memory_space<vmem>>, vector<16xf32>,
      %add3A_1117 = arith.constant 20512 : i32
      %add3A_1118 = vector.broadcast %add3A_1117 : i32 to vector<16xi32>
      %add3A_1119 = arith.addi %add3A_47, %add3A_1118 : vector<16xi32>
      %gather3A_1120 = tpu.vector_load_idx %arg9[%add3A_1119] : memref<24576xf32, #tpu.memory_space<vmem>>[vector<16xi32>], vector<16xf32>,
      %add3A_1121 = arith.constant 128 : i32
      %add3A_1122 = vector.broadcast %add3A_1121 : i32 to vector<16xi32>
      %add3A_1123 = arith.addi %add3A_1119, %add3A_1122 : vector<16xi32>
      %gather3A_1124 = tpu.vector_load_idx %arg9[%add3A_1123] : memref<24576xf32, #tpu.memory_space<vmem>>[vector<16xi32>], vector<16xf32>,
      %mul3A_1125 = arith.mulf %sub3A_51, %gather3A_1120 : vector<16xf32>
      %mul3A_1126 = arith.mulf %gather3A_48, %gather3A_1124 : vector<16xf32>
      %add3A_1127 = arith.addf %mul3A_1125, %mul3A_1126 : vector<16xf32>
      %swap3A_1128 = arith.constant 1312 : index
      %swap3A_1129 = tpu.vector_load %arg10[%swap3A_1128] {strides = array<i32>} : memref<1536xf32, #tpu.memory_space<vmem>>, vector<16xf32>,
      tpu.vector_store %arg10[%swap3A_1128], %add3A_1127 {strides = array<i32>} : memref<1536xf32, #tpu.memory_space<vmem>>, vector<16xf32>,
      %add3A_1130 = arith.constant 20528 : i32
      %add3A_1131 = vector.broadcast %add3A_1130 : i32 to vector<16xi32>
      %add3A_1132 = arith.addi %add3A_47, %add3A_1131 : vector<16xi32>
      %gather3A_1133 = tpu.vector_load_idx %arg9[%add3A_1132] : memref<24576xf32, #tpu.memory_space<vmem>>[vector<16xi32>], vector<16xf32>,
      %add3A_1134 = arith.constant 128 : i32
      %add3A_1135 = vector.broadcast %add3A_1134 : i32 to vector<16xi32>
      %add3A_1136 = arith.addi %add3A_1132, %add3A_1135 : vector<16xi32>
      %gather3A_1137 = tpu.vector_load_idx %arg9[%add3A_1136] : memref<24576xf32, #tpu.memory_space<vmem>>[vector<16xi32>], vector<16xf32>,
      %mul3A_1138 = arith.mulf %sub3A_51, %gather3A_1133 : vector<16xf32>
      %mul3A_1139 = arith.mulf %gather3A_48, %gather3A_1137 : vector<16xf32>
      %add3A_1140 = arith.addf %mul3A_1138, %mul3A_1139 : vector<16xf32>
      %swap3A_1141 = arith.constant 1328 : index
      %swap3A_1142 = tpu.vector_load %arg10[%swap3A_1141] {strides = array<i32>} : memref<1536xf32, #tpu.memory_space<vmem>>, vector<16xf32>,
      tpu.vector_store %arg10[%swap3A_1141], %add3A_1140 {strides = array<i32>} : memref<1536xf32, #tpu.memory_space<vmem>>, vector<16xf32>,
      %add3A_1143 = arith.constant 20544 : i32
      %add3A_1144 = vector.broadcast %add3A_1143 : i32 to vector<16xi32>
      %add3A_1145 = arith.addi %add3A_47, %add3A_1144 : vector<16xi32>
      %gather3A_1146 = tpu.vector_load_idx %arg9[%add3A_1145] : memref<24576xf32, #tpu.memory_space<vmem>>[vector<16xi32>], vector<16xf32>,
      %add3A_1147 = arith.constant 128 : i32
      %add3A_1148 = vector.broadcast %add3A_1147 : i32 to vector<16xi32>
      %add3A_1149 = arith.addi %add3A_1145, %add3A_1148 : vector<16xi32>
      %gather3A_1150 = tpu.vector_load_idx %arg9[%add3A_1149] : memref<24576xf32, #tpu.memory_space<vmem>>[vector<16xi32>], vector<16xf32>,
      %mul3A_1151 = arith.mulf %sub3A_51, %gather3A_1146 : vector<16xf32>
      %mul3A_1152 = arith.mulf %gather3A_48, %gather3A_1150 : vector<16xf32>
      %add3A_1153 = arith.addf %mul3A_1151, %mul3A_1152 : vector<16xf32>
      %swap3A_1154 = arith.constant 1344 : index
      %swap3A_1155 = tpu.vector_load %arg10[%swap3A_1154] {strides = array<i32>} : memref<1536xf32, #tpu.memory_space<vmem>>, vector<16xf32>,
      tpu.vector_store %arg10[%swap3A_1154], %add3A_1153 {strides = array<i32>} : memref<1536xf32, #tpu.memory_space<vmem>>, vector<16xf32>,
      %add3A_1156 = arith.constant 20560 : i32
      %add3A_1157 = vector.broadcast %add3A_1156 : i32 to vector<16xi32>
      %add3A_1158 = arith.addi %add3A_47, %add3A_1157 : vector<16xi32>
      %gather3A_1159 = tpu.vector_load_idx %arg9[%add3A_1158] : memref<24576xf32, #tpu.memory_space<vmem>>[vector<16xi32>], vector<16xf32>,
      %add3A_1160 = arith.constant 128 : i32
      %add3A_1161 = vector.broadcast %add3A_1160 : i32 to vector<16xi32>
      %add3A_1162 = arith.addi %add3A_1158, %add3A_1161 : vector<16xi32>
      %gather3A_1163 = tpu.vector_load_idx %arg9[%add3A_1162] : memref<24576xf32, #tpu.memory_space<vmem>>[vector<16xi32>], vector<16xf32>,
      %mul3A_1164 = arith.mulf %sub3A_51, %gather3A_1159 : vector<16xf32>
      %mul3A_1165 = arith.mulf %gather3A_48, %gather3A_1163 : vector<16xf32>
      %add3A_1166 = arith.addf %mul3A_1164, %mul3A_1165 : vector<16xf32>
      %swap3A_1167 = arith.constant 1360 : index
      %swap3A_1168 = tpu.vector_load %arg10[%swap3A_1167] {strides = array<i32>} : memref<1536xf32, #tpu.memory_space<vmem>>, vector<16xf32>,
      tpu.vector_store %arg10[%swap3A_1167], %add3A_1166 {strides = array<i32>} : memref<1536xf32, #tpu.memory_space<vmem>>, vector<16xf32>,
      %add3A_1169 = arith.constant 20576 : i32
      %add3A_1170 = vector.broadcast %add3A_1169 : i32 to vector<16xi32>
      %add3A_1171 = arith.addi %add3A_47, %add3A_1170 : vector<16xi32>
      %gather3A_1172 = tpu.vector_load_idx %arg9[%add3A_1171] : memref<24576xf32, #tpu.memory_space<vmem>>[vector<16xi32>], vector<16xf32>,
      %add3A_1173 = arith.constant 128 : i32
      %add3A_1174 = vector.broadcast %add3A_1173 : i32 to vector<16xi32>
      %add3A_1175 = arith.addi %add3A_1171, %add3A_1174 : vector<16xi32>
      %gather3A_1176 = tpu.vector_load_idx %arg9[%add3A_1175] : memref<24576xf32, #tpu.memory_space<vmem>>[vector<16xi32>], vector<16xf32>,
      %mul3A_1177 = arith.mulf %sub3A_51, %gather3A_1172 : vector<16xf32>
      %mul3A_1178 = arith.mulf %gather3A_48, %gather3A_1176 : vector<16xf32>
      %add3A_1179 = arith.addf %mul3A_1177, %mul3A_1178 : vector<16xf32>
      %swap3A_1180 = arith.constant 1376 : index
      %swap3A_1181 = tpu.vector_load %arg10[%swap3A_1180] {strides = array<i32>} : memref<1536xf32, #tpu.memory_space<vmem>>, vector<16xf32>,
      tpu.vector_store %arg10[%swap3A_1180], %add3A_1179 {strides = array<i32>} : memref<1536xf32, #tpu.memory_space<vmem>>, vector<16xf32>,
      %add3A_1182 = arith.constant 20592 : i32
      %add3A_1183 = vector.broadcast %add3A_1182 : i32 to vector<16xi32>
      %add3A_1184 = arith.addi %add3A_47, %add3A_1183 : vector<16xi32>
      %gather3A_1185 = tpu.vector_load_idx %arg9[%add3A_1184] : memref<24576xf32, #tpu.memory_space<vmem>>[vector<16xi32>], vector<16xf32>,
      %add3A_1186 = arith.constant 128 : i32
      %add3A_1187 = vector.broadcast %add3A_1186 : i32 to vector<16xi32>
      %add3A_1188 = arith.addi %add3A_1184, %add3A_1187 : vector<16xi32>
      %gather3A_1189 = tpu.vector_load_idx %arg9[%add3A_1188] : memref<24576xf32, #tpu.memory_space<vmem>>[vector<16xi32>], vector<16xf32>,
      %mul3A_1190 = arith.mulf %sub3A_51, %gather3A_1185 : vector<16xf32>
      %mul3A_1191 = arith.mulf %gather3A_48, %gather3A_1189 : vector<16xf32>
      %add3A_1192 = arith.addf %mul3A_1190, %mul3A_1191 : vector<16xf32>
      %swap3A_1193 = arith.constant 1392 : index
      %swap3A_1194 = tpu.vector_load %arg10[%swap3A_1193] {strides = array<i32>} : memref<1536xf32, #tpu.memory_space<vmem>>, vector<16xf32>,
      tpu.vector_store %arg10[%swap3A_1193], %add3A_1192 {strides = array<i32>} : memref<1536xf32, #tpu.memory_space<vmem>>, vector<16xf32>,
      %add3A_1195 = arith.constant 22528 : i32
      %add3A_1196 = vector.broadcast %add3A_1195 : i32 to vector<16xi32>
      %add3A_1197 = arith.addi %add3A_47, %add3A_1196 : vector<16xi32>
      %gather3A_1198 = tpu.vector_load_idx %arg9[%add3A_1197] : memref<24576xf32, #tpu.memory_space<vmem>>[vector<16xi32>], vector<16xf32>,
      %add3A_1199 = arith.constant 128 : i32
      %add3A_1200 = vector.broadcast %add3A_1199 : i32 to vector<16xi32>
      %add3A_1201 = arith.addi %add3A_1197, %add3A_1200 : vector<16xi32>
      %gather3A_1202 = tpu.vector_load_idx %arg9[%add3A_1201] : memref<24576xf32, #tpu.memory_space<vmem>>[vector<16xi32>], vector<16xf32>,
      %mul3A_1203 = arith.mulf %sub3A_51, %gather3A_1198 : vector<16xf32>
      %mul3A_1204 = arith.mulf %gather3A_48, %gather3A_1202 : vector<16xf32>
      %add3A_1205 = arith.addf %mul3A_1203, %mul3A_1204 : vector<16xf32>
      %swap3A_1206 = arith.constant 1408 : index
      %swap3A_1207 = tpu.vector_load %arg10[%swap3A_1206] {strides = array<i32>} : memref<1536xf32, #tpu.memory_space<vmem>>, vector<16xf32>,
      tpu.vector_store %arg10[%swap3A_1206], %add3A_1205 {strides = array<i32>} : memref<1536xf32, #tpu.memory_space<vmem>>, vector<16xf32>,
      %add3A_1208 = arith.constant 22544 : i32
      %add3A_1209 = vector.broadcast %add3A_1208 : i32 to vector<16xi32>
      %add3A_1210 = arith.addi %add3A_47, %add3A_1209 : vector<16xi32>
      %gather3A_1211 = tpu.vector_load_idx %arg9[%add3A_1210] : memref<24576xf32, #tpu.memory_space<vmem>>[vector<16xi32>], vector<16xf32>,
      %add3A_1212 = arith.constant 128 : i32
      %add3A_1213 = vector.broadcast %add3A_1212 : i32 to vector<16xi32>
      %add3A_1214 = arith.addi %add3A_1210, %add3A_1213 : vector<16xi32>
      %gather3A_1215 = tpu.vector_load_idx %arg9[%add3A_1214] : memref<24576xf32, #tpu.memory_space<vmem>>[vector<16xi32>], vector<16xf32>,
      %mul3A_1216 = arith.mulf %sub3A_51, %gather3A_1211 : vector<16xf32>
      %mul3A_1217 = arith.mulf %gather3A_48, %gather3A_1215 : vector<16xf32>
      %add3A_1218 = arith.addf %mul3A_1216, %mul3A_1217 : vector<16xf32>
      %swap3A_1219 = arith.constant 1424 : index
      %swap3A_1220 = tpu.vector_load %arg10[%swap3A_1219] {strides = array<i32>} : memref<1536xf32, #tpu.memory_space<vmem>>, vector<16xf32>,
      tpu.vector_store %arg10[%swap3A_1219], %add3A_1218 {strides = array<i32>} : memref<1536xf32, #tpu.memory_space<vmem>>, vector<16xf32>,
      %add3A_1221 = arith.constant 22560 : i32
      %add3A_1222 = vector.broadcast %add3A_1221 : i32 to vector<16xi32>
      %add3A_1223 = arith.addi %add3A_47, %add3A_1222 : vector<16xi32>
      %gather3A_1224 = tpu.vector_load_idx %arg9[%add3A_1223] : memref<24576xf32, #tpu.memory_space<vmem>>[vector<16xi32>], vector<16xf32>,
      %add3A_1225 = arith.constant 128 : i32
      %add3A_1226 = vector.broadcast %add3A_1225 : i32 to vector<16xi32>
      %add3A_1227 = arith.addi %add3A_1223, %add3A_1226 : vector<16xi32>
      %gather3A_1228 = tpu.vector_load_idx %arg9[%add3A_1227] : memref<24576xf32, #tpu.memory_space<vmem>>[vector<16xi32>], vector<16xf32>,
      %mul3A_1229 = arith.mulf %sub3A_51, %gather3A_1224 : vector<16xf32>
      %mul3A_1230 = arith.mulf %gather3A_48, %gather3A_1228 : vector<16xf32>
      %add3A_1231 = arith.addf %mul3A_1229, %mul3A_1230 : vector<16xf32>
      %swap3A_1232 = arith.constant 1440 : index
      %swap3A_1233 = tpu.vector_load %arg10[%swap3A_1232] {strides = array<i32>} : memref<1536xf32, #tpu.memory_space<vmem>>, vector<16xf32>,
      tpu.vector_store %arg10[%swap3A_1232], %add3A_1231 {strides = array<i32>} : memref<1536xf32, #tpu.memory_space<vmem>>, vector<16xf32>,
      %add3A_1234 = arith.constant 22576 : i32
      %add3A_1235 = vector.broadcast %add3A_1234 : i32 to vector<16xi32>
      %add3A_1236 = arith.addi %add3A_47, %add3A_1235 : vector<16xi32>
      %gather3A_1237 = tpu.vector_load_idx %arg9[%add3A_1236] : memref<24576xf32, #tpu.memory_space<vmem>>[vector<16xi32>], vector<16xf32>,
      %add3A_1238 = arith.constant 128 : i32
      %add3A_1239 = vector.broadcast %add3A_1238 : i32 to vector<16xi32>
      %add3A_1240 = arith.addi %add3A_1236, %add3A_1239 : vector<16xi32>
      %gather3A_1241 = tpu.vector_load_idx %arg9[%add3A_1240] : memref<24576xf32, #tpu.memory_space<vmem>>[vector<16xi32>], vector<16xf32>,
      %mul3A_1242 = arith.mulf %sub3A_51, %gather3A_1237 : vector<16xf32>
      %mul3A_1243 = arith.mulf %gather3A_48, %gather3A_1241 : vector<16xf32>
      %add3A_1244 = arith.addf %mul3A_1242, %mul3A_1243 : vector<16xf32>
      %swap3A_1245 = arith.constant 1456 : index
      %swap3A_1246 = tpu.vector_load %arg10[%swap3A_1245] {strides = array<i32>} : memref<1536xf32, #tpu.memory_space<vmem>>, vector<16xf32>,
      tpu.vector_store %arg10[%swap3A_1245], %add3A_1244 {strides = array<i32>} : memref<1536xf32, #tpu.memory_space<vmem>>, vector<16xf32>,
      %add3A_1247 = arith.constant 22592 : i32
      %add3A_1248 = vector.broadcast %add3A_1247 : i32 to vector<16xi32>
      %add3A_1249 = arith.addi %add3A_47, %add3A_1248 : vector<16xi32>
      %gather3A_1250 = tpu.vector_load_idx %arg9[%add3A_1249] : memref<24576xf32, #tpu.memory_space<vmem>>[vector<16xi32>], vector<16xf32>,
      %add3A_1251 = arith.constant 128 : i32
      %add3A_1252 = vector.broadcast %add3A_1251 : i32 to vector<16xi32>
      %add3A_1253 = arith.addi %add3A_1249, %add3A_1252 : vector<16xi32>
      %gather3A_1254 = tpu.vector_load_idx %arg9[%add3A_1253] : memref<24576xf32, #tpu.memory_space<vmem>>[vector<16xi32>], vector<16xf32>,
      %mul3A_1255 = arith.mulf %sub3A_51, %gather3A_1250 : vector<16xf32>
      %mul3A_1256 = arith.mulf %gather3A_48, %gather3A_1254 : vector<16xf32>
      %add3A_1257 = arith.addf %mul3A_1255, %mul3A_1256 : vector<16xf32>
      %swap3A_1258 = arith.constant 1472 : index
      %swap3A_1259 = tpu.vector_load %arg10[%swap3A_1258] {strides = array<i32>} : memref<1536xf32, #tpu.memory_space<vmem>>, vector<16xf32>,
      tpu.vector_store %arg10[%swap3A_1258], %add3A_1257 {strides = array<i32>} : memref<1536xf32, #tpu.memory_space<vmem>>, vector<16xf32>,
      %add3A_1260 = arith.constant 22608 : i32
      %add3A_1261 = vector.broadcast %add3A_1260 : i32 to vector<16xi32>
      %add3A_1262 = arith.addi %add3A_47, %add3A_1261 : vector<16xi32>
      %gather3A_1263 = tpu.vector_load_idx %arg9[%add3A_1262] : memref<24576xf32, #tpu.memory_space<vmem>>[vector<16xi32>], vector<16xf32>,
      %add3A_1264 = arith.constant 128 : i32
      %add3A_1265 = vector.broadcast %add3A_1264 : i32 to vector<16xi32>
      %add3A_1266 = arith.addi %add3A_1262, %add3A_1265 : vector<16xi32>
      %gather3A_1267 = tpu.vector_load_idx %arg9[%add3A_1266] : memref<24576xf32, #tpu.memory_space<vmem>>[vector<16xi32>], vector<16xf32>,
      %mul3A_1268 = arith.mulf %sub3A_51, %gather3A_1263 : vector<16xf32>
      %mul3A_1269 = arith.mulf %gather3A_48, %gather3A_1267 : vector<16xf32>
      %add3A_1270 = arith.addf %mul3A_1268, %mul3A_1269 : vector<16xf32>
      %swap3A_1271 = arith.constant 1488 : index
      %swap3A_1272 = tpu.vector_load %arg10[%swap3A_1271] {strides = array<i32>} : memref<1536xf32, #tpu.memory_space<vmem>>, vector<16xf32>,
      tpu.vector_store %arg10[%swap3A_1271], %add3A_1270 {strides = array<i32>} : memref<1536xf32, #tpu.memory_space<vmem>>, vector<16xf32>,
      %add3A_1273 = arith.constant 22624 : i32
      %add3A_1274 = vector.broadcast %add3A_1273 : i32 to vector<16xi32>
      %add3A_1275 = arith.addi %add3A_47, %add3A_1274 : vector<16xi32>
      %gather3A_1276 = tpu.vector_load_idx %arg9[%add3A_1275] : memref<24576xf32, #tpu.memory_space<vmem>>[vector<16xi32>], vector<16xf32>,
      %add3A_1277 = arith.constant 128 : i32
      %add3A_1278 = vector.broadcast %add3A_1277 : i32 to vector<16xi32>
      %add3A_1279 = arith.addi %add3A_1275, %add3A_1278 : vector<16xi32>
      %gather3A_1280 = tpu.vector_load_idx %arg9[%add3A_1279] : memref<24576xf32, #tpu.memory_space<vmem>>[vector<16xi32>], vector<16xf32>,
      %mul3A_1281 = arith.mulf %sub3A_51, %gather3A_1276 : vector<16xf32>
      %mul3A_1282 = arith.mulf %gather3A_48, %gather3A_1280 : vector<16xf32>
      %add3A_1283 = arith.addf %mul3A_1281, %mul3A_1282 : vector<16xf32>
      %swap3A_1284 = arith.constant 1504 : index
      %swap3A_1285 = tpu.vector_load %arg10[%swap3A_1284] {strides = array<i32>} : memref<1536xf32, #tpu.memory_space<vmem>>, vector<16xf32>,
      tpu.vector_store %arg10[%swap3A_1284], %add3A_1283 {strides = array<i32>} : memref<1536xf32, #tpu.memory_space<vmem>>, vector<16xf32>,
      %add3A_1286 = arith.constant 22640 : i32
      %add3A_1287 = vector.broadcast %add3A_1286 : i32 to vector<16xi32>
      %add3A_1288 = arith.addi %add3A_47, %add3A_1287 : vector<16xi32>
      %gather3A_1289 = tpu.vector_load_idx %arg9[%add3A_1288] : memref<24576xf32, #tpu.memory_space<vmem>>[vector<16xi32>], vector<16xf32>,
      %add3A_1290 = arith.constant 128 : i32
      %add3A_1291 = vector.broadcast %add3A_1290 : i32 to vector<16xi32>
      %add3A_1292 = arith.addi %add3A_1288, %add3A_1291 : vector<16xi32>
      %gather3A_1293 = tpu.vector_load_idx %arg9[%add3A_1292] : memref<24576xf32, #tpu.memory_space<vmem>>[vector<16xi32>], vector<16xf32>,
      %mul3A_1294 = arith.mulf %sub3A_51, %gather3A_1289 : vector<16xf32>
      %mul3A_1295 = arith.mulf %gather3A_48, %gather3A_1293 : vector<16xf32>
      %add3A_1296 = arith.addf %mul3A_1294, %mul3A_1295 : vector<16xf32>
      %swap3A_1297 = arith.constant 1520 : index
      %swap3A_1298 = tpu.vector_load %arg10[%swap3A_1297] {strides = array<i32>} : memref<1536xf32, #tpu.memory_space<vmem>>, vector<16xf32>,
      tpu.vector_store %arg10[%swap3A_1297], %add3A_1296 {strides = array<i32>} : memref<1536xf32, #tpu.memory_space<vmem>>, vector<16xf32>,
      %scan3A_1299 = arith.constant 0 : i32
      %scan3A_1300 = arith.constant 0 : i32
      %scan3A_1301 = arith.constant 32 : i32
      %scan3A_1302 = arith.addi %scan3A_1300, %scan3A_1301 : i32
      %scan3A_1303 = arith.constant 1 : i32
      scf.for %scan3A_1699 = %scan3A_1300 to %scan3A_1302 step %scan3A_1303  : i32 {
        %mul3A_1700 = arith.constant 16 : i32
        %mul3A_1701 = arith.muli %scan3A_1699, %mul3A_1700 : i32
        %multiple_of3A_1702 = tpu.assume_multiple %mul3A_1701, 16 : i32
        %get3A = arith.index_cast %multiple_of3A_1702 : i32 to index
        %get3A_1703 = tpu.vector_load %arg11[%get3A] {strides = array<i32>} : memref<512xf32, #tpu.memory_space<vmem>>, vector<16xf32>,
        %multiple_of3A_1704 = tpu.assume_multiple %mul3A_1701, 16 : i32
        %get3A_1705 = arith.index_cast %multiple_of3A_1704 : i32 to index
        %get3A_1706 = tpu.vector_load %arg15[%get3A_1705] {strides = array<i32>} : memref<512xi32, #tpu.memory_space<vmem>>, vector<16xi32>,
        %multiple_of3A_1707 = tpu.assume_multiple %mul3A_1701, 16 : i32
        %get3A_1708 = arith.index_cast %multiple_of3A_1707 : i32 to index
        %get3A_1709 = tpu.vector_load %arg16[%get3A_1708] {strides = array<i32>} : memref<512xf32, #tpu.memory_space<vmem>>, vector<16xf32>,
        %add3A_1710 = arith.constant 1.000000e+00 : f32
        %add3A_1711 = vector.broadcast %add3A_1710 : f32 to vector<16xf32>
        %add3A_1712 = arith.addf %get3A_1703, %add3A_1711 : vector<16xf32>
        %mul3A_1713 = arith.constant 3.500000e+00 : f32
        %mul3A_1714 = vector.broadcast %mul3A_1713 : f32 to vector<16xf32>
        %mul3A_1715 = arith.mulf %add3A_1712, %mul3A_1714 : vector<16xf32>
        %jit3A_1716 = arith.constant 0.000000e+00 : f32
        %jit3A_1717 = arith.constant 7.000000e+00 : f32
        %max3A = vector.broadcast %jit3A_1716 : f32 to vector<16xf32>
        %max3A_1718 = arith.maximumf %max3A, %mul3A_1715 : vector<16xf32>
        %min3A = vector.broadcast %jit3A_1717 : f32 to vector<16xf32>
        %min3A_1719 = arith.minimumf %min3A, %max3A_1718 : vector<16xf32>
        %convert_element_type3A = arith.fptosi %min3A_1719 : vector<16xf32> to vector<16xi32>
        %min3A_1720 = arith.constant 6 : i32
        %min3A_1721 = vector.broadcast %min3A_1720 : i32 to vector<16xi32>
        %min3A_1722 = arith.minsi %convert_element_type3A, %min3A_1721 : vector<16xi32>
        %convert_element_type3A_1723 = arith.sitofp %min3A_1722 : vector<16xi32> to vector<16xf32>
        %sub3A_1724 = arith.subf %min3A_1719, %convert_element_type3A_1723 : vector<16xf32>
        %sub3A_1725 = arith.constant 1.000000e+00 : f32
        %sub3A_1726 = vector.broadcast %sub3A_1725 : f32 to vector<16xf32>
        %sub3A_1727 = arith.subf %sub3A_1726, %get3A_1709 : vector<16xf32>
        %sub3A_1728 = arith.constant 1.000000e+00 : f32
        %sub3A_1729 = vector.broadcast %sub3A_1728 : f32 to vector<16xf32>
        %sub3A_1730 = arith.subf %sub3A_1729, %sub3A_1724 : vector<16xf32>
        %mul3A_1731 = arith.mulf %sub3A_1727, %sub3A_1730 : vector<16xf32>
        %mul3A_1732 = arith.mulf %sub3A_1727, %sub3A_1724 : vector<16xf32>
        %mul3A_1733 = arith.mulf %get3A_1709, %sub3A_1730 : vector<16xf32>
        %mul3A_1734 = arith.mulf %get3A_1709, %sub3A_1724 : vector<16xf32>
        %add3A_1735 = arith.addi %get3A_1706, %min3A_1722 : vector<16xi32>
        %add3A_1736 = arith.constant 0 : i32
        %add3A_1737 = vector.broadcast %add3A_1736 : i32 to vector<16xi32>
        %add3A_1738 = arith.addi %add3A_1735, %add3A_1737 : vector<16xi32>
        %gather3A_1739 = tpu.vector_load_idx %arg10[%add3A_1738] : memref<1536xf32, #tpu.memory_space<vmem>>[vector<16xi32>], vector<16xf32>,
        %add3A_1740 = arith.constant 1 : i32
        %add3A_1741 = vector.broadcast %add3A_1740 : i32 to vector<16xi32>
        %add3A_1742 = arith.addi %add3A_1738, %add3A_1741 : vector<16xi32>
        %gather3A_1743 = tpu.vector_load_idx %arg10[%add3A_1742] : memref<1536xf32, #tpu.memory_space<vmem>>[vector<16xi32>], vector<16xf32>,
        %add3A_1744 = arith.constant 8 : i32
        %add3A_1745 = vector.broadcast %add3A_1744 : i32 to vector<16xi32>
        %add3A_1746 = arith.addi %add3A_1738, %add3A_1745 : vector<16xi32>
        %gather3A_1747 = tpu.vector_load_idx %arg10[%add3A_1746] : memref<1536xf32, #tpu.memory_space<vmem>>[vector<16xi32>], vector<16xf32>,
        %add3A_1748 = arith.constant 9 : i32
        %add3A_1749 = vector.broadcast %add3A_1748 : i32 to vector<16xi32>
        %add3A_1750 = arith.addi %add3A_1738, %add3A_1749 : vector<16xi32>
        %gather3A_1751 = tpu.vector_load_idx %arg10[%add3A_1750] : memref<1536xf32, #tpu.memory_space<vmem>>[vector<16xi32>], vector<16xf32>,
        %mul3A_1752 = arith.mulf %mul3A_1731, %gather3A_1739 : vector<16xf32>
        %mul3A_1753 = arith.mulf %mul3A_1732, %gather3A_1743 : vector<16xf32>
        %add3A_1754 = arith.addf %mul3A_1752, %mul3A_1753 : vector<16xf32>
        %mul3A_1755 = arith.mulf %mul3A_1733, %gather3A_1747 : vector<16xf32>
        %mul3A_1756 = arith.mulf %mul3A_1734, %gather3A_1751 : vector<16xf32>
        %add3A_1757 = arith.addf %mul3A_1755, %mul3A_1756 : vector<16xf32>
        %add3A_1758 = arith.addf %add3A_1754, %add3A_1757 : vector<16xf32>
        %multiple_of3A_1759 = tpu.assume_multiple %mul3A_1701, 16 : i32
        %swap3A_1760 = arith.constant 0 : i32
        %swap3A_1761 = arith.index_cast %swap3A_1760 : i32 to index
        %swap3A_1762 = arith.index_cast %multiple_of3A_1759 : i32 to index
        %swap3A_1763 = tpu.vector_load %arg12[%swap3A_1761, %swap3A_1762] {strides = array<i32>} : memref<12x512xf32, #tpu.memory_space<vmem>>, vector<16xf32>,
        tpu.vector_store %arg12[%swap3A_1761, %swap3A_1762], %add3A_1758 {strides = array<i32>} : memref<12x512xf32, #tpu.memory_space<vmem>>, vector<16xf32>,
        %add3A_1764 = arith.constant 128 : i32
        %add3A_1765 = vector.broadcast %add3A_1764 : i32 to vector<16xi32>
        %add3A_1766 = arith.addi %add3A_1735, %add3A_1765 : vector<16xi32>
        %gather3A_1767 = tpu.vector_load_idx %arg10[%add3A_1766] : memref<1536xf32, #tpu.memory_space<vmem>>[vector<16xi32>], vector<16xf32>,
        %add3A_1768 = arith.constant 1 : i32
        %add3A_1769 = vector.broadcast %add3A_1768 : i32 to vector<16xi32>
        %add3A_1770 = arith.addi %add3A_1766, %add3A_1769 : vector<16xi32>
        %gather3A_1771 = tpu.vector_load_idx %arg10[%add3A_1770] : memref<1536xf32, #tpu.memory_space<vmem>>[vector<16xi32>], vector<16xf32>,
        %add3A_1772 = arith.constant 8 : i32
        %add3A_1773 = vector.broadcast %add3A_1772 : i32 to vector<16xi32>
        %add3A_1774 = arith.addi %add3A_1766, %add3A_1773 : vector<16xi32>
        %gather3A_1775 = tpu.vector_load_idx %arg10[%add3A_1774] : memref<1536xf32, #tpu.memory_space<vmem>>[vector<16xi32>], vector<16xf32>,
        %add3A_1776 = arith.constant 9 : i32
        %add3A_1777 = vector.broadcast %add3A_1776 : i32 to vector<16xi32>
        %add3A_1778 = arith.addi %add3A_1766, %add3A_1777 : vector<16xi32>
        %gather3A_1779 = tpu.vector_load_idx %arg10[%add3A_1778] : memref<1536xf32, #tpu.memory_space<vmem>>[vector<16xi32>], vector<16xf32>,
        %mul3A_1780 = arith.mulf %mul3A_1731, %gather3A_1767 : vector<16xf32>
        %mul3A_1781 = arith.mulf %mul3A_1732, %gather3A_1771 : vector<16xf32>
        %add3A_1782 = arith.addf %mul3A_1780, %mul3A_1781 : vector<16xf32>
        %mul3A_1783 = arith.mulf %mul3A_1733, %gather3A_1775 : vector<16xf32>
        %mul3A_1784 = arith.mulf %mul3A_1734, %gather3A_1779 : vector<16xf32>
        %add3A_1785 = arith.addf %mul3A_1783, %mul3A_1784 : vector<16xf32>
        %add3A_1786 = arith.addf %add3A_1782, %add3A_1785 : vector<16xf32>
        %multiple_of3A_1787 = tpu.assume_multiple %mul3A_1701, 16 : i32
        %swap3A_1788 = arith.constant 1 : i32
        %swap3A_1789 = arith.index_cast %swap3A_1788 : i32 to index
        %swap3A_1790 = arith.index_cast %multiple_of3A_1787 : i32 to index
        %swap3A_1791 = tpu.vector_load %arg12[%swap3A_1789, %swap3A_1790] {strides = array<i32>} : memref<12x512xf32, #tpu.memory_space<vmem>>, vector<16xf32>,
        tpu.vector_store %arg12[%swap3A_1789, %swap3A_1790], %add3A_1786 {strides = array<i32>} : memref<12x512xf32, #tpu.memory_space<vmem>>, vector<16xf32>,
        %add3A_1792 = arith.constant 256 : i32
        %add3A_1793 = vector.broadcast %add3A_1792 : i32 to vector<16xi32>
        %add3A_1794 = arith.addi %add3A_1735, %add3A_1793 : vector<16xi32>
        %gather3A_1795 = tpu.vector_load_idx %arg10[%add3A_1794] : memref<1536xf32, #tpu.memory_space<vmem>>[vector<16xi32>], vector<16xf32>,
        %add3A_1796 = arith.constant 1 : i32
        %add3A_1797 = vector.broadcast %add3A_1796 : i32 to vector<16xi32>
        %add3A_1798 = arith.addi %add3A_1794, %add3A_1797 : vector<16xi32>
        %gather3A_1799 = tpu.vector_load_idx %arg10[%add3A_1798] : memref<1536xf32, #tpu.memory_space<vmem>>[vector<16xi32>], vector<16xf32>,
        %add3A_1800 = arith.constant 8 : i32
        %add3A_1801 = vector.broadcast %add3A_1800 : i32 to vector<16xi32>
        %add3A_1802 = arith.addi %add3A_1794, %add3A_1801 : vector<16xi32>
        %gather3A_1803 = tpu.vector_load_idx %arg10[%add3A_1802] : memref<1536xf32, #tpu.memory_space<vmem>>[vector<16xi32>], vector<16xf32>,
        %add3A_1804 = arith.constant 9 : i32
        %add3A_1805 = vector.broadcast %add3A_1804 : i32 to vector<16xi32>
        %add3A_1806 = arith.addi %add3A_1794, %add3A_1805 : vector<16xi32>
        %gather3A_1807 = tpu.vector_load_idx %arg10[%add3A_1806] : memref<1536xf32, #tpu.memory_space<vmem>>[vector<16xi32>], vector<16xf32>,
        %mul3A_1808 = arith.mulf %mul3A_1731, %gather3A_1795 : vector<16xf32>
        %mul3A_1809 = arith.mulf %mul3A_1732, %gather3A_1799 : vector<16xf32>
        %add3A_1810 = arith.addf %mul3A_1808, %mul3A_1809 : vector<16xf32>
        %mul3A_1811 = arith.mulf %mul3A_1733, %gather3A_1803 : vector<16xf32>
        %mul3A_1812 = arith.mulf %mul3A_1734, %gather3A_1807 : vector<16xf32>
        %add3A_1813 = arith.addf %mul3A_1811, %mul3A_1812 : vector<16xf32>
        %add3A_1814 = arith.addf %add3A_1810, %add3A_1813 : vector<16xf32>
        %multiple_of3A_1815 = tpu.assume_multiple %mul3A_1701, 16 : i32
        %swap3A_1816 = arith.constant 2 : i32
        %swap3A_1817 = arith.index_cast %swap3A_1816 : i32 to index
        %swap3A_1818 = arith.index_cast %multiple_of3A_1815 : i32 to index
        %swap3A_1819 = tpu.vector_load %arg12[%swap3A_1817, %swap3A_1818] {strides = array<i32>} : memref<12x512xf32, #tpu.memory_space<vmem>>, vector<16xf32>,
        tpu.vector_store %arg12[%swap3A_1817, %swap3A_1818], %add3A_1814 {strides = array<i32>} : memref<12x512xf32, #tpu.memory_space<vmem>>, vector<16xf32>,
        %add3A_1820 = arith.constant 384 : i32
        %add3A_1821 = vector.broadcast %add3A_1820 : i32 to vector<16xi32>
        %add3A_1822 = arith.addi %add3A_1735, %add3A_1821 : vector<16xi32>
        %gather3A_1823 = tpu.vector_load_idx %arg10[%add3A_1822] : memref<1536xf32, #tpu.memory_space<vmem>>[vector<16xi32>], vector<16xf32>,
        %add3A_1824 = arith.constant 1 : i32
        %add3A_1825 = vector.broadcast %add3A_1824 : i32 to vector<16xi32>
        %add3A_1826 = arith.addi %add3A_1822, %add3A_1825 : vector<16xi32>
        %gather3A_1827 = tpu.vector_load_idx %arg10[%add3A_1826] : memref<1536xf32, #tpu.memory_space<vmem>>[vector<16xi32>], vector<16xf32>,
        %add3A_1828 = arith.constant 8 : i32
        %add3A_1829 = vector.broadcast %add3A_1828 : i32 to vector<16xi32>
        %add3A_1830 = arith.addi %add3A_1822, %add3A_1829 : vector<16xi32>
        %gather3A_1831 = tpu.vector_load_idx %arg10[%add3A_1830] : memref<1536xf32, #tpu.memory_space<vmem>>[vector<16xi32>], vector<16xf32>,
        %add3A_1832 = arith.constant 9 : i32
        %add3A_1833 = vector.broadcast %add3A_1832 : i32 to vector<16xi32>
        %add3A_1834 = arith.addi %add3A_1822, %add3A_1833 : vector<16xi32>
        %gather3A_1835 = tpu.vector_load_idx %arg10[%add3A_1834] : memref<1536xf32, #tpu.memory_space<vmem>>[vector<16xi32>], vector<16xf32>,
        %mul3A_1836 = arith.mulf %mul3A_1731, %gather3A_1823 : vector<16xf32>
        %mul3A_1837 = arith.mulf %mul3A_1732, %gather3A_1827 : vector<16xf32>
        %add3A_1838 = arith.addf %mul3A_1836, %mul3A_1837 : vector<16xf32>
        %mul3A_1839 = arith.mulf %mul3A_1733, %gather3A_1831 : vector<16xf32>
        %mul3A_1840 = arith.mulf %mul3A_1734, %gather3A_1835 : vector<16xf32>
        %add3A_1841 = arith.addf %mul3A_1839, %mul3A_1840 : vector<16xf32>
        %add3A_1842 = arith.addf %add3A_1838, %add3A_1841 : vector<16xf32>
        %multiple_of3A_1843 = tpu.assume_multiple %mul3A_1701, 16 : i32
        %swap3A_1844 = arith.constant 3 : i32
        %swap3A_1845 = arith.index_cast %swap3A_1844 : i32 to index
        %swap3A_1846 = arith.index_cast %multiple_of3A_1843 : i32 to index
        %swap3A_1847 = tpu.vector_load %arg12[%swap3A_1845, %swap3A_1846] {strides = array<i32>} : memref<12x512xf32, #tpu.memory_space<vmem>>, vector<16xf32>,
        tpu.vector_store %arg12[%swap3A_1845, %swap3A_1846], %add3A_1842 {strides = array<i32>} : memref<12x512xf32, #tpu.memory_space<vmem>>, vector<16xf32>,
        %add3A_1848 = arith.constant 512 : i32
        %add3A_1849 = vector.broadcast %add3A_1848 : i32 to vector<16xi32>
        %add3A_1850 = arith.addi %add3A_1735, %add3A_1849 : vector<16xi32>
        %gather3A_1851 = tpu.vector_load_idx %arg10[%add3A_1850] : memref<1536xf32, #tpu.memory_space<vmem>>[vector<16xi32>], vector<16xf32>,
        %add3A_1852 = arith.constant 1 : i32
        %add3A_1853 = vector.broadcast %add3A_1852 : i32 to vector<16xi32>
        %add3A_1854 = arith.addi %add3A_1850, %add3A_1853 : vector<16xi32>
        %gather3A_1855 = tpu.vector_load_idx %arg10[%add3A_1854] : memref<1536xf32, #tpu.memory_space<vmem>>[vector<16xi32>], vector<16xf32>,
        %add3A_1856 = arith.constant 8 : i32
        %add3A_1857 = vector.broadcast %add3A_1856 : i32 to vector<16xi32>
        %add3A_1858 = arith.addi %add3A_1850, %add3A_1857 : vector<16xi32>
        %gather3A_1859 = tpu.vector_load_idx %arg10[%add3A_1858] : memref<1536xf32, #tpu.memory_space<vmem>>[vector<16xi32>], vector<16xf32>,
        %add3A_1860 = arith.constant 9 : i32
        %add3A_1861 = vector.broadcast %add3A_1860 : i32 to vector<16xi32>
        %add3A_1862 = arith.addi %add3A_1850, %add3A_1861 : vector<16xi32>
        %gather3A_1863 = tpu.vector_load_idx %arg10[%add3A_1862] : memref<1536xf32, #tpu.memory_space<vmem>>[vector<16xi32>], vector<16xf32>,
        %mul3A_1864 = arith.mulf %mul3A_1731, %gather3A_1851 : vector<16xf32>
        %mul3A_1865 = arith.mulf %mul3A_1732, %gather3A_1855 : vector<16xf32>
        %add3A_1866 = arith.addf %mul3A_1864, %mul3A_1865 : vector<16xf32>
        %mul3A_1867 = arith.mulf %mul3A_1733, %gather3A_1859 : vector<16xf32>
        %mul3A_1868 = arith.mulf %mul3A_1734, %gather3A_1863 : vector<16xf32>
        %add3A_1869 = arith.addf %mul3A_1867, %mul3A_1868 : vector<16xf32>
        %add3A_1870 = arith.addf %add3A_1866, %add3A_1869 : vector<16xf32>
        %multiple_of3A_1871 = tpu.assume_multiple %mul3A_1701, 16 : i32
        %swap3A_1872 = arith.constant 4 : i32
        %swap3A_1873 = arith.index_cast %swap3A_1872 : i32 to index
        %swap3A_1874 = arith.index_cast %multiple_of3A_1871 : i32 to index
        %swap3A_1875 = tpu.vector_load %arg12[%swap3A_1873, %swap3A_1874] {strides = array<i32>} : memref<12x512xf32, #tpu.memory_space<vmem>>, vector<16xf32>,
        tpu.vector_store %arg12[%swap3A_1873, %swap3A_1874], %add3A_1870 {strides = array<i32>} : memref<12x512xf32, #tpu.memory_space<vmem>>, vector<16xf32>,
        %add3A_1876 = arith.constant 640 : i32
        %add3A_1877 = vector.broadcast %add3A_1876 : i32 to vector<16xi32>
        %add3A_1878 = arith.addi %add3A_1735, %add3A_1877 : vector<16xi32>
        %gather3A_1879 = tpu.vector_load_idx %arg10[%add3A_1878] : memref<1536xf32, #tpu.memory_space<vmem>>[vector<16xi32>], vector<16xf32>,
        %add3A_1880 = arith.constant 1 : i32
        %add3A_1881 = vector.broadcast %add3A_1880 : i32 to vector<16xi32>
        %add3A_1882 = arith.addi %add3A_1878, %add3A_1881 : vector<16xi32>
        %gather3A_1883 = tpu.vector_load_idx %arg10[%add3A_1882] : memref<1536xf32, #tpu.memory_space<vmem>>[vector<16xi32>], vector<16xf32>,
        %add3A_1884 = arith.constant 8 : i32
        %add3A_1885 = vector.broadcast %add3A_1884 : i32 to vector<16xi32>
        %add3A_1886 = arith.addi %add3A_1878, %add3A_1885 : vector<16xi32>
        %gather3A_1887 = tpu.vector_load_idx %arg10[%add3A_1886] : memref<1536xf32, #tpu.memory_space<vmem>>[vector<16xi32>], vector<16xf32>,
        %add3A_1888 = arith.constant 9 : i32
        %add3A_1889 = vector.broadcast %add3A_1888 : i32 to vector<16xi32>
        %add3A_1890 = arith.addi %add3A_1878, %add3A_1889 : vector<16xi32>
        %gather3A_1891 = tpu.vector_load_idx %arg10[%add3A_1890] : memref<1536xf32, #tpu.memory_space<vmem>>[vector<16xi32>], vector<16xf32>,
        %mul3A_1892 = arith.mulf %mul3A_1731, %gather3A_1879 : vector<16xf32>
        %mul3A_1893 = arith.mulf %mul3A_1732, %gather3A_1883 : vector<16xf32>
        %add3A_1894 = arith.addf %mul3A_1892, %mul3A_1893 : vector<16xf32>
        %mul3A_1895 = arith.mulf %mul3A_1733, %gather3A_1887 : vector<16xf32>
        %mul3A_1896 = arith.mulf %mul3A_1734, %gather3A_1891 : vector<16xf32>
        %add3A_1897 = arith.addf %mul3A_1895, %mul3A_1896 : vector<16xf32>
        %add3A_1898 = arith.addf %add3A_1894, %add3A_1897 : vector<16xf32>
        %multiple_of3A_1899 = tpu.assume_multiple %mul3A_1701, 16 : i32
        %swap3A_1900 = arith.constant 5 : i32
        %swap3A_1901 = arith.index_cast %swap3A_1900 : i32 to index
        %swap3A_1902 = arith.index_cast %multiple_of3A_1899 : i32 to index
        %swap3A_1903 = tpu.vector_load %arg12[%swap3A_1901, %swap3A_1902] {strides = array<i32>} : memref<12x512xf32, #tpu.memory_space<vmem>>, vector<16xf32>,
        tpu.vector_store %arg12[%swap3A_1901, %swap3A_1902], %add3A_1898 {strides = array<i32>} : memref<12x512xf32, #tpu.memory_space<vmem>>, vector<16xf32>,
        %add3A_1904 = arith.constant 768 : i32
        %add3A_1905 = vector.broadcast %add3A_1904 : i32 to vector<16xi32>
        %add3A_1906 = arith.addi %add3A_1735, %add3A_1905 : vector<16xi32>
        %gather3A_1907 = tpu.vector_load_idx %arg10[%add3A_1906] : memref<1536xf32, #tpu.memory_space<vmem>>[vector<16xi32>], vector<16xf32>,
        %add3A_1908 = arith.constant 1 : i32
        %add3A_1909 = vector.broadcast %add3A_1908 : i32 to vector<16xi32>
        %add3A_1910 = arith.addi %add3A_1906, %add3A_1909 : vector<16xi32>
        %gather3A_1911 = tpu.vector_load_idx %arg10[%add3A_1910] : memref<1536xf32, #tpu.memory_space<vmem>>[vector<16xi32>], vector<16xf32>,
        %add3A_1912 = arith.constant 8 : i32
        %add3A_1913 = vector.broadcast %add3A_1912 : i32 to vector<16xi32>
        %add3A_1914 = arith.addi %add3A_1906, %add3A_1913 : vector<16xi32>
        %gather3A_1915 = tpu.vector_load_idx %arg10[%add3A_1914] : memref<1536xf32, #tpu.memory_space<vmem>>[vector<16xi32>], vector<16xf32>,
        %add3A_1916 = arith.constant 9 : i32
        %add3A_1917 = vector.broadcast %add3A_1916 : i32 to vector<16xi32>
        %add3A_1918 = arith.addi %add3A_1906, %add3A_1917 : vector<16xi32>
        %gather3A_1919 = tpu.vector_load_idx %arg10[%add3A_1918] : memref<1536xf32, #tpu.memory_space<vmem>>[vector<16xi32>], vector<16xf32>,
        %mul3A_1920 = arith.mulf %mul3A_1731, %gather3A_1907 : vector<16xf32>
        %mul3A_1921 = arith.mulf %mul3A_1732, %gather3A_1911 : vector<16xf32>
        %add3A_1922 = arith.addf %mul3A_1920, %mul3A_1921 : vector<16xf32>
        %mul3A_1923 = arith.mulf %mul3A_1733, %gather3A_1915 : vector<16xf32>
        %mul3A_1924 = arith.mulf %mul3A_1734, %gather3A_1919 : vector<16xf32>
        %add3A_1925 = arith.addf %mul3A_1923, %mul3A_1924 : vector<16xf32>
        %add3A_1926 = arith.addf %add3A_1922, %add3A_1925 : vector<16xf32>
        %multiple_of3A_1927 = tpu.assume_multiple %mul3A_1701, 16 : i32
        %swap3A_1928 = arith.constant 6 : i32
        %swap3A_1929 = arith.index_cast %swap3A_1928 : i32 to index
        %swap3A_1930 = arith.index_cast %multiple_of3A_1927 : i32 to index
        %swap3A_1931 = tpu.vector_load %arg12[%swap3A_1929, %swap3A_1930] {strides = array<i32>} : memref<12x512xf32, #tpu.memory_space<vmem>>, vector<16xf32>,
        tpu.vector_store %arg12[%swap3A_1929, %swap3A_1930], %add3A_1926 {strides = array<i32>} : memref<12x512xf32, #tpu.memory_space<vmem>>, vector<16xf32>,
        %add3A_1932 = arith.constant 896 : i32
        %add3A_1933 = vector.broadcast %add3A_1932 : i32 to vector<16xi32>
        %add3A_1934 = arith.addi %add3A_1735, %add3A_1933 : vector<16xi32>
        %gather3A_1935 = tpu.vector_load_idx %arg10[%add3A_1934] : memref<1536xf32, #tpu.memory_space<vmem>>[vector<16xi32>], vector<16xf32>,
        %add3A_1936 = arith.constant 1 : i32
        %add3A_1937 = vector.broadcast %add3A_1936 : i32 to vector<16xi32>
        %add3A_1938 = arith.addi %add3A_1934, %add3A_1937 : vector<16xi32>
        %gather3A_1939 = tpu.vector_load_idx %arg10[%add3A_1938] : memref<1536xf32, #tpu.memory_space<vmem>>[vector<16xi32>], vector<16xf32>,
        %add3A_1940 = arith.constant 8 : i32
        %add3A_1941 = vector.broadcast %add3A_1940 : i32 to vector<16xi32>
        %add3A_1942 = arith.addi %add3A_1934, %add3A_1941 : vector<16xi32>
        %gather3A_1943 = tpu.vector_load_idx %arg10[%add3A_1942] : memref<1536xf32, #tpu.memory_space<vmem>>[vector<16xi32>], vector<16xf32>,
        %add3A_1944 = arith.constant 9 : i32
        %add3A_1945 = vector.broadcast %add3A_1944 : i32 to vector<16xi32>
        %add3A_1946 = arith.addi %add3A_1934, %add3A_1945 : vector<16xi32>
        %gather3A_1947 = tpu.vector_load_idx %arg10[%add3A_1946] : memref<1536xf32, #tpu.memory_space<vmem>>[vector<16xi32>], vector<16xf32>,
        %mul3A_1948 = arith.mulf %mul3A_1731, %gather3A_1935 : vector<16xf32>
        %mul3A_1949 = arith.mulf %mul3A_1732, %gather3A_1939 : vector<16xf32>
        %add3A_1950 = arith.addf %mul3A_1948, %mul3A_1949 : vector<16xf32>
        %mul3A_1951 = arith.mulf %mul3A_1733, %gather3A_1943 : vector<16xf32>
        %mul3A_1952 = arith.mulf %mul3A_1734, %gather3A_1947 : vector<16xf32>
        %add3A_1953 = arith.addf %mul3A_1951, %mul3A_1952 : vector<16xf32>
        %add3A_1954 = arith.addf %add3A_1950, %add3A_1953 : vector<16xf32>
        %multiple_of3A_1955 = tpu.assume_multiple %mul3A_1701, 16 : i32
        %swap3A_1956 = arith.constant 7 : i32
        %swap3A_1957 = arith.index_cast %swap3A_1956 : i32 to index
        %swap3A_1958 = arith.index_cast %multiple_of3A_1955 : i32 to index
        %swap3A_1959 = tpu.vector_load %arg12[%swap3A_1957, %swap3A_1958] {strides = array<i32>} : memref<12x512xf32, #tpu.memory_space<vmem>>, vector<16xf32>,
        tpu.vector_store %arg12[%swap3A_1957, %swap3A_1958], %add3A_1954 {strides = array<i32>} : memref<12x512xf32, #tpu.memory_space<vmem>>, vector<16xf32>,
        %add3A_1960 = arith.constant 1024 : i32
        %add3A_1961 = vector.broadcast %add3A_1960 : i32 to vector<16xi32>
        %add3A_1962 = arith.addi %add3A_1735, %add3A_1961 : vector<16xi32>
        %gather3A_1963 = tpu.vector_load_idx %arg10[%add3A_1962] : memref<1536xf32, #tpu.memory_space<vmem>>[vector<16xi32>], vector<16xf32>,
        %add3A_1964 = arith.constant 1 : i32
        %add3A_1965 = vector.broadcast %add3A_1964 : i32 to vector<16xi32>
        %add3A_1966 = arith.addi %add3A_1962, %add3A_1965 : vector<16xi32>
        %gather3A_1967 = tpu.vector_load_idx %arg10[%add3A_1966] : memref<1536xf32, #tpu.memory_space<vmem>>[vector<16xi32>], vector<16xf32>,
        %add3A_1968 = arith.constant 8 : i32
        %add3A_1969 = vector.broadcast %add3A_1968 : i32 to vector<16xi32>
        %add3A_1970 = arith.addi %add3A_1962, %add3A_1969 : vector<16xi32>
        %gather3A_1971 = tpu.vector_load_idx %arg10[%add3A_1970] : memref<1536xf32, #tpu.memory_space<vmem>>[vector<16xi32>], vector<16xf32>,
        %add3A_1972 = arith.constant 9 : i32
        %add3A_1973 = vector.broadcast %add3A_1972 : i32 to vector<16xi32>
        %add3A_1974 = arith.addi %add3A_1962, %add3A_1973 : vector<16xi32>
        %gather3A_1975 = tpu.vector_load_idx %arg10[%add3A_1974] : memref<1536xf32, #tpu.memory_space<vmem>>[vector<16xi32>], vector<16xf32>,
        %mul3A_1976 = arith.mulf %mul3A_1731, %gather3A_1963 : vector<16xf32>
        %mul3A_1977 = arith.mulf %mul3A_1732, %gather3A_1967 : vector<16xf32>
        %add3A_1978 = arith.addf %mul3A_1976, %mul3A_1977 : vector<16xf32>
        %mul3A_1979 = arith.mulf %mul3A_1733, %gather3A_1971 : vector<16xf32>
        %mul3A_1980 = arith.mulf %mul3A_1734, %gather3A_1975 : vector<16xf32>
        %add3A_1981 = arith.addf %mul3A_1979, %mul3A_1980 : vector<16xf32>
        %add3A_1982 = arith.addf %add3A_1978, %add3A_1981 : vector<16xf32>
        %multiple_of3A_1983 = tpu.assume_multiple %mul3A_1701, 16 : i32
        %swap3A_1984 = arith.constant 8 : i32
        %swap3A_1985 = arith.index_cast %swap3A_1984 : i32 to index
        %swap3A_1986 = arith.index_cast %multiple_of3A_1983 : i32 to index
        %swap3A_1987 = tpu.vector_load %arg12[%swap3A_1985, %swap3A_1986] {strides = array<i32>} : memref<12x512xf32, #tpu.memory_space<vmem>>, vector<16xf32>,
        tpu.vector_store %arg12[%swap3A_1985, %swap3A_1986], %add3A_1982 {strides = array<i32>} : memref<12x512xf32, #tpu.memory_space<vmem>>, vector<16xf32>,
        %add3A_1988 = arith.constant 1152 : i32
        %add3A_1989 = vector.broadcast %add3A_1988 : i32 to vector<16xi32>
        %add3A_1990 = arith.addi %add3A_1735, %add3A_1989 : vector<16xi32>
        %gather3A_1991 = tpu.vector_load_idx %arg10[%add3A_1990] : memref<1536xf32, #tpu.memory_space<vmem>>[vector<16xi32>], vector<16xf32>,
        %add3A_1992 = arith.constant 1 : i32
        %add3A_1993 = vector.broadcast %add3A_1992 : i32 to vector<16xi32>
        %add3A_1994 = arith.addi %add3A_1990, %add3A_1993 : vector<16xi32>
        %gather3A_1995 = tpu.vector_load_idx %arg10[%add3A_1994] : memref<1536xf32, #tpu.memory_space<vmem>>[vector<16xi32>], vector<16xf32>,
        %add3A_1996 = arith.constant 8 : i32
        %add3A_1997 = vector.broadcast %add3A_1996 : i32 to vector<16xi32>
        %add3A_1998 = arith.addi %add3A_1990, %add3A_1997 : vector<16xi32>
        %gather3A_1999 = tpu.vector_load_idx %arg10[%add3A_1998] : memref<1536xf32, #tpu.memory_space<vmem>>[vector<16xi32>], vector<16xf32>,
        %add3A_2000 = arith.constant 9 : i32
        %add3A_2001 = vector.broadcast %add3A_2000 : i32 to vector<16xi32>
        %add3A_2002 = arith.addi %add3A_1990, %add3A_2001 : vector<16xi32>
        %gather3A_2003 = tpu.vector_load_idx %arg10[%add3A_2002] : memref<1536xf32, #tpu.memory_space<vmem>>[vector<16xi32>], vector<16xf32>,
        %mul3A_2004 = arith.mulf %mul3A_1731, %gather3A_1991 : vector<16xf32>
        %mul3A_2005 = arith.mulf %mul3A_1732, %gather3A_1995 : vector<16xf32>
        %add3A_2006 = arith.addf %mul3A_2004, %mul3A_2005 : vector<16xf32>
        %mul3A_2007 = arith.mulf %mul3A_1733, %gather3A_1999 : vector<16xf32>
        %mul3A_2008 = arith.mulf %mul3A_1734, %gather3A_2003 : vector<16xf32>
        %add3A_2009 = arith.addf %mul3A_2007, %mul3A_2008 : vector<16xf32>
        %add3A_2010 = arith.addf %add3A_2006, %add3A_2009 : vector<16xf32>
        %multiple_of3A_2011 = tpu.assume_multiple %mul3A_1701, 16 : i32
        %swap3A_2012 = arith.constant 9 : i32
        %swap3A_2013 = arith.index_cast %swap3A_2012 : i32 to index
        %swap3A_2014 = arith.index_cast %multiple_of3A_2011 : i32 to index
        %swap3A_2015 = tpu.vector_load %arg12[%swap3A_2013, %swap3A_2014] {strides = array<i32>} : memref<12x512xf32, #tpu.memory_space<vmem>>, vector<16xf32>,
        tpu.vector_store %arg12[%swap3A_2013, %swap3A_2014], %add3A_2010 {strides = array<i32>} : memref<12x512xf32, #tpu.memory_space<vmem>>, vector<16xf32>,
        %add3A_2016 = arith.constant 1280 : i32
        %add3A_2017 = vector.broadcast %add3A_2016 : i32 to vector<16xi32>
        %add3A_2018 = arith.addi %add3A_1735, %add3A_2017 : vector<16xi32>
        %gather3A_2019 = tpu.vector_load_idx %arg10[%add3A_2018] : memref<1536xf32, #tpu.memory_space<vmem>>[vector<16xi32>], vector<16xf32>,
        %add3A_2020 = arith.constant 1 : i32
        %add3A_2021 = vector.broadcast %add3A_2020 : i32 to vector<16xi32>
        %add3A_2022 = arith.addi %add3A_2018, %add3A_2021 : vector<16xi32>
        %gather3A_2023 = tpu.vector_load_idx %arg10[%add3A_2022] : memref<1536xf32, #tpu.memory_space<vmem>>[vector<16xi32>], vector<16xf32>,
        %add3A_2024 = arith.constant 8 : i32
        %add3A_2025 = vector.broadcast %add3A_2024 : i32 to vector<16xi32>
        %add3A_2026 = arith.addi %add3A_2018, %add3A_2025 : vector<16xi32>
        %gather3A_2027 = tpu.vector_load_idx %arg10[%add3A_2026] : memref<1536xf32, #tpu.memory_space<vmem>>[vector<16xi32>], vector<16xf32>,
        %add3A_2028 = arith.constant 9 : i32
        %add3A_2029 = vector.broadcast %add3A_2028 : i32 to vector<16xi32>
        %add3A_2030 = arith.addi %add3A_2018, %add3A_2029 : vector<16xi32>
        %gather3A_2031 = tpu.vector_load_idx %arg10[%add3A_2030] : memref<1536xf32, #tpu.memory_space<vmem>>[vector<16xi32>], vector<16xf32>,
        %mul3A_2032 = arith.mulf %mul3A_1731, %gather3A_2019 : vector<16xf32>
        %mul3A_2033 = arith.mulf %mul3A_1732, %gather3A_2023 : vector<16xf32>
        %add3A_2034 = arith.addf %mul3A_2032, %mul3A_2033 : vector<16xf32>
        %mul3A_2035 = arith.mulf %mul3A_1733, %gather3A_2027 : vector<16xf32>
        %mul3A_2036 = arith.mulf %mul3A_1734, %gather3A_2031 : vector<16xf32>
        %add3A_2037 = arith.addf %mul3A_2035, %mul3A_2036 : vector<16xf32>
        %add3A_2038 = arith.addf %add3A_2034, %add3A_2037 : vector<16xf32>
        %multiple_of3A_2039 = tpu.assume_multiple %mul3A_1701, 16 : i32
        %swap3A_2040 = arith.constant 10 : i32
        %swap3A_2041 = arith.index_cast %swap3A_2040 : i32 to index
        %swap3A_2042 = arith.index_cast %multiple_of3A_2039 : i32 to index
        %swap3A_2043 = tpu.vector_load %arg12[%swap3A_2041, %swap3A_2042] {strides = array<i32>} : memref<12x512xf32, #tpu.memory_space<vmem>>, vector<16xf32>,
        tpu.vector_store %arg12[%swap3A_2041, %swap3A_2042], %add3A_2038 {strides = array<i32>} : memref<12x512xf32, #tpu.memory_space<vmem>>, vector<16xf32>,
        %add3A_2044 = arith.constant 1408 : i32
        %add3A_2045 = vector.broadcast %add3A_2044 : i32 to vector<16xi32>
        %add3A_2046 = arith.addi %add3A_1735, %add3A_2045 : vector<16xi32>
        %gather3A_2047 = tpu.vector_load_idx %arg10[%add3A_2046] : memref<1536xf32, #tpu.memory_space<vmem>>[vector<16xi32>], vector<16xf32>,
        %add3A_2048 = arith.constant 1 : i32
        %add3A_2049 = vector.broadcast %add3A_2048 : i32 to vector<16xi32>
        %add3A_2050 = arith.addi %add3A_2046, %add3A_2049 : vector<16xi32>
        %gather3A_2051 = tpu.vector_load_idx %arg10[%add3A_2050] : memref<1536xf32, #tpu.memory_space<vmem>>[vector<16xi32>], vector<16xf32>,
        %add3A_2052 = arith.constant 8 : i32
        %add3A_2053 = vector.broadcast %add3A_2052 : i32 to vector<16xi32>
        %add3A_2054 = arith.addi %add3A_2046, %add3A_2053 : vector<16xi32>
        %gather3A_2055 = tpu.vector_load_idx %arg10[%add3A_2054] : memref<1536xf32, #tpu.memory_space<vmem>>[vector<16xi32>], vector<16xf32>,
        %add3A_2056 = arith.constant 9 : i32
        %add3A_2057 = vector.broadcast %add3A_2056 : i32 to vector<16xi32>
        %add3A_2058 = arith.addi %add3A_2046, %add3A_2057 : vector<16xi32>
        %gather3A_2059 = tpu.vector_load_idx %arg10[%add3A_2058] : memref<1536xf32, #tpu.memory_space<vmem>>[vector<16xi32>], vector<16xf32>,
        %mul3A_2060 = arith.mulf %mul3A_1731, %gather3A_2047 : vector<16xf32>
        %mul3A_2061 = arith.mulf %mul3A_1732, %gather3A_2051 : vector<16xf32>
        %add3A_2062 = arith.addf %mul3A_2060, %mul3A_2061 : vector<16xf32>
        %mul3A_2063 = arith.mulf %mul3A_1733, %gather3A_2055 : vector<16xf32>
        %mul3A_2064 = arith.mulf %mul3A_1734, %gather3A_2059 : vector<16xf32>
        %add3A_2065 = arith.addf %mul3A_2063, %mul3A_2064 : vector<16xf32>
        %add3A_2066 = arith.addf %add3A_2062, %add3A_2065 : vector<16xf32>
        %multiple_of3A_2067 = tpu.assume_multiple %mul3A_1701, 16 : i32
        %swap3A_2068 = arith.constant 11 : i32
        %swap3A_2069 = arith.index_cast %swap3A_2068 : i32 to index
        %swap3A_2070 = arith.index_cast %multiple_of3A_2067 : i32 to index
        %swap3A_2071 = tpu.vector_load %arg12[%swap3A_2069, %swap3A_2070] {strides = array<i32>} : memref<12x512xf32, #tpu.memory_space<vmem>>, vector<16xf32>,
        tpu.vector_store %arg12[%swap3A_2069, %swap3A_2070], %add3A_2066 {strides = array<i32>} : memref<12x512xf32, #tpu.memory_space<vmem>>, vector<16xf32>,
      }
      %scan3A_1304 = arith.constant 32 : i32
      %mul3A_1305 = arith.constant 12 : i32
      %mul3A_1306 = arith.muli %select_n3A, %mul3A_1305 : i32
      %add3A_1307 = arith.constant 0 : i32
      %add3A_1308 = arith.addi %mul3A_1306, %add3A_1307 : i32
      %mul3A_1309 = arith.constant 512 : i32
      %mul3A_1310 = arith.muli %add3A_1308, %mul3A_1309 : i32
      %add3A_1311 = arith.addi %mul3A_1310, %add3A_41 : i32
      %dma_start3A = arith.constant 0 : i32
      %dma_start3A_1312 = arith.constant 0 : i32
      %dma_start3A_1313 = tpu.memref_slice %arg12[%dma_start3A, %dma_start3A_1312] : memref<12x512xf32, #tpu.memory_space<vmem>> -> memref<1x512xf32, #tpu.memory_space<vmem>>
      %dma_start3A_1314 = tpu.memref_squeeze %dma_start3A_1313 : memref<1x512xf32, #tpu.memory_space<vmem>> -> memref<512xf32, #tpu.memory_space<vmem>>
      %dma_start3A_1315 = arith.constant 0 : i32
      %dma_start3A_1316 = tpu.memref_slice %arg8[%add3A_1311, %dma_start3A_1315] : memref<6144x512xf32, #tpu.memory_space<hbm>> -> memref<1x512xf32, #tpu.memory_space<hbm>>
      %dma_start3A_1317 = tpu.memref_squeeze %dma_start3A_1316 : memref<1x512xf32, #tpu.memory_space<hbm>> -> memref<512xf32, #tpu.memory_space<hbm>>
      %dma_start3A_1318 = arith.constant 0 : i32
      %dma_start3A_1319 = tpu.memref_slice %arg8[%add3A_1311, %dma_start3A_1318] : memref<6144x512xf32, #tpu.memory_space<hbm>> -> memref<1x512xf32, #tpu.memory_space<hbm>>
      %dma_start3A_1320 = tpu.memref_squeeze %dma_start3A_1319 : memref<1x512xf32, #tpu.memory_space<hbm>> -> memref<512xf32, #tpu.memory_space<hbm>>
      %dma_start3A_1321 = arith.constant 0 : i32
      %dma_start3A_1322 = tpu.memref_slice %arg12[%dma_start3A, %dma_start3A_1321] : memref<12x512xf32, #tpu.memory_space<vmem>> -> memref<1x512xf32, #tpu.memory_space<vmem>>
      %dma_start3A_1323 = tpu.memref_squeeze %dma_start3A_1322 : memref<1x512xf32, #tpu.memory_space<vmem>> -> memref<512xf32, #tpu.memory_space<vmem>>
      tpu.enqueue_dma source(%dma_start3A_1323 : memref<512xf32, #tpu.memory_space<vmem>>) target(%dma_start3A_1320 : memref<512xf32, #tpu.memory_space<hbm>>) target_semaphore(%arg17 : memref<!tpu.dma_semaphore, #tpu.memory_space<semaphore_mem>>)
      %mul3A_1324 = arith.constant 12 : i32
      %mul3A_1325 = arith.muli %select_n3A, %mul3A_1324 : i32
      %add3A_1326 = arith.constant 1 : i32
      %add3A_1327 = arith.addi %mul3A_1325, %add3A_1326 : i32
      %mul3A_1328 = arith.constant 512 : i32
      %mul3A_1329 = arith.muli %add3A_1327, %mul3A_1328 : i32
      %add3A_1330 = arith.addi %mul3A_1329, %add3A_41 : i32
      %dma_start3A_1331 = arith.constant 1 : i32
      %dma_start3A_1332 = arith.constant 0 : i32
      %dma_start3A_1333 = tpu.memref_slice %arg12[%dma_start3A_1331, %dma_start3A_1332] : memref<12x512xf32, #tpu.memory_space<vmem>> -> memref<1x512xf32, #tpu.memory_space<vmem>>
      %dma_start3A_1334 = tpu.memref_squeeze %dma_start3A_1333 : memref<1x512xf32, #tpu.memory_space<vmem>> -> memref<512xf32, #tpu.memory_space<vmem>>
      %dma_start3A_1335 = arith.constant 0 : i32
      %dma_start3A_1336 = tpu.memref_slice %arg8[%add3A_1330, %dma_start3A_1335] : memref<6144x512xf32, #tpu.memory_space<hbm>> -> memref<1x512xf32, #tpu.memory_space<hbm>>
      %dma_start3A_1337 = tpu.memref_squeeze %dma_start3A_1336 : memref<1x512xf32, #tpu.memory_space<hbm>> -> memref<512xf32, #tpu.memory_space<hbm>>
      %dma_start3A_1338 = arith.constant 0 : i32
      %dma_start3A_1339 = tpu.memref_slice %arg8[%add3A_1330, %dma_start3A_1338] : memref<6144x512xf32, #tpu.memory_space<hbm>> -> memref<1x512xf32, #tpu.memory_space<hbm>>
      %dma_start3A_1340 = tpu.memref_squeeze %dma_start3A_1339 : memref<1x512xf32, #tpu.memory_space<hbm>> -> memref<512xf32, #tpu.memory_space<hbm>>
      %dma_start3A_1341 = arith.constant 0 : i32
      %dma_start3A_1342 = tpu.memref_slice %arg12[%dma_start3A_1331, %dma_start3A_1341] : memref<12x512xf32, #tpu.memory_space<vmem>> -> memref<1x512xf32, #tpu.memory_space<vmem>>
      %dma_start3A_1343 = tpu.memref_squeeze %dma_start3A_1342 : memref<1x512xf32, #tpu.memory_space<vmem>> -> memref<512xf32, #tpu.memory_space<vmem>>
      tpu.enqueue_dma source(%dma_start3A_1343 : memref<512xf32, #tpu.memory_space<vmem>>) target(%dma_start3A_1340 : memref<512xf32, #tpu.memory_space<hbm>>) target_semaphore(%arg17 : memref<!tpu.dma_semaphore, #tpu.memory_space<semaphore_mem>>)
      %mul3A_1344 = arith.constant 12 : i32
      %mul3A_1345 = arith.muli %select_n3A, %mul3A_1344 : i32
      %add3A_1346 = arith.constant 2 : i32
      %add3A_1347 = arith.addi %mul3A_1345, %add3A_1346 : i32
      %mul3A_1348 = arith.constant 512 : i32
      %mul3A_1349 = arith.muli %add3A_1347, %mul3A_1348 : i32
      %add3A_1350 = arith.addi %mul3A_1349, %add3A_41 : i32
      %dma_start3A_1351 = arith.constant 2 : i32
      %dma_start3A_1352 = arith.constant 0 : i32
      %dma_start3A_1353 = tpu.memref_slice %arg12[%dma_start3A_1351, %dma_start3A_1352] : memref<12x512xf32, #tpu.memory_space<vmem>> -> memref<1x512xf32, #tpu.memory_space<vmem>>
      %dma_start3A_1354 = tpu.memref_squeeze %dma_start3A_1353 : memref<1x512xf32, #tpu.memory_space<vmem>> -> memref<512xf32, #tpu.memory_space<vmem>>
      %dma_start3A_1355 = arith.constant 0 : i32
      %dma_start3A_1356 = tpu.memref_slice %arg8[%add3A_1350, %dma_start3A_1355] : memref<6144x512xf32, #tpu.memory_space<hbm>> -> memref<1x512xf32, #tpu.memory_space<hbm>>
      %dma_start3A_1357 = tpu.memref_squeeze %dma_start3A_1356 : memref<1x512xf32, #tpu.memory_space<hbm>> -> memref<512xf32, #tpu.memory_space<hbm>>
      %dma_start3A_1358 = arith.constant 0 : i32
      %dma_start3A_1359 = tpu.memref_slice %arg8[%add3A_1350, %dma_start3A_1358] : memref<6144x512xf32, #tpu.memory_space<hbm>> -> memref<1x512xf32, #tpu.memory_space<hbm>>
      %dma_start3A_1360 = tpu.memref_squeeze %dma_start3A_1359 : memref<1x512xf32, #tpu.memory_space<hbm>> -> memref<512xf32, #tpu.memory_space<hbm>>
      %dma_start3A_1361 = arith.constant 0 : i32
      %dma_start3A_1362 = tpu.memref_slice %arg12[%dma_start3A_1351, %dma_start3A_1361] : memref<12x512xf32, #tpu.memory_space<vmem>> -> memref<1x512xf32, #tpu.memory_space<vmem>>
      %dma_start3A_1363 = tpu.memref_squeeze %dma_start3A_1362 : memref<1x512xf32, #tpu.memory_space<vmem>> -> memref<512xf32, #tpu.memory_space<vmem>>
      tpu.enqueue_dma source(%dma_start3A_1363 : memref<512xf32, #tpu.memory_space<vmem>>) target(%dma_start3A_1360 : memref<512xf32, #tpu.memory_space<hbm>>) target_semaphore(%arg17 : memref<!tpu.dma_semaphore, #tpu.memory_space<semaphore_mem>>)
      %mul3A_1364 = arith.constant 12 : i32
      %mul3A_1365 = arith.muli %select_n3A, %mul3A_1364 : i32
      %add3A_1366 = arith.constant 3 : i32
      %add3A_1367 = arith.addi %mul3A_1365, %add3A_1366 : i32
      %mul3A_1368 = arith.constant 512 : i32
      %mul3A_1369 = arith.muli %add3A_1367, %mul3A_1368 : i32
      %add3A_1370 = arith.addi %mul3A_1369, %add3A_41 : i32
      %dma_start3A_1371 = arith.constant 3 : i32
      %dma_start3A_1372 = arith.constant 0 : i32
      %dma_start3A_1373 = tpu.memref_slice %arg12[%dma_start3A_1371, %dma_start3A_1372] : memref<12x512xf32, #tpu.memory_space<vmem>> -> memref<1x512xf32, #tpu.memory_space<vmem>>
      %dma_start3A_1374 = tpu.memref_squeeze %dma_start3A_1373 : memref<1x512xf32, #tpu.memory_space<vmem>> -> memref<512xf32, #tpu.memory_space<vmem>>
      %dma_start3A_1375 = arith.constant 0 : i32
      %dma_start3A_1376 = tpu.memref_slice %arg8[%add3A_1370, %dma_start3A_1375] : memref<6144x512xf32, #tpu.memory_space<hbm>> -> memref<1x512xf32, #tpu.memory_space<hbm>>
      %dma_start3A_1377 = tpu.memref_squeeze %dma_start3A_1376 : memref<1x512xf32, #tpu.memory_space<hbm>> -> memref<512xf32, #tpu.memory_space<hbm>>
      %dma_start3A_1378 = arith.constant 0 : i32
      %dma_start3A_1379 = tpu.memref_slice %arg8[%add3A_1370, %dma_start3A_1378] : memref<6144x512xf32, #tpu.memory_space<hbm>> -> memref<1x512xf32, #tpu.memory_space<hbm>>
      %dma_start3A_1380 = tpu.memref_squeeze %dma_start3A_1379 : memref<1x512xf32, #tpu.memory_space<hbm>> -> memref<512xf32, #tpu.memory_space<hbm>>
      %dma_start3A_1381 = arith.constant 0 : i32
      %dma_start3A_1382 = tpu.memref_slice %arg12[%dma_start3A_1371, %dma_start3A_1381] : memref<12x512xf32, #tpu.memory_space<vmem>> -> memref<1x512xf32, #tpu.memory_space<vmem>>
      %dma_start3A_1383 = tpu.memref_squeeze %dma_start3A_1382 : memref<1x512xf32, #tpu.memory_space<vmem>> -> memref<512xf32, #tpu.memory_space<vmem>>
      tpu.enqueue_dma source(%dma_start3A_1383 : memref<512xf32, #tpu.memory_space<vmem>>) target(%dma_start3A_1380 : memref<512xf32, #tpu.memory_space<hbm>>) target_semaphore(%arg17 : memref<!tpu.dma_semaphore, #tpu.memory_space<semaphore_mem>>)
      %mul3A_1384 = arith.constant 12 : i32
      %mul3A_1385 = arith.muli %select_n3A, %mul3A_1384 : i32
      %add3A_1386 = arith.constant 4 : i32
      %add3A_1387 = arith.addi %mul3A_1385, %add3A_1386 : i32
      %mul3A_1388 = arith.constant 512 : i32
      %mul3A_1389 = arith.muli %add3A_1387, %mul3A_1388 : i32
      %add3A_1390 = arith.addi %mul3A_1389, %add3A_41 : i32
      %dma_start3A_1391 = arith.constant 4 : i32
      %dma_start3A_1392 = arith.constant 0 : i32
      %dma_start3A_1393 = tpu.memref_slice %arg12[%dma_start3A_1391, %dma_start3A_1392] : memref<12x512xf32, #tpu.memory_space<vmem>> -> memref<1x512xf32, #tpu.memory_space<vmem>>
      %dma_start3A_1394 = tpu.memref_squeeze %dma_start3A_1393 : memref<1x512xf32, #tpu.memory_space<vmem>> -> memref<512xf32, #tpu.memory_space<vmem>>
      %dma_start3A_1395 = arith.constant 0 : i32
      %dma_start3A_1396 = tpu.memref_slice %arg8[%add3A_1390, %dma_start3A_1395] : memref<6144x512xf32, #tpu.memory_space<hbm>> -> memref<1x512xf32, #tpu.memory_space<hbm>>
      %dma_start3A_1397 = tpu.memref_squeeze %dma_start3A_1396 : memref<1x512xf32, #tpu.memory_space<hbm>> -> memref<512xf32, #tpu.memory_space<hbm>>
      %dma_start3A_1398 = arith.constant 0 : i32
      %dma_start3A_1399 = tpu.memref_slice %arg8[%add3A_1390, %dma_start3A_1398] : memref<6144x512xf32, #tpu.memory_space<hbm>> -> memref<1x512xf32, #tpu.memory_space<hbm>>
      %dma_start3A_1400 = tpu.memref_squeeze %dma_start3A_1399 : memref<1x512xf32, #tpu.memory_space<hbm>> -> memref<512xf32, #tpu.memory_space<hbm>>
      %dma_start3A_1401 = arith.constant 0 : i32
      %dma_start3A_1402 = tpu.memref_slice %arg12[%dma_start3A_1391, %dma_start3A_1401] : memref<12x512xf32, #tpu.memory_space<vmem>> -> memref<1x512xf32, #tpu.memory_space<vmem>>
      %dma_start3A_1403 = tpu.memref_squeeze %dma_start3A_1402 : memref<1x512xf32, #tpu.memory_space<vmem>> -> memref<512xf32, #tpu.memory_space<vmem>>
      tpu.enqueue_dma source(%dma_start3A_1403 : memref<512xf32, #tpu.memory_space<vmem>>) target(%dma_start3A_1400 : memref<512xf32, #tpu.memory_space<hbm>>) target_semaphore(%arg17 : memref<!tpu.dma_semaphore, #tpu.memory_space<semaphore_mem>>)
      %mul3A_1404 = arith.constant 12 : i32
      %mul3A_1405 = arith.muli %select_n3A, %mul3A_1404 : i32
      %add3A_1406 = arith.constant 5 : i32
      %add3A_1407 = arith.addi %mul3A_1405, %add3A_1406 : i32
      %mul3A_1408 = arith.constant 512 : i32
      %mul3A_1409 = arith.muli %add3A_1407, %mul3A_1408 : i32
      %add3A_1410 = arith.addi %mul3A_1409, %add3A_41 : i32
      %dma_start3A_1411 = arith.constant 5 : i32
      %dma_start3A_1412 = arith.constant 0 : i32
      %dma_start3A_1413 = tpu.memref_slice %arg12[%dma_start3A_1411, %dma_start3A_1412] : memref<12x512xf32, #tpu.memory_space<vmem>> -> memref<1x512xf32, #tpu.memory_space<vmem>>
      %dma_start3A_1414 = tpu.memref_squeeze %dma_start3A_1413 : memref<1x512xf32, #tpu.memory_space<vmem>> -> memref<512xf32, #tpu.memory_space<vmem>>
      %dma_start3A_1415 = arith.constant 0 : i32
      %dma_start3A_1416 = tpu.memref_slice %arg8[%add3A_1410, %dma_start3A_1415] : memref<6144x512xf32, #tpu.memory_space<hbm>> -> memref<1x512xf32, #tpu.memory_space<hbm>>
      %dma_start3A_1417 = tpu.memref_squeeze %dma_start3A_1416 : memref<1x512xf32, #tpu.memory_space<hbm>> -> memref<512xf32, #tpu.memory_space<hbm>>
      %dma_start3A_1418 = arith.constant 0 : i32
      %dma_start3A_1419 = tpu.memref_slice %arg8[%add3A_1410, %dma_start3A_1418] : memref<6144x512xf32, #tpu.memory_space<hbm>> -> memref<1x512xf32, #tpu.memory_space<hbm>>
      %dma_start3A_1420 = tpu.memref_squeeze %dma_start3A_1419 : memref<1x512xf32, #tpu.memory_space<hbm>> -> memref<512xf32, #tpu.memory_space<hbm>>
      %dma_start3A_1421 = arith.constant 0 : i32
      %dma_start3A_1422 = tpu.memref_slice %arg12[%dma_start3A_1411, %dma_start3A_1421] : memref<12x512xf32, #tpu.memory_space<vmem>> -> memref<1x512xf32, #tpu.memory_space<vmem>>
      %dma_start3A_1423 = tpu.memref_squeeze %dma_start3A_1422 : memref<1x512xf32, #tpu.memory_space<vmem>> -> memref<512xf32, #tpu.memory_space<vmem>>
      tpu.enqueue_dma source(%dma_start3A_1423 : memref<512xf32, #tpu.memory_space<vmem>>) target(%dma_start3A_1420 : memref<512xf32, #tpu.memory_space<hbm>>) target_semaphore(%arg17 : memref<!tpu.dma_semaphore, #tpu.memory_space<semaphore_mem>>)
      %mul3A_1424 = arith.constant 12 : i32
      %mul3A_1425 = arith.muli %select_n3A, %mul3A_1424 : i32
      %add3A_1426 = arith.constant 6 : i32
      %add3A_1427 = arith.addi %mul3A_1425, %add3A_1426 : i32
      %mul3A_1428 = arith.constant 512 : i32
      %mul3A_1429 = arith.muli %add3A_1427, %mul3A_1428 : i32
      %add3A_1430 = arith.addi %mul3A_1429, %add3A_41 : i32
      %dma_start3A_1431 = arith.constant 6 : i32
      %dma_start3A_1432 = arith.constant 0 : i32
      %dma_start3A_1433 = tpu.memref_slice %arg12[%dma_start3A_1431, %dma_start3A_1432] : memref<12x512xf32, #tpu.memory_space<vmem>> -> memref<1x512xf32, #tpu.memory_space<vmem>>
      %dma_start3A_1434 = tpu.memref_squeeze %dma_start3A_1433 : memref<1x512xf32, #tpu.memory_space<vmem>> -> memref<512xf32, #tpu.memory_space<vmem>>
      %dma_start3A_1435 = arith.constant 0 : i32
      %dma_start3A_1436 = tpu.memref_slice %arg8[%add3A_1430, %dma_start3A_1435] : memref<6144x512xf32, #tpu.memory_space<hbm>> -> memref<1x512xf32, #tpu.memory_space<hbm>>
      %dma_start3A_1437 = tpu.memref_squeeze %dma_start3A_1436 : memref<1x512xf32, #tpu.memory_space<hbm>> -> memref<512xf32, #tpu.memory_space<hbm>>
      %dma_start3A_1438 = arith.constant 0 : i32
      %dma_start3A_1439 = tpu.memref_slice %arg8[%add3A_1430, %dma_start3A_1438] : memref<6144x512xf32, #tpu.memory_space<hbm>> -> memref<1x512xf32, #tpu.memory_space<hbm>>
      %dma_start3A_1440 = tpu.memref_squeeze %dma_start3A_1439 : memref<1x512xf32, #tpu.memory_space<hbm>> -> memref<512xf32, #tpu.memory_space<hbm>>
      %dma_start3A_1441 = arith.constant 0 : i32
      %dma_start3A_1442 = tpu.memref_slice %arg12[%dma_start3A_1431, %dma_start3A_1441] : memref<12x512xf32, #tpu.memory_space<vmem>> -> memref<1x512xf32, #tpu.memory_space<vmem>>
      %dma_start3A_1443 = tpu.memref_squeeze %dma_start3A_1442 : memref<1x512xf32, #tpu.memory_space<vmem>> -> memref<512xf32, #tpu.memory_space<vmem>>
      tpu.enqueue_dma source(%dma_start3A_1443 : memref<512xf32, #tpu.memory_space<vmem>>) target(%dma_start3A_1440 : memref<512xf32, #tpu.memory_space<hbm>>) target_semaphore(%arg17 : memref<!tpu.dma_semaphore, #tpu.memory_space<semaphore_mem>>)
      %mul3A_1444 = arith.constant 12 : i32
      %mul3A_1445 = arith.muli %select_n3A, %mul3A_1444 : i32
      %add3A_1446 = arith.constant 7 : i32
      %add3A_1447 = arith.addi %mul3A_1445, %add3A_1446 : i32
      %mul3A_1448 = arith.constant 512 : i32
      %mul3A_1449 = arith.muli %add3A_1447, %mul3A_1448 : i32
      %add3A_1450 = arith.addi %mul3A_1449, %add3A_41 : i32
      %dma_start3A_1451 = arith.constant 7 : i32
      %dma_start3A_1452 = arith.constant 0 : i32
      %dma_start3A_1453 = tpu.memref_slice %arg12[%dma_start3A_1451, %dma_start3A_1452] : memref<12x512xf32, #tpu.memory_space<vmem>> -> memref<1x512xf32, #tpu.memory_space<vmem>>
      %dma_start3A_1454 = tpu.memref_squeeze %dma_start3A_1453 : memref<1x512xf32, #tpu.memory_space<vmem>> -> memref<512xf32, #tpu.memory_space<vmem>>
      %dma_start3A_1455 = arith.constant 0 : i32
      %dma_start3A_1456 = tpu.memref_slice %arg8[%add3A_1450, %dma_start3A_1455] : memref<6144x512xf32, #tpu.memory_space<hbm>> -> memref<1x512xf32, #tpu.memory_space<hbm>>
      %dma_start3A_1457 = tpu.memref_squeeze %dma_start3A_1456 : memref<1x512xf32, #tpu.memory_space<hbm>> -> memref<512xf32, #tpu.memory_space<hbm>>
      %dma_start3A_1458 = arith.constant 0 : i32
      %dma_start3A_1459 = tpu.memref_slice %arg8[%add3A_1450, %dma_start3A_1458] : memref<6144x512xf32, #tpu.memory_space<hbm>> -> memref<1x512xf32, #tpu.memory_space<hbm>>
      %dma_start3A_1460 = tpu.memref_squeeze %dma_start3A_1459 : memref<1x512xf32, #tpu.memory_space<hbm>> -> memref<512xf32, #tpu.memory_space<hbm>>
      %dma_start3A_1461 = arith.constant 0 : i32
      %dma_start3A_1462 = tpu.memref_slice %arg12[%dma_start3A_1451, %dma_start3A_1461] : memref<12x512xf32, #tpu.memory_space<vmem>> -> memref<1x512xf32, #tpu.memory_space<vmem>>
      %dma_start3A_1463 = tpu.memref_squeeze %dma_start3A_1462 : memref<1x512xf32, #tpu.memory_space<vmem>> -> memref<512xf32, #tpu.memory_space<vmem>>
      tpu.enqueue_dma source(%dma_start3A_1463 : memref<512xf32, #tpu.memory_space<vmem>>) target(%dma_start3A_1460 : memref<512xf32, #tpu.memory_space<hbm>>) target_semaphore(%arg17 : memref<!tpu.dma_semaphore, #tpu.memory_space<semaphore_mem>>)
      %mul3A_1464 = arith.constant 12 : i32
      %mul3A_1465 = arith.muli %select_n3A, %mul3A_1464 : i32
      %add3A_1466 = arith.constant 8 : i32
      %add3A_1467 = arith.addi %mul3A_1465, %add3A_1466 : i32
      %mul3A_1468 = arith.constant 512 : i32
      %mul3A_1469 = arith.muli %add3A_1467, %mul3A_1468 : i32
      %add3A_1470 = arith.addi %mul3A_1469, %add3A_41 : i32
      %dma_start3A_1471 = arith.constant 8 : i32
      %dma_start3A_1472 = arith.constant 0 : i32
      %dma_start3A_1473 = tpu.memref_slice %arg12[%dma_start3A_1471, %dma_start3A_1472] : memref<12x512xf32, #tpu.memory_space<vmem>> -> memref<1x512xf32, #tpu.memory_space<vmem>>
      %dma_start3A_1474 = tpu.memref_squeeze %dma_start3A_1473 : memref<1x512xf32, #tpu.memory_space<vmem>> -> memref<512xf32, #tpu.memory_space<vmem>>
      %dma_start3A_1475 = arith.constant 0 : i32
      %dma_start3A_1476 = tpu.memref_slice %arg8[%add3A_1470, %dma_start3A_1475] : memref<6144x512xf32, #tpu.memory_space<hbm>> -> memref<1x512xf32, #tpu.memory_space<hbm>>
      %dma_start3A_1477 = tpu.memref_squeeze %dma_start3A_1476 : memref<1x512xf32, #tpu.memory_space<hbm>> -> memref<512xf32, #tpu.memory_space<hbm>>
      %dma_start3A_1478 = arith.constant 0 : i32
      %dma_start3A_1479 = tpu.memref_slice %arg8[%add3A_1470, %dma_start3A_1478] : memref<6144x512xf32, #tpu.memory_space<hbm>> -> memref<1x512xf32, #tpu.memory_space<hbm>>
      %dma_start3A_1480 = tpu.memref_squeeze %dma_start3A_1479 : memref<1x512xf32, #tpu.memory_space<hbm>> -> memref<512xf32, #tpu.memory_space<hbm>>
      %dma_start3A_1481 = arith.constant 0 : i32
      %dma_start3A_1482 = tpu.memref_slice %arg12[%dma_start3A_1471, %dma_start3A_1481] : memref<12x512xf32, #tpu.memory_space<vmem>> -> memref<1x512xf32, #tpu.memory_space<vmem>>
      %dma_start3A_1483 = tpu.memref_squeeze %dma_start3A_1482 : memref<1x512xf32, #tpu.memory_space<vmem>> -> memref<512xf32, #tpu.memory_space<vmem>>
      tpu.enqueue_dma source(%dma_start3A_1483 : memref<512xf32, #tpu.memory_space<vmem>>) target(%dma_start3A_1480 : memref<512xf32, #tpu.memory_space<hbm>>) target_semaphore(%arg17 : memref<!tpu.dma_semaphore, #tpu.memory_space<semaphore_mem>>)
      %mul3A_1484 = arith.constant 12 : i32
      %mul3A_1485 = arith.muli %select_n3A, %mul3A_1484 : i32
      %add3A_1486 = arith.constant 9 : i32
      %add3A_1487 = arith.addi %mul3A_1485, %add3A_1486 : i32
      %mul3A_1488 = arith.constant 512 : i32
      %mul3A_1489 = arith.muli %add3A_1487, %mul3A_1488 : i32
      %add3A_1490 = arith.addi %mul3A_1489, %add3A_41 : i32
      %dma_start3A_1491 = arith.constant 9 : i32
      %dma_start3A_1492 = arith.constant 0 : i32
      %dma_start3A_1493 = tpu.memref_slice %arg12[%dma_start3A_1491, %dma_start3A_1492] : memref<12x512xf32, #tpu.memory_space<vmem>> -> memref<1x512xf32, #tpu.memory_space<vmem>>
      %dma_start3A_1494 = tpu.memref_squeeze %dma_start3A_1493 : memref<1x512xf32, #tpu.memory_space<vmem>> -> memref<512xf32, #tpu.memory_space<vmem>>
      %dma_start3A_1495 = arith.constant 0 : i32
      %dma_start3A_1496 = tpu.memref_slice %arg8[%add3A_1490, %dma_start3A_1495] : memref<6144x512xf32, #tpu.memory_space<hbm>> -> memref<1x512xf32, #tpu.memory_space<hbm>>
      %dma_start3A_1497 = tpu.memref_squeeze %dma_start3A_1496 : memref<1x512xf32, #tpu.memory_space<hbm>> -> memref<512xf32, #tpu.memory_space<hbm>>
      %dma_start3A_1498 = arith.constant 0 : i32
      %dma_start3A_1499 = tpu.memref_slice %arg8[%add3A_1490, %dma_start3A_1498] : memref<6144x512xf32, #tpu.memory_space<hbm>> -> memref<1x512xf32, #tpu.memory_space<hbm>>
      %dma_start3A_1500 = tpu.memref_squeeze %dma_start3A_1499 : memref<1x512xf32, #tpu.memory_space<hbm>> -> memref<512xf32, #tpu.memory_space<hbm>>
      %dma_start3A_1501 = arith.constant 0 : i32
      %dma_start3A_1502 = tpu.memref_slice %arg12[%dma_start3A_1491, %dma_start3A_1501] : memref<12x512xf32, #tpu.memory_space<vmem>> -> memref<1x512xf32, #tpu.memory_space<vmem>>
      %dma_start3A_1503 = tpu.memref_squeeze %dma_start3A_1502 : memref<1x512xf32, #tpu.memory_space<vmem>> -> memref<512xf32, #tpu.memory_space<vmem>>
      tpu.enqueue_dma source(%dma_start3A_1503 : memref<512xf32, #tpu.memory_space<vmem>>) target(%dma_start3A_1500 : memref<512xf32, #tpu.memory_space<hbm>>) target_semaphore(%arg17 : memref<!tpu.dma_semaphore, #tpu.memory_space<semaphore_mem>>)
      %mul3A_1504 = arith.constant 12 : i32
      %mul3A_1505 = arith.muli %select_n3A, %mul3A_1504 : i32
      %add3A_1506 = arith.constant 10 : i32
      %add3A_1507 = arith.addi %mul3A_1505, %add3A_1506 : i32
      %mul3A_1508 = arith.constant 512 : i32
      %mul3A_1509 = arith.muli %add3A_1507, %mul3A_1508 : i32
      %add3A_1510 = arith.addi %mul3A_1509, %add3A_41 : i32
      %dma_start3A_1511 = arith.constant 10 : i32
      %dma_start3A_1512 = arith.constant 0 : i32
      %dma_start3A_1513 = tpu.memref_slice %arg12[%dma_start3A_1511, %dma_start3A_1512] : memref<12x512xf32, #tpu.memory_space<vmem>> -> memref<1x512xf32, #tpu.memory_space<vmem>>
      %dma_start3A_1514 = tpu.memref_squeeze %dma_start3A_1513 : memref<1x512xf32, #tpu.memory_space<vmem>> -> memref<512xf32, #tpu.memory_space<vmem>>
      %dma_start3A_1515 = arith.constant 0 : i32
      %dma_start3A_1516 = tpu.memref_slice %arg8[%add3A_1510, %dma_start3A_1515] : memref<6144x512xf32, #tpu.memory_space<hbm>> -> memref<1x512xf32, #tpu.memory_space<hbm>>
      %dma_start3A_1517 = tpu.memref_squeeze %dma_start3A_1516 : memref<1x512xf32, #tpu.memory_space<hbm>> -> memref<512xf32, #tpu.memory_space<hbm>>
      %dma_start3A_1518 = arith.constant 0 : i32
      %dma_start3A_1519 = tpu.memref_slice %arg8[%add3A_1510, %dma_start3A_1518] : memref<6144x512xf32, #tpu.memory_space<hbm>> -> memref<1x512xf32, #tpu.memory_space<hbm>>
      %dma_start3A_1520 = tpu.memref_squeeze %dma_start3A_1519 : memref<1x512xf32, #tpu.memory_space<hbm>> -> memref<512xf32, #tpu.memory_space<hbm>>
      %dma_start3A_1521 = arith.constant 0 : i32
      %dma_start3A_1522 = tpu.memref_slice %arg12[%dma_start3A_1511, %dma_start3A_1521] : memref<12x512xf32, #tpu.memory_space<vmem>> -> memref<1x512xf32, #tpu.memory_space<vmem>>
      %dma_start3A_1523 = tpu.memref_squeeze %dma_start3A_1522 : memref<1x512xf32, #tpu.memory_space<vmem>> -> memref<512xf32, #tpu.memory_space<vmem>>
      tpu.enqueue_dma source(%dma_start3A_1523 : memref<512xf32, #tpu.memory_space<vmem>>) target(%dma_start3A_1520 : memref<512xf32, #tpu.memory_space<hbm>>) target_semaphore(%arg17 : memref<!tpu.dma_semaphore, #tpu.memory_space<semaphore_mem>>)
      %mul3A_1524 = arith.constant 12 : i32
      %mul3A_1525 = arith.muli %select_n3A, %mul3A_1524 : i32
      %add3A_1526 = arith.constant 11 : i32
      %add3A_1527 = arith.addi %mul3A_1525, %add3A_1526 : i32
      %mul3A_1528 = arith.constant 512 : i32
      %mul3A_1529 = arith.muli %add3A_1527, %mul3A_1528 : i32
      %add3A_1530 = arith.addi %mul3A_1529, %add3A_41 : i32
      %dma_start3A_1531 = arith.constant 11 : i32
      %dma_start3A_1532 = arith.constant 0 : i32
      %dma_start3A_1533 = tpu.memref_slice %arg12[%dma_start3A_1531, %dma_start3A_1532] : memref<12x512xf32, #tpu.memory_space<vmem>> -> memref<1x512xf32, #tpu.memory_space<vmem>>
      %dma_start3A_1534 = tpu.memref_squeeze %dma_start3A_1533 : memref<1x512xf32, #tpu.memory_space<vmem>> -> memref<512xf32, #tpu.memory_space<vmem>>
      %dma_start3A_1535 = arith.constant 0 : i32
      %dma_start3A_1536 = tpu.memref_slice %arg8[%add3A_1530, %dma_start3A_1535] : memref<6144x512xf32, #tpu.memory_space<hbm>> -> memref<1x512xf32, #tpu.memory_space<hbm>>
      %dma_start3A_1537 = tpu.memref_squeeze %dma_start3A_1536 : memref<1x512xf32, #tpu.memory_space<hbm>> -> memref<512xf32, #tpu.memory_space<hbm>>
      %dma_start3A_1538 = arith.constant 0 : i32
      %dma_start3A_1539 = tpu.memref_slice %arg8[%add3A_1530, %dma_start3A_1538] : memref<6144x512xf32, #tpu.memory_space<hbm>> -> memref<1x512xf32, #tpu.memory_space<hbm>>
      %dma_start3A_1540 = tpu.memref_squeeze %dma_start3A_1539 : memref<1x512xf32, #tpu.memory_space<hbm>> -> memref<512xf32, #tpu.memory_space<hbm>>
      %dma_start3A_1541 = arith.constant 0 : i32
      %dma_start3A_1542 = tpu.memref_slice %arg12[%dma_start3A_1531, %dma_start3A_1541] : memref<12x512xf32, #tpu.memory_space<vmem>> -> memref<1x512xf32, #tpu.memory_space<vmem>>
      %dma_start3A_1543 = tpu.memref_squeeze %dma_start3A_1542 : memref<1x512xf32, #tpu.memory_space<vmem>> -> memref<512xf32, #tpu.memory_space<vmem>>
      tpu.enqueue_dma source(%dma_start3A_1543 : memref<512xf32, #tpu.memory_space<vmem>>) target(%dma_start3A_1540 : memref<512xf32, #tpu.memory_space<hbm>>) target_semaphore(%arg17 : memref<!tpu.dma_semaphore, #tpu.memory_space<semaphore_mem>>)
      %dma_wait3A = arith.constant 0 : i32
      %dma_wait3A_1544 = arith.constant 0 : i32
      %dma_wait3A_1545 = tpu.memref_slice %arg12[%dma_wait3A, %dma_wait3A_1544] : memref<12x512xf32, #tpu.memory_space<vmem>> -> memref<1x512xf32, #tpu.memory_space<vmem>>
      %dma_wait3A_1546 = tpu.memref_squeeze %dma_wait3A_1545 : memref<1x512xf32, #tpu.memory_space<vmem>> -> memref<512xf32, #tpu.memory_space<vmem>>
      %dma_wait3A_1547 = arith.constant 0 : i32
      %dma_wait3A_1548 = tpu.memref_slice %arg8[%add3A_1311, %dma_wait3A_1547] : memref<6144x512xf32, #tpu.memory_space<hbm>> -> memref<1x512xf32, #tpu.memory_space<hbm>>
      %dma_wait3A_1549 = tpu.memref_squeeze %dma_wait3A_1548 : memref<1x512xf32, #tpu.memory_space<hbm>> -> memref<512xf32, #tpu.memory_space<hbm>>
      %dma_wait3A_1550 = arith.constant 0 : i32
      %dma_wait3A_1551 = tpu.memref_slice %arg8[%add3A_1311, %dma_wait3A_1550] : memref<6144x512xf32, #tpu.memory_space<hbm>> -> memref<1x512xf32, #tpu.memory_space<hbm>>
      %dma_wait3A_1552 = tpu.memref_squeeze %dma_wait3A_1551 : memref<1x512xf32, #tpu.memory_space<hbm>> -> memref<512xf32, #tpu.memory_space<hbm>>
      %dma_wait3A_1553 = arith.constant 0 : i32
      %dma_wait3A_1554 = tpu.memref_slice %arg12[%dma_wait3A, %dma_wait3A_1553] : memref<12x512xf32, #tpu.memory_space<vmem>> -> memref<1x512xf32, #tpu.memory_space<vmem>>
      %dma_wait3A_1555 = tpu.memref_squeeze %dma_wait3A_1554 : memref<1x512xf32, #tpu.memory_space<vmem>> -> memref<512xf32, #tpu.memory_space<vmem>>
      tpu.wait_dma2 semaphore(%arg17 : memref<!tpu.dma_semaphore, #tpu.memory_space<semaphore_mem>>) src(%dma_wait3A_1555 : memref<512xf32, #tpu.memory_space<vmem>>) dst(%dma_wait3A_1552 : memref<512xf32, #tpu.memory_space<hbm>>)
      %dma_wait3A_1556 = arith.constant 1 : i32
      %dma_wait3A_1557 = arith.constant 0 : i32
      %dma_wait3A_1558 = tpu.memref_slice %arg12[%dma_wait3A_1556, %dma_wait3A_1557] : memref<12x512xf32, #tpu.memory_space<vmem>> -> memref<1x512xf32, #tpu.memory_space<vmem>>
      %dma_wait3A_1559 = tpu.memref_squeeze %dma_wait3A_1558 : memref<1x512xf32, #tpu.memory_space<vmem>> -> memref<512xf32, #tpu.memory_space<vmem>>
      %dma_wait3A_1560 = arith.constant 0 : i32
      %dma_wait3A_1561 = tpu.memref_slice %arg8[%add3A_1330, %dma_wait3A_1560] : memref<6144x512xf32, #tpu.memory_space<hbm>> -> memref<1x512xf32, #tpu.memory_space<hbm>>
      %dma_wait3A_1562 = tpu.memref_squeeze %dma_wait3A_1561 : memref<1x512xf32, #tpu.memory_space<hbm>> -> memref<512xf32, #tpu.memory_space<hbm>>
      %dma_wait3A_1563 = arith.constant 0 : i32
      %dma_wait3A_1564 = tpu.memref_slice %arg8[%add3A_1330, %dma_wait3A_1563] : memref<6144x512xf32, #tpu.memory_space<hbm>> -> memref<1x512xf32, #tpu.memory_space<hbm>>
      %dma_wait3A_1565 = tpu.memref_squeeze %dma_wait3A_1564 : memref<1x512xf32, #tpu.memory_space<hbm>> -> memref<512xf32, #tpu.memory_space<hbm>>
      %dma_wait3A_1566 = arith.constant 0 : i32
      %dma_wait3A_1567 = tpu.memref_slice %arg12[%dma_wait3A_1556, %dma_wait3A_1566] : memref<12x512xf32, #tpu.memory_space<vmem>> -> memref<1x512xf32, #tpu.memory_space<vmem>>
      %dma_wait3A_1568 = tpu.memref_squeeze %dma_wait3A_1567 : memref<1x512xf32, #tpu.memory_space<vmem>> -> memref<512xf32, #tpu.memory_space<vmem>>
      tpu.wait_dma2 semaphore(%arg17 : memref<!tpu.dma_semaphore, #tpu.memory_space<semaphore_mem>>) src(%dma_wait3A_1568 : memref<512xf32, #tpu.memory_space<vmem>>) dst(%dma_wait3A_1565 : memref<512xf32, #tpu.memory_space<hbm>>)
      %dma_wait3A_1569 = arith.constant 2 : i32
      %dma_wait3A_1570 = arith.constant 0 : i32
      %dma_wait3A_1571 = tpu.memref_slice %arg12[%dma_wait3A_1569, %dma_wait3A_1570] : memref<12x512xf32, #tpu.memory_space<vmem>> -> memref<1x512xf32, #tpu.memory_space<vmem>>
      %dma_wait3A_1572 = tpu.memref_squeeze %dma_wait3A_1571 : memref<1x512xf32, #tpu.memory_space<vmem>> -> memref<512xf32, #tpu.memory_space<vmem>>
      %dma_wait3A_1573 = arith.constant 0 : i32
      %dma_wait3A_1574 = tpu.memref_slice %arg8[%add3A_1350, %dma_wait3A_1573] : memref<6144x512xf32, #tpu.memory_space<hbm>> -> memref<1x512xf32, #tpu.memory_space<hbm>>
      %dma_wait3A_1575 = tpu.memref_squeeze %dma_wait3A_1574 : memref<1x512xf32, #tpu.memory_space<hbm>> -> memref<512xf32, #tpu.memory_space<hbm>>
      %dma_wait3A_1576 = arith.constant 0 : i32
      %dma_wait3A_1577 = tpu.memref_slice %arg8[%add3A_1350, %dma_wait3A_1576] : memref<6144x512xf32, #tpu.memory_space<hbm>> -> memref<1x512xf32, #tpu.memory_space<hbm>>
      %dma_wait3A_1578 = tpu.memref_squeeze %dma_wait3A_1577 : memref<1x512xf32, #tpu.memory_space<hbm>> -> memref<512xf32, #tpu.memory_space<hbm>>
      %dma_wait3A_1579 = arith.constant 0 : i32
      %dma_wait3A_1580 = tpu.memref_slice %arg12[%dma_wait3A_1569, %dma_wait3A_1579] : memref<12x512xf32, #tpu.memory_space<vmem>> -> memref<1x512xf32, #tpu.memory_space<vmem>>
      %dma_wait3A_1581 = tpu.memref_squeeze %dma_wait3A_1580 : memref<1x512xf32, #tpu.memory_space<vmem>> -> memref<512xf32, #tpu.memory_space<vmem>>
      tpu.wait_dma2 semaphore(%arg17 : memref<!tpu.dma_semaphore, #tpu.memory_space<semaphore_mem>>) src(%dma_wait3A_1581 : memref<512xf32, #tpu.memory_space<vmem>>) dst(%dma_wait3A_1578 : memref<512xf32, #tpu.memory_space<hbm>>)
      %dma_wait3A_1582 = arith.constant 3 : i32
      %dma_wait3A_1583 = arith.constant 0 : i32
      %dma_wait3A_1584 = tpu.memref_slice %arg12[%dma_wait3A_1582, %dma_wait3A_1583] : memref<12x512xf32, #tpu.memory_space<vmem>> -> memref<1x512xf32, #tpu.memory_space<vmem>>
      %dma_wait3A_1585 = tpu.memref_squeeze %dma_wait3A_1584 : memref<1x512xf32, #tpu.memory_space<vmem>> -> memref<512xf32, #tpu.memory_space<vmem>>
      %dma_wait3A_1586 = arith.constant 0 : i32
      %dma_wait3A_1587 = tpu.memref_slice %arg8[%add3A_1370, %dma_wait3A_1586] : memref<6144x512xf32, #tpu.memory_space<hbm>> -> memref<1x512xf32, #tpu.memory_space<hbm>>
      %dma_wait3A_1588 = tpu.memref_squeeze %dma_wait3A_1587 : memref<1x512xf32, #tpu.memory_space<hbm>> -> memref<512xf32, #tpu.memory_space<hbm>>
      %dma_wait3A_1589 = arith.constant 0 : i32
      %dma_wait3A_1590 = tpu.memref_slice %arg8[%add3A_1370, %dma_wait3A_1589] : memref<6144x512xf32, #tpu.memory_space<hbm>> -> memref<1x512xf32, #tpu.memory_space<hbm>>
      %dma_wait3A_1591 = tpu.memref_squeeze %dma_wait3A_1590 : memref<1x512xf32, #tpu.memory_space<hbm>> -> memref<512xf32, #tpu.memory_space<hbm>>
      %dma_wait3A_1592 = arith.constant 0 : i32
      %dma_wait3A_1593 = tpu.memref_slice %arg12[%dma_wait3A_1582, %dma_wait3A_1592] : memref<12x512xf32, #tpu.memory_space<vmem>> -> memref<1x512xf32, #tpu.memory_space<vmem>>
      %dma_wait3A_1594 = tpu.memref_squeeze %dma_wait3A_1593 : memref<1x512xf32, #tpu.memory_space<vmem>> -> memref<512xf32, #tpu.memory_space<vmem>>
      tpu.wait_dma2 semaphore(%arg17 : memref<!tpu.dma_semaphore, #tpu.memory_space<semaphore_mem>>) src(%dma_wait3A_1594 : memref<512xf32, #tpu.memory_space<vmem>>) dst(%dma_wait3A_1591 : memref<512xf32, #tpu.memory_space<hbm>>)
      %dma_wait3A_1595 = arith.constant 4 : i32
      %dma_wait3A_1596 = arith.constant 0 : i32
      %dma_wait3A_1597 = tpu.memref_slice %arg12[%dma_wait3A_1595, %dma_wait3A_1596] : memref<12x512xf32, #tpu.memory_space<vmem>> -> memref<1x512xf32, #tpu.memory_space<vmem>>
      %dma_wait3A_1598 = tpu.memref_squeeze %dma_wait3A_1597 : memref<1x512xf32, #tpu.memory_space<vmem>> -> memref<512xf32, #tpu.memory_space<vmem>>
      %dma_wait3A_1599 = arith.constant 0 : i32
      %dma_wait3A_1600 = tpu.memref_slice %arg8[%add3A_1390, %dma_wait3A_1599] : memref<6144x512xf32, #tpu.memory_space<hbm>> -> memref<1x512xf32, #tpu.memory_space<hbm>>
      %dma_wait3A_1601 = tpu.memref_squeeze %dma_wait3A_1600 : memref<1x512xf32, #tpu.memory_space<hbm>> -> memref<512xf32, #tpu.memory_space<hbm>>
      %dma_wait3A_1602 = arith.constant 0 : i32
      %dma_wait3A_1603 = tpu.memref_slice %arg8[%add3A_1390, %dma_wait3A_1602] : memref<6144x512xf32, #tpu.memory_space<hbm>> -> memref<1x512xf32, #tpu.memory_space<hbm>>
      %dma_wait3A_1604 = tpu.memref_squeeze %dma_wait3A_1603 : memref<1x512xf32, #tpu.memory_space<hbm>> -> memref<512xf32, #tpu.memory_space<hbm>>
      %dma_wait3A_1605 = arith.constant 0 : i32
      %dma_wait3A_1606 = tpu.memref_slice %arg12[%dma_wait3A_1595, %dma_wait3A_1605] : memref<12x512xf32, #tpu.memory_space<vmem>> -> memref<1x512xf32, #tpu.memory_space<vmem>>
      %dma_wait3A_1607 = tpu.memref_squeeze %dma_wait3A_1606 : memref<1x512xf32, #tpu.memory_space<vmem>> -> memref<512xf32, #tpu.memory_space<vmem>>
      tpu.wait_dma2 semaphore(%arg17 : memref<!tpu.dma_semaphore, #tpu.memory_space<semaphore_mem>>) src(%dma_wait3A_1607 : memref<512xf32, #tpu.memory_space<vmem>>) dst(%dma_wait3A_1604 : memref<512xf32, #tpu.memory_space<hbm>>)
      %dma_wait3A_1608 = arith.constant 5 : i32
      %dma_wait3A_1609 = arith.constant 0 : i32
      %dma_wait3A_1610 = tpu.memref_slice %arg12[%dma_wait3A_1608, %dma_wait3A_1609] : memref<12x512xf32, #tpu.memory_space<vmem>> -> memref<1x512xf32, #tpu.memory_space<vmem>>
      %dma_wait3A_1611 = tpu.memref_squeeze %dma_wait3A_1610 : memref<1x512xf32, #tpu.memory_space<vmem>> -> memref<512xf32, #tpu.memory_space<vmem>>
      %dma_wait3A_1612 = arith.constant 0 : i32
      %dma_wait3A_1613 = tpu.memref_slice %arg8[%add3A_1410, %dma_wait3A_1612] : memref<6144x512xf32, #tpu.memory_space<hbm>> -> memref<1x512xf32, #tpu.memory_space<hbm>>
      %dma_wait3A_1614 = tpu.memref_squeeze %dma_wait3A_1613 : memref<1x512xf32, #tpu.memory_space<hbm>> -> memref<512xf32, #tpu.memory_space<hbm>>
      %dma_wait3A_1615 = arith.constant 0 : i32
      %dma_wait3A_1616 = tpu.memref_slice %arg8[%add3A_1410, %dma_wait3A_1615] : memref<6144x512xf32, #tpu.memory_space<hbm>> -> memref<1x512xf32, #tpu.memory_space<hbm>>
      %dma_wait3A_1617 = tpu.memref_squeeze %dma_wait3A_1616 : memref<1x512xf32, #tpu.memory_space<hbm>> -> memref<512xf32, #tpu.memory_space<hbm>>
      %dma_wait3A_1618 = arith.constant 0 : i32
      %dma_wait3A_1619 = tpu.memref_slice %arg12[%dma_wait3A_1608, %dma_wait3A_1618] : memref<12x512xf32, #tpu.memory_space<vmem>> -> memref<1x512xf32, #tpu.memory_space<vmem>>
      %dma_wait3A_1620 = tpu.memref_squeeze %dma_wait3A_1619 : memref<1x512xf32, #tpu.memory_space<vmem>> -> memref<512xf32, #tpu.memory_space<vmem>>
      tpu.wait_dma2 semaphore(%arg17 : memref<!tpu.dma_semaphore, #tpu.memory_space<semaphore_mem>>) src(%dma_wait3A_1620 : memref<512xf32, #tpu.memory_space<vmem>>) dst(%dma_wait3A_1617 : memref<512xf32, #tpu.memory_space<hbm>>)
      %dma_wait3A_1621 = arith.constant 6 : i32
      %dma_wait3A_1622 = arith.constant 0 : i32
      %dma_wait3A_1623 = tpu.memref_slice %arg12[%dma_wait3A_1621, %dma_wait3A_1622] : memref<12x512xf32, #tpu.memory_space<vmem>> -> memref<1x512xf32, #tpu.memory_space<vmem>>
      %dma_wait3A_1624 = tpu.memref_squeeze %dma_wait3A_1623 : memref<1x512xf32, #tpu.memory_space<vmem>> -> memref<512xf32, #tpu.memory_space<vmem>>
      %dma_wait3A_1625 = arith.constant 0 : i32
      %dma_wait3A_1626 = tpu.memref_slice %arg8[%add3A_1430, %dma_wait3A_1625] : memref<6144x512xf32, #tpu.memory_space<hbm>> -> memref<1x512xf32, #tpu.memory_space<hbm>>
      %dma_wait3A_1627 = tpu.memref_squeeze %dma_wait3A_1626 : memref<1x512xf32, #tpu.memory_space<hbm>> -> memref<512xf32, #tpu.memory_space<hbm>>
      %dma_wait3A_1628 = arith.constant 0 : i32
      %dma_wait3A_1629 = tpu.memref_slice %arg8[%add3A_1430, %dma_wait3A_1628] : memref<6144x512xf32, #tpu.memory_space<hbm>> -> memref<1x512xf32, #tpu.memory_space<hbm>>
      %dma_wait3A_1630 = tpu.memref_squeeze %dma_wait3A_1629 : memref<1x512xf32, #tpu.memory_space<hbm>> -> memref<512xf32, #tpu.memory_space<hbm>>
      %dma_wait3A_1631 = arith.constant 0 : i32
      %dma_wait3A_1632 = tpu.memref_slice %arg12[%dma_wait3A_1621, %dma_wait3A_1631] : memref<12x512xf32, #tpu.memory_space<vmem>> -> memref<1x512xf32, #tpu.memory_space<vmem>>
      %dma_wait3A_1633 = tpu.memref_squeeze %dma_wait3A_1632 : memref<1x512xf32, #tpu.memory_space<vmem>> -> memref<512xf32, #tpu.memory_space<vmem>>
      tpu.wait_dma2 semaphore(%arg17 : memref<!tpu.dma_semaphore, #tpu.memory_space<semaphore_mem>>) src(%dma_wait3A_1633 : memref<512xf32, #tpu.memory_space<vmem>>) dst(%dma_wait3A_1630 : memref<512xf32, #tpu.memory_space<hbm>>)
      %dma_wait3A_1634 = arith.constant 7 : i32
      %dma_wait3A_1635 = arith.constant 0 : i32
      %dma_wait3A_1636 = tpu.memref_slice %arg12[%dma_wait3A_1634, %dma_wait3A_1635] : memref<12x512xf32, #tpu.memory_space<vmem>> -> memref<1x512xf32, #tpu.memory_space<vmem>>
      %dma_wait3A_1637 = tpu.memref_squeeze %dma_wait3A_1636 : memref<1x512xf32, #tpu.memory_space<vmem>> -> memref<512xf32, #tpu.memory_space<vmem>>
      %dma_wait3A_1638 = arith.constant 0 : i32
      %dma_wait3A_1639 = tpu.memref_slice %arg8[%add3A_1450, %dma_wait3A_1638] : memref<6144x512xf32, #tpu.memory_space<hbm>> -> memref<1x512xf32, #tpu.memory_space<hbm>>
      %dma_wait3A_1640 = tpu.memref_squeeze %dma_wait3A_1639 : memref<1x512xf32, #tpu.memory_space<hbm>> -> memref<512xf32, #tpu.memory_space<hbm>>
      %dma_wait3A_1641 = arith.constant 0 : i32
      %dma_wait3A_1642 = tpu.memref_slice %arg8[%add3A_1450, %dma_wait3A_1641] : memref<6144x512xf32, #tpu.memory_space<hbm>> -> memref<1x512xf32, #tpu.memory_space<hbm>>
      %dma_wait3A_1643 = tpu.memref_squeeze %dma_wait3A_1642 : memref<1x512xf32, #tpu.memory_space<hbm>> -> memref<512xf32, #tpu.memory_space<hbm>>
      %dma_wait3A_1644 = arith.constant 0 : i32
      %dma_wait3A_1645 = tpu.memref_slice %arg12[%dma_wait3A_1634, %dma_wait3A_1644] : memref<12x512xf32, #tpu.memory_space<vmem>> -> memref<1x512xf32, #tpu.memory_space<vmem>>
      %dma_wait3A_1646 = tpu.memref_squeeze %dma_wait3A_1645 : memref<1x512xf32, #tpu.memory_space<vmem>> -> memref<512xf32, #tpu.memory_space<vmem>>
      tpu.wait_dma2 semaphore(%arg17 : memref<!tpu.dma_semaphore, #tpu.memory_space<semaphore_mem>>) src(%dma_wait3A_1646 : memref<512xf32, #tpu.memory_space<vmem>>) dst(%dma_wait3A_1643 : memref<512xf32, #tpu.memory_space<hbm>>)
      %dma_wait3A_1647 = arith.constant 8 : i32
      %dma_wait3A_1648 = arith.constant 0 : i32
      %dma_wait3A_1649 = tpu.memref_slice %arg12[%dma_wait3A_1647, %dma_wait3A_1648] : memref<12x512xf32, #tpu.memory_space<vmem>> -> memref<1x512xf32, #tpu.memory_space<vmem>>
      %dma_wait3A_1650 = tpu.memref_squeeze %dma_wait3A_1649 : memref<1x512xf32, #tpu.memory_space<vmem>> -> memref<512xf32, #tpu.memory_space<vmem>>
      %dma_wait3A_1651 = arith.constant 0 : i32
      %dma_wait3A_1652 = tpu.memref_slice %arg8[%add3A_1470, %dma_wait3A_1651] : memref<6144x512xf32, #tpu.memory_space<hbm>> -> memref<1x512xf32, #tpu.memory_space<hbm>>
      %dma_wait3A_1653 = tpu.memref_squeeze %dma_wait3A_1652 : memref<1x512xf32, #tpu.memory_space<hbm>> -> memref<512xf32, #tpu.memory_space<hbm>>
      %dma_wait3A_1654 = arith.constant 0 : i32
      %dma_wait3A_1655 = tpu.memref_slice %arg8[%add3A_1470, %dma_wait3A_1654] : memref<6144x512xf32, #tpu.memory_space<hbm>> -> memref<1x512xf32, #tpu.memory_space<hbm>>
      %dma_wait3A_1656 = tpu.memref_squeeze %dma_wait3A_1655 : memref<1x512xf32, #tpu.memory_space<hbm>> -> memref<512xf32, #tpu.memory_space<hbm>>
      %dma_wait3A_1657 = arith.constant 0 : i32
      %dma_wait3A_1658 = tpu.memref_slice %arg12[%dma_wait3A_1647, %dma_wait3A_1657] : memref<12x512xf32, #tpu.memory_space<vmem>> -> memref<1x512xf32, #tpu.memory_space<vmem>>
      %dma_wait3A_1659 = tpu.memref_squeeze %dma_wait3A_1658 : memref<1x512xf32, #tpu.memory_space<vmem>> -> memref<512xf32, #tpu.memory_space<vmem>>
      tpu.wait_dma2 semaphore(%arg17 : memref<!tpu.dma_semaphore, #tpu.memory_space<semaphore_mem>>) src(%dma_wait3A_1659 : memref<512xf32, #tpu.memory_space<vmem>>) dst(%dma_wait3A_1656 : memref<512xf32, #tpu.memory_space<hbm>>)
      %dma_wait3A_1660 = arith.constant 9 : i32
      %dma_wait3A_1661 = arith.constant 0 : i32
      %dma_wait3A_1662 = tpu.memref_slice %arg12[%dma_wait3A_1660, %dma_wait3A_1661] : memref<12x512xf32, #tpu.memory_space<vmem>> -> memref<1x512xf32, #tpu.memory_space<vmem>>
      %dma_wait3A_1663 = tpu.memref_squeeze %dma_wait3A_1662 : memref<1x512xf32, #tpu.memory_space<vmem>> -> memref<512xf32, #tpu.memory_space<vmem>>
      %dma_wait3A_1664 = arith.constant 0 : i32
      %dma_wait3A_1665 = tpu.memref_slice %arg8[%add3A_1490, %dma_wait3A_1664] : memref<6144x512xf32, #tpu.memory_space<hbm>> -> memref<1x512xf32, #tpu.memory_space<hbm>>
      %dma_wait3A_1666 = tpu.memref_squeeze %dma_wait3A_1665 : memref<1x512xf32, #tpu.memory_space<hbm>> -> memref<512xf32, #tpu.memory_space<hbm>>
      %dma_wait3A_1667 = arith.constant 0 : i32
      %dma_wait3A_1668 = tpu.memref_slice %arg8[%add3A_1490, %dma_wait3A_1667] : memref<6144x512xf32, #tpu.memory_space<hbm>> -> memref<1x512xf32, #tpu.memory_space<hbm>>
      %dma_wait3A_1669 = tpu.memref_squeeze %dma_wait3A_1668 : memref<1x512xf32, #tpu.memory_space<hbm>> -> memref<512xf32, #tpu.memory_space<hbm>>
      %dma_wait3A_1670 = arith.constant 0 : i32
      %dma_wait3A_1671 = tpu.memref_slice %arg12[%dma_wait3A_1660, %dma_wait3A_1670] : memref<12x512xf32, #tpu.memory_space<vmem>> -> memref<1x512xf32, #tpu.memory_space<vmem>>
      %dma_wait3A_1672 = tpu.memref_squeeze %dma_wait3A_1671 : memref<1x512xf32, #tpu.memory_space<vmem>> -> memref<512xf32, #tpu.memory_space<vmem>>
      tpu.wait_dma2 semaphore(%arg17 : memref<!tpu.dma_semaphore, #tpu.memory_space<semaphore_mem>>) src(%dma_wait3A_1672 : memref<512xf32, #tpu.memory_space<vmem>>) dst(%dma_wait3A_1669 : memref<512xf32, #tpu.memory_space<hbm>>)
      %dma_wait3A_1673 = arith.constant 10 : i32
      %dma_wait3A_1674 = arith.constant 0 : i32
      %dma_wait3A_1675 = tpu.memref_slice %arg12[%dma_wait3A_1673, %dma_wait3A_1674] : memref<12x512xf32, #tpu.memory_space<vmem>> -> memref<1x512xf32, #tpu.memory_space<vmem>>
      %dma_wait3A_1676 = tpu.memref_squeeze %dma_wait3A_1675 : memref<1x512xf32, #tpu.memory_space<vmem>> -> memref<512xf32, #tpu.memory_space<vmem>>
      %dma_wait3A_1677 = arith.constant 0 : i32
      %dma_wait3A_1678 = tpu.memref_slice %arg8[%add3A_1510, %dma_wait3A_1677] : memref<6144x512xf32, #tpu.memory_space<hbm>> -> memref<1x512xf32, #tpu.memory_space<hbm>>
      %dma_wait3A_1679 = tpu.memref_squeeze %dma_wait3A_1678 : memref<1x512xf32, #tpu.memory_space<hbm>> -> memref<512xf32, #tpu.memory_space<hbm>>
      %dma_wait3A_1680 = arith.constant 0 : i32
      %dma_wait3A_1681 = tpu.memref_slice %arg8[%add3A_1510, %dma_wait3A_1680] : memref<6144x512xf32, #tpu.memory_space<hbm>> -> memref<1x512xf32, #tpu.memory_space<hbm>>
      %dma_wait3A_1682 = tpu.memref_squeeze %dma_wait3A_1681 : memref<1x512xf32, #tpu.memory_space<hbm>> -> memref<512xf32, #tpu.memory_space<hbm>>
      %dma_wait3A_1683 = arith.constant 0 : i32
      %dma_wait3A_1684 = tpu.memref_slice %arg12[%dma_wait3A_1673, %dma_wait3A_1683] : memref<12x512xf32, #tpu.memory_space<vmem>> -> memref<1x512xf32, #tpu.memory_space<vmem>>
      %dma_wait3A_1685 = tpu.memref_squeeze %dma_wait3A_1684 : memref<1x512xf32, #tpu.memory_space<vmem>> -> memref<512xf32, #tpu.memory_space<vmem>>
      tpu.wait_dma2 semaphore(%arg17 : memref<!tpu.dma_semaphore, #tpu.memory_space<semaphore_mem>>) src(%dma_wait3A_1685 : memref<512xf32, #tpu.memory_space<vmem>>) dst(%dma_wait3A_1682 : memref<512xf32, #tpu.memory_space<hbm>>)
      %dma_wait3A_1686 = arith.constant 11 : i32
      %dma_wait3A_1687 = arith.constant 0 : i32
      %dma_wait3A_1688 = tpu.memref_slice %arg12[%dma_wait3A_1686, %dma_wait3A_1687] : memref<12x512xf32, #tpu.memory_space<vmem>> -> memref<1x512xf32, #tpu.memory_space<vmem>>
      %dma_wait3A_1689 = tpu.memref_squeeze %dma_wait3A_1688 : memref<1x512xf32, #tpu.memory_space<vmem>> -> memref<512xf32, #tpu.memory_space<vmem>>
      %dma_wait3A_1690 = arith.constant 0 : i32
      %dma_wait3A_1691 = tpu.memref_slice %arg8[%add3A_1530, %dma_wait3A_1690] : memref<6144x512xf32, #tpu.memory_space<hbm>> -> memref<1x512xf32, #tpu.memory_space<hbm>>
      %dma_wait3A_1692 = tpu.memref_squeeze %dma_wait3A_1691 : memref<1x512xf32, #tpu.memory_space<hbm>> -> memref<512xf32, #tpu.memory_space<hbm>>
      %dma_wait3A_1693 = arith.constant 0 : i32
      %dma_wait3A_1694 = tpu.memref_slice %arg8[%add3A_1530, %dma_wait3A_1693] : memref<6144x512xf32, #tpu.memory_space<hbm>> -> memref<1x512xf32, #tpu.memory_space<hbm>>
      %dma_wait3A_1695 = tpu.memref_squeeze %dma_wait3A_1694 : memref<1x512xf32, #tpu.memory_space<hbm>> -> memref<512xf32, #tpu.memory_space<hbm>>
      %dma_wait3A_1696 = arith.constant 0 : i32
      %dma_wait3A_1697 = tpu.memref_slice %arg12[%dma_wait3A_1686, %dma_wait3A_1696] : memref<12x512xf32, #tpu.memory_space<vmem>> -> memref<1x512xf32, #tpu.memory_space<vmem>>
      %dma_wait3A_1698 = tpu.memref_squeeze %dma_wait3A_1697 : memref<1x512xf32, #tpu.memory_space<vmem>> -> memref<512xf32, #tpu.memory_space<vmem>>
      tpu.wait_dma2 semaphore(%arg17 : memref<!tpu.dma_semaphore, #tpu.memory_space<semaphore_mem>>) src(%dma_wait3A_1698 : memref<512xf32, #tpu.memory_space<vmem>>) dst(%dma_wait3A_1695 : memref<512xf32, #tpu.memory_space<hbm>>)
    }
    %scan3A_37 = arith.constant 16 : i32
    return
  }
}

module attributes {stable_mosaic.version = 14 : i64} {
  func.func @_upsample_body(%arg0: i32, %arg1: memref<1x1536x16xf32, #tpu.memory_space<vmem>>, %arg2: memref<16x512xf32, #tpu.memory_space<vmem>>, %arg3: memref<1x1536x512xf32, #tpu.memory_space<vmem>>) attributes {dimension_semantics = [#tpu.dimension_semantics<arbitrary>], iteration_bounds = array<i64: 3>, scalar_prefetch = 0 : i64, scratch_operands = 0 : i64, tpu.core_type = #tpu.core_type<tc>, window_params = [{transform_indices = @transform_0, window_bounds = array<i64: 1, 1536, 16>}, {pipeline_mode = #tpu.pipeline_mode<synchronous>, transform_indices = @transform_1, window_bounds = array<i64: 16, 512>}, {transform_indices = @transform_2, window_bounds = array<i64: 1, 1536, 512>}]} {
    %get3A = arith.constant 0 : index
    %get3A_0 = arith.constant 0 : index
    %get3A_1 = arith.constant 0 : index
    %get3A_2 = vector.load %arg1[%get3A, %get3A_0, %get3A_1] : memref<1x1536x16xf32, #tpu.memory_space<vmem>>, vector<1x1536x16xf32>
    %get3A_3 = vector.shape_cast %get3A_2 : vector<1x1536x16xf32> to vector<1536x16xf32>
    %get3A_4 = arith.constant 0 : index
    %get3A_5 = arith.constant 0 : index
    %get3A_6 = vector.load %arg2[%get3A_4, %get3A_5] : memref<16x512xf32, #tpu.memory_space<vmem>>, vector<16x512xf32>
    %dot_general3A = arith.constant dense<0.000000e+00> : vector<1536x512xf32>
    %dot_general3A_7 = tpu.matmul %get3A_3, %get3A_6, %dot_general3A {dimension_numbers = #tpu.dot_dimension_numbers<[1], [0], [0], [1], [0, 0, 1, 1], [], []>, transpose_lhs_hint = false} : vector<1536x16xf32>, vector<16x512xf32>, vector<1536x512xf32> -> vector<1536x512xf32>
    %swap3A = arith.constant 0 : index
    %swap3A_8 = arith.constant 0 : index
    %swap3A_9 = arith.constant 0 : index
    %swap3A_10 = vector.load %arg3[%swap3A, %swap3A_8, %swap3A_9] : memref<1x1536x512xf32, #tpu.memory_space<vmem>>, vector<1x1536x512xf32>
    %swap3A_11 = vector.shape_cast %swap3A_10 : vector<1x1536x512xf32> to vector<1536x512xf32>
    %swap3A_12 = vector.shape_cast %dot_general3A_7 : vector<1536x512xf32> to vector<1x1536x512xf32>
    tpu.vector_store %arg3[%swap3A, %swap3A_8, %swap3A_9], %swap3A_12 {strides = array<i32>} : memref<1x1536x512xf32, #tpu.memory_space<vmem>>, vector<1x1536x512xf32>,
    return
  }
  func.func @transform_0(%arg0: i32) -> (i32, i32, i32) {
    %c0_i32 = arith.constant 0 : i32
    %c0_i32_0 = arith.constant 0 : i32
    %c0_i32_1 = arith.constant 0 : i32
    return %arg0, %c0_i32, %c0_i32_0 : i32, i32, i32
  }
  func.func @transform_1(%arg0: i32) -> (i32, i32) {
    %c0_i32 = arith.constant 0 : i32
    %c0_i32_0 = arith.constant 0 : i32
    %c0_i32_1 = arith.constant 0 : i32
    return %c0_i32, %c0_i32_0 : i32, i32
  }
  func.func @transform_2(%arg0: i32) -> (i32, i32, i32) {
    %c0_i32 = arith.constant 0 : i32
    %c0_i32_0 = arith.constant 0 : i32
    %c0_i32_1 = arith.constant 0 : i32
    return %arg0, %c0_i32, %c0_i32_0 : i32, i32, i32
  }
}

module attributes {stable_mosaic.version = 14 : i64} {
  func.func @_slice_body(%arg0: i32, %arg1: i32, %arg2: i32, %arg3: memref<1x16x12288xf32, #tpu.memory_space<vmem>>, %arg4: memref<256x16xf32, #tpu.memory_space<vmem>>, %arg5: memref<1x256x512xf32, #tpu.memory_space<vmem>>, %arg6: memref<1x3x256x512xf32, #tpu.memory_space<vmem>>) attributes {dimension_semantics = [#tpu.dimension_semantics<arbitrary>, #tpu.dimension_semantics<arbitrary>, #tpu.dimension_semantics<arbitrary>], iteration_bounds = array<i64: 3, 4, 2>, scalar_prefetch = 0 : i64, scratch_operands = 0 : i64, tpu.core_type = #tpu.core_type<tc>, window_params = [{transform_indices = @transform_0, window_bounds = array<i64: 1, 16, 12288>}, {transform_indices = @transform_1, window_bounds = array<i64: 256, 16>}, {transform_indices = @transform_2, window_bounds = array<i64: 1, 256, 512>}, {transform_indices = @transform_3, window_bounds = array<i64: 1, 3, 256, 512>}]} {
    %get3A = arith.constant 0 : index
    %get3A_0 = arith.constant 0 : index
    %get3A_1 = vector.load %arg4[%get3A, %get3A_0] : memref<256x16xf32, #tpu.memory_space<vmem>>, vector<256x16xf32>
    %get3A_2 = arith.constant 0 : index
    %get3A_3 = arith.constant 0 : index
    %get3A_4 = arith.constant 0 : index
    %get3A_5 = vector.load %arg3[%get3A_2, %get3A_3, %get3A_4] : memref<1x16x12288xf32, #tpu.memory_space<vmem>>, vector<1x16x12288xf32>
    %get3A_6 = vector.shape_cast %get3A_5 : vector<1x16x12288xf32> to vector<16x12288xf32>
    %dot_general3A = arith.constant dense<0.000000e+00> : vector<256x12288xf32>
    %dot_general3A_7 = tpu.matmul %get3A_1, %get3A_6, %dot_general3A {dimension_numbers = #tpu.dot_dimension_numbers<[1], [0], [0], [1], [0, 0, 1, 1], [], []>, transpose_lhs_hint = false} : vector<256x16xf32>, vector<16x12288xf32>, vector<256x12288xf32> -> vector<256x12288xf32>
    %get3A_8 = arith.constant 0 : index
    %get3A_9 = arith.constant 0 : index
    %get3A_10 = arith.constant 0 : index
    %get3A_11 = vector.load %arg5[%get3A_8, %get3A_9, %get3A_10] : memref<1x256x512xf32, #tpu.memory_space<vmem>>, vector<1x256x512xf32>
    %get3A_12 = vector.shape_cast %get3A_11 : vector<1x256x512xf32> to vector<256x512xf32>
    %add3A = arith.constant 1.000000e+00 : f32
    %add3A_13 = vector.broadcast %add3A : f32 to vector<256x512xf32>
    %add3A_14 = arith.addf %get3A_12, %add3A_13 : vector<256x512xf32>
    %mul3A = arith.constant 3.500000e+00 : f32
    %mul3A_15 = vector.broadcast %mul3A : f32 to vector<256x512xf32>
    %mul3A_16 = arith.mulf %add3A_14, %mul3A_15 : vector<256x512xf32>
    %jit3A = arith.constant 0.000000e+00 : f32
    %jit3A_17 = arith.constant 7.000000e+00 : f32
    %max3A = vector.broadcast %jit3A : f32 to vector<256x512xf32>
    %max3A_18 = arith.maximumf %max3A, %mul3A_16 : vector<256x512xf32>
    %min3A = vector.broadcast %jit3A_17 : f32 to vector<256x512xf32>
    %min3A_19 = arith.minimumf %min3A, %max3A_18 : vector<256x512xf32>
    %sub3A = arith.constant 0.000000e+00 : f32
    %sub3A_20 = vector.broadcast %sub3A : f32 to vector<256x512xf32>
    %sub3A_21 = arith.subf %min3A_19, %sub3A_20 : vector<256x512xf32>
    %abs3A = math.absf %sub3A_21 : vector<256x512xf32>
    %sub3A_22 = arith.constant 1.000000e+00 : f32
    %sub3A_23 = vector.broadcast %sub3A_22 : f32 to vector<256x512xf32>
    %sub3A_24 = arith.subf %sub3A_23, %abs3A : vector<256x512xf32>
    %max3A_25 = arith.constant 0.000000e+00 : f32
    %max3A_26 = vector.broadcast %max3A_25 : f32 to vector<256x512xf32>
    %max3A_27 = arith.maximumf %max3A_26, %sub3A_24 : vector<256x512xf32>
    %sub3A_28 = arith.constant 1.000000e+00 : f32
    %sub3A_29 = vector.broadcast %sub3A_28 : f32 to vector<256x512xf32>
    %sub3A_30 = arith.subf %min3A_19, %sub3A_29 : vector<256x512xf32>
    %abs3A_31 = math.absf %sub3A_30 : vector<256x512xf32>
    %sub3A_32 = arith.constant 1.000000e+00 : f32
    %sub3A_33 = vector.broadcast %sub3A_32 : f32 to vector<256x512xf32>
    %sub3A_34 = arith.subf %sub3A_33, %abs3A_31 : vector<256x512xf32>
    %max3A_35 = arith.constant 0.000000e+00 : f32
    %max3A_36 = vector.broadcast %max3A_35 : f32 to vector<256x512xf32>
    %max3A_37 = arith.maximumf %max3A_36, %sub3A_34 : vector<256x512xf32>
    %sub3A_38 = arith.constant 2.000000e+00 : f32
    %sub3A_39 = vector.broadcast %sub3A_38 : f32 to vector<256x512xf32>
    %sub3A_40 = arith.subf %min3A_19, %sub3A_39 : vector<256x512xf32>
    %abs3A_41 = math.absf %sub3A_40 : vector<256x512xf32>
    %sub3A_42 = arith.constant 1.000000e+00 : f32
    %sub3A_43 = vector.broadcast %sub3A_42 : f32 to vector<256x512xf32>
    %sub3A_44 = arith.subf %sub3A_43, %abs3A_41 : vector<256x512xf32>
    %max3A_45 = arith.constant 0.000000e+00 : f32
    %max3A_46 = vector.broadcast %max3A_45 : f32 to vector<256x512xf32>
    %max3A_47 = arith.maximumf %max3A_46, %sub3A_44 : vector<256x512xf32>
    %sub3A_48 = arith.constant 3.000000e+00 : f32
    %sub3A_49 = vector.broadcast %sub3A_48 : f32 to vector<256x512xf32>
    %sub3A_50 = arith.subf %min3A_19, %sub3A_49 : vector<256x512xf32>
    %abs3A_51 = math.absf %sub3A_50 : vector<256x512xf32>
    %sub3A_52 = arith.constant 1.000000e+00 : f32
    %sub3A_53 = vector.broadcast %sub3A_52 : f32 to vector<256x512xf32>
    %sub3A_54 = arith.subf %sub3A_53, %abs3A_51 : vector<256x512xf32>
    %max3A_55 = arith.constant 0.000000e+00 : f32
    %max3A_56 = vector.broadcast %max3A_55 : f32 to vector<256x512xf32>
    %max3A_57 = arith.maximumf %max3A_56, %sub3A_54 : vector<256x512xf32>
    %sub3A_58 = arith.constant 4.000000e+00 : f32
    %sub3A_59 = vector.broadcast %sub3A_58 : f32 to vector<256x512xf32>
    %sub3A_60 = arith.subf %min3A_19, %sub3A_59 : vector<256x512xf32>
    %abs3A_61 = math.absf %sub3A_60 : vector<256x512xf32>
    %sub3A_62 = arith.constant 1.000000e+00 : f32
    %sub3A_63 = vector.broadcast %sub3A_62 : f32 to vector<256x512xf32>
    %sub3A_64 = arith.subf %sub3A_63, %abs3A_61 : vector<256x512xf32>
    %max3A_65 = arith.constant 0.000000e+00 : f32
    %max3A_66 = vector.broadcast %max3A_65 : f32 to vector<256x512xf32>
    %max3A_67 = arith.maximumf %max3A_66, %sub3A_64 : vector<256x512xf32>
    %sub3A_68 = arith.constant 5.000000e+00 : f32
    %sub3A_69 = vector.broadcast %sub3A_68 : f32 to vector<256x512xf32>
    %sub3A_70 = arith.subf %min3A_19, %sub3A_69 : vector<256x512xf32>
    %abs3A_71 = math.absf %sub3A_70 : vector<256x512xf32>
    %sub3A_72 = arith.constant 1.000000e+00 : f32
    %sub3A_73 = vector.broadcast %sub3A_72 : f32 to vector<256x512xf32>
    %sub3A_74 = arith.subf %sub3A_73, %abs3A_71 : vector<256x512xf32>
    %max3A_75 = arith.constant 0.000000e+00 : f32
    %max3A_76 = vector.broadcast %max3A_75 : f32 to vector<256x512xf32>
    %max3A_77 = arith.maximumf %max3A_76, %sub3A_74 : vector<256x512xf32>
    %sub3A_78 = arith.constant 6.000000e+00 : f32
    %sub3A_79 = vector.broadcast %sub3A_78 : f32 to vector<256x512xf32>
    %sub3A_80 = arith.subf %min3A_19, %sub3A_79 : vector<256x512xf32>
    %abs3A_81 = math.absf %sub3A_80 : vector<256x512xf32>
    %sub3A_82 = arith.constant 1.000000e+00 : f32
    %sub3A_83 = vector.broadcast %sub3A_82 : f32 to vector<256x512xf32>
    %sub3A_84 = arith.subf %sub3A_83, %abs3A_81 : vector<256x512xf32>
    %max3A_85 = arith.constant 0.000000e+00 : f32
    %max3A_86 = vector.broadcast %max3A_85 : f32 to vector<256x512xf32>
    %max3A_87 = arith.maximumf %max3A_86, %sub3A_84 : vector<256x512xf32>
    %sub3A_88 = arith.constant 7.000000e+00 : f32
    %sub3A_89 = vector.broadcast %sub3A_88 : f32 to vector<256x512xf32>
    %sub3A_90 = arith.subf %min3A_19, %sub3A_89 : vector<256x512xf32>
    %abs3A_91 = math.absf %sub3A_90 : vector<256x512xf32>
    %sub3A_92 = arith.constant 1.000000e+00 : f32
    %sub3A_93 = vector.broadcast %sub3A_92 : f32 to vector<256x512xf32>
    %sub3A_94 = arith.subf %sub3A_93, %abs3A_91 : vector<256x512xf32>
    %max3A_95 = arith.constant 0.000000e+00 : f32
    %max3A_96 = vector.broadcast %max3A_95 : f32 to vector<256x512xf32>
    %max3A_97 = arith.maximumf %max3A_96, %sub3A_94 : vector<256x512xf32>
    %slice3A = vector.extract_strided_slice %dot_general3A_7 {offsets = [0, 0], sizes = [256, 512], strides = [1, 1]} : vector<256x12288xf32> to vector<256x512xf32>
    %mul3A_98 = arith.mulf %max3A_27, %slice3A : vector<256x512xf32>
    %slice3A_99 = vector.extract_strided_slice %dot_general3A_7 {offsets = [0, 512], sizes = [256, 512], strides = [1, 1]} : vector<256x12288xf32> to vector<256x512xf32>
    %mul3A_100 = arith.mulf %max3A_37, %slice3A_99 : vector<256x512xf32>
    %add3A_101 = arith.addf %mul3A_98, %mul3A_100 : vector<256x512xf32>
    %slice3A_102 = vector.extract_strided_slice %dot_general3A_7 {offsets = [0, 1024], sizes = [256, 512], strides = [1, 1]} : vector<256x12288xf32> to vector<256x512xf32>
    %mul3A_103 = arith.mulf %max3A_47, %slice3A_102 : vector<256x512xf32>
    %add3A_104 = arith.addf %add3A_101, %mul3A_103 : vector<256x512xf32>
    %slice3A_105 = vector.extract_strided_slice %dot_general3A_7 {offsets = [0, 1536], sizes = [256, 512], strides = [1, 1]} : vector<256x12288xf32> to vector<256x512xf32>
    %mul3A_106 = arith.mulf %max3A_57, %slice3A_105 : vector<256x512xf32>
    %add3A_107 = arith.addf %add3A_104, %mul3A_106 : vector<256x512xf32>
    %slice3A_108 = vector.extract_strided_slice %dot_general3A_7 {offsets = [0, 2048], sizes = [256, 512], strides = [1, 1]} : vector<256x12288xf32> to vector<256x512xf32>
    %mul3A_109 = arith.mulf %max3A_67, %slice3A_108 : vector<256x512xf32>
    %add3A_110 = arith.addf %add3A_107, %mul3A_109 : vector<256x512xf32>
    %slice3A_111 = vector.extract_strided_slice %dot_general3A_7 {offsets = [0, 2560], sizes = [256, 512], strides = [1, 1]} : vector<256x12288xf32> to vector<256x512xf32>
    %mul3A_112 = arith.mulf %max3A_77, %slice3A_111 : vector<256x512xf32>
    %add3A_113 = arith.addf %add3A_110, %mul3A_112 : vector<256x512xf32>
    %slice3A_114 = vector.extract_strided_slice %dot_general3A_7 {offsets = [0, 3072], sizes = [256, 512], strides = [1, 1]} : vector<256x12288xf32> to vector<256x512xf32>
    %mul3A_115 = arith.mulf %max3A_87, %slice3A_114 : vector<256x512xf32>
    %add3A_116 = arith.addf %add3A_113, %mul3A_115 : vector<256x512xf32>
    %slice3A_117 = vector.extract_strided_slice %dot_general3A_7 {offsets = [0, 3584], sizes = [256, 512], strides = [1, 1]} : vector<256x12288xf32> to vector<256x512xf32>
    %mul3A_118 = arith.mulf %max3A_97, %slice3A_117 : vector<256x512xf32>
    %add3A_119 = arith.addf %add3A_116, %mul3A_118 : vector<256x512xf32>
    %swap3A = arith.constant 0 : index
    %swap3A_120 = arith.constant 0 : index
    %swap3A_121 = arith.constant 0 : index
    %swap3A_122 = arith.constant 0 : index
    %swap3A_123 = vector.load %arg6[%swap3A, %swap3A_120, %swap3A_121, %swap3A_122] : memref<1x3x256x512xf32, #tpu.memory_space<vmem>>, vector<1x1x256x512xf32>
    %swap3A_124 = vector.shape_cast %swap3A_123 : vector<1x1x256x512xf32> to vector<256x512xf32>
    %swap3A_125 = vector.shape_cast %add3A_119 : vector<256x512xf32> to vector<1x1x256x512xf32>
    tpu.vector_store %arg6[%swap3A, %swap3A_120, %swap3A_121, %swap3A_122], %swap3A_125 {strides = array<i32>} : memref<1x3x256x512xf32, #tpu.memory_space<vmem>>, vector<1x1x256x512xf32>,
    %slice3A_126 = vector.extract_strided_slice %dot_general3A_7 {offsets = [0, 4096], sizes = [256, 512], strides = [1, 1]} : vector<256x12288xf32> to vector<256x512xf32>
    %mul3A_127 = arith.mulf %max3A_27, %slice3A_126 : vector<256x512xf32>
    %slice3A_128 = vector.extract_strided_slice %dot_general3A_7 {offsets = [0, 4608], sizes = [256, 512], strides = [1, 1]} : vector<256x12288xf32> to vector<256x512xf32>
    %mul3A_129 = arith.mulf %max3A_37, %slice3A_128 : vector<256x512xf32>
    %add3A_130 = arith.addf %mul3A_127, %mul3A_129 : vector<256x512xf32>
    %slice3A_131 = vector.extract_strided_slice %dot_general3A_7 {offsets = [0, 5120], sizes = [256, 512], strides = [1, 1]} : vector<256x12288xf32> to vector<256x512xf32>
    %mul3A_132 = arith.mulf %max3A_47, %slice3A_131 : vector<256x512xf32>
    %add3A_133 = arith.addf %add3A_130, %mul3A_132 : vector<256x512xf32>
    %slice3A_134 = vector.extract_strided_slice %dot_general3A_7 {offsets = [0, 5632], sizes = [256, 512], strides = [1, 1]} : vector<256x12288xf32> to vector<256x512xf32>
    %mul3A_135 = arith.mulf %max3A_57, %slice3A_134 : vector<256x512xf32>
    %add3A_136 = arith.addf %add3A_133, %mul3A_135 : vector<256x512xf32>
    %slice3A_137 = vector.extract_strided_slice %dot_general3A_7 {offsets = [0, 6144], sizes = [256, 512], strides = [1, 1]} : vector<256x12288xf32> to vector<256x512xf32>
    %mul3A_138 = arith.mulf %max3A_67, %slice3A_137 : vector<256x512xf32>
    %add3A_139 = arith.addf %add3A_136, %mul3A_138 : vector<256x512xf32>
    %slice3A_140 = vector.extract_strided_slice %dot_general3A_7 {offsets = [0, 6656], sizes = [256, 512], strides = [1, 1]} : vector<256x12288xf32> to vector<256x512xf32>
    %mul3A_141 = arith.mulf %max3A_77, %slice3A_140 : vector<256x512xf32>
    %add3A_142 = arith.addf %add3A_139, %mul3A_141 : vector<256x512xf32>
    %slice3A_143 = vector.extract_strided_slice %dot_general3A_7 {offsets = [0, 7168], sizes = [256, 512], strides = [1, 1]} : vector<256x12288xf32> to vector<256x512xf32>
    %mul3A_144 = arith.mulf %max3A_87, %slice3A_143 : vector<256x512xf32>
    %add3A_145 = arith.addf %add3A_142, %mul3A_144 : vector<256x512xf32>
    %slice3A_146 = vector.extract_strided_slice %dot_general3A_7 {offsets = [0, 7680], sizes = [256, 512], strides = [1, 1]} : vector<256x12288xf32> to vector<256x512xf32>
    %mul3A_147 = arith.mulf %max3A_97, %slice3A_146 : vector<256x512xf32>
    %add3A_148 = arith.addf %add3A_145, %mul3A_147 : vector<256x512xf32>
    %swap3A_149 = arith.constant 0 : index
    %swap3A_150 = arith.constant 1 : index
    %swap3A_151 = arith.constant 0 : index
    %swap3A_152 = arith.constant 0 : index
    %swap3A_153 = vector.load %arg6[%swap3A_149, %swap3A_150, %swap3A_151, %swap3A_152] : memref<1x3x256x512xf32, #tpu.memory_space<vmem>>, vector<1x1x256x512xf32>
    %swap3A_154 = vector.shape_cast %swap3A_153 : vector<1x1x256x512xf32> to vector<256x512xf32>
    %swap3A_155 = vector.shape_cast %add3A_148 : vector<256x512xf32> to vector<1x1x256x512xf32>
    tpu.vector_store %arg6[%swap3A_149, %swap3A_150, %swap3A_151, %swap3A_152], %swap3A_155 {strides = array<i32>} : memref<1x3x256x512xf32, #tpu.memory_space<vmem>>, vector<1x1x256x512xf32>,
    %slice3A_156 = vector.extract_strided_slice %dot_general3A_7 {offsets = [0, 8192], sizes = [256, 512], strides = [1, 1]} : vector<256x12288xf32> to vector<256x512xf32>
    %mul3A_157 = arith.mulf %max3A_27, %slice3A_156 : vector<256x512xf32>
    %slice3A_158 = vector.extract_strided_slice %dot_general3A_7 {offsets = [0, 8704], sizes = [256, 512], strides = [1, 1]} : vector<256x12288xf32> to vector<256x512xf32>
    %mul3A_159 = arith.mulf %max3A_37, %slice3A_158 : vector<256x512xf32>
    %add3A_160 = arith.addf %mul3A_157, %mul3A_159 : vector<256x512xf32>
    %slice3A_161 = vector.extract_strided_slice %dot_general3A_7 {offsets = [0, 9216], sizes = [256, 512], strides = [1, 1]} : vector<256x12288xf32> to vector<256x512xf32>
    %mul3A_162 = arith.mulf %max3A_47, %slice3A_161 : vector<256x512xf32>
    %add3A_163 = arith.addf %add3A_160, %mul3A_162 : vector<256x512xf32>
    %slice3A_164 = vector.extract_strided_slice %dot_general3A_7 {offsets = [0, 9728], sizes = [256, 512], strides = [1, 1]} : vector<256x12288xf32> to vector<256x512xf32>
    %mul3A_165 = arith.mulf %max3A_57, %slice3A_164 : vector<256x512xf32>
    %add3A_166 = arith.addf %add3A_163, %mul3A_165 : vector<256x512xf32>
    %slice3A_167 = vector.extract_strided_slice %dot_general3A_7 {offsets = [0, 10240], sizes = [256, 512], strides = [1, 1]} : vector<256x12288xf32> to vector<256x512xf32>
    %mul3A_168 = arith.mulf %max3A_67, %slice3A_167 : vector<256x512xf32>
    %add3A_169 = arith.addf %add3A_166, %mul3A_168 : vector<256x512xf32>
    %slice3A_170 = vector.extract_strided_slice %dot_general3A_7 {offsets = [0, 10752], sizes = [256, 512], strides = [1, 1]} : vector<256x12288xf32> to vector<256x512xf32>
    %mul3A_171 = arith.mulf %max3A_77, %slice3A_170 : vector<256x512xf32>
    %add3A_172 = arith.addf %add3A_169, %mul3A_171 : vector<256x512xf32>
    %slice3A_173 = vector.extract_strided_slice %dot_general3A_7 {offsets = [0, 11264], sizes = [256, 512], strides = [1, 1]} : vector<256x12288xf32> to vector<256x512xf32>
    %mul3A_174 = arith.mulf %max3A_87, %slice3A_173 : vector<256x512xf32>
    %add3A_175 = arith.addf %add3A_172, %mul3A_174 : vector<256x512xf32>
    %slice3A_176 = vector.extract_strided_slice %dot_general3A_7 {offsets = [0, 11776], sizes = [256, 512], strides = [1, 1]} : vector<256x12288xf32> to vector<256x512xf32>
    %mul3A_177 = arith.mulf %max3A_97, %slice3A_176 : vector<256x512xf32>
    %add3A_178 = arith.addf %add3A_175, %mul3A_177 : vector<256x512xf32>
    %swap3A_179 = arith.constant 0 : index
    %swap3A_180 = arith.constant 2 : index
    %swap3A_181 = arith.constant 0 : index
    %swap3A_182 = arith.constant 0 : index
    %swap3A_183 = vector.load %arg6[%swap3A_179, %swap3A_180, %swap3A_181, %swap3A_182] : memref<1x3x256x512xf32, #tpu.memory_space<vmem>>, vector<1x1x256x512xf32>
    %swap3A_184 = vector.shape_cast %swap3A_183 : vector<1x1x256x512xf32> to vector<256x512xf32>
    %swap3A_185 = vector.shape_cast %add3A_178 : vector<256x512xf32> to vector<1x1x256x512xf32>
    tpu.vector_store %arg6[%swap3A_179, %swap3A_180, %swap3A_181, %swap3A_182], %swap3A_185 {strides = array<i32>} : memref<1x3x256x512xf32, #tpu.memory_space<vmem>>, vector<1x1x256x512xf32>,
    return
  }
  func.func @transform_0(%arg0: i32, %arg1: i32, %arg2: i32) -> (i32, i32, i32) {
    %c0_i32 = arith.constant 0 : i32
    %c0_i32_0 = arith.constant 0 : i32
    return %arg0, %c0_i32, %arg1 : i32, i32, i32
  }
  func.func @transform_1(%arg0: i32, %arg1: i32, %arg2: i32) -> (i32, i32) {
    %c0_i32 = arith.constant 0 : i32
    %c0_i32_0 = arith.constant 0 : i32
    return %arg2, %c0_i32 : i32, i32
  }
  func.func @transform_2(%arg0: i32, %arg1: i32, %arg2: i32) -> (i32, i32, i32) {
    %c0_i32 = arith.constant 0 : i32
    %c0_i32_0 = arith.constant 0 : i32
    return %arg0, %arg2, %c0_i32 : i32, i32, i32
  }
  func.func @transform_3(%arg0: i32, %arg1: i32, %arg2: i32) -> (i32, i32, i32, i32) {
    %c0_i32 = arith.constant 0 : i32
    %c0_i32_0 = arith.constant 0 : i32
    return %arg0, %arg1, %arg2, %c0_i32 : i32, i32, i32, i32
  }
}

</mosaic_0001>

<sc_bundles>
// kernel: kernel.5.cloned.1.call-start
scs
__scs_entry_jumppad:
0x0: {  	(pc) =	sbr.rel $0x88, $3  }
0x1: {  	(tag) =	ssettag $0x0;
	lr =	simm.s32 $0x1  }
0x2: {  	[smem:$0x3F9F] =	sst lr;
	_ =	strace $0xD0000000  }
0x3: {  	_ = 	snop  }
0x4: {  	_ = 	snop  }
0x5: {  	_ = 	snop  }
0x6: {  	_ = 	snop  }
0x7: {  	_ = 	snop  }
__scs_overlays_trampoline_lowered:
0x8: {  	[smem:$0x3FAE] =	sst s0  }
0x9: {  	[smem:$0x3FAF] =	sst s1  }
0xa: {  	[smem:$0x3FB0] =	sst s2  }
0xb: {  	[smem:$0x3FB1] =	sst s3  }
0xc: {  	[smem:$0x3FB2] =	sst s4  }
0xd: {  	[smem:$0x3FB3] =	sst s5  }
0xe: {  	[smem:$0x3FB4] =	sst s6  }
0xf: {  	[smem:$0x3FB5] =	sst s7  }
0x10: {  	[smem:$0x3FB6] =	sst s8  }
0x11: {  	[smem:$0x3FB7] =	sst s9;
	s0 =	simm.s32 @!p0 $0x0  }
0x12: {  	s1 =	sld [smem:$0x3F9D];
	s0 =	simm.s32 @p0 $0x1  }
0x13: {  	[smem:$0x3FB8] =	sst s0;
	s0 =	simm.s32 @!p1 $0x0  }
0x14: {  	s2 =	sld [smem:$0x3F9C];
	s0 =	simm.s32 @p1 $0x1  }
0x15: {  	[smem:$0x3FB9] =	sst s0;
	s0 =	simm.s32 @!p2 $0x0  }
0x16: {  	s3 =	sld [smem:$0x3FDB];
	s0 =	simm.s32 @p2 $0x1  }
0x17: {  	s4 =	simm.s32 $0x1BF5;
	[smem:$0x3FBB] =	sst s0  }
0x18: {  	s0 =	sld [smem:$0x3F9E];
	_ =	swait.ge [sflag:s4], $0x0  }
0x19: {  	s7 =	sld [smem:$0x3F9F]  }
0x1a: {  	s8 =	sadd.s32 $0xFFFFE003, lr  }
0x1b: {  	s9 =	sadd.s32 $0xFFFFFEF7, lr;
	s5 =	simm.s32 $0xFFFFFFFF;
	p2 =	slt.u32 s8, $0xFFFFF086  }
0x1c: {  	p1 =	slt.u32 s9, $0xF7A;
	s5 =	simm.s32 @!p2 $0x0  }
0x1d: {  	s5 =	simm.s32 @p1 $0x1;
	p0 =	seq.s32 s7, s2  }
0x1e: {  	s7 =	smul.u32 @!p0 $0xF7A, s2;
	p2 =	seq.s32 @!p0 s5, $0x0  }
0x1f: {  	s9 =	smul.u32 $0xF7A, s1;
	s8 =	simm.s32 @!p0 $0x1BF5;
	p2 =	por !p2, p0  }
0x20: {  	[sflag:s8] =	ssyncset.s32 @!p0 $0xFFFFF086;
	s6 =	sadd.s32 @!p0 s3, s7;
	s7 =	simm.s32 @!p0 $0x108  }
0x21: {  	s3 =	sadd.s32 s3, s9;
	s6 =	sadd.s32 @!p0 $0x88, s6;
	s7 =	simm.s32 @p2 $0x1082  }
0x22: {  	[simem:s7], [sflag:s8] =	dma.local @!p0 [hbm:s6], $0xF7A  }
0x23: {  	s9 =	sor.u32 $0xD0000000, s2;
	s6 =	simm.s32 $0x108;
	_ =	swait.ge @!p0 [sflag:s8], $0x0  }
0x24: {  	s3 =	sadd.s32 $0x88, s3;
	s6 =	simm.s32 @!p1 $0x1082;
	[sflag:s4] =	ssyncset.s32 $0xFFFFF086  }
0x25: {  	[simem:s6], [sflag:s4] =	dma.local [hbm:s3], $0xF7A  }
0x26: {  	[smem:$0x3F9F] =	sst s1;
	(tag) =	ssettag s2;
	_ =	strace s9  }
0x27: {  	s1 =	sld [smem:$0x3FAF]  }
0x28: {  	s2 =	sld [smem:$0x3FB0]  }
0x29: {  	s4 =	sld [smem:$0x3FB2]  }
0x2a: {  	p0 =	seq.s32 s5, $0x0;
	s5 =	sld [smem:$0x3FB3]  }
0x2b: {  	s6 =	sld [smem:$0x3FB4]  }
0x2c: {  	s7 =	sld [smem:$0x3FB5]  }
0x2d: {  	s3 =	simm.s32 $0x108;
	s8 =	sld [smem:$0x3FB6]  }
0x2e: {  	s3 =	simm.s32 @!p0 $0x1082;
	s9 =	sld [smem:$0x3FB7]  }
0x2f: {  	lr =	sadd.s32 s0, s3;
	s0 =	sld [smem:$0x3FAE]  }
0x30: {  	s3 =	sld [smem:$0x3FB1]  }
0x31: {  	[smem:$0x3FBA] =	sst s10  }
0x32: {  	s10 =	sld [smem:$0x3FB8];
	_ =	sdelay $0x3  }
0x33: {  	p0 =	seq.s32 s10, $0x1;
	s10 =	sld [smem:$0x3FBA];
	_ =	sdelay $0x3  }
0x34: {  	[smem:$0x3FBA] =	sst s10  }
0x35: {  	s10 =	sld [smem:$0x3FB9];
	_ =	sdelay $0x3  }
0x36: {  	p1 =	seq.s32 s10, $0x1;
	s10 =	sld [smem:$0x3FBA];
	_ =	sdelay $0x3  }
0x37: {  	[smem:$0x3FBA] =	sst s10  }
0x38: {  	s10 =	sld [smem:$0x3FBB]  }
0x39: {  	_ = 	snop;
	(pc) =	sbr.ind lr, $3  }
0x3a: {  	_ = 	snop  }
0x3b: {  	_ = 	snop  }
0x3c: {  	p2 =	seq.s32 s10, $0x1;
	s10 =	sld [smem:$0x3FBA]  }
0x3d: {  	_ =	shalt  }
0x3e: {  	_ =	shalt  }
0x3f: {  	_ =	shalt  }
0x40: {  	_ =	shalt  }
0x41: {  	_ =	shalt  }
0x42: {  	_ =	shalt  }
0x43: {  	_ =	shalt  }
0x44: {  	_ =	shalt  }
0x45: {  	_ =	shalt  }
0x46: {  	_ =	shalt  }
0x47: {  	_ =	shalt  }
0x48: {  	_ =	shalt  }
0x49: {  	_ =	shalt  }
0x4a: {  	_ =	shalt  }
0x4b: {  	_ =	shalt  }
0x4c: {  	_ =	shalt  }
0x4d: {  	_ =	shalt  }
0x4e: {  	_ =	shalt  }
0x4f: {  	_ =	shalt  }
0x50: {  	_ =	shalt  }
0x51: {  	_ =	shalt  }
0x52: {  	_ =	shalt  }
0x53: {  	_ =	shalt  }
0x54: {  	_ =	shalt  }
0x55: {  	_ =	shalt  }
0x56: {  	_ =	shalt  }
0x57: {  	_ =	shalt  }
0x58: {  	_ =	shalt  }
0x59: {  	_ =	shalt  }
0x5a: {  	_ =	shalt  }
0x5b: {  	_ =	shalt  }
0x5c: {  	_ =	shalt  }
0x5d: {  	_ =	shalt  }
0x5e: {  	_ =	shalt  }
0x5f: {  	_ =	shalt  }
0x60: {  	_ =	shalt  }
0x61: {  	_ =	shalt  }
0x62: {  	_ =	shalt  }
0x63: {  	_ =	shalt  }
0x64: {  	_ =	shalt  }
0x65: {  	_ =	shalt  }
0x66: {  	_ =	shalt  }
0x67: {  	_ =	shalt  }
0x68: {  	_ =	shalt  }
0x69: {  	_ =	shalt  }
0x6a: {  	_ =	shalt  }
0x6b: {  	_ =	shalt  }
0x6c: {  	_ =	shalt  }
0x6d: {  	_ =	shalt  }
0x6e: {  	_ =	shalt  }
0x6f: {  	_ =	shalt  }
0x70: {  	_ =	shalt  }
0x71: {  	_ =	shalt  }
0x72: {  	_ =	shalt  }
0x73: {  	_ =	shalt  }
0x74: {  	_ =	shalt  }
0x75: {  	_ =	shalt  }
0x76: {  	_ =	shalt  }
0x77: {  	_ =	shalt  }
0x78: {  	_ =	shalt  }
0x79: {  	_ =	shalt  }
0x7a: {  	_ =	shalt  }
0x7b: {  	_ =	shalt  }
0x7c: {  	_ =	shalt  }
0x7d: {  	_ =	shalt  }
0x7e: {  	_ =	shalt  }
0x7f: {  	_ =	shalt  }
0x80: {  	_ =	shalt  }
0x81: {  	_ =	shalt  }
0x82: {  	_ =	shalt  }
0x83: {  	_ =	shalt  }
0x84: {  	_ =	shalt  }
0x85: {  	_ =	shalt  }
0x86: {  	_ =	shalt  }
0x87: {  	_ =	shalt  }
.Lfunc_end0:
.L_simem_size_0:
called_computation_lowered:
.L_overlay_start_0:
0x88: {  	s2 =	sld [smem:$0x3FD9]  }
0x89: {  	s3 =	sld [smem:$0x3FFE];
	_ =	sdelay $0x1  }
0x8a: {  	s1 =	srdreg.scid  }
0x8b: {  	s0 =	sand.u32 $0x1, s1  }
0x8c: {  	s17 =	sshll.u32 s0, $0xA;
	s2 =	sadd.s32 s3, s2  }
0x8d: {  	s2 =	sadd.s32 s2, s17  }
0x8e: {  	[smem:$0x3FC6] =	sst s2  }
0x8f: {  	_ = 	snop  }
0x90: {  	s2 =	sld [smem:$0x3FD0];
	(tm) =	ssettm $0x1  }
0x91: {  	s18 =	sld [smem:$0x3FFB];
	_ =	sdelay $0x3  }
0x92: {  	_ =	strace s18  }
0x93: {  	s3 =	sld [smem:$0x3FFC];
	_ =	sdelay $0x3  }
0x94: {  	_ =	strace s3  }
0x95: {  	s3 =	sld [smem:$0x3FFD];
	_ =	sdelay $0x3  }
0x96: {  	_ =	strace s3  }
0x97: {  	_ =	strace $0x8FFFFFFF  }
0x98: {  	s19 =	sld [smem:$0x3FDB];
	_ =	sdelay $0x1  }
0x99: {  	s4 =	simm.s32 $_scs_section_size  }
0x9a: {  	s5 =	simm.s32 $_size__tile_overlayer_lowered;
	s6 =	simm.s32 $_tile_overlayer_lowered  }
0x9b: {  	s22 =	simm.s32 $0x1BFF;
	s21 =	sshll.u32 s6, $0x1;
	s3 =	sadd.s32 s4, s19  }
0x9c: {  	s7 =	simm.s32 $0x0;
	s20 =	sshll.u32 s5, $0x1;
	s5 =	sadd.s32 s21, s3  }
0x9d: {  	[timem:s7], [sflag:s22] =	dma.local [hbm:s5], s20  }
0x9e: {  	_ =	swait.ge [sflag:s22], s20  }
0x9f: {  	s4 =	ssub.s32 $0x0, s20;
	[sflag:s22] =	ssyncset.done $0x0  }
0xa0: {  	[sflag:s22] =	ssyncadd.s32 s4;
	_ =	sdelay $0x1  }
0xa1: {  	s23 =	simm.s32 $0x1B8B  }
0xa2: {  	_ =	swait.ge [sflag:s23], $0x1  }
0xa3: {  	[sflag:s23] =	ssyncset.done $0x0  }
0xa4: {  	s25 =	simm.s32 $0x1B8E;
	s24 =	sld [smem:$0x3FFE];
	[sflag:s23] =	ssyncadd.s32 $0xFFFFFFFF  }
0xa5: {  	s26 =	simm.s32 $execute0_lowered;
	[smem:$0x3FD2] =	sst s25  }
0xa6: {  	s5 =	sshll.u32 s26, $0x1;
	_ =	strace $0x80000046;
	[dreg:$0x1] =	wrdreg $0xFFFFFFFF  }
0xa7: {  	s28 =	simm.s32 $_size_execute0_lowered;
	s3 =	sadd.s32 s3, s5;
	[dreg:$0x0] =	wrdreg $0x0  }
0xa8: {  	s5 =	sshll.u32 s28, $0x1;
	[dreg:$0x2] =	wrdreg s3  }
0xa9: {  	[dreg:$0x3] =	wrdreg s5  }
0xaa: {  	[dreg:$0x4] =	wrdreg $0xC0  }
0xab: {  	_ =	task [dreg:s7], $0x5FFFF  }
0xac: {  	[dreg:$0x1] =	wrdreg $0xFFFFFFFF  }
0xad: {  	[dreg:$0x0] =	wrdreg $0x60  }
0xae: {  	[dreg:$0x2] =	wrdreg s24  }
0xaf: {  	[dreg:$0x3] =	wrdreg s2  }
0xb0: {  	[dreg:$0x4] =	wrdreg $0x9  }
0xb1: {  	_ =	task.clear_ibuf [dreg:s7], $0x5FFFF;
	_ =	strace $0x90000046  }
0xb2: {  	s29 =	simm.s32 $0x9;
	_ =	strace $0x80000048  }
0xb3: {  	_ =	swait.ge [sflag:s29], $0x1  }
0xb4: {  	[sflag:s29] =	ssyncadd.s32 $0xFFFFFFFF  }
0xb5: {  	_ =	strace $0x90000048  }
0xb6: {  	_ =	sfence  }
0xb7: {  	s30 =	sld [smem:$0x0];
	_ =	sdelay $0x2  }
0xb8: {  	s31 =	sshll.u32 s1, $0xD;
	s1 =	sshrl.u32 s1, $0x2  }
0xb9: {  	s3 =	sand.u32 $0x4000, s31;
	s1 =	sadd.s32 s1, s30  }
0xba: {  	s0 =	sor.u32 s3, s0;
	s1 =	sshll.u32 s1, $0x11  }
0xbb: {  	s0 =	sor.u32 s1, s0  }
0xbc: {  	s0 =	sadd.s32 $0x8F2B, s0  }
0xbd: {  	[sflag:s0] =	ssyncadd.remote.s32 $0x1  }
0xbe: {  	_ =	sfence.sel $0xFFFF  }
0xbf: {  	[dreg:$0x0] =	wrdreg $0xFFFFFFFF;
	(pc) =	sbr.abs _section_cstart, $3  }
0xc0: {  	[dreg:$0x1] =	wrdreg $0xFFFFFFFF  }
0xc1: {  	_ =	task.clear_ibuf [dreg:s7], $0x2FFFF;
	_ =	strace $0x9FFFFFFF  }
0xc2: {  	(tm) =	ssettm $0x7FFFFFFF  }
0xc3: {  	_ =	shalt  }
tec
execute0_lowered:
.L_overlay_start_1:
0x0: {  	(tag) =	ssettag $0x1  }
0x1: {  	v0 =	vlaneseq.u32  }
0x2: {  	v1 =	vor.u32 $0x80, v0;
	v13 =	vor.u32 $0xE0, v0;
	v14 =	vor.u32 $0x70, v0  }
0x3: {  	v15 =	vor.u32 $0xF0, v0;
	v16 =	vor.u32 $0x800, v0;
	v17 =	vor.u32 $0x880, v0  }
0x4: {  	v18 =	vor.u32 $0x810, v0;
	v19 =	vor.u32 $0x890, v0;
	v20 =	vor.u32 $0x820, v0  }
0x5: {  	v21 =	vor.u32 $0x8A0, v0;
	v22 =	vor.u32 $0x830, v0;
	v23 =	vor.u32 $0x8B0, v0  }
0x6: {  	v24 =	vor.u32 $0x840, v0;
	v25 =	vor.u32 $0x8C0, v0;
	v26 =	vor.u32 $0x850, v0  }
0x7: {  	v27 =	vor.u32 $0x8D0, v0;
	v28 =	vor.u32 $0x860, v0;
	v29 =	vor.u32 $0x8E0, v0  }
0x8: {  	s0 =	rddreg [dreg:$0x0];
	s2 =	simm.s32 $0x0;
	v30 =	vor.u32 $0x870, v0;
	v31 =	vor.u32 $0x8F0, v0;
	v32 =	vor.u32 $0x1000, v0  }
0x9: {  	s28 =	simm.s32 $0x6000;
	[smem:$0x7FF] =	sst s2;
	s3 =	sadd.s32 $0x1200, s0;
	v33 =	vor.u32 $0x1080, v0;
	v34 =	vor.u32 $0x1010, v0;
	v35 =	vor.u32 $0x1090, v0  }
0xa: {  	s24 =	sadd.s32 $0x1000, s0;
	s25 =	sadd.s32 $0xE00, s0;
	s26 =	sadd.s32 $0xC00, s0;
	v36 =	vor.u32 $0x1020, v0;
	v37 =	vor.u32 $0x10A0, v0;
	v38 =	vor.u32 $0x1030, v0  }
0xb: {  	s1 =	srdreg.scid;
	v39 =	vor.u32 $0x10B0, v0;
	v40 =	vor.u32 $0x1040, v0;
	_ =	strace $0x80000047;
	[tilespmem:$0x1FF40] =	vst v1;
	v1 =	vor.u32 $0x10, v0  }
0xc: {  	s5 =	stileid.u32;
	s8 =	sadd.s32 $0x1E00, s0;
	s10 =	sadd.s32 $0x9E00, s0;
	v41 =	vor.u32 $0x10C0, v0;
	v42 =	vor.u32 $0x1050, v0;
	[tilespmem:$0x1FF50] =	vst v1;
	v1 =	vor.u32 $0x90, v0  }
0xd: {  	s22 =	simm.s32 $0x2;
	s11 =	sadd.s32 $0x11E00, s0;
	s12 =	sadd.s32 $0x19E00, s0;
	v43 =	vor.u32 $0x10D0, v0;
	v44 =	vor.u32 $0x1060, v0;
	[tilespmem:$0x1FF60] =	vst v1;
	v1 =	vor.u32 $0x20, v0  }
0xe: {  	s1 =	sand.u32 $0x1, s1;
	s13 =	sadd.s32 $0x21E00, s0;
	s14 =	sadd.s32 $0x29E00, s0;
	v45 =	vor.u32 $0x10E0, v0;
	v46 =	vor.u32 $0x1070, v0;
	[tilespmem:$0x1FF70] =	vst v1;
	v1 =	vor.u32 $0xA0, v0  }
0xf: {  	s30 =	sshll.u32 s5, $0x5;
	s15 =	sadd.s32 $0x31E00, s0;
	s16 =	sadd.s32 $0x39E00, s0;
	v47 =	vor.u32 $0x10F0, v0;
	v48 =	vor.u32 $0x1800, v0;
	[tilespmem:$0x1FF80] =	vst v1;
	v1 =	vor.u32 $0x30, v0  }
0x10: {  	s17 =	sadd.s32 $0x41E00, s0;
	s18 =	sadd.s32 $0x49E00, s0;
	v49 =	vor.u32 $0x1880, v0;
	v50 =	vor.u32 $0x1810, v0;
	[dreg:$0x3] =	wrdreg s3;
	[tilespmem:$0x1FF90] =	vst v1;
	v1 =	vor.u32 $0xB0, v0  }
0x11: {  	s19 =	sadd.s32 $0x51E00, s0;
	s20 =	sadd.s32 $0x59E00, s0;
	v51 =	vor.u32 $0x1890, v0;
	v52 =	vor.u32 $0x1820, v0;
	[dreg:$0x4] =	wrdreg s24;
	[tilespmem:$0x1FFA0] =	vst v1;
	v1 =	vor.u32 $0x40, v0  }
0x12: {  	v53 =	vor.u32 $0x18A0, v0;
	v54 =	vor.u32 $0x1830, v0;
	s0 =	simm.s32 $0x7980;
	[dreg:$0x5] =	wrdreg s25;
	s29 =	ssub.s32 $0x2, s1;
	[tilespmem:$0x1FFB0] =	vst v1;
	v1 =	vor.u32 $0xC0, v0  }
0x13: {  	v55 =	vor.u32 $0x18B0, v0;
	v56 =	vor.u32 $0x1840, v0;
	s5 =	simm.s32 $0x7D80;
	[dreg:$0x6] =	wrdreg s26;
	s4 =	sshrl.u32 s29, $0x1;
	[tilespmem:$0x1FFC0] =	vst v1;
	v1 =	vor.u32 $0x50, v0  }
0x14: {  	v57 =	vor.u32 $0x18C0, v0;
	v58 =	vor.u32 $0x1850, v0;
	s1 =	sshll.u32 s1, $0x4;
	s25 =	simm.s32 $0x8180;
	s3 =	ssub.s32 s29, s4;
	[tilespmem:$0x1FFD0] =	vst v1;
	v1 =	vor.u32 $0xD0, v0  }
0x15: {  	v59 =	vor.u32 $0x18D0, v0;
	v60 =	vor.u32 $0x1860, v0;
	s26 =	simm.s32 $0x8580;
	s9 =	sor.u32 s1, s30;
	s31 =	smax.u32 s3, $0x1;
	[tilespmem:$0x1FFE0] =	vst v1;
	v1 =	vor.u32 $0x60, v0  }
0x16: {  	v61 =	vor.u32 $0x18E0, v0;
	v62 =	vor.u32 $0x1870, v0;
	v63 =	vor.u32 $0x18F0, v0;
	s4 =	simm.s32 $0x0;
	s3 =	simm.s32 $0x1;
	[dreg:$0x7] =	wrdreg s31;
	[tilespmem:$0x1FFF0] =	vst v1  }
.LBB2_1:
0x17: {  	[dreg:$0x8] =	wrdreg s4  }
0x18: {  	s1 =	rddreg [dreg:$0x3]  }
0x19: {  	[tilespmem:s2], [sflag:$0x2] =	stream.linear.gather [hbm4b:s1+s2], $0x6000, $0x38;
	[tilespmem:$0x9000] =	vst v63  }
0x1a: {  	_ =	swait.ge [sflag:s22], $0x6000  }
0x1b: {  	[sflag:s22] =	ssyncset.done $0x0  }
0x1c: {  	s23 =	simm.s32 $0x8800;
	s21 =	rddreg [dreg:$0x4];
	[sflag:s22] =	ssyncadd.s32 $0xFFFFA000  }
0x1d: {  	[tilespmem:s23], [sflag:$0x2] =	stream.linear.gather [hbm4b:s21+s2], $0x200, $0x38;
	[tilespmem:$0x9000] =	vst v63  }
0x1e: {  	_ =	swait.ge [sflag:s22], $0x200  }
0x1f: {  	[sflag:s22] =	ssyncset.done $0x0  }
0x20: {  	s29 =	simm.s32 $0x8A00;
	s24 =	rddreg [dreg:$0x5];
	[sflag:s22] =	ssyncadd.s32 $0xFFFFFE00  }
0x21: {  	[tilespmem:s29], [sflag:$0x2] =	stream.linear.gather [hbm4b:s24+s2], $0x200, $0x38;
	[tilespmem:$0x9000] =	vst v63  }
0x22: {  	_ =	swait.ge [sflag:s22], $0x200  }
0x23: {  	[sflag:s22] =	ssyncset.done $0x0  }
0x24: {  	s6 =	simm.s32 $0x8C00;
	s30 =	rddreg [dreg:$0x6];
	[sflag:s22] =	ssyncadd.s32 $0xFFFFFE00  }
0x25: {  	[tilespmem:s6], [sflag:$0x2] =	stream.linear.gather [hbm4b:s30+s2], $0x200, $0x38;
	[tilespmem:$0x9000] =	vst v63  }
0x26: {  	_ =	swait.ge [sflag:s22], $0x200  }
0x27: {  	[sflag:s22] =	ssyncset.done $0x0  }
0x28: {  	s31 =	simm.s32 $0x8E00;
	[sflag:s22] =	ssyncadd.s32 $0xFFFFFE00  }
0x29: {  	[tilespmem:s31], [sflag:$0x2] =	stream.linear.gather [hbm4b:s24+s2], $0x200, $0x38;
	[tilespmem:$0x9000] =	vst v63  }
0x2a: {  	_ =	swait.ge [sflag:s22], $0x200  }
0x2b: {  	[sflag:s22] =	ssyncset.done $0x0  }
0x2c: {  	s4 =	simm.s32 $0x0;
	[sflag:s22] =	ssyncadd.s32 $0xFFFFFE00  }
.LBB2_2:
0x2d: {  	s1 =	sadd.s32 s9, s4  }
0x2e: {  	s6 =	rddreg [dreg:$0x1];
	s23 =	sshll.u32 s1, $0x6  }
0x2f: {  	s7 =	simm.s32 $0x0;
	s24 =	simm.s32 $0x6600;
	v1 =	vmov s1;
	s6 =	sadd.s32 s6, s23  }
0x30: {  	[tilespmem:s24], [sflag:$0x2] =	stream.linear.gather [hbm4b:s6+s7], $0x200, $0x38;
	[tilespmem:$0x9000] =	vst v63  }
0x31: {  	_ =	swait.ge [sflag:s22], $0x200  }
0x32: {  	[sflag:s22] =	ssyncset.done $0x0  }
0x33: {  	s21 =	simm.s32 $0x8800;
	[sflag:s22] =	ssyncadd.s32 $0xFFFFFE00  }
0x34: {  	v2 =	vld.idx.msk [tilespmem:v1+s21+$0x0], $0xffff  }
0x35: {  	v4 =	vld [tilespmem:$0x1FF40];
	_ =	sdelay $0x3  }
0x36: {  	v3 =	vadd.s32 v0, v2  }
0x37: {  	v4 =	vadd.s32 v4, v2;
	_ =	sdelay $0x1  }
0x38: {  	s30 =	simm.s32 $0x8A00;
	v6 =	vld [tilespmem:$0x1FF50]  }
0x39: {  	v1 =	vld.idx.msk [tilespmem:v1+s30+$0x0], $0xffff  }
0x3a: {  	v5 =	vld.idx.msk [tilespmem:v3+s7+$0x0], $0xffff  }
0x3b: {  	v4 =	vld.idx.msk [tilespmem:v4+s7+$0x0], $0xffff  }
0x3c: {  	v7 =	vld [tilespmem:$0x1FF60];
	_ =	sdelay $0x1  }
0x3d: {  	v3 =	vsub.f32 $1.000000000e+00, v1;
	_ =	sdelay $0x1  }
0x3e: {  	v6 =	vadd.s32 v6, v2;
	v5 =	vmul.f32 v5, v3;
	v4 =	vmul.f32 v4, v1  }
0x3f: {  	v7 =	vadd.s32 v7, v2  }
0x40: {  	v4 =	vadd.f32 v4, v5;
	_ =	sdelay $0x1  }
0x41: {  	[tilespmem:$0x6000] =	vst v4  }
0x42: {  	v4 =	vld.idx.msk [tilespmem:v6+s7+$0x0], $0xffff  }
0x43: {  	v5 =	vld.idx.msk [tilespmem:v7+s7+$0x0], $0xffff  }
0x44: {  	v6 =	vld [tilespmem:$0x1FF70]  }
0x45: {  	v7 =	vld [tilespmem:$0x1FF80];
	_ =	sdelay $0x3  }
0x46: {  	v4 =	vmul.f32 v4, v3;
	v5 =	vmul.f32 v5, v1;
	v6 =	vadd.s32 v6, v2  }
0x47: {  	v7 =	vadd.s32 v7, v2  }
0x48: {  	v4 =	vadd.f32 v5, v4;
	_ =	sdelay $0x1  }
0x49: {  	[tilespmem:$0x6010] =	vst v4  }
0x4a: {  	v4 =	vld.idx.msk [tilespmem:v6+s7+$0x0], $0xffff  }
0x4b: {  	v5 =	vld.idx.msk [tilespmem:v7+s7+$0x0], $0xffff  }
0x4c: {  	v6 =	vld [tilespmem:$0x1FF90]  }
0x4d: {  	v7 =	vld [tilespmem:$0x1FFA0];
	_ =	sdelay $0x3  }
0x4e: {  	v4 =	vmul.f32 v4, v3;
	v5 =	vmul.f32 v5, v1;
	v6 =	vadd.s32 v6, v2  }
0x4f: {  	v7 =	vadd.s32 v7, v2  }
0x50: {  	v4 =	vadd.f32 v5, v4;
	_ =	sdelay $0x1  }
0x51: {  	[tilespmem:$0x6020] =	vst v4  }
0x52: {  	v4 =	vld.idx.msk [tilespmem:v6+s7+$0x0], $0xffff  }
0x53: {  	v5 =	vld.idx.msk [tilespmem:v7+s7+$0x0], $0xffff  }
0x54: {  	v6 =	vld [tilespmem:$0x1FFB0]  }
0x55: {  	v7 =	vld [tilespmem:$0x1FFC0];
	_ =	sdelay $0x3  }
0x56: {  	v4 =	vmul.f32 v4, v3;
	v5 =	vmul.f32 v5, v1;
	v6 =	vadd.s32 v6, v2  }
0x57: {  	v7 =	vadd.s32 v7, v2  }
0x58: {  	v4 =	vadd.f32 v5, v4;
	_ =	sdelay $0x1  }
0x59: {  	[tilespmem:$0x6030] =	vst v4  }
0x5a: {  	v4 =	vld.idx.msk [tilespmem:v6+s7+$0x0], $0xffff  }
0x5b: {  	v5 =	vld.idx.msk [tilespmem:v7+s7+$0x0], $0xffff  }
0x5c: {  	v6 =	vld [tilespmem:$0x1FFD0]  }
0x5d: {  	v7 =	vld [tilespmem:$0x1FFE0];
	_ =	sdelay $0x3  }
0x5e: {  	v4 =	vmul.f32 v4, v3;
	v5 =	vmul.f32 v5, v1;
	v6 =	vadd.s32 v6, v2  }
0x5f: {  	v7 =	vadd.s32 v7, v2  }
0x60: {  	v4 =	vadd.f32 v5, v4;
	_ =	sdelay $0x1  }
0x61: {  	[tilespmem:$0x6040] =	vst v4  }
0x62: {  	v4 =	vld.idx.msk [tilespmem:v6+s7+$0x0], $0xffff  }
0x63: {  	v5 =	vld.idx.msk [tilespmem:v7+s7+$0x0], $0xffff  }
0x64: {  	v6 =	vld [tilespmem:$0x1FFF0];
	_ =	sdelay $0x4  }
0x65: {  	v4 =	vmul.f32 v4, v3;
	v5 =	vmul.f32 v5, v1;
	v6 =	vadd.s32 v6, v2  }
0x66: {  	v7 =	vadd.s32 v13, v2  }
0x67: {  	v4 =	vadd.f32 v5, v4;
	_ =	sdelay $0x1  }
0x68: {  	[tilespmem:$0x6050] =	vst v4  }
0x69: {  	v4 =	vld.idx.msk [tilespmem:v6+s7+$0x0], $0xffff  }
0x6a: {  	v5 =	vld.idx.msk [tilespmem:v7+s7+$0x0], $0xffff;
	_ =	sdelay $0x4  }
0x6b: {  	v6 =	vadd.s32 v14, v2;
	v4 =	vmul.f32 v4, v3;
	v5 =	vmul.f32 v5, v1  }
0x6c: {  	v7 =	vadd.s32 v15, v2  }
0x6d: {  	v4 =	vadd.f32 v5, v4;
	_ =	sdelay $0x1  }
0x6e: {  	[tilespmem:$0x6060] =	vst v4  }
0x6f: {  	v4 =	vld.idx.msk [tilespmem:v6+s7+$0x0], $0xffff  }
0x70: {  	v5 =	vld.idx.msk [tilespmem:v7+s7+$0x0], $0xffff;
	_ =	sdelay $0x4  }
0x71: {  	v6 =	vadd.s32 v16, v2;
	v4 =	vmul.f32 v4, v3;
	v5 =	vmul.f32 v5, v1  }
0x72: {  	v7 =	vadd.s32 v17, v2  }
0x73: {  	v4 =	vadd.f32 v5, v4;
	_ =	sdelay $0x1  }
0x74: {  	[tilespmem:$0x6070] =	vst v4  }
0x75: {  	v4 =	vld.idx.msk [tilespmem:v6+s7+$0x0], $0xffff  }
0x76: {  	v5 =	vld.idx.msk [tilespmem:v7+s7+$0x0], $0xffff;
	_ =	sdelay $0x4  }
0x77: {  	v6 =	vadd.s32 v18, v2;
	v4 =	vmul.f32 v4, v3;
	v5 =	vmul.f32 v5, v1  }
0x78: {  	v7 =	vadd.s32 v19, v2  }
0x79: {  	v4 =	vadd.f32 v5, v4;
	_ =	sdelay $0x1  }
0x7a: {  	[tilespmem:$0x6080] =	vst v4  }
0x7b: {  	v4 =	vld.idx.msk [tilespmem:v6+s7+$0x0], $0xffff  }
0x7c: {  	v5 =	vld.idx.msk [tilespmem:v7+s7+$0x0], $0xffff;
	_ =	sdelay $0x4  }
0x7d: {  	v6 =	vadd.s32 v20, v2;
	v4 =	vmul.f32 v4, v3;
	v5 =	vmul.f32 v5, v1  }
0x7e: {  	v7 =	vadd.s32 v21, v2  }
0x7f: {  	v4 =	vadd.f32 v5, v4;
	_ =	sdelay $0x1  }
0x80: {  	[tilespmem:$0x6090] =	vst v4  }
0x81: {  	v4 =	vld.idx.msk [tilespmem:v6+s7+$0x0], $0xffff  }
0x82: {  	v5 =	vld.idx.msk [tilespmem:v7+s7+$0x0], $0xffff;
	_ =	sdelay $0x4  }
0x83: {  	v6 =	vadd.s32 v22, v2;
	v4 =	vmul.f32 v4, v3;
	v5 =	vmul.f32 v5, v1  }
0x84: {  	v7 =	vadd.s32 v23, v2  }
0x85: {  	v4 =	vadd.f32 v5, v4;
	_ =	sdelay $0x1  }
0x86: {  	[tilespmem:$0x60A0] =	vst v4  }
0x87: {  	v4 =	vld.idx.msk [tilespmem:v6+s7+$0x0], $0xffff  }
0x88: {  	v5 =	vld.idx.msk [tilespmem:v7+s7+$0x0], $0xffff;
	_ =	sdelay $0x4  }
0x89: {  	v6 =	vadd.s32 v24, v2;
	v4 =	vmul.f32 v4, v3;
	v5 =	vmul.f32 v5, v1  }
0x8a: {  	v7 =	vadd.s32 v25, v2  }
0x8b: {  	v4 =	vadd.f32 v5, v4;
	_ =	sdelay $0x1  }
0x8c: {  	[tilespmem:$0x60B0] =	vst v4  }
0x8d: {  	v4 =	vld.idx.msk [tilespmem:v6+s7+$0x0], $0xffff  }
0x8e: {  	v5 =	vld.idx.msk [tilespmem:v7+s7+$0x0], $0xffff;
	_ =	sdelay $0x4  }
0x8f: {  	v6 =	vadd.s32 v26, v2;
	v4 =	vmul.f32 v4, v3;
	v5 =	vmul.f32 v5, v1  }
0x90: {  	v7 =	vadd.s32 v27, v2  }
0x91: {  	v4 =	vadd.f32 v5, v4;
	_ =	sdelay $0x1  }
0x92: {  	[tilespmem:$0x60C0] =	vst v4  }
0x93: {  	v4 =	vld.idx.msk [tilespmem:v6+s7+$0x0], $0xffff  }
0x94: {  	v5 =	vld.idx.msk [tilespmem:v7+s7+$0x0], $0xffff;
	_ =	sdelay $0x4  }
0x95: {  	v6 =	vadd.s32 v28, v2;
	v4 =	vmul.f32 v4, v3;
	v5 =	vmul.f32 v5, v1  }
0x96: {  	v7 =	vadd.s32 v29, v2  }
0x97: {  	v4 =	vadd.f32 v5, v4;
	_ =	sdelay $0x1  }
0x98: {  	[tilespmem:$0x60D0] =	vst v4  }
0x99: {  	v4 =	vld.idx.msk [tilespmem:v6+s7+$0x0], $0xffff  }
0x9a: {  	v5 =	vld.idx.msk [tilespmem:v7+s7+$0x0], $0xffff;
	_ =	sdelay $0x4  }
0x9b: {  	v6 =	vadd.s32 v30, v2;
	v4 =	vmul.f32 v4, v3;
	v5 =	vmul.f32 v5, v1  }
0x9c: {  	v7 =	vadd.s32 v31, v2  }
0x9d: {  	v4 =	vadd.f32 v5, v4;
	_ =	sdelay $0x1  }
0x9e: {  	[tilespmem:$0x60E0] =	vst v4  }
0x9f: {  	v4 =	vld.idx.msk [tilespmem:v6+s7+$0x0], $0xffff  }
0xa0: {  	v5 =	vld.idx.msk [tilespmem:v7+s7+$0x0], $0xffff;
	_ =	sdelay $0x4  }
0xa1: {  	v6 =	vadd.s32 v32, v2;
	v4 =	vmul.f32 v4, v3;
	v5 =	vmul.f32 v5, v1  }
0xa2: {  	v7 =	vadd.s32 v33, v2  }
0xa3: {  	v4 =	vadd.f32 v5, v4;
	_ =	sdelay $0x1  }
0xa4: {  	[tilespmem:$0x60F0] =	vst v4  }
0xa5: {  	v4 =	vld.idx.msk [tilespmem:v6+s7+$0x0], $0xffff  }
0xa6: {  	v5 =	vld.idx.msk [tilespmem:v7+s7+$0x0], $0xffff;
	_ =	sdelay $0x4  }
0xa7: {  	v6 =	vadd.s32 v34, v2;
	v4 =	vmul.f32 v4, v3;
	v5 =	vmul.f32 v5, v1  }
0xa8: {  	v7 =	vadd.s32 v35, v2  }
0xa9: {  	v4 =	vadd.f32 v5, v4;
	_ =	sdelay $0x1  }
0xaa: {  	[tilespmem:$0x6100] =	vst v4  }
0xab: {  	v4 =	vld.idx.msk [tilespmem:v6+s7+$0x0], $0xffff  }
0xac: {  	v5 =	vld.idx.msk [tilespmem:v7+s7+$0x0], $0xffff;
	_ =	sdelay $0x4  }
0xad: {  	v6 =	vadd.s32 v36, v2;
	v4 =	vmul.f32 v4, v3;
	v5 =	vmul.f32 v5, v1  }
0xae: {  	v7 =	vadd.s32 v37, v2  }
0xaf: {  	v4 =	vadd.f32 v5, v4;
	_ =	sdelay $0x1  }
0xb0: {  	[tilespmem:$0x6110] =	vst v4  }
0xb1: {  	v4 =	vld.idx.msk [tilespmem:v6+s7+$0x0], $0xffff  }
0xb2: {  	v5 =	vld.idx.msk [tilespmem:v7+s7+$0x0], $0xffff;
	_ =	sdelay $0x4  }
0xb3: {  	v6 =	vadd.s32 v38, v2;
	v4 =	vmul.f32 v4, v3;
	v5 =	vmul.f32 v5, v1  }
0xb4: {  	v7 =	vadd.s32 v39, v2  }
0xb5: {  	v4 =	vadd.f32 v5, v4;
	_ =	sdelay $0x1  }
0xb6: {  	[tilespmem:$0x6120] =	vst v4  }
0xb7: {  	v4 =	vld.idx.msk [tilespmem:v6+s7+$0x0], $0xffff  }
0xb8: {  	v5 =	vld.idx.msk [tilespmem:v7+s7+$0x0], $0xffff;
	_ =	sdelay $0x4  }
0xb9: {  	v6 =	vadd.s32 v40, v2;
	v4 =	vmul.f32 v4, v3;
	v5 =	vmul.f32 v5, v1  }
0xba: {  	v7 =	vadd.s32 v41, v2  }
0xbb: {  	v4 =	vadd.f32 v5, v4;
	_ =	sdelay $0x1  }
0xbc: {  	[tilespmem:$0x6130] =	vst v4  }
0xbd: {  	v4 =	vld.idx.msk [tilespmem:v6+s7+$0x0], $0xffff  }
0xbe: {  	v5 =	vld.idx.msk [tilespmem:v7+s7+$0x0], $0xffff;
	_ =	sdelay $0x4  }
0xbf: {  	v6 =	vadd.s32 v42, v2;
	v4 =	vmul.f32 v4, v3;
	v5 =	vmul.f32 v5, v1  }
0xc0: {  	v7 =	vadd.s32 v43, v2  }
0xc1: {  	v4 =	vadd.f32 v5, v4;
	_ =	sdelay $0x1  }
0xc2: {  	[tilespmem:$0x6140] =	vst v4  }
0xc3: {  	v4 =	vld.idx.msk [tilespmem:v6+s7+$0x0], $0xffff  }
0xc4: {  	v5 =	vld.idx.msk [tilespmem:v7+s7+$0x0], $0xffff;
	_ =	sdelay $0x4  }
0xc5: {  	v6 =	vadd.s32 v44, v2;
	v4 =	vmul.f32 v4, v3;
	v5 =	vmul.f32 v5, v1  }
0xc6: {  	v7 =	vadd.s32 v45, v2  }
0xc7: {  	v4 =	vadd.f32 v5, v4;
	_ =	sdelay $0x1  }
0xc8: {  	[tilespmem:$0x6150] =	vst v4  }
0xc9: {  	v4 =	vld.idx.msk [tilespmem:v6+s7+$0x0], $0xffff  }
0xca: {  	v5 =	vld.idx.msk [tilespmem:v7+s7+$0x0], $0xffff;
	_ =	sdelay $0x4  }
0xcb: {  	v6 =	vadd.s32 v46, v2;
	v4 =	vmul.f32 v4, v3;
	v5 =	vmul.f32 v5, v1  }
0xcc: {  	v7 =	vadd.s32 v47, v2  }
0xcd: {  	v4 =	vadd.f32 v5, v4;
	_ =	sdelay $0x1  }
0xce: {  	[tilespmem:$0x6160] =	vst v4  }
0xcf: {  	v4 =	vld.idx.msk [tilespmem:v6+s7+$0x0], $0xffff  }
0xd0: {  	v5 =	vld.idx.msk [tilespmem:v7+s7+$0x0], $0xffff;
	_ =	sdelay $0x4  }
0xd1: {  	v6 =	vadd.s32 v48, v2;
	v4 =	vmul.f32 v4, v3;
	v5 =	vmul.f32 v5, v1  }
0xd2: {  	v7 =	vadd.s32 v49, v2  }
0xd3: {  	v4 =	vadd.f32 v5, v4;
	_ =	sdelay $0x1  }
0xd4: {  	[tilespmem:$0x6170] =	vst v4  }
0xd5: {  	v4 =	vld.idx.msk [tilespmem:v6+s7+$0x0], $0xffff  }
0xd6: {  	v5 =	vld.idx.msk [tilespmem:v7+s7+$0x0], $0xffff;
	_ =	sdelay $0x4  }
0xd7: {  	v6 =	vadd.s32 v50, v2;
	v4 =	vmul.f32 v4, v3;
	v5 =	vmul.f32 v5, v1  }
0xd8: {  	v7 =	vadd.s32 v51, v2  }
0xd9: {  	v4 =	vadd.f32 v5, v4;
	_ =	sdelay $0x1  }
0xda: {  	[tilespmem:$0x6180] =	vst v4  }
0xdb: {  	v4 =	vld.idx.msk [tilespmem:v6+s7+$0x0], $0xffff  }
0xdc: {  	v5 =	vld.idx.msk [tilespmem:v7+s7+$0x0], $0xffff;
	_ =	sdelay $0x4  }
0xdd: {  	v6 =	vadd.s32 v52, v2;
	v4 =	vmul.f32 v4, v3;
	v5 =	vmul.f32 v5, v1  }
0xde: {  	v7 =	vadd.s32 v53, v2  }
0xdf: {  	v4 =	vadd.f32 v5, v4;
	_ =	sdelay $0x1  }
0xe0: {  	[tilespmem:$0x6190] =	vst v4  }
0xe1: {  	v4 =	vld.idx.msk [tilespmem:v6+s7+$0x0], $0xffff  }
0xe2: {  	v5 =	vld.idx.msk [tilespmem:v7+s7+$0x0], $0xffff;
	_ =	sdelay $0x4  }
0xe3: {  	v6 =	vadd.s32 v54, v2;
	v4 =	vmul.f32 v4, v3;
	v5 =	vmul.f32 v5, v1  }
0xe4: {  	v7 =	vadd.s32 v55, v2  }
0xe5: {  	v4 =	vadd.f32 v5, v4;
	_ =	sdelay $0x1  }
0xe6: {  	[tilespmem:$0x61A0] =	vst v4  }
0xe7: {  	v4 =	vld.idx.msk [tilespmem:v6+s7+$0x0], $0xffff  }
0xe8: {  	v5 =	vld.idx.msk [tilespmem:v7+s7+$0x0], $0xffff;
	_ =	sdelay $0x4  }
0xe9: {  	v6 =	vadd.s32 v56, v2;
	v4 =	vmul.f32 v4, v3;
	v5 =	vmul.f32 v5, v1  }
0xea: {  	v7 =	vadd.s32 v57, v2  }
0xeb: {  	v4 =	vadd.f32 v5, v4;
	_ =	sdelay $0x1  }
0xec: {  	[tilespmem:$0x61B0] =	vst v4  }
0xed: {  	v4 =	vld.idx.msk [tilespmem:v6+s7+$0x0], $0xffff  }
0xee: {  	v5 =	vld.idx.msk [tilespmem:v7+s7+$0x0], $0xffff;
	_ =	sdelay $0x4  }
0xef: {  	v6 =	vadd.s32 v58, v2;
	v4 =	vmul.f32 v4, v3;
	v5 =	vmul.f32 v5, v1  }
0xf0: {  	v7 =	vadd.s32 v59, v2  }
0xf1: {  	v4 =	vadd.f32 v5, v4;
	_ =	sdelay $0x1  }
0xf2: {  	[tilespmem:$0x61C0] =	vst v4  }
0xf3: {  	v4 =	vld.idx.msk [tilespmem:v6+s7+$0x0], $0xffff  }
0xf4: {  	v5 =	vld.idx.msk [tilespmem:v7+s7+$0x0], $0xffff;
	_ =	sdelay $0x4  }
0xf5: {  	v6 =	vadd.s32 v60, v2;
	v4 =	vmul.f32 v4, v3;
	v5 =	vmul.f32 v5, v1  }
0xf6: {  	v7 =	vadd.s32 v61, v2  }
0xf7: {  	v4 =	vadd.f32 v5, v4;
	_ =	sdelay $0x1  }
0xf8: {  	[tilespmem:$0x61D0] =	vst v4  }
0xf9: {  	v4 =	vld.idx.msk [tilespmem:v6+s7+$0x0], $0xffff  }
0xfa: {  	v5 =	vld.idx.msk [tilespmem:v7+s7+$0x0], $0xffff;
	_ =	sdelay $0x4  }
0xfb: {  	v6 =	vadd.s32 v62, v2;
	v4 =	vmul.f32 v4, v3;
	v5 =	vmul.f32 v5, v1  }
0xfc: {  	v7 =	vadd.s32 v63, v2  }
0xfd: {  	v4 =	vadd.f32 v5, v4;
	_ =	sdelay $0x1  }
0xfe: {  	[tilespmem:$0x61E0] =	vst v4  }
0xff: {  	v4 =	vld.idx.msk [tilespmem:v6+s7+$0x0], $0xffff  }
0x100: {  	v5 =	vld.idx.msk [tilespmem:v7+s7+$0x0], $0xffff;
	_ =	sdelay $0x3  }
0x101: {  	v6 =	vor.u32 $0x2000, v0;
	v7 =	vor.u32 $0x2080, v0  }
0x102: {  	v6 =	vadd.s32 v6, v2;
	v4 =	vmul.f32 v4, v3;
	v5 =	vmul.f32 v5, v1  }
0x103: {  	v7 =	vadd.s32 v7, v2  }
0x104: {  	v4 =	vadd.f32 v5, v4;
	_ =	sdelay $0x1  }
0x105: {  	[tilespmem:$0x61F0] =	vst v4  }
0x106: {  	v4 =	vld.idx.msk [tilespmem:v6+s7+$0x0], $0xffff  }
0x107: {  	v5 =	vld.idx.msk [tilespmem:v7+s7+$0x0], $0xffff;
	_ =	sdelay $0x3  }
0x108: {  	v6 =	vor.u32 $0x2010, v0;
	v7 =	vor.u32 $0x2090, v0  }
0x109: {  	v6 =	vadd.s32 v6, v2;
	v4 =	vmul.f32 v4, v3;
	v5 =	vmul.f32 v5, v1  }
0x10a: {  	v7 =	vadd.s32 v7, v2  }
0x10b: {  	v4 =	vadd.f32 v5, v4;
	_ =	sdelay $0x1  }
0x10c: {  	[tilespmem:$0x6200] =	vst v4  }
0x10d: {  	v4 =	vld.idx.msk [tilespmem:v6+s7+$0x0], $0xffff  }
0x10e: {  	v5 =	vld.idx.msk [tilespmem:v7+s7+$0x0], $0xffff;
	_ =	sdelay $0x3  }
0x10f: {  	v6 =	vor.u32 $0x2020, v0;
	v7 =	vor.u32 $0x20A0, v0  }
0x110: {  	v6 =	vadd.s32 v6, v2;
	v4 =	vmul.f32 v4, v3;
	v5 =	vmul.f32 v5, v1  }
0x111: {  	v7 =	vadd.s32 v7, v2  }
0x112: {  	v4 =	vadd.f32 v5, v4;
	_ =	sdelay $0x1  }
0x113: {  	[tilespmem:$0x6210] =	vst v4  }
0x114: {  	v4 =	vld.idx.msk [tilespmem:v6+s7+$0x0], $0xffff  }
0x115: {  	v5 =	vld.idx.msk [tilespmem:v7+s7+$0x0], $0xffff;
	_ =	sdelay $0x3  }
0x116: {  	v6 =	vor.u32 $0x2030, v0;
	v7 =	vor.u32 $0x20B0, v0  }
0x117: {  	v6 =	vadd.s32 v6, v2;
	v4 =	vmul.f32 v4, v3;
	v5 =	vmul.f32 v5, v1  }
0x118: {  	v7 =	vadd.s32 v7, v2  }
0x119: {  	v4 =	vadd.f32 v5, v4;
	_ =	sdelay $0x1  }
0x11a: {  	[tilespmem:$0x6220] =	vst v4  }
0x11b: {  	v4 =	vld.idx.msk [tilespmem:v6+s7+$0x0], $0xffff  }
0x11c: {  	v5 =	vld.idx.msk [tilespmem:v7+s7+$0x0], $0xffff;
	_ =	sdelay $0x3  }
0x11d: {  	v6 =	vor.u32 $0x2040, v0;
	v7 =	vor.u32 $0x20C0, v0  }
0x11e: {  	v6 =	vadd.s32 v6, v2;
	v4 =	vmul.f32 v4, v3;
	v5 =	vmul.f32 v5, v1  }
0x11f: {  	v7 =	vadd.s32 v7, v2  }
0x120: {  	v4 =	vadd.f32 v5, v4;
	_ =	sdelay $0x1  }
0x121: {  	[tilespmem:$0x6230] =	vst v4  }
0x122: {  	v4 =	vld.idx.msk [tilespmem:v6+s7+$0x0], $0xffff  }
0x123: {  	v5 =	vld.idx.msk [tilespmem:v7+s7+$0x0], $0xffff;
	_ =	sdelay $0x3  }
0x124: {  	v6 =	vor.u32 $0x2050, v0;
	v7 =	vor.u32 $0x20D0, v0  }
0x125: {  	v6 =	vadd.s32 v6, v2;
	v4 =	vmul.f32 v4, v3;
	v5 =	vmul.f32 v5, v1  }
0x126: {  	v7 =	vadd.s32 v7, v2  }
0x127: {  	v4 =	vadd.f32 v5, v4;
	_ =	sdelay $0x1  }
0x128: {  	[tilespmem:$0x6240] =	vst v4  }
0x129: {  	v4 =	vld.idx.msk [tilespmem:v6+s7+$0x0], $0xffff  }
0x12a: {  	v5 =	vld.idx.msk [tilespmem:v7+s7+$0x0], $0xffff;
	_ =	sdelay $0x3  }
0x12b: {  	v6 =	vor.u32 $0x2060, v0;
	v7 =	vor.u32 $0x20E0, v0  }
0x12c: {  	v6 =	vadd.s32 v6, v2;
	v4 =	vmul.f32 v4, v3;
	v5 =	vmul.f32 v5, v1  }
0x12d: {  	v7 =	vadd.s32 v7, v2  }
0x12e: {  	v4 =	vadd.f32 v5, v4;
	_ =	sdelay $0x1  }
0x12f: {  	[tilespmem:$0x6250] =	vst v4  }
0x130: {  	v4 =	vld.idx.msk [tilespmem:v6+s7+$0x0], $0xffff  }
0x131: {  	v5 =	vld.idx.msk [tilespmem:v7+s7+$0x0], $0xffff;
	_ =	sdelay $0x3  }
0x132: {  	v6 =	vor.u32 $0x2070, v0;
	v7 =	vor.u32 $0x20F0, v0  }
0x133: {  	v6 =	vadd.s32 v6, v2;
	v4 =	vmul.f32 v4, v3;
	v5 =	vmul.f32 v5, v1  }
0x134: {  	v7 =	vadd.s32 v7, v2  }
0x135: {  	v4 =	vadd.f32 v5, v4;
	_ =	sdelay $0x1  }
0x136: {  	[tilespmem:$0x6260] =	vst v4  }
0x137: {  	v4 =	vld.idx.msk [tilespmem:v6+s7+$0x0], $0xffff  }
0x138: {  	v5 =	vld.idx.msk [tilespmem:v7+s7+$0x0], $0xffff;
	_ =	sdelay $0x3  }
0x139: {  	v6 =	vor.u32 $0x2800, v0;
	v7 =	vor.u32 $0x2880, v0  }
0x13a: {  	v6 =	vadd.s32 v6, v2;
	v4 =	vmul.f32 v4, v3;
	v5 =	vmul.f32 v5, v1  }
0x13b: {  	v7 =	vadd.s32 v7, v2  }
0x13c: {  	v4 =	vadd.f32 v5, v4;
	_ =	sdelay $0x1  }
0x13d: {  	[tilespmem:$0x6270] =	vst v4  }
0x13e: {  	v4 =	vld.idx.msk [tilespmem:v6+s7+$0x0], $0xffff  }
0x13f: {  	v5 =	vld.idx.msk [tilespmem:v7+s7+$0x0], $0xffff;
	_ =	sdelay $0x3  }
0x140: {  	v6 =	vor.u32 $0x2810, v0;
	v7 =	vor.u32 $0x2890, v0  }
0x141: {  	v6 =	vadd.s32 v6, v2;
	v4 =	vmul.f32 v4, v3;
	v5 =	vmul.f32 v5, v1  }
0x142: {  	v7 =	vadd.s32 v7, v2  }
0x143: {  	v4 =	vadd.f32 v5, v4;
	_ =	sdelay $0x1  }
0x144: {  	[tilespmem:$0x6280] =	vst v4  }
0x145: {  	v4 =	vld.idx.msk [tilespmem:v6+s7+$0x0], $0xffff  }
0x146: {  	v5 =	vld.idx.msk [tilespmem:v7+s7+$0x0], $0xffff;
	_ =	sdelay $0x3  }
0x147: {  	v6 =	vor.u32 $0x2820, v0;
	v7 =	vor.u32 $0x28A0, v0  }
0x148: {  	v6 =	vadd.s32 v6, v2;
	v4 =	vmul.f32 v4, v3;
	v5 =	vmul.f32 v5, v1  }
0x149: {  	v7 =	vadd.s32 v7, v2  }
0x14a: {  	v4 =	vadd.f32 v5, v4;
	_ =	sdelay $0x1  }
0x14b: {  	[tilespmem:$0x6290] =	vst v4  }
0x14c: {  	v4 =	vld.idx.msk [tilespmem:v6+s7+$0x0], $0xffff  }
0x14d: {  	v5 =	vld.idx.msk [tilespmem:v7+s7+$0x0], $0xffff;
	_ =	sdelay $0x3  }
0x14e: {  	v6 =	vor.u32 $0x2830, v0;
	v7 =	vor.u32 $0x28B0, v0  }
0x14f: {  	v6 =	vadd.s32 v6, v2;
	v4 =	vmul.f32 v4, v3;
	v5 =	vmul.f32 v5, v1  }
0x150: {  	v7 =	vadd.s32 v7, v2  }
0x151: {  	v4 =	vadd.f32 v5, v4;
	_ =	sdelay $0x1  }
0x152: {  	[tilespmem:$0x62A0] =	vst v4  }
0x153: {  	v4 =	vld.idx.msk [tilespmem:v6+s7+$0x0], $0xffff  }
0x154: {  	v5 =	vld.idx.msk [tilespmem:v7+s7+$0x0], $0xffff;
	_ =	sdelay $0x3  }
0x155: {  	v6 =	vor.u32 $0x2840, v0;
	v7 =	vor.u32 $0x28C0, v0  }
0x156: {  	v6 =	vadd.s32 v6, v2;
	v4 =	vmul.f32 v4, v3;
	v5 =	vmul.f32 v5, v1  }
0x157: {  	v7 =	vadd.s32 v7, v2  }
0x158: {  	v4 =	vadd.f32 v5, v4;
	_ =	sdelay $0x1  }
0x159: {  	[tilespmem:$0x62B0] =	vst v4  }
0x15a: {  	v4 =	vld.idx.msk [tilespmem:v6+s7+$0x0], $0xffff  }
0x15b: {  	v5 =	vld.idx.msk [tilespmem:v7+s7+$0x0], $0xffff;
	_ =	sdelay $0x3  }
0x15c: {  	v6 =	vor.u32 $0x2850, v0;
	v7 =	vor.u32 $0x28D0, v0  }
0x15d: {  	v6 =	vadd.s32 v6, v2;
	v4 =	vmul.f32 v4, v3;
	v5 =	vmul.f32 v5, v1  }
0x15e: {  	v7 =	vadd.s32 v7, v2  }
0x15f: {  	v4 =	vadd.f32 v5, v4;
	_ =	sdelay $0x1  }
0x160: {  	[tilespmem:$0x62C0] =	vst v4  }
0x161: {  	v4 =	vld.idx.msk [tilespmem:v6+s7+$0x0], $0xffff  }
0x162: {  	v5 =	vld.idx.msk [tilespmem:v7+s7+$0x0], $0xffff;
	_ =	sdelay $0x3  }
0x163: {  	v6 =	vor.u32 $0x2860, v0;
	v7 =	vor.u32 $0x28E0, v0  }
0x164: {  	v6 =	vadd.s32 v6, v2;
	v4 =	vmul.f32 v4, v3;
	v5 =	vmul.f32 v5, v1  }
0x165: {  	v7 =	vadd.s32 v7, v2  }
0x166: {  	v4 =	vadd.f32 v5, v4;
	_ =	sdelay $0x1  }
0x167: {  	[tilespmem:$0x62D0] =	vst v4  }
0x168: {  	v4 =	vld.idx.msk [tilespmem:v6+s7+$0x0], $0xffff  }
0x169: {  	v5 =	vld.idx.msk [tilespmem:v7+s7+$0x0], $0xffff;
	_ =	sdelay $0x3  }
0x16a: {  	v6 =	vor.u32 $0x2870, v0;
	v7 =	vor.u32 $0x28F0, v0  }
0x16b: {  	v6 =	vadd.s32 v6, v2;
	v4 =	vmul.f32 v4, v3;
	v5 =	vmul.f32 v5, v1  }
0x16c: {  	v7 =	vadd.s32 v7, v2  }
0x16d: {  	v4 =	vadd.f32 v5, v4;
	_ =	sdelay $0x1  }
0x16e: {  	[tilespmem:$0x62E0] =	vst v4  }
0x16f: {  	v4 =	vld.idx.msk [tilespmem:v6+s7+$0x0], $0xffff  }
0x170: {  	v5 =	vld.idx.msk [tilespmem:v7+s7+$0x0], $0xffff;
	_ =	sdelay $0x3  }
0x171: {  	v6 =	vor.u32 $0x3000, v0;
	v7 =	vor.u32 $0x3080, v0  }
0x172: {  	v6 =	vadd.s32 v6, v2;
	v4 =	vmul.f32 v4, v3;
	v5 =	vmul.f32 v5, v1  }
0x173: {  	v7 =	vadd.s32 v7, v2  }
0x174: {  	v4 =	vadd.f32 v5, v4;
	_ =	sdelay $0x1  }
0x175: {  	[tilespmem:$0x62F0] =	vst v4  }
0x176: {  	v4 =	vld.idx.msk [tilespmem:v6+s7+$0x0], $0xffff  }
0x177: {  	v5 =	vld.idx.msk [tilespmem:v7+s7+$0x0], $0xffff;
	_ =	sdelay $0x3  }
0x178: {  	v6 =	vor.u32 $0x3010, v0;
	v7 =	vor.u32 $0x3090, v0  }
0x179: {  	v6 =	vadd.s32 v6, v2;
	v4 =	vmul.f32 v4, v3;
	v5 =	vmul.f32 v5, v1  }
0x17a: {  	v7 =	vadd.s32 v7, v2  }
0x17b: {  	v4 =	vadd.f32 v5, v4;
	_ =	sdelay $0x1  }
0x17c: {  	[tilespmem:$0x6300] =	vst v4  }
0x17d: {  	v4 =	vld.idx.msk [tilespmem:v6+s7+$0x0], $0xffff  }
0x17e: {  	v5 =	vld.idx.msk [tilespmem:v7+s7+$0x0], $0xffff;
	_ =	sdelay $0x3  }
0x17f: {  	v6 =	vor.u32 $0x3020, v0;
	v7 =	vor.u32 $0x30A0, v0  }
0x180: {  	v6 =	vadd.s32 v6, v2;
	v4 =	vmul.f32 v4, v3;
	v5 =	vmul.f32 v5, v1  }
0x181: {  	v7 =	vadd.s32 v7, v2  }
0x182: {  	v4 =	vadd.f32 v5, v4;
	_ =	sdelay $0x1  }
0x183: {  	[tilespmem:$0x6310] =	vst v4  }
0x184: {  	v4 =	vld.idx.msk [tilespmem:v6+s7+$0x0], $0xffff  }
0x185: {  	v5 =	vld.idx.msk [tilespmem:v7+s7+$0x0], $0xffff;
	_ =	sdelay $0x3  }
0x186: {  	v6 =	vor.u32 $0x3030, v0;
	v7 =	vor.u32 $0x30B0, v0  }
0x187: {  	v6 =	vadd.s32 v6, v2;
	v4 =	vmul.f32 v4, v3;
	v5 =	vmul.f32 v5, v1  }
0x188: {  	v7 =	vadd.s32 v7, v2  }
0x189: {  	v4 =	vadd.f32 v5, v4;
	_ =	sdelay $0x1  }
0x18a: {  	[tilespmem:$0x6320] =	vst v4  }
0x18b: {  	v4 =	vld.idx.msk [tilespmem:v6+s7+$0x0], $0xffff  }
0x18c: {  	v5 =	vld.idx.msk [tilespmem:v7+s7+$0x0], $0xffff;
	_ =	sdelay $0x3  }
0x18d: {  	v6 =	vor.u32 $0x3040, v0;
	v7 =	vor.u32 $0x30C0, v0  }
0x18e: {  	v6 =	vadd.s32 v6, v2;
	v4 =	vmul.f32 v4, v3;
	v5 =	vmul.f32 v5, v1  }
0x18f: {  	v7 =	vadd.s32 v7, v2  }
0x190: {  	v4 =	vadd.f32 v5, v4;
	_ =	sdelay $0x1  }
0x191: {  	[tilespmem:$0x6330] =	vst v4  }
0x192: {  	v4 =	vld.idx.msk [tilespmem:v6+s7+$0x0], $0xffff  }
0x193: {  	v5 =	vld.idx.msk [tilespmem:v7+s7+$0x0], $0xffff;
	_ =	sdelay $0x3  }
0x194: {  	v6 =	vor.u32 $0x3050, v0;
	v7 =	vor.u32 $0x30D0, v0  }
0x195: {  	v6 =	vadd.s32 v6, v2;
	v4 =	vmul.f32 v4, v3;
	v5 =	vmul.f32 v5, v1  }
0x196: {  	v7 =	vadd.s32 v7, v2  }
0x197: {  	v4 =	vadd.f32 v5, v4;
	_ =	sdelay $0x1  }
0x198: {  	[tilespmem:$0x6340] =	vst v4  }
0x199: {  	v4 =	vld.idx.msk [tilespmem:v6+s7+$0x0], $0xffff  }
0x19a: {  	v5 =	vld.idx.msk [tilespmem:v7+s7+$0x0], $0xffff;
	_ =	sdelay $0x3  }
0x19b: {  	v6 =	vor.u32 $0x3060, v0;
	v7 =	vor.u32 $0x30E0, v0  }
0x19c: {  	v6 =	vadd.s32 v6, v2;
	v4 =	vmul.f32 v4, v3;
	v5 =	vmul.f32 v5, v1  }
0x19d: {  	v7 =	vadd.s32 v7, v2  }
0x19e: {  	v4 =	vadd.f32 v5, v4;
	_ =	sdelay $0x1  }
0x19f: {  	[tilespmem:$0x6350] =	vst v4  }
0x1a0: {  	v4 =	vld.idx.msk [tilespmem:v6+s7+$0x0], $0xffff  }
0x1a1: {  	v5 =	vld.idx.msk [tilespmem:v7+s7+$0x0], $0xffff;
	_ =	sdelay $0x3  }
0x1a2: {  	v6 =	vor.u32 $0x3070, v0;
	v7 =	vor.u32 $0x30F0, v0  }
0x1a3: {  	v6 =	vadd.s32 v6, v2;
	v4 =	vmul.f32 v4, v3;
	v5 =	vmul.f32 v5, v1  }
0x1a4: {  	v7 =	vadd.s32 v7, v2  }
0x1a5: {  	v4 =	vadd.f32 v5, v4;
	_ =	sdelay $0x1  }
0x1a6: {  	[tilespmem:$0x6360] =	vst v4  }
0x1a7: {  	v4 =	vld.idx.msk [tilespmem:v6+s7+$0x0], $0xffff  }
0x1a8: {  	v5 =	vld.idx.msk [tilespmem:v7+s7+$0x0], $0xffff;
	_ =	sdelay $0x3  }
0x1a9: {  	v6 =	vor.u32 $0x3800, v0;
	v7 =	vor.u32 $0x3880, v0  }
0x1aa: {  	v6 =	vadd.s32 v6, v2;
	v4 =	vmul.f32 v4, v3;
	v5 =	vmul.f32 v5, v1  }
0x1ab: {  	v7 =	vadd.s32 v7, v2  }
0x1ac: {  	v4 =	vadd.f32 v5, v4;
	_ =	sdelay $0x1  }
0x1ad: {  	[tilespmem:$0x6370] =	vst v4  }
0x1ae: {  	v4 =	vld.idx.msk [tilespmem:v6+s7+$0x0], $0xffff  }
0x1af: {  	v5 =	vld.idx.msk [tilespmem:v7+s7+$0x0], $0xffff;
	_ =	sdelay $0x3  }
0x1b0: {  	v6 =	vor.u32 $0x3810, v0;
	v7 =	vor.u32 $0x3890, v0  }
0x1b1: {  	v6 =	vadd.s32 v6, v2;
	v4 =	vmul.f32 v4, v3;
	v5 =	vmul.f32 v5, v1  }
0x1b2: {  	v7 =	vadd.s32 v7, v2  }
0x1b3: {  	v4 =	vadd.f32 v5, v4;
	_ =	sdelay $0x1  }
0x1b4: {  	[tilespmem:$0x6380] =	vst v4  }
0x1b5: {  	v4 =	vld.idx.msk [tilespmem:v6+s7+$0x0], $0xffff  }
0x1b6: {  	v5 =	vld.idx.msk [tilespmem:v7+s7+$0x0], $0xffff;
	_ =	sdelay $0x3  }
0x1b7: {  	v6 =	vor.u32 $0x3820, v0;
	v7 =	vor.u32 $0x38A0, v0  }
0x1b8: {  	v6 =	vadd.s32 v6, v2;
	v4 =	vmul.f32 v4, v3;
	v5 =	vmul.f32 v5, v1  }
0x1b9: {  	v7 =	vadd.s32 v7, v2  }
0x1ba: {  	v4 =	vadd.f32 v5, v4;
	_ =	sdelay $0x1  }
0x1bb: {  	[tilespmem:$0x6390] =	vst v4  }
0x1bc: {  	v4 =	vld.idx.msk [tilespmem:v6+s7+$0x0], $0xffff  }
0x1bd: {  	v5 =	vld.idx.msk [tilespmem:v7+s7+$0x0], $0xffff;
	_ =	sdelay $0x3  }
0x1be: {  	v6 =	vor.u32 $0x3830, v0;
	v7 =	vor.u32 $0x38B0, v0  }
0x1bf: {  	v6 =	vadd.s32 v6, v2;
	v4 =	vmul.f32 v4, v3;
	v5 =	vmul.f32 v5, v1  }
0x1c0: {  	v7 =	vadd.s32 v7, v2  }
0x1c1: {  	v4 =	vadd.f32 v5, v4;
	_ =	sdelay $0x1  }
0x1c2: {  	[tilespmem:$0x63A0] =	vst v4  }
0x1c3: {  	v4 =	vld.idx.msk [tilespmem:v6+s7+$0x0], $0xffff  }
0x1c4: {  	v5 =	vld.idx.msk [tilespmem:v7+s7+$0x0], $0xffff;
	_ =	sdelay $0x3  }
0x1c5: {  	v6 =	vor.u32 $0x3840, v0;
	v7 =	vor.u32 $0x38C0, v0  }
0x1c6: {  	v6 =	vadd.s32 v6, v2;
	v4 =	vmul.f32 v4, v3;
	v5 =	vmul.f32 v5, v1  }
0x1c7: {  	v7 =	vadd.s32 v7, v2  }
0x1c8: {  	v4 =	vadd.f32 v5, v4;
	_ =	sdelay $0x1  }
0x1c9: {  	[tilespmem:$0x63B0] =	vst v4  }
0x1ca: {  	v4 =	vld.idx.msk [tilespmem:v6+s7+$0x0], $0xffff  }
0x1cb: {  	v5 =	vld.idx.msk [tilespmem:v7+s7+$0x0], $0xffff;
	_ =	sdelay $0x3  }
0x1cc: {  	v6 =	vor.u32 $0x3850, v0;
	v7 =	vor.u32 $0x38D0, v0  }
0x1cd: {  	v6 =	vadd.s32 v6, v2;
	v4 =	vmul.f32 v4, v3;
	v5 =	vmul.f32 v5, v1  }
0x1ce: {  	v7 =	vadd.s32 v7, v2  }
0x1cf: {  	v4 =	vadd.f32 v5, v4;
	_ =	sdelay $0x1  }
0x1d0: {  	[tilespmem:$0x63C0] =	vst v4  }
0x1d1: {  	v4 =	vld.idx.msk [tilespmem:v6+s7+$0x0], $0xffff  }
0x1d2: {  	v5 =	vld.idx.msk [tilespmem:v7+s7+$0x0], $0xffff;
	_ =	sdelay $0x3  }
0x1d3: {  	v6 =	vor.u32 $0x3860, v0;
	v7 =	vor.u32 $0x38E0, v0  }
0x1d4: {  	v6 =	vadd.s32 v6, v2;
	v4 =	vmul.f32 v4, v3;
	v5 =	vmul.f32 v5, v1  }
0x1d5: {  	v7 =	vadd.s32 v7, v2  }
0x1d6: {  	v4 =	vadd.f32 v5, v4;
	_ =	sdelay $0x1  }
0x1d7: {  	[tilespmem:$0x63D0] =	vst v4  }
0x1d8: {  	v4 =	vld.idx.msk [tilespmem:v6+s7+$0x0], $0xffff  }
0x1d9: {  	v5 =	vld.idx.msk [tilespmem:v7+s7+$0x0], $0xffff;
	_ =	sdelay $0x3  }
0x1da: {  	v6 =	vor.u32 $0x3870, v0;
	v7 =	vor.u32 $0x38F0, v0  }
0x1db: {  	v6 =	vadd.s32 v6, v2;
	v4 =	vmul.f32 v4, v3;
	v5 =	vmul.f32 v5, v1  }
0x1dc: {  	v7 =	vadd.s32 v7, v2  }
0x1dd: {  	v4 =	vadd.f32 v5, v4;
	_ =	sdelay $0x1  }
0x1de: {  	[tilespmem:$0x63E0] =	vst v4  }
0x1df: {  	v4 =	vld.idx.msk [tilespmem:v6+s7+$0x0], $0xffff  }
0x1e0: {  	v5 =	vld.idx.msk [tilespmem:v7+s7+$0x0], $0xffff;
	_ =	sdelay $0x3  }
0x1e1: {  	v6 =	vor.u32 $0x4000, v0;
	v7 =	vor.u32 $0x4080, v0  }
0x1e2: {  	v6 =	vadd.s32 v6, v2;
	v4 =	vmul.f32 v4, v3;
	v5 =	vmul.f32 v5, v1  }
0x1e3: {  	v7 =	vadd.s32 v7, v2  }
0x1e4: {  	v4 =	vadd.f32 v5, v4;
	_ =	sdelay $0x1  }
0x1e5: {  	[tilespmem:$0x63F0] =	vst v4  }
0x1e6: {  	v4 =	vld.idx.msk [tilespmem:v6+s7+$0x0], $0xffff  }
0x1e7: {  	v5 =	vld.idx.msk [tilespmem:v7+s7+$0x0], $0xffff;
	_ =	sdelay $0x3  }
0x1e8: {  	v6 =	vor.u32 $0x4010, v0;
	v7 =	vor.u32 $0x4090, v0  }
0x1e9: {  	v6 =	vadd.s32 v6, v2;
	v4 =	vmul.f32 v4, v3;
	v5 =	vmul.f32 v5, v1  }
0x1ea: {  	v7 =	vadd.s32 v7, v2  }
0x1eb: {  	v4 =	vadd.f32 v5, v4;
	_ =	sdelay $0x1  }
0x1ec: {  	[tilespmem:$0x6400] =	vst v4  }
0x1ed: {  	v4 =	vld.idx.msk [tilespmem:v6+s7+$0x0], $0xffff  }
0x1ee: {  	v5 =	vld.idx.msk [tilespmem:v7+s7+$0x0], $0xffff;
	_ =	sdelay $0x3  }
0x1ef: {  	v6 =	vor.u32 $0x4020, v0;
	v7 =	vor.u32 $0x40A0, v0  }
0x1f0: {  	v6 =	vadd.s32 v6, v2;
	v4 =	vmul.f32 v4, v3;
	v5 =	vmul.f32 v5, v1  }
0x1f1: {  	v7 =	vadd.s32 v7, v2  }
0x1f2: {  	v4 =	vadd.f32 v5, v4;
	_ =	sdelay $0x1  }
0x1f3: {  	[tilespmem:$0x6410] =	vst v4  }
0x1f4: {  	v4 =	vld.idx.msk [tilespmem:v6+s7+$0x0], $0xffff  }
0x1f5: {  	v5 =	vld.idx.msk [tilespmem:v7+s7+$0x0], $0xffff;
	_ =	sdelay $0x3  }
0x1f6: {  	v6 =	vor.u32 $0x4030, v0;
	v7 =	vor.u32 $0x40B0, v0  }
0x1f7: {  	v6 =	vadd.s32 v6, v2;
	v4 =	vmul.f32 v4, v3;
	v5 =	vmul.f32 v5, v1  }
0x1f8: {  	v7 =	vadd.s32 v7, v2  }
0x1f9: {  	v4 =	vadd.f32 v5, v4;
	_ =	sdelay $0x1  }
0x1fa: {  	[tilespmem:$0x6420] =	vst v4  }
0x1fb: {  	v4 =	vld.idx.msk [tilespmem:v6+s7+$0x0], $0xffff  }
0x1fc: {  	v5 =	vld.idx.msk [tilespmem:v7+s7+$0x0], $0xffff;
	_ =	sdelay $0x3  }
0x1fd: {  	v6 =	vor.u32 $0x4040, v0;
	v7 =	vor.u32 $0x40C0, v0  }
0x1fe: {  	v6 =	vadd.s32 v6, v2;
	v4 =	vmul.f32 v4, v3;
	v5 =	vmul.f32 v5, v1  }
0x1ff: {  	v7 =	vadd.s32 v7, v2  }
0x200: {  	v4 =	vadd.f32 v5, v4;
	_ =	sdelay $0x1  }
0x201: {  	[tilespmem:$0x6430] =	vst v4  }
0x202: {  	v4 =	vld.idx.msk [tilespmem:v6+s7+$0x0], $0xffff  }
0x203: {  	v5 =	vld.idx.msk [tilespmem:v7+s7+$0x0], $0xffff;
	_ =	sdelay $0x3  }
0x204: {  	v6 =	vor.u32 $0x4050, v0;
	v7 =	vor.u32 $0x40D0, v0  }
0x205: {  	v6 =	vadd.s32 v6, v2;
	v4 =	vmul.f32 v4, v3;
	v5 =	vmul.f32 v5, v1  }
0x206: {  	v7 =	vadd.s32 v7, v2  }
0x207: {  	v4 =	vadd.f32 v5, v4;
	_ =	sdelay $0x1  }
0x208: {  	[tilespmem:$0x6440] =	vst v4  }
0x209: {  	v4 =	vld.idx.msk [tilespmem:v6+s7+$0x0], $0xffff  }
0x20a: {  	v5 =	vld.idx.msk [tilespmem:v7+s7+$0x0], $0xffff;
	_ =	sdelay $0x3  }
0x20b: {  	v6 =	vor.u32 $0x4060, v0;
	v7 =	vor.u32 $0x40E0, v0  }
0x20c: {  	v6 =	vadd.s32 v6, v2;
	v4 =	vmul.f32 v4, v3;
	v5 =	vmul.f32 v5, v1  }
0x20d: {  	v7 =	vadd.s32 v7, v2  }
0x20e: {  	v4 =	vadd.f32 v5, v4;
	_ =	sdelay $0x1  }
0x20f: {  	[tilespmem:$0x6450] =	vst v4  }
0x210: {  	v4 =	vld.idx.msk [tilespmem:v6+s7+$0x0], $0xffff  }
0x211: {  	v5 =	vld.idx.msk [tilespmem:v7+s7+$0x0], $0xffff;
	_ =	sdelay $0x3  }
0x212: {  	v6 =	vor.u32 $0x4070, v0;
	v7 =	vor.u32 $0x40F0, v0  }
0x213: {  	v6 =	vadd.s32 v6, v2;
	v4 =	vmul.f32 v4, v3;
	v5 =	vmul.f32 v5, v1  }
0x214: {  	v7 =	vadd.s32 v7, v2  }
0x215: {  	v4 =	vadd.f32 v5, v4;
	_ =	sdelay $0x1  }
0x216: {  	[tilespmem:$0x6460] =	vst v4  }
0x217: {  	v4 =	vld.idx.msk [tilespmem:v6+s7+$0x0], $0xffff  }
0x218: {  	v5 =	vld.idx.msk [tilespmem:v7+s7+$0x0], $0xffff;
	_ =	sdelay $0x3  }
0x219: {  	v6 =	vor.u32 $0x4800, v0;
	v7 =	vor.u32 $0x4880, v0  }
0x21a: {  	v6 =	vadd.s32 v6, v2;
	v4 =	vmul.f32 v4, v3;
	v5 =	vmul.f32 v5, v1  }
0x21b: {  	v7 =	vadd.s32 v7, v2  }
0x21c: {  	v4 =	vadd.f32 v5, v4;
	_ =	sdelay $0x1  }
0x21d: {  	[tilespmem:$0x6470] =	vst v4  }
0x21e: {  	v4 =	vld.idx.msk [tilespmem:v6+s7+$0x0], $0xffff  }
0x21f: {  	v5 =	vld.idx.msk [tilespmem:v7+s7+$0x0], $0xffff;
	_ =	sdelay $0x3  }
0x220: {  	v6 =	vor.u32 $0x4810, v0;
	v7 =	vor.u32 $0x4890, v0  }
0x221: {  	v6 =	vadd.s32 v6, v2;
	v4 =	vmul.f32 v4, v3;
	v5 =	vmul.f32 v5, v1  }
0x222: {  	v7 =	vadd.s32 v7, v2  }
0x223: {  	v4 =	vadd.f32 v5, v4;
	_ =	sdelay $0x1  }
0x224: {  	[tilespmem:$0x6480] =	vst v4  }
0x225: {  	v4 =	vld.idx.msk [tilespmem:v6+s7+$0x0], $0xffff  }
0x226: {  	v5 =	vld.idx.msk [tilespmem:v7+s7+$0x0], $0xffff;
	_ =	sdelay $0x3  }
0x227: {  	v6 =	vor.u32 $0x4820, v0;
	v7 =	vor.u32 $0x48A0, v0  }
0x228: {  	v6 =	vadd.s32 v6, v2;
	v4 =	vmul.f32 v4, v3;
	v5 =	vmul.f32 v5, v1  }
0x229: {  	v7 =	vadd.s32 v7, v2  }
0x22a: {  	v4 =	vadd.f32 v5, v4;
	_ =	sdelay $0x1  }
0x22b: {  	[tilespmem:$0x6490] =	vst v4  }
0x22c: {  	v4 =	vld.idx.msk [tilespmem:v6+s7+$0x0], $0xffff  }
0x22d: {  	v5 =	vld.idx.msk [tilespmem:v7+s7+$0x0], $0xffff;
	_ =	sdelay $0x3  }
0x22e: {  	v6 =	vor.u32 $0x4830, v0;
	v7 =	vor.u32 $0x48B0, v0  }
0x22f: {  	v6 =	vadd.s32 v6, v2;
	v4 =	vmul.f32 v4, v3;
	v5 =	vmul.f32 v5, v1  }
0x230: {  	v7 =	vadd.s32 v7, v2  }
0x231: {  	v4 =	vadd.f32 v5, v4;
	_ =	sdelay $0x1  }
0x232: {  	[tilespmem:$0x64A0] =	vst v4  }
0x233: {  	v4 =	vld.idx.msk [tilespmem:v6+s7+$0x0], $0xffff  }
0x234: {  	v5 =	vld.idx.msk [tilespmem:v7+s7+$0x0], $0xffff;
	_ =	sdelay $0x3  }
0x235: {  	v6 =	vor.u32 $0x4840, v0;
	v7 =	vor.u32 $0x48C0, v0  }
0x236: {  	v6 =	vadd.s32 v6, v2;
	v4 =	vmul.f32 v4, v3;
	v5 =	vmul.f32 v5, v1  }
0x237: {  	v7 =	vadd.s32 v7, v2  }
0x238: {  	v4 =	vadd.f32 v5, v4;
	_ =	sdelay $0x1  }
0x239: {  	[tilespmem:$0x64B0] =	vst v4  }
0x23a: {  	v4 =	vld.idx.msk [tilespmem:v6+s7+$0x0], $0xffff  }
0x23b: {  	v5 =	vld.idx.msk [tilespmem:v7+s7+$0x0], $0xffff;
	_ =	sdelay $0x3  }
0x23c: {  	v6 =	vor.u32 $0x4850, v0;
	v7 =	vor.u32 $0x48D0, v0  }
0x23d: {  	v6 =	vadd.s32 v6, v2;
	v4 =	vmul.f32 v4, v3;
	v5 =	vmul.f32 v5, v1  }
0x23e: {  	v7 =	vadd.s32 v7, v2  }
0x23f: {  	v4 =	vadd.f32 v5, v4;
	_ =	sdelay $0x1  }
0x240: {  	[tilespmem:$0x64C0] =	vst v4  }
0x241: {  	v4 =	vld.idx.msk [tilespmem:v6+s7+$0x0], $0xffff  }
0x242: {  	v5 =	vld.idx.msk [tilespmem:v7+s7+$0x0], $0xffff;
	_ =	sdelay $0x3  }
0x243: {  	v6 =	vor.u32 $0x4860, v0;
	v7 =	vor.u32 $0x48E0, v0  }
0x244: {  	v6 =	vadd.s32 v6, v2;
	v4 =	vmul.f32 v4, v3;
	v5 =	vmul.f32 v5, v1  }
0x245: {  	v7 =	vadd.s32 v7, v2  }
0x246: {  	v4 =	vadd.f32 v5, v4;
	_ =	sdelay $0x1  }
0x247: {  	[tilespmem:$0x64D0] =	vst v4  }
0x248: {  	v4 =	vld.idx.msk [tilespmem:v6+s7+$0x0], $0xffff  }
0x249: {  	v5 =	vld.idx.msk [tilespmem:v7+s7+$0x0], $0xffff;
	_ =	sdelay $0x3  }
0x24a: {  	v6 =	vor.u32 $0x4870, v0;
	v7 =	vor.u32 $0x48F0, v0  }
0x24b: {  	v6 =	vadd.s32 v6, v2;
	v4 =	vmul.f32 v4, v3;
	v5 =	vmul.f32 v5, v1  }
0x24c: {  	v7 =	vadd.s32 v7, v2  }
0x24d: {  	v4 =	vadd.f32 v5, v4;
	_ =	sdelay $0x1  }
0x24e: {  	[tilespmem:$0x64E0] =	vst v4  }
0x24f: {  	v4 =	vld.idx.msk [tilespmem:v6+s7+$0x0], $0xffff  }
0x250: {  	v5 =	vld.idx.msk [tilespmem:v7+s7+$0x0], $0xffff;
	_ =	sdelay $0x3  }
0x251: {  	v6 =	vor.u32 $0x5000, v0;
	v7 =	vor.u32 $0x5080, v0  }
0x252: {  	v6 =	vadd.s32 v6, v2;
	v4 =	vmul.f32 v4, v3;
	v5 =	vmul.f32 v5, v1  }
0x253: {  	v7 =	vadd.s32 v7, v2  }
0x254: {  	v4 =	vadd.f32 v5, v4;
	_ =	sdelay $0x1  }
0x255: {  	[tilespmem:$0x64F0] =	vst v4  }
0x256: {  	v4 =	vld.idx.msk [tilespmem:v6+s7+$0x0], $0xffff  }
0x257: {  	v5 =	vld.idx.msk [tilespmem:v7+s7+$0x0], $0xffff;
	_ =	sdelay $0x3  }
0x258: {  	v6 =	vor.u32 $0x5010, v0;
	v7 =	vor.u32 $0x5090, v0  }
0x259: {  	v6 =	vadd.s32 v6, v2;
	v4 =	vmul.f32 v4, v3;
	v5 =	vmul.f32 v5, v1  }
0x25a: {  	v7 =	vadd.s32 v7, v2  }
0x25b: {  	v4 =	vadd.f32 v5, v4;
	_ =	sdelay $0x1  }
0x25c: {  	[tilespmem:$0x6500] =	vst v4  }
0x25d: {  	v4 =	vld.idx.msk [tilespmem:v6+s7+$0x0], $0xffff  }
0x25e: {  	v5 =	vld.idx.msk [tilespmem:v7+s7+$0x0], $0xffff;
	_ =	sdelay $0x3  }
0x25f: {  	v6 =	vor.u32 $0x5020, v0;
	v7 =	vor.u32 $0x50A0, v0  }
0x260: {  	v6 =	vadd.s32 v6, v2;
	v4 =	vmul.f32 v4, v3;
	v5 =	vmul.f32 v5, v1  }
0x261: {  	v7 =	vadd.s32 v7, v2  }
0x262: {  	v4 =	vadd.f32 v5, v4;
	_ =	sdelay $0x1  }
0x263: {  	[tilespmem:$0x6510] =	vst v4  }
0x264: {  	v4 =	vld.idx.msk [tilespmem:v6+s7+$0x0], $0xffff  }
0x265: {  	v5 =	vld.idx.msk [tilespmem:v7+s7+$0x0], $0xffff;
	_ =	sdelay $0x3  }
0x266: {  	v6 =	vor.u32 $0x5030, v0;
	v7 =	vor.u32 $0x50B0, v0  }
0x267: {  	v6 =	vadd.s32 v6, v2;
	v4 =	vmul.f32 v4, v3;
	v5 =	vmul.f32 v5, v1  }
0x268: {  	v7 =	vadd.s32 v7, v2  }
0x269: {  	v4 =	vadd.f32 v5, v4;
	_ =	sdelay $0x1  }
0x26a: {  	[tilespmem:$0x6520] =	vst v4  }
0x26b: {  	v4 =	vld.idx.msk [tilespmem:v6+s7+$0x0], $0xffff  }
0x26c: {  	v5 =	vld.idx.msk [tilespmem:v7+s7+$0x0], $0xffff;
	_ =	sdelay $0x3  }
0x26d: {  	v6 =	vor.u32 $0x5040, v0;
	v7 =	vor.u32 $0x50C0, v0  }
0x26e: {  	v6 =	vadd.s32 v6, v2;
	v4 =	vmul.f32 v4, v3;
	v5 =	vmul.f32 v5, v1  }
0x26f: {  	v7 =	vadd.s32 v7, v2  }
0x270: {  	v4 =	vadd.f32 v5, v4;
	_ =	sdelay $0x1  }
0x271: {  	[tilespmem:$0x6530] =	vst v4  }
0x272: {  	v4 =	vld.idx.msk [tilespmem:v6+s7+$0x0], $0xffff  }
0x273: {  	v5 =	vld.idx.msk [tilespmem:v7+s7+$0x0], $0xffff;
	_ =	sdelay $0x3  }
0x274: {  	v6 =	vor.u32 $0x5050, v0;
	v7 =	vor.u32 $0x50D0, v0  }
0x275: {  	v6 =	vadd.s32 v6, v2;
	v4 =	vmul.f32 v4, v3;
	v5 =	vmul.f32 v5, v1  }
0x276: {  	v7 =	vadd.s32 v7, v2  }
0x277: {  	v4 =	vadd.f32 v5, v4;
	_ =	sdelay $0x1  }
0x278: {  	[tilespmem:$0x6540] =	vst v4  }
0x279: {  	v4 =	vld.idx.msk [tilespmem:v6+s7+$0x0], $0xffff  }
0x27a: {  	v5 =	vld.idx.msk [tilespmem:v7+s7+$0x0], $0xffff;
	_ =	sdelay $0x3  }
0x27b: {  	v6 =	vor.u32 $0x5060, v0;
	v7 =	vor.u32 $0x50E0, v0  }
0x27c: {  	v6 =	vadd.s32 v6, v2;
	v4 =	vmul.f32 v4, v3;
	v5 =	vmul.f32 v5, v1  }
0x27d: {  	v7 =	vadd.s32 v7, v2  }
0x27e: {  	v4 =	vadd.f32 v5, v4;
	_ =	sdelay $0x1  }
0x27f: {  	[tilespmem:$0x6550] =	vst v4  }
0x280: {  	v4 =	vld.idx.msk [tilespmem:v6+s7+$0x0], $0xffff  }
0x281: {  	v5 =	vld.idx.msk [tilespmem:v7+s7+$0x0], $0xffff;
	_ =	sdelay $0x3  }
0x282: {  	v6 =	vor.u32 $0x5070, v0;
	v7 =	vor.u32 $0x50F0, v0  }
0x283: {  	v6 =	vadd.s32 v6, v2;
	v4 =	vmul.f32 v4, v3;
	v5 =	vmul.f32 v5, v1  }
0x284: {  	v7 =	vadd.s32 v7, v2  }
0x285: {  	v4 =	vadd.f32 v5, v4;
	_ =	sdelay $0x1  }
0x286: {  	[tilespmem:$0x6560] =	vst v4  }
0x287: {  	v4 =	vld.idx.msk [tilespmem:v6+s7+$0x0], $0xffff  }
0x288: {  	v5 =	vld.idx.msk [tilespmem:v7+s7+$0x0], $0xffff;
	_ =	sdelay $0x3  }
0x289: {  	v6 =	vor.u32 $0x5800, v0;
	v7 =	vor.u32 $0x5880, v0  }
0x28a: {  	v6 =	vadd.s32 v6, v2;
	v4 =	vmul.f32 v4, v3;
	v5 =	vmul.f32 v5, v1  }
0x28b: {  	v7 =	vadd.s32 v7, v2  }
0x28c: {  	v4 =	vadd.f32 v5, v4;
	_ =	sdelay $0x1  }
0x28d: {  	[tilespmem:$0x6570] =	vst v4  }
0x28e: {  	v4 =	vld.idx.msk [tilespmem:v6+s7+$0x0], $0xffff  }
0x28f: {  	v5 =	vld.idx.msk [tilespmem:v7+s7+$0x0], $0xffff;
	_ =	sdelay $0x3  }
0x290: {  	v6 =	vor.u32 $0x5810, v0;
	v7 =	vor.u32 $0x5890, v0  }
0x291: {  	v6 =	vadd.s32 v6, v2;
	v4 =	vmul.f32 v4, v3;
	v5 =	vmul.f32 v5, v1  }
0x292: {  	v7 =	vadd.s32 v7, v2  }
0x293: {  	v4 =	vadd.f32 v5, v4;
	_ =	sdelay $0x1  }
0x294: {  	[tilespmem:$0x6580] =	vst v4  }
0x295: {  	v4 =	vld.idx.msk [tilespmem:v6+s7+$0x0], $0xffff  }
0x296: {  	v5 =	vld.idx.msk [tilespmem:v7+s7+$0x0], $0xffff;
	_ =	sdelay $0x3  }
0x297: {  	v6 =	vor.u32 $0x5820, v0;
	v7 =	vor.u32 $0x58A0, v0  }
0x298: {  	v6 =	vadd.s32 v6, v2;
	v4 =	vmul.f32 v4, v3;
	v5 =	vmul.f32 v5, v1  }
0x299: {  	v7 =	vadd.s32 v7, v2  }
0x29a: {  	v4 =	vadd.f32 v5, v4;
	_ =	sdelay $0x1  }
0x29b: {  	[tilespmem:$0x6590] =	vst v4  }
0x29c: {  	v4 =	vld.idx.msk [tilespmem:v6+s7+$0x0], $0xffff  }
0x29d: {  	v5 =	vld.idx.msk [tilespmem:v7+s7+$0x0], $0xffff;
	_ =	sdelay $0x3  }
0x29e: {  	v6 =	vor.u32 $0x5830, v0;
	v7 =	vor.u32 $0x58B0, v0  }
0x29f: {  	v6 =	vadd.s32 v6, v2;
	v4 =	vmul.f32 v4, v3;
	v5 =	vmul.f32 v5, v1  }
0x2a0: {  	v7 =	vadd.s32 v7, v2  }
0x2a1: {  	v4 =	vadd.f32 v5, v4;
	_ =	sdelay $0x1  }
0x2a2: {  	[tilespmem:$0x65A0] =	vst v4  }
0x2a3: {  	v4 =	vld.idx.msk [tilespmem:v6+s7+$0x0], $0xffff  }
0x2a4: {  	v5 =	vld.idx.msk [tilespmem:v7+s7+$0x0], $0xffff;
	_ =	sdelay $0x3  }
0x2a5: {  	v6 =	vor.u32 $0x5840, v0;
	v7 =	vor.u32 $0x58C0, v0  }
0x2a6: {  	v6 =	vadd.s32 v6, v2;
	v4 =	vmul.f32 v4, v3;
	v5 =	vmul.f32 v5, v1  }
0x2a7: {  	v7 =	vadd.s32 v7, v2  }
0x2a8: {  	v4 =	vadd.f32 v5, v4;
	_ =	sdelay $0x1  }
0x2a9: {  	[tilespmem:$0x65B0] =	vst v4  }
0x2aa: {  	v4 =	vld.idx.msk [tilespmem:v6+s7+$0x0], $0xffff  }
0x2ab: {  	v5 =	vld.idx.msk [tilespmem:v7+s7+$0x0], $0xffff;
	_ =	sdelay $0x3  }
0x2ac: {  	v6 =	vor.u32 $0x5850, v0;
	v7 =	vor.u32 $0x58D0, v0  }
0x2ad: {  	v6 =	vadd.s32 v6, v2;
	v4 =	vmul.f32 v4, v3;
	v5 =	vmul.f32 v5, v1  }
0x2ae: {  	v7 =	vadd.s32 v7, v2  }
0x2af: {  	v4 =	vadd.f32 v5, v4;
	_ =	sdelay $0x1  }
0x2b0: {  	[tilespmem:$0x65C0] =	vst v4  }
0x2b1: {  	v4 =	vld.idx.msk [tilespmem:v6+s7+$0x0], $0xffff  }
0x2b2: {  	v5 =	vld.idx.msk [tilespmem:v7+s7+$0x0], $0xffff;
	_ =	sdelay $0x3  }
0x2b3: {  	v6 =	vor.u32 $0x5860, v0;
	v7 =	vor.u32 $0x58E0, v0  }
0x2b4: {  	v6 =	vadd.s32 v6, v2;
	v4 =	vmul.f32 v4, v3;
	v5 =	vmul.f32 v5, v1  }
0x2b5: {  	v7 =	vadd.s32 v7, v2  }
0x2b6: {  	v4 =	vadd.f32 v5, v4;
	_ =	sdelay $0x1  }
0x2b7: {  	[tilespmem:$0x65D0] =	vst v4  }
0x2b8: {  	v4 =	vld.idx.msk [tilespmem:v6+s7+$0x0], $0xffff  }
0x2b9: {  	v5 =	vld.idx.msk [tilespmem:v7+s7+$0x0], $0xffff;
	_ =	sdelay $0x3  }
0x2ba: {  	v6 =	vor.u32 $0x5870, v0;
	v7 =	vor.u32 $0x58F0, v0  }
0x2bb: {  	v6 =	vadd.s32 v6, v2;
	v4 =	vmul.f32 v4, v3;
	v5 =	vmul.f32 v5, v1  }
0x2bc: {  	v2 =	vadd.s32 v7, v2  }
0x2bd: {  	v4 =	vadd.f32 v5, v4;
	_ =	sdelay $0x1  }
0x2be: {  	[tilespmem:$0x65E0] =	vst v4  }
0x2bf: {  	v4 =	vld.idx.msk [tilespmem:v6+s7+$0x0], $0xffff  }
0x2c0: {  	v2 =	vld.idx.msk [tilespmem:v2+s7+$0x0], $0xffff;
	_ =	sdelay $0x4  }
0x2c1: {  	v3 =	vmul.f32 v4, v3;
	v1 =	vmul.f32 v2, v1;
	_ =	sdelay $0x1  }
0x2c2: {  	v1 =	vadd.f32 v1, v3;
	_ =	sdelay $0x1  }
0x2c3: {  	[tilespmem:$0x65F0] =	vst v1  }
0x2c4: {  	v1 =	vld [tilespmem:s24+$0x0];
	_ =	sdelay $0x4  }
0x2c5: {  	v1 =	vadd.f32 $1.000000000e+00, v1;
	_ =	sdelay $0x1  }
0x2c6: {  	v1 =	vmul.f32 $3.500000000e+00, v1;
	_ =	sdelay $0x1  }
0x2c7: {  	v1 =	vmax.f32 v1, $0.0e+00  }
0x2c8: {  	s21 =	simm.s32 $0x8C00;
	v2 =	vmin.f32 v1, $7.000000000e+00  }
0x2c9: {  	v1 =	vld [tilespmem:s21+$0x0];
	v3 =	vtrunc.f32 v2  }
0x2ca: {  	v3 =	vcvt.f32.s32 v3;
	_ =	sdelay $0x1  }
0x2cb: {  	vm0 =	vlt.s32 v3, $0x6  }
0x2cc: {  	v3 =	vnsel vm0, $0x6, v3  }
0x2cd: {  	v1 =	vadd.s32 v1, v3  }
0x2ce: {  	v4 =	vadd.s32 $0x9, v1  }
0x2cf: {  	s31 =	simm.s32 $0x8E00;
	v5 =	vadd.s32 $0x1, v1  }
0x2d0: {  	v7 =	vld [tilespmem:s31+$0x0];
	v6 =	vadd.s32 $0x8, v1  }
0x2d1: {  	v3 =	vcvt.s32.f32 v3  }
0x2d2: {  	v8 =	vld.idx.msk [tilespmem:v1+s28+$0x0], $0xffff  }
0x2d3: {  	v3 =	vsub.f32 v2, v3;
	v9 =	vld.idx.msk [tilespmem:v4+s28+$0x0], $0xffff  }
0x2d4: {  	v10 =	vld.idx.msk [tilespmem:v5+s28+$0x0], $0xffff  }
0x2d5: {  	v11 =	vsub.f32 $1.000000000e+00, v3;
	v6 =	vld.idx.msk [tilespmem:v6+s28+$0x0], $0xffff;
	v4 =	vsub.f32 $1.000000000e+00, v7;
	_ =	sdelay $0x1  }
0x2d6: {  	v2 =	vmul.f32 v3, v7;
	v5 =	vmul.f32 v11, v4  }
0x2d7: {  	v4 =	vmul.f32 v3, v4;
	v3 =	vmul.f32 v11, v7  }
0x2d8: {  	v8 =	vmul.f32 v5, v8;
	v7 =	vmul.f32 v2, v9  }
0x2d9: {  	v9 =	vmul.f32 v4, v10;
	v6 =	vmul.f32 v3, v6;
	_ =	sdelay $0x1  }
0x2da: {  	v8 =	vadd.f32 v8, v9;
	v6 =	vadd.f32 v6, v7;
	v7 =	vadd.s32 $0x80, v1  }
0x2db: {  	v9 =	vadd.s32 $0x81, v1  }
0x2dc: {  	s6 =	sand.u32 $0x70, s7;
	s30 =	sand.u32 $0xC00, s7;
	v10 =	vadd.s32 $0x89, v1;
	v6 =	vadd.f32 v6, v8  }
0x2dd: {  	s6 =	sor.u32 s6, s30;
	v8 =	vadd.s32 $0x88, v1  }
0x2de: {  	[tilespmem:s6+$0x6800] =	vst v6  }
0x2df: {  	v6 =	vld.idx.msk [tilespmem:v7+s28+$0x0], $0xffff  }
0x2e0: {  	v7 =	vld.idx.msk [tilespmem:v9+s28+$0x0], $0xffff  }
0x2e1: {  	v9 =	vld.idx.msk [tilespmem:v10+s28+$0x0], $0xffff  }
0x2e2: {  	v8 =	vld.idx.msk [tilespmem:v8+s28+$0x0], $0xffff;
	_ =	sdelay $0x3  }
0x2e3: {  	v6 =	vmul.f32 v5, v6;
	v7 =	vmul.f32 v7, v4  }
0x2e4: {  	v9 =	vmul.f32 v9, v2;
	v8 =	vmul.f32 v8, v3;
	_ =	sdelay $0x1  }
0x2e5: {  	v6 =	vadd.f32 v6, v7;
	v7 =	vadd.f32 v9, v8;
	v8 =	vadd.s32 $0x108, v1  }
0x2e6: {  	v9 =	vadd.s32 $0x101, v1  }
0x2e7: {  	v10 =	vadd.s32 $0x109, v1;
	v6 =	vadd.f32 v7, v6  }
0x2e8: {  	v7 =	vadd.s32 $0x100, v1  }
0x2e9: {  	[tilespmem:s6+$0x6880] =	vst v6  }
0x2ea: {  	v6 =	vld.idx.msk [tilespmem:v8+s28+$0x0], $0xffff  }
0x2eb: {  	v8 =	vld.idx.msk [tilespmem:v9+s28+$0x0], $0xffff  }
0x2ec: {  	v9 =	vld.idx.msk [tilespmem:v10+s28+$0x0], $0xffff  }
0x2ed: {  	v7 =	vld.idx.msk [tilespmem:v7+s28+$0x0], $0xffff;
	_ =	sdelay $0x3  }
0x2ee: {  	v8 =	vmul.f32 v8, v4;
	v6 =	vmul.f32 v6, v3  }
0x2ef: {  	v9 =	vmul.f32 v9, v2;
	v7 =	vmul.f32 v7, v5;
	_ =	sdelay $0x1  }
0x2f0: {  	v6 =	vadd.f32 v9, v6;
	v7 =	vadd.f32 v8, v7;
	v8 =	vadd.s32 $0x180, v1  }
0x2f1: {  	v9 =	vadd.s32 $0x188, v1  }
0x2f2: {  	v10 =	vadd.s32 $0x189, v1;
	v6 =	vadd.f32 v6, v7  }
0x2f3: {  	v7 =	vadd.s32 $0x181, v1  }
0x2f4: {  	[tilespmem:s6+$0x6900] =	vst v6  }
0x2f5: {  	v6 =	vld.idx.msk [tilespmem:v8+s28+$0x0], $0xffff  }
0x2f6: {  	v8 =	vld.idx.msk [tilespmem:v9+s28+$0x0], $0xffff  }
0x2f7: {  	v9 =	vld.idx.msk [tilespmem:v10+s28+$0x0], $0xffff  }
0x2f8: {  	v7 =	vld.idx.msk [tilespmem:v7+s28+$0x0], $0xffff;
	_ =	sdelay $0x3  }
0x2f9: {  	v6 =	vmul.f32 v6, v5;
	v8 =	vmul.f32 v8, v3  }
0x2fa: {  	v9 =	vmul.f32 v9, v2;
	v7 =	vmul.f32 v7, v4;
	_ =	sdelay $0x1  }
0x2fb: {  	v6 =	vadd.f32 v7, v6;
	v7 =	vadd.f32 v9, v8;
	v8 =	vadd.s32 $0x209, v1  }
0x2fc: {  	v9 =	vadd.s32 $0x201, v1  }
0x2fd: {  	v10 =	vadd.s32 $0x200, v1;
	v6 =	vadd.f32 v7, v6  }
0x2fe: {  	v7 =	vadd.s32 $0x208, v1  }
0x2ff: {  	[tilespmem:s6+$0x6980] =	vst v6  }
0x300: {  	v6 =	vld.idx.msk [tilespmem:v8+s28+$0x0], $0xffff  }
0x301: {  	v8 =	vld.idx.msk [tilespmem:v9+s28+$0x0], $0xffff  }
0x302: {  	v9 =	vld.idx.msk [tilespmem:v10+s28+$0x0], $0xffff  }
0x303: {  	v7 =	vld.idx.msk [tilespmem:v7+s28+$0x0], $0xffff;
	_ =	sdelay $0x3  }
0x304: {  	v6 =	vmul.f32 v6, v2;
	v8 =	vmul.f32 v8, v4  }
0x305: {  	v9 =	vmul.f32 v9, v5;
	v7 =	vmul.f32 v7, v3;
	_ =	sdelay $0x1  }
0x306: {  	v6 =	vadd.f32 v6, v7;
	v7 =	vadd.f32 v8, v9;
	v8 =	vadd.s32 $0x281, v1  }
0x307: {  	v9 =	vadd.s32 $0x289, v1  }
0x308: {  	v10 =	vadd.s32 $0x288, v1;
	v6 =	vadd.f32 v6, v7  }
0x309: {  	v7 =	vadd.s32 $0x280, v1  }
0x30a: {  	[tilespmem:s6+$0x6A00] =	vst v6  }
0x30b: {  	v6 =	vld.idx.msk [tilespmem:v8+s28+$0x0], $0xffff  }
0x30c: {  	v8 =	vld.idx.msk [tilespmem:v9+s28+$0x0], $0xffff  }
0x30d: {  	v9 =	vld.idx.msk [tilespmem:v10+s28+$0x0], $0xffff  }
0x30e: {  	v7 =	vld.idx.msk [tilespmem:v7+s28+$0x0], $0xffff;
	_ =	sdelay $0x3  }
0x30f: {  	v6 =	vmul.f32 v6, v4;
	v8 =	vmul.f32 v8, v2  }
0x310: {  	v9 =	vmul.f32 v9, v3;
	v7 =	vmul.f32 v7, v5;
	_ =	sdelay $0x1  }
0x311: {  	v6 =	vadd.f32 v6, v7;
	v7 =	vadd.f32 v8, v9;
	v8 =	vadd.s32 $0x309, v1  }
0x312: {  	v9 =	vadd.s32 $0x301, v1  }
0x313: {  	v10 =	vadd.s32 $0x308, v1;
	v6 =	vadd.f32 v7, v6  }
0x314: {  	v7 =	vadd.s32 $0x300, v1  }
0x315: {  	[tilespmem:s6+$0x6A80] =	vst v6  }
0x316: {  	v6 =	vld.idx.msk [tilespmem:v8+s28+$0x0], $0xffff  }
0x317: {  	v8 =	vld.idx.msk [tilespmem:v9+s28+$0x0], $0xffff  }
0x318: {  	v9 =	vld.idx.msk [tilespmem:v10+s28+$0x0], $0xffff  }
0x319: {  	v7 =	vld.idx.msk [tilespmem:v7+s28+$0x0], $0xffff;
	_ =	sdelay $0x3  }
0x31a: {  	v6 =	vmul.f32 v6, v2;
	v8 =	vmul.f32 v8, v4  }
0x31b: {  	v9 =	vmul.f32 v9, v3;
	v7 =	vmul.f32 v7, v5;
	_ =	sdelay $0x1  }
0x31c: {  	v6 =	vadd.f32 v6, v9;
	v7 =	vadd.f32 v8, v7;
	v8 =	vadd.s32 $0x380, v1  }
0x31d: {  	v9 =	vadd.s32 $0x388, v1  }
0x31e: {  	v10 =	vadd.s32 $0x389, v1;
	v6 =	vadd.f32 v6, v7  }
0x31f: {  	v7 =	vadd.s32 $0x381, v1  }
0x320: {  	[tilespmem:s6+$0x6B00] =	vst v6  }
0x321: {  	v6 =	vld.idx.msk [tilespmem:v8+s28+$0x0], $0xffff  }
0x322: {  	v8 =	vld.idx.msk [tilespmem:v9+s28+$0x0], $0xffff  }
0x323: {  	v9 =	vld.idx.msk [tilespmem:v10+s28+$0x0], $0xffff  }
0x324: {  	v7 =	vld.idx.msk [tilespmem:v7+s28+$0x0], $0xffff;
	_ =	sdelay $0x3  }
0x325: {  	v6 =	vmul.f32 v6, v5;
	v8 =	vmul.f32 v8, v3  }
0x326: {  	v9 =	vmul.f32 v9, v2;
	v7 =	vmul.f32 v7, v4;
	_ =	sdelay $0x1  }
0x327: {  	v6 =	vadd.f32 v7, v6;
	v7 =	vadd.f32 v9, v8;
	v8 =	vadd.s32 $0x409, v1  }
0x328: {  	v9 =	vadd.s32 $0x401, v1  }
0x329: {  	s31 =	sor.u32 s7, s7;
	v10 =	vadd.s32 $0x408, v1;
	v6 =	vadd.f32 v7, v6  }
0x32a: {  	s1 =	sor.u32 $0x380, s31;
	v7 =	vadd.s32 $0x400, v1  }
0x32b: {  	[tilespmem:s1+$0x6800] =	vst v6  }
0x32c: {  	v6 =	vld.idx.msk [tilespmem:v8+s28+$0x0], $0xffff  }
0x32d: {  	v8 =	vld.idx.msk [tilespmem:v9+s28+$0x0], $0xffff  }
0x32e: {  	v9 =	vld.idx.msk [tilespmem:v10+s28+$0x0], $0xffff  }
0x32f: {  	v7 =	vld.idx.msk [tilespmem:v7+s28+$0x0], $0xffff;
	_ =	sdelay $0x3  }
0x330: {  	v6 =	vmul.f32 v6, v2;
	v8 =	vmul.f32 v8, v4  }
0x331: {  	v9 =	vmul.f32 v9, v3;
	v7 =	vmul.f32 v7, v5;
	_ =	sdelay $0x1  }
0x332: {  	v6 =	vadd.f32 v6, v9;
	v7 =	vadd.f32 v8, v7;
	v8 =	vadd.s32 $0x489, v1  }
0x333: {  	v9 =	vadd.s32 $0x480, v1  }
0x334: {  	v10 =	vadd.s32 $0x488, v1;
	v6 =	vadd.f32 v6, v7  }
0x335: {  	v7 =	vadd.s32 $0x481, v1  }
0x336: {  	[tilespmem:s6+$0x7800] =	vst v6  }
0x337: {  	v6 =	vld.idx.msk [tilespmem:v8+s28+$0x0], $0xffff  }
0x338: {  	v8 =	vld.idx.msk [tilespmem:v9+s28+$0x0], $0xffff  }
0x339: {  	v9 =	vld.idx.msk [tilespmem:v10+s28+$0x0], $0xffff  }
0x33a: {  	v7 =	vld.idx.msk [tilespmem:v7+s28+$0x0], $0xffff;
	_ =	sdelay $0x3  }
0x33b: {  	v8 =	vmul.f32 v8, v5;
	v10 =	vmul.f32 v6, v2  }
0x33c: {  	v9 =	vmul.f32 v9, v3;
	v7 =	vmul.f32 v7, v4  }
0x33d: {  	v6 =	vadd.s32 $0x501, v1  }
0x33e: {  	s29 =	simm.s32 $0x8E10;
	s1 =	simm.s32 $0x10;
	v9 =	vadd.f32 v10, v9;
	v8 =	vadd.f32 v7, v8;
	v7 =	vadd.s32 $0x500, v1  }
.LBB2_3:
0x33f: {  	s7 =	sadd.s32 $0x80, s7;
	s24 =	sadd.s32 $0x10, s24;
	s21 =	sadd.s32 $0x10, s21  }
0x340: {  	p0 =	sne.s32 s1, $0x1F0;
	s30 =	smov.u32 s1;
	s1 =	sadd.s32 $0x10, s1;
	v8 =	vadd.f32 v9, v8;
	v9 =	vadd.s32 $0x508, v1  }
0x341: {  	v10 =	vadd.s32 $0x509, v1  }
0x342: {  	[tilespmem:s6+$0x7880] =	vst v8  }
0x343: {  	v7 =	vld.idx.msk [tilespmem:v7+s28+$0x0], $0xffff  }
0x344: {  	v6 =	vld.idx.msk [tilespmem:v6+s28+$0x0], $0xffff  }
0x345: {  	v8 =	vld.idx.msk [tilespmem:v9+s28+$0x0], $0xffff  }
0x346: {  	v9 =	vld.idx.msk [tilespmem:v10+s28+$0x0], $0xffff;
	_ =	sdelay $0x2  }
0x347: {  	v7 =	vmul.f32 v7, v5  }
0x348: {  	v6 =	vmul.f32 v6, v4  }
0x349: {  	v8 =	vmul.f32 v8, v3  }
0x34a: {  	v9 =	vmul.f32 v9, v2;
	_ =	sdelay $0x1  }
0x34b: {  	v6 =	vadd.f32 v6, v7;
	v7 =	vadd.f32 v9, v8;
	v8 =	vadd.s32 $0x580, v1  }
0x34c: {  	v9 =	vadd.s32 $0x581, v1  }
0x34d: {  	v6 =	vadd.f32 v7, v6;
	v7 =	vadd.s32 $0x589, v1  }
0x34e: {  	v1 =	vadd.s32 $0x588, v1  }
0x34f: {  	[tilespmem:s6+$0x7900] =	vst v6  }
0x350: {  	v6 =	vld.idx.msk [tilespmem:v8+s28+$0x0], $0xffff  }
0x351: {  	v8 =	vld.idx.msk [tilespmem:v9+s28+$0x0], $0xffff  }
0x352: {  	v7 =	vld.idx.msk [tilespmem:v7+s28+$0x0], $0xffff  }
0x353: {  	v1 =	vld.idx.msk [tilespmem:v1+s28+$0x0], $0xffff;
	_ =	sdelay $0x2  }
0x354: {  	v5 =	vmul.f32 v6, v5  }
0x355: {  	v4 =	vmul.f32 v8, v4  }
0x356: {  	v2 =	vmul.f32 v7, v2  }
0x357: {  	v1 =	vmul.f32 v1, v3  }
0x358: {  	v3 =	vadd.f32 v4, v5  }
0x359: {  	v1 =	vadd.f32 v2, v1;
	_ =	sdelay $0x1  }
0x35a: {  	v1 =	vadd.f32 v1, v3;
	_ =	sdelay $0x1  }
0x35b: {  	[tilespmem:s6+$0x7980] =	vst v1  }
0x35c: {  	v1 =	vld [tilespmem:s24+$0x0];
	_ =	sdelay $0x4  }
0x35d: {  	v1 =	vadd.f32 $1.000000000e+00, v1;
	_ =	sdelay $0x1  }
0x35e: {  	v1 =	vmul.f32 $3.500000000e+00, v1;
	_ =	sdelay $0x1  }
0x35f: {  	v1 =	vmax.f32 v1, $0.0e+00  }
0x360: {  	v2 =	vmin.f32 v1, $7.000000000e+00  }
0x361: {  	v1 =	vld [tilespmem:s21+$0x0];
	v3 =	vtrunc.f32 v2  }
0x362: {  	v3 =	vcvt.f32.s32 v3;
	_ =	sdelay $0x1  }
0x363: {  	vm0 =	vlt.s32 v3, $0x6  }
0x364: {  	v3 =	vnsel vm0, $0x6, v3  }
0x365: {  	v4 =	vcvt.s32.f32 v3;
	v1 =	vadd.s32 v1, v3  }
0x366: {  	v3 =	vadd.s32 $0x1, v1;
	v5 =	vadd.s32 $0x8, v1;
	v7 =	vadd.s32 $0x9, v1  }
0x367: {  	v6 =	vadd.s32 $0x501, v1;
	v4 =	vsub.f32 v2, v4;
	_ =	sdelay $0x1  }
0x368: {  	v8 =	vld [tilespmem:s29+$0x0];
	v9 =	vsub.f32 $1.000000000e+00, v4  }
0x369: {  	v10 =	vld.idx.msk [tilespmem:v1+s28+$0x0], $0xffff  }
0x36a: {  	v7 =	vld.idx.msk [tilespmem:v7+s28+$0x0], $0xffff  }
0x36b: {  	v11 =	vld.idx.msk [tilespmem:v3+s28+$0x0], $0xffff  }
0x36c: {  	v12 =	vld.idx.msk [tilespmem:v5+s28+$0x0], $0xffff  }
0x36d: {  	v3 =	vsub.f32 $1.000000000e+00, v8  }
0x36e: {  	v2 =	vmul.f32 v4, v8  }
0x36f: {  	v5 =	vmul.f32 v9, v3;
	v4 =	vmul.f32 v4, v3  }
0x370: {  	v3 =	vmul.f32 v9, v8;
	v7 =	vmul.f32 v2, v7  }
0x371: {  	v8 =	vmul.f32 v5, v10;
	v9 =	vmul.f32 v4, v11  }
0x372: {  	v10 =	vmul.f32 v3, v12  }
0x373: {  	v8 =	vadd.f32 v8, v9  }
0x374: {  	v7 =	vadd.f32 v10, v7;
	v9 =	vadd.s32 $0x80, v1  }
0x375: {  	v10 =	vadd.s32 $0x81, v1  }
0x376: {  	s31 =	sand.u32 $0xC00, s7;
	s6 =	sand.u32 $0x70, s30;
	v7 =	vadd.f32 v7, v8;
	v8 =	vadd.s32 $0x88, v1  }
0x377: {  	s6 =	sor.u32 s6, s31;
	v11 =	vadd.s32 $0x89, v1  }
0x378: {  	[tilespmem:s6+$0x6800] =	vst v7  }
0x379: {  	v7 =	vld.idx.msk [tilespmem:v9+s28+$0x0], $0xffff  }
0x37a: {  	v9 =	vld.idx.msk [tilespmem:v10+s28+$0x0], $0xffff  }
0x37b: {  	v8 =	vld.idx.msk [tilespmem:v8+s28+$0x0], $0xffff  }
0x37c: {  	v10 =	vld.idx.msk [tilespmem:v11+s28+$0x0], $0xffff;
	_ =	sdelay $0x2  }
0x37d: {  	v7 =	vmul.f32 v5, v7  }
0x37e: {  	v9 =	vmul.f32 v9, v4  }
0x37f: {  	v8 =	vmul.f32 v8, v3  }
0x380: {  	v7 =	vadd.f32 v7, v9;
	v9 =	vmul.f32 v10, v2;
	_ =	sdelay $0x1  }
0x381: {  	v8 =	vadd.f32 v9, v8;
	v9 =	vadd.s32 $0x108, v1  }
0x382: {  	v10 =	vadd.s32 $0x101, v1  }
0x383: {  	v7 =	vadd.f32 v8, v7;
	v8 =	vadd.s32 $0x100, v1  }
0x384: {  	v11 =	vadd.s32 $0x109, v1  }
0x385: {  	[tilespmem:s6+$0x6880] =	vst v7  }
0x386: {  	v7 =	vld.idx.msk [tilespmem:v9+s28+$0x0], $0xffff  }
0x387: {  	v9 =	vld.idx.msk [tilespmem:v10+s28+$0x0], $0xffff  }
0x388: {  	v8 =	vld.idx.msk [tilespmem:v8+s28+$0x0], $0xffff  }
0x389: {  	v10 =	vld.idx.msk [tilespmem:v11+s28+$0x0], $0xffff;
	_ =	sdelay $0x3  }
0x38a: {  	v9 =	vmul.f32 v9, v4  }
0x38b: {  	v7 =	vmul.f32 v7, v3;
	v8 =	vmul.f32 v8, v5  }
0x38c: {  	v10 =	vmul.f32 v10, v2  }
0x38d: {  	v8 =	vadd.f32 v9, v8  }
0x38e: {  	v9 =	vadd.s32 $0x180, v1;
	v7 =	vadd.f32 v10, v7  }
0x38f: {  	v10 =	vadd.s32 $0x188, v1  }
0x390: {  	v7 =	vadd.f32 v7, v8;
	v8 =	vadd.s32 $0x181, v1  }
0x391: {  	v11 =	vadd.s32 $0x189, v1  }
0x392: {  	[tilespmem:s6+$0x6900] =	vst v7  }
0x393: {  	v7 =	vld.idx.msk [tilespmem:v9+s28+$0x0], $0xffff  }
0x394: {  	v9 =	vld.idx.msk [tilespmem:v10+s28+$0x0], $0xffff  }
0x395: {  	v8 =	vld.idx.msk [tilespmem:v8+s28+$0x0], $0xffff  }
0x396: {  	v10 =	vld.idx.msk [tilespmem:v11+s28+$0x0], $0xffff;
	_ =	sdelay $0x2  }
0x397: {  	v7 =	vmul.f32 v7, v5;
	_ =	sdelay $0x1  }
0x398: {  	v9 =	vmul.f32 v9, v3;
	v8 =	vmul.f32 v8, v4  }
0x399: {  	v10 =	vmul.f32 v10, v2  }
0x39a: {  	v7 =	vadd.f32 v8, v7  }
0x39b: {  	v8 =	vadd.f32 v10, v9;
	v9 =	vadd.s32 $0x209, v1  }
0x39c: {  	v10 =	vadd.s32 $0x201, v1  }
0x39d: {  	v7 =	vadd.f32 v8, v7;
	v8 =	vadd.s32 $0x208, v1  }
0x39e: {  	v11 =	vadd.s32 $0x200, v1  }
0x39f: {  	[tilespmem:s6+$0x6980] =	vst v7  }
0x3a0: {  	v7 =	vld.idx.msk [tilespmem:v9+s28+$0x0], $0xffff  }
0x3a1: {  	v9 =	vld.idx.msk [tilespmem:v10+s28+$0x0], $0xffff  }
0x3a2: {  	v8 =	vld.idx.msk [tilespmem:v8+s28+$0x0], $0xffff  }
0x3a3: {  	v10 =	vld.idx.msk [tilespmem:v11+s28+$0x0], $0xffff;
	_ =	sdelay $0x2  }
0x3a4: {  	v7 =	vmul.f32 v7, v2  }
0x3a5: {  	v9 =	vmul.f32 v9, v4  }
0x3a6: {  	v8 =	vmul.f32 v8, v3  }
0x3a7: {  	v10 =	vmul.f32 v10, v5  }
0x3a8: {  	v7 =	vadd.f32 v7, v8  }
0x3a9: {  	v8 =	vadd.f32 v9, v10;
	v9 =	vadd.s32 $0x281, v1  }
0x3aa: {  	v10 =	vadd.s32 $0x289, v1  }
0x3ab: {  	v7 =	vadd.f32 v7, v8;
	v8 =	vadd.s32 $0x280, v1  }
0x3ac: {  	v11 =	vadd.s32 $0x288, v1  }
0x3ad: {  	[tilespmem:s6+$0x6A00] =	vst v7  }
0x3ae: {  	v7 =	vld.idx.msk [tilespmem:v9+s28+$0x0], $0xffff  }
0x3af: {  	v9 =	vld.idx.msk [tilespmem:v10+s28+$0x0], $0xffff  }
0x3b0: {  	v8 =	vld.idx.msk [tilespmem:v8+s28+$0x0], $0xffff  }
0x3b1: {  	v10 =	vld.idx.msk [tilespmem:v11+s28+$0x0], $0xffff;
	_ =	sdelay $0x3  }
0x3b2: {  	v7 =	vmul.f32 v7, v4;
	v9 =	vmul.f32 v9, v2  }
0x3b3: {  	v8 =	vmul.f32 v8, v5  }
0x3b4: {  	v10 =	vmul.f32 v10, v3  }
0x3b5: {  	v7 =	vadd.f32 v7, v8  }
0x3b6: {  	v8 =	vadd.f32 v9, v10;
	v9 =	vadd.s32 $0x309, v1  }
0x3b7: {  	v10 =	vadd.s32 $0x301, v1  }
0x3b8: {  	v7 =	vadd.f32 v8, v7;
	v8 =	vadd.s32 $0x300, v1  }
0x3b9: {  	v11 =	vadd.s32 $0x308, v1  }
0x3ba: {  	[tilespmem:s6+$0x6A80] =	vst v7  }
0x3bb: {  	v7 =	vld.idx.msk [tilespmem:v9+s28+$0x0], $0xffff  }
0x3bc: {  	v9 =	vld.idx.msk [tilespmem:v10+s28+$0x0], $0xffff  }
0x3bd: {  	v8 =	vld.idx.msk [tilespmem:v8+s28+$0x0], $0xffff  }
0x3be: {  	v10 =	vld.idx.msk [tilespmem:v11+s28+$0x0], $0xffff;
	_ =	sdelay $0x2  }
0x3bf: {  	v7 =	vmul.f32 v7, v2  }
0x3c0: {  	v9 =	vmul.f32 v9, v4  }
0x3c1: {  	v8 =	vmul.f32 v8, v5  }
0x3c2: {  	v10 =	vmul.f32 v10, v3  }
0x3c3: {  	v8 =	vadd.f32 v9, v8  }
0x3c4: {  	v9 =	vadd.s32 $0x380, v1;
	v7 =	vadd.f32 v7, v10  }
0x3c5: {  	v10 =	vadd.s32 $0x388, v1  }
0x3c6: {  	v7 =	vadd.f32 v7, v8;
	v8 =	vadd.s32 $0x381, v1  }
0x3c7: {  	v11 =	vadd.s32 $0x389, v1  }
0x3c8: {  	[tilespmem:s6+$0x6B00] =	vst v7  }
0x3c9: {  	v7 =	vld.idx.msk [tilespmem:v9+s28+$0x0], $0xffff  }
0x3ca: {  	v9 =	vld.idx.msk [tilespmem:v10+s28+$0x0], $0xffff  }
0x3cb: {  	v8 =	vld.idx.msk [tilespmem:v8+s28+$0x0], $0xffff  }
0x3cc: {  	v10 =	vld.idx.msk [tilespmem:v11+s28+$0x0], $0xffff;
	_ =	sdelay $0x2  }
0x3cd: {  	v7 =	vmul.f32 v7, v5;
	_ =	sdelay $0x1  }
0x3ce: {  	v9 =	vmul.f32 v9, v3;
	v8 =	vmul.f32 v8, v4  }
0x3cf: {  	v10 =	vmul.f32 v10, v2  }
0x3d0: {  	v7 =	vadd.f32 v8, v7  }
0x3d1: {  	v8 =	vadd.f32 v10, v9;
	v9 =	vadd.s32 $0x409, v1  }
0x3d2: {  	v10 =	vadd.s32 $0x401, v1  }
0x3d3: {  	s30 =	sor.u32 s7, s30;
	v7 =	vadd.f32 v8, v7;
	v8 =	vadd.s32 $0x400, v1  }
0x3d4: {  	s30 =	sor.u32 $0x380, s30;
	v11 =	vadd.s32 $0x408, v1  }
0x3d5: {  	[tilespmem:s30+$0x6800] =	vst v7  }
0x3d6: {  	v7 =	vld.idx.msk [tilespmem:v9+s28+$0x0], $0xffff  }
0x3d7: {  	v9 =	vld.idx.msk [tilespmem:v10+s28+$0x0], $0xffff  }
0x3d8: {  	v8 =	vld.idx.msk [tilespmem:v8+s28+$0x0], $0xffff  }
0x3d9: {  	v10 =	vld.idx.msk [tilespmem:v11+s28+$0x0], $0xffff;
	_ =	sdelay $0x2  }
0x3da: {  	v7 =	vmul.f32 v7, v2  }
0x3db: {  	v9 =	vmul.f32 v9, v4  }
0x3dc: {  	v8 =	vmul.f32 v8, v5  }
0x3dd: {  	v10 =	vmul.f32 v10, v3  }
0x3de: {  	v8 =	vadd.f32 v9, v8  }
0x3df: {  	v9 =	vadd.s32 $0x489, v1;
	v7 =	vadd.f32 v7, v10  }
0x3e0: {  	v10 =	vadd.s32 $0x480, v1  }
0x3e1: {  	v7 =	vadd.f32 v7, v8;
	v8 =	vadd.s32 $0x481, v1  }
0x3e2: {  	v11 =	vadd.s32 $0x488, v1  }
0x3e3: {  	[tilespmem:s6+$0x7800] =	vst v7  }
0x3e4: {  	v7 =	vld.idx.msk [tilespmem:v9+s28+$0x0], $0xffff  }
0x3e5: {  	v9 =	vld.idx.msk [tilespmem:v10+s28+$0x0], $0xffff  }
0x3e6: {  	v8 =	vld.idx.msk [tilespmem:v8+s28+$0x0], $0xffff  }
0x3e7: {  	v10 =	vld.idx.msk [tilespmem:v11+s28+$0x0], $0xffff;
	_ =	sdelay $0x2  }
0x3e8: {  	v7 =	vmul.f32 v7, v2  }
.Ltmp0:
0x3e9: {  	v9 =	vmul.f32 v9, v5;
	(pc) =	sbr.rel @p0 .LBB2_3-.Ltmp0, $4  }
0x3ea: {  	v8 =	vmul.f32 v8, v4  }
0x3eb: {  	v10 =	vmul.f32 v10, v3  }
0x3ec: {  	v8 =	vadd.f32 v8, v9  }
0x3ed: {  	s29 =	sadd.s32 $0x10, s29;
	v9 =	vadd.f32 v7, v10;
	v7 =	vadd.s32 $0x500, v1  }
0x3ee: {  	_ = 	snop  }
0x3ef: {  	v8 =	vadd.f32 v9, v8;
	v9 =	vadd.s32 $0x508, v1  }
0x3f0: {  	v10 =	vadd.s32 $0x509, v1  }
0x3f1: {  	[tilespmem:s6+$0x7880] =	vst v8  }
0x3f2: {  	v7 =	vld.idx.msk [tilespmem:v7+s28+$0x0], $0xffff  }
0x3f3: {  	v6 =	vld.idx.msk [tilespmem:v6+s28+$0x0], $0xffff  }
0x3f4: {  	v8 =	vld.idx.msk [tilespmem:v9+s28+$0x0], $0xffff  }
0x3f5: {  	v9 =	vld.idx.msk [tilespmem:v10+s28+$0x0], $0xffff;
	_ =	sdelay $0x3  }
0x3f6: {  	v7 =	vmul.f32 v7, v5;
	v6 =	vmul.f32 v6, v4  }
0x3f7: {  	v8 =	vmul.f32 v8, v3;
	v9 =	vmul.f32 v9, v2;
	_ =	sdelay $0x1  }
0x3f8: {  	v6 =	vadd.f32 v6, v7;
	v7 =	vadd.f32 v9, v8;
	v8 =	vadd.s32 $0x580, v1  }
0x3f9: {  	v9 =	vadd.s32 $0x581, v1  }
0x3fa: {  	v6 =	vadd.f32 v7, v6;
	v7 =	vadd.s32 $0x589, v1  }
0x3fb: {  	v1 =	vadd.s32 $0x588, v1  }
0x3fc: {  	[tilespmem:s6+$0x7900] =	vst v6  }
0x3fd: {  	v6 =	vld.idx.msk [tilespmem:v8+s28+$0x0], $0xffff  }
0x3fe: {  	v8 =	vld.idx.msk [tilespmem:v9+s28+$0x0], $0xffff  }
0x3ff: {  	v7 =	vld.idx.msk [tilespmem:v7+s28+$0x0], $0xffff  }
0x400: {  	v1 =	vld.idx.msk [tilespmem:v1+s28+$0x0], $0xffff;
	_ =	sdelay $0x3  }
0x401: {  	v10 =	vmul.f32 v6, v5;
	v11 =	vmul.f32 v8, v4  }
0x402: {  	v2 =	vmul.f32 v7, v2;
	v1 =	vmul.f32 v1, v3;
	_ =	sdelay $0x1  }
0x403: {  	v3 =	vadd.f32 v11, v10;
	v1 =	vadd.f32 v2, v1  }
0x404: {  	s1 =	sshll.u32 s4, $0x4  }
0x405: {  	s7 =	sand.u32 $0x7E00, s23;
	s1 =	sand.u32 $0x70, s1;
	v1 =	vadd.f32 v1, v3  }
0x406: {  	s1 =	sor.u32 s1, s7  }
0x407: {  	s24 =	simm.s32 $0x6800;
	s23 =	sadd.s32 s8, s1;
	[tilespmem:s6+$0x7980] =	vst v1  }
0x408: {  	[hbm4b:s23+s2] =	stream.linear.scatter [tilespmem:s24], [sflag:$0x1], $0x80, $0x38;
	[tilespmem:$0x9000] =	vst v63  }
0x409: {  	s21 =	simm.s32 $0x6C00;
	s29 =	sadd.s32 $0x80, s23  }
0x40a: {  	[hbm4b:s29+s2] =	stream.linear.scatter [tilespmem:s21], [sflag:$0x1], $0x80, $0x38;
	[tilespmem:$0x9000] =	vst v63  }
0x40b: {  	s31 =	simm.s32 $0x7000;
	s30 =	sadd.s32 $0x100, s23  }
0x40c: {  	[hbm4b:s30+s2] =	stream.linear.scatter [tilespmem:s31], [sflag:$0x1], $0x80, $0x38;
	[tilespmem:$0x9000] =	vst v63  }
0x40d: {  	s6 =	sadd.s32 $0x180, s23;
	s21 =	simm.s32 $0x7400  }
0x40e: {  	[hbm4b:s6+s2] =	stream.linear.scatter [tilespmem:s21], [sflag:$0x1], $0x80, $0x38;
	[tilespmem:$0x9000] =	vst v63  }
0x40f: {  	s23 =	simm.s32 $0x6880;
	s6 =	sadd.s32 s1, s10  }
0x410: {  	[hbm4b:s6+s2] =	stream.linear.scatter [tilespmem:s23], [sflag:$0x1], $0x80, $0x38;
	[tilespmem:$0x9000] =	vst v63  }
0x411: {  	s29 =	simm.s32 $0x6C80;
	s24 =	sadd.s32 $0x80, s6  }
0x412: {  	[hbm4b:s24+s2] =	stream.linear.scatter [tilespmem:s29], [sflag:$0x1], $0x80, $0x38;
	[tilespmem:$0x9000] =	vst v63  }
0x413: {  	s31 =	simm.s32 $0x7080;
	s30 =	sadd.s32 $0x100, s6  }
0x414: {  	[hbm4b:s30+s2] =	stream.linear.scatter [tilespmem:s31], [sflag:$0x1], $0x80, $0x38;
	[tilespmem:$0x9000] =	vst v63  }
0x415: {  	s21 =	simm.s32 $0x7480;
	s6 =	sadd.s32 $0x180, s6  }
0x416: {  	[hbm4b:s6+s2] =	stream.linear.scatter [tilespmem:s21], [sflag:$0x1], $0x80, $0x38;
	[tilespmem:$0x9000] =	vst v63  }
0x417: {  	s23 =	simm.s32 $0x6900;
	s6 =	sadd.s32 s1, s11  }
0x418: {  	[hbm4b:s6+s2] =	stream.linear.scatter [tilespmem:s23], [sflag:$0x1], $0x80, $0x38;
	[tilespmem:$0x9000] =	vst v63  }
0x419: {  	s29 =	simm.s32 $0x6D00;
	s24 =	sadd.s32 $0x80, s6  }
0x41a: {  	[hbm4b:s24+s2] =	stream.linear.scatter [tilespmem:s29], [sflag:$0x1], $0x80, $0x38;
	[tilespmem:$0x9000] =	vst v63  }
0x41b: {  	s31 =	simm.s32 $0x7100;
	s30 =	sadd.s32 $0x100, s6  }
0x41c: {  	[hbm4b:s30+s2] =	stream.linear.scatter [tilespmem:s31], [sflag:$0x1], $0x80, $0x38;
	[tilespmem:$0x9000] =	vst v63  }
0x41d: {  	s21 =	simm.s32 $0x7500;
	s6 =	sadd.s32 $0x180, s6  }
0x41e: {  	[hbm4b:s6+s2] =	stream.linear.scatter [tilespmem:s21], [sflag:$0x1], $0x80, $0x38;
	[tilespmem:$0x9000] =	vst v63  }
0x41f: {  	s23 =	simm.s32 $0x6980;
	s6 =	sadd.s32 s1, s12  }
0x420: {  	[hbm4b:s6+s2] =	stream.linear.scatter [tilespmem:s23], [sflag:$0x1], $0x80, $0x38;
	[tilespmem:$0x9000] =	vst v63  }
0x421: {  	s29 =	simm.s32 $0x6D80;
	s24 =	sadd.s32 $0x80, s6  }
0x422: {  	[hbm4b:s24+s2] =	stream.linear.scatter [tilespmem:s29], [sflag:$0x1], $0x80, $0x38;
	[tilespmem:$0x9000] =	vst v63  }
0x423: {  	s31 =	simm.s32 $0x7180;
	s30 =	sadd.s32 $0x100, s6  }
0x424: {  	[hbm4b:s30+s2] =	stream.linear.scatter [tilespmem:s31], [sflag:$0x1], $0x80, $0x38;
	[tilespmem:$0x9000] =	vst v63  }
0x425: {  	s21 =	simm.s32 $0x7580;
	s6 =	sadd.s32 $0x180, s6  }
0x426: {  	[hbm4b:s6+s2] =	stream.linear.scatter [tilespmem:s21], [sflag:$0x1], $0x80, $0x38;
	[tilespmem:$0x9000] =	vst v63  }
0x427: {  	s23 =	simm.s32 $0x6A00;
	s6 =	sadd.s32 s1, s13  }
0x428: {  	[hbm4b:s6+s2] =	stream.linear.scatter [tilespmem:s23], [sflag:$0x1], $0x80, $0x38;
	[tilespmem:$0x9000] =	vst v63  }
0x429: {  	s29 =	simm.s32 $0x6E00;
	s24 =	sadd.s32 $0x80, s6  }
0x42a: {  	[hbm4b:s24+s2] =	stream.linear.scatter [tilespmem:s29], [sflag:$0x1], $0x80, $0x38;
	[tilespmem:$0x9000] =	vst v63  }
0x42b: {  	s31 =	simm.s32 $0x7200;
	s30 =	sadd.s32 $0x100, s6  }
0x42c: {  	[hbm4b:s30+s2] =	stream.linear.scatter [tilespmem:s31], [sflag:$0x1], $0x80, $0x38;
	[tilespmem:$0x9000] =	vst v63  }
0x42d: {  	s21 =	simm.s32 $0x7600;
	s6 =	sadd.s32 $0x180, s6  }
0x42e: {  	[hbm4b:s6+s2] =	stream.linear.scatter [tilespmem:s21], [sflag:$0x1], $0x80, $0x38;
	[tilespmem:$0x9000] =	vst v63  }
0x42f: {  	s23 =	simm.s32 $0x6A80;
	s6 =	sadd.s32 s1, s14  }
0x430: {  	[hbm4b:s6+s2] =	stream.linear.scatter [tilespmem:s23], [sflag:$0x1], $0x80, $0x38;
	[tilespmem:$0x9000] =	vst v63  }
0x431: {  	s29 =	simm.s32 $0x6E80;
	s24 =	sadd.s32 $0x80, s6  }
0x432: {  	[hbm4b:s24+s2] =	stream.linear.scatter [tilespmem:s29], [sflag:$0x1], $0x80, $0x38;
	[tilespmem:$0x9000] =	vst v63  }
0x433: {  	s31 =	simm.s32 $0x7280;
	s30 =	sadd.s32 $0x100, s6  }
0x434: {  	[hbm4b:s30+s2] =	stream.linear.scatter [tilespmem:s31], [sflag:$0x1], $0x80, $0x38;
	[tilespmem:$0x9000] =	vst v63  }
0x435: {  	s21 =	simm.s32 $0x7680;
	s6 =	sadd.s32 $0x180, s6  }
0x436: {  	[hbm4b:s6+s2] =	stream.linear.scatter [tilespmem:s21], [sflag:$0x1], $0x80, $0x38;
	[tilespmem:$0x9000] =	vst v63  }
0x437: {  	s23 =	simm.s32 $0x6B00;
	s6 =	sadd.s32 s1, s15  }
0x438: {  	[hbm4b:s6+s2] =	stream.linear.scatter [tilespmem:s23], [sflag:$0x1], $0x80, $0x38;
	[tilespmem:$0x9000] =	vst v63  }
0x439: {  	s29 =	simm.s32 $0x6F00;
	s24 =	sadd.s32 $0x80, s6  }
0x43a: {  	[hbm4b:s24+s2] =	stream.linear.scatter [tilespmem:s29], [sflag:$0x1], $0x80, $0x38;
	[tilespmem:$0x9000] =	vst v63  }
0x43b: {  	s31 =	simm.s32 $0x7300;
	s30 =	sadd.s32 $0x100, s6  }
0x43c: {  	[hbm4b:s30+s2] =	stream.linear.scatter [tilespmem:s31], [sflag:$0x1], $0x80, $0x38;
	[tilespmem:$0x9000] =	vst v63  }
0x43d: {  	s21 =	simm.s32 $0x7700;
	s6 =	sadd.s32 $0x180, s6  }
0x43e: {  	[hbm4b:s6+s2] =	stream.linear.scatter [tilespmem:s21], [sflag:$0x1], $0x80, $0x38;
	[tilespmem:$0x9000] =	vst v63  }
0x43f: {  	s23 =	simm.s32 $0x6B80;
	s6 =	sadd.s32 s1, s16  }
0x440: {  	[hbm4b:s6+s2] =	stream.linear.scatter [tilespmem:s23], [sflag:$0x1], $0x80, $0x38;
	[tilespmem:$0x9000] =	vst v63  }
0x441: {  	s29 =	simm.s32 $0x6F80;
	s24 =	sadd.s32 $0x80, s6  }
0x442: {  	[hbm4b:s24+s2] =	stream.linear.scatter [tilespmem:s29], [sflag:$0x1], $0x80, $0x38;
	[tilespmem:$0x9000] =	vst v63  }
0x443: {  	s31 =	simm.s32 $0x7380;
	s30 =	sadd.s32 $0x100, s6  }
0x444: {  	[hbm4b:s30+s2] =	stream.linear.scatter [tilespmem:s31], [sflag:$0x1], $0x80, $0x38;
	[tilespmem:$0x9000] =	vst v63  }
0x445: {  	s21 =	simm.s32 $0x7780;
	s6 =	sadd.s32 $0x180, s6  }
0x446: {  	[hbm4b:s6+s2] =	stream.linear.scatter [tilespmem:s21], [sflag:$0x1], $0x80, $0x38;
	[tilespmem:$0x9000] =	vst v63  }
0x447: {  	s23 =	simm.s32 $0x7800;
	s6 =	sadd.s32 s1, s17  }
0x448: {  	[hbm4b:s6+s2] =	stream.linear.scatter [tilespmem:s23], [sflag:$0x1], $0x80, $0x38;
	[tilespmem:$0x9000] =	vst v63  }
0x449: {  	s29 =	simm.s32 $0x7C00;
	s24 =	sadd.s32 $0x80, s6  }
0x44a: {  	[hbm4b:s24+s2] =	stream.linear.scatter [tilespmem:s29], [sflag:$0x1], $0x80, $0x38;
	[tilespmem:$0x9000] =	vst v63  }
0x44b: {  	s31 =	simm.s32 $0x8000;
	s30 =	sadd.s32 $0x100, s6  }
0x44c: {  	[hbm4b:s30+s2] =	stream.linear.scatter [tilespmem:s31], [sflag:$0x1], $0x80, $0x38;
	[tilespmem:$0x9000] =	vst v63  }
0x44d: {  	s6 =	sadd.s32 $0x180, s6;
	s23 =	simm.s32 $0x8400  }
0x44e: {  	[hbm4b:s6+s2] =	stream.linear.scatter [tilespmem:s23], [sflag:$0x1], $0x80, $0x38;
	[tilespmem:$0x9000] =	vst v63  }
0x44f: {  	s24 =	sadd.s32 s1, s18;
	s29 =	simm.s32 $0x7880  }
0x450: {  	[hbm4b:s24+s2] =	stream.linear.scatter [tilespmem:s29], [sflag:$0x1], $0x80, $0x38;
	[tilespmem:$0x9000] =	vst v63  }
0x451: {  	s30 =	sadd.s32 $0x80, s24;
	s31 =	simm.s32 $0x7C80  }
0x452: {  	[hbm4b:s30+s2] =	stream.linear.scatter [tilespmem:s31], [sflag:$0x1], $0x80, $0x38;
	[tilespmem:$0x9000] =	vst v63  }
0x453: {  	s21 =	sadd.s32 $0x100, s24;
	s23 =	simm.s32 $0x8080  }
0x454: {  	[hbm4b:s21+s2] =	stream.linear.scatter [tilespmem:s23], [sflag:$0x1], $0x80, $0x38;
	[tilespmem:$0x9000] =	vst v63  }
0x455: {  	s6 =	sadd.s32 $0x180, s24;
	s24 =	simm.s32 $0x8480  }
0x456: {  	[hbm4b:s6+s2] =	stream.linear.scatter [tilespmem:s24], [sflag:$0x1], $0x80, $0x38;
	[tilespmem:$0x9000] =	vst v63  }
0x457: {  	s29 =	simm.s32 $0x7900;
	s6 =	sadd.s32 s1, s19  }
0x458: {  	[hbm4b:s6+s2] =	stream.linear.scatter [tilespmem:s29], [sflag:$0x1], $0x80, $0x38;
	[tilespmem:$0x9000] =	vst v63  }
0x459: {  	s31 =	simm.s32 $0x7D00;
	s30 =	sadd.s32 $0x80, s6  }
0x45a: {  	[hbm4b:s30+s2] =	stream.linear.scatter [tilespmem:s31], [sflag:$0x1], $0x80, $0x38;
	[tilespmem:$0x9000] =	vst v63  }
0x45b: {  	s24 =	simm.s32 $0x8100;
	s23 =	sadd.s32 $0x100, s6  }
0x45c: {  	[hbm4b:s23+s2] =	stream.linear.scatter [tilespmem:s24], [sflag:$0x1], $0x80, $0x38;
	[tilespmem:$0x9000] =	vst v63  }
0x45d: {  	s6 =	sadd.s32 $0x180, s6;
	s29 =	simm.s32 $0x8500  }
0x45e: {  	[hbm4b:s6+s2] =	stream.linear.scatter [tilespmem:s29], [sflag:$0x1], $0x80, $0x38;
	[tilespmem:$0x9000] =	vst v63  }
0x45f: {  	s1 =	sadd.s32 s1, s20  }
0x460: {  	[hbm4b:s1+s2] =	stream.linear.scatter [tilespmem:s0], [sflag:$0x1], $0x80, $0x38;
	[tilespmem:$0x9000] =	vst v63  }
0x461: {  	s30 =	sadd.s32 $0x80, s1  }
0x462: {  	[hbm4b:s30+s2] =	stream.linear.scatter [tilespmem:s5], [sflag:$0x1], $0x80, $0x38;
	[tilespmem:$0x9000] =	vst v63  }
0x463: {  	s31 =	sadd.s32 $0x100, s1  }
0x464: {  	[hbm4b:s31+s2] =	stream.linear.scatter [tilespmem:s25], [sflag:$0x1], $0x80, $0x38;
	[tilespmem:$0x9000] =	vst v63  }
0x465: {  	s1 =	sadd.s32 $0x180, s1  }
0x466: {  	[hbm4b:s1+s2] =	stream.linear.scatter [tilespmem:s26], [sflag:$0x1], $0x80, $0x38;
	[tilespmem:$0x9000] =	vst v63  }
0x467: {  	_ =	swait.ge [sflag:s3], $0x200  }
0x468: {  	[sflag:s3] =	ssyncset.done $0x0  }
0x469: {  	[sflag:s3] =	ssyncadd.s32 $0xFFFFFE00  }
0x46a: {  	_ =	swait.ge [sflag:s3], $0x200  }
0x46b: {  	[sflag:s3] =	ssyncset.done $0x0  }
0x46c: {  	[sflag:s3] =	ssyncadd.s32 $0xFFFFFE00  }
0x46d: {  	_ =	swait.ge [sflag:s3], $0x200  }
0x46e: {  	[sflag:s3] =	ssyncset.done $0x0  }
0x46f: {  	[sflag:s3] =	ssyncadd.s32 $0xFFFFFE00  }
0x470: {  	_ =	swait.ge [sflag:s3], $0x200  }
0x471: {  	[sflag:s3] =	ssyncset.done $0x0  }
0x472: {  	[sflag:s3] =	ssyncadd.s32 $0xFFFFFE00  }
0x473: {  	_ =	swait.ge [sflag:s3], $0x200  }
0x474: {  	[sflag:s3] =	ssyncset.done $0x0  }
0x475: {  	[sflag:s3] =	ssyncadd.s32 $0xFFFFFE00  }
0x476: {  	_ =	swait.ge [sflag:s3], $0x200  }
0x477: {  	[sflag:s3] =	ssyncset.done $0x0  }
0x478: {  	[sflag:s3] =	ssyncadd.s32 $0xFFFFFE00  }
0x479: {  	_ =	swait.ge [sflag:s3], $0x200  }
0x47a: {  	[sflag:s3] =	ssyncset.done $0x0  }
0x47b: {  	[sflag:s3] =	ssyncadd.s32 $0xFFFFFE00  }
0x47c: {  	_ =	swait.ge [sflag:s3], $0x200  }
0x47d: {  	[sflag:s3] =	ssyncset.done $0x0  }
0x47e: {  	[sflag:s3] =	ssyncadd.s32 $0xFFFFFE00  }
0x47f: {  	_ =	swait.ge [sflag:s3], $0x200  }
0x480: {  	[sflag:s3] =	ssyncset.done $0x0  }
0x481: {  	[sflag:s3] =	ssyncadd.s32 $0xFFFFFE00  }
0x482: {  	_ =	swait.ge [sflag:s3], $0x200  }
0x483: {  	[sflag:s3] =	ssyncset.done $0x0  }
0x484: {  	s4 =	sadd.s32 $0x1, s4;
	[sflag:s3] =	ssyncadd.s32 $0xFFFFFE00  }
0x485: {  	p0 =	sne.s32 s4, $0x10;
	_ =	swait.ge [sflag:s3], $0x200  }
.Ltmp1:
0x486: {  	[sflag:s3] =	ssyncset.done $0x0;
	(pc) =	sbr.rel @p0 .LBB2_2-.Ltmp1, $4  }
0x487: {  	[sflag:s3] =	ssyncadd.s32 $0xFFFFFE00  }
0x488: {  	_ =	swait.ge [sflag:s3], $0x200  }
0x489: {  	[sflag:s3] =	ssyncset.done $0x0  }
0x48a: {  	[sflag:s3] =	ssyncadd.s32 $0xFFFFFE00  }
0x48b: {  	s4 =	rddreg [dreg:$0x8]  }
0x48c: {  	s1 =	rddreg [dreg:$0x7];
	s4 =	sadd.s32 $0x1, s4  }
0x48d: {  	p0 =	sne.s32 s4, s1  }
.Ltmp2:
0x48e: {  	_ = 	snop;
	(pc) =	sbr.rel @p0 .LBB2_1-.Ltmp2, $1  }
0x48f: {  	_ =	sdelay $0x3  }
0x490: {  	_ =	sfence.sel $0x180000  }
0x491: {  	[bflag:$0x0] =	sbarrier.arrive $0xFFFF  }
0x492: {  	_ =	strace $0x90000047  }
0x493: {  	s0 =	stileid.u32;
	[bflag:$0x2] =	sbarrier.arrive $0xFFFF  }
0x494: {  	p0 =	sne.s32 s0, $0x0;
	s0 =	rddreg [dreg:$0x2]  }
0x495: {  	s0 =	sadd.s32 @!p0 $0x100000, s0  }
0x496: {  	[sflag:s0] =	ssyncadd.tile.s32 @!p0 $0x1;
	_ =	shalt  }
.Lfunc_end2:
_tile_overlayer_lowered:
.L_overlay_start_2:
0x497: {  	(tag) =	ssettag $0x2  }
0x498: {  	s0 =	rddreg [dreg:$0x0];
	s2 =	stileid.u32  }
0x499: {  	s1 =	rddreg [dreg:$0x1];
	p0 =	sne.s32 s2, $0x0  }
0x49a: {  	s3 =	rddreg [dreg:$0x2];
	[bflag:$0x3] =	sbarrier.arrive $0xFFFF;
	s2 =	simm.s32 @!p0 $0x1C02  }
0x49b: {  	[timem:s3], [sflag:s2] =	dma.local @!p0 [hbm:s0], s1  }
0x49c: {  	s0 =	simm.s32 @!p0 $0x2  }
0x49d: {  	_ =	swait.ge @!p0 [sflag:s0], s1  }
0x49e: {  	s1 =	ssub.s32 @!p0 $0x0, s1;
	[sflag:s0] =	ssyncset.done @!p0 $0x0  }
0x49f: {  	[sflag:s0] =	ssyncadd.s32 @!p0 s1  }
0x4a0: {  	[bflag:$0x3] =	sbarrier.arrive $0xFFFF  }
0x4a1: {  	_ =	shalt  }

</sc_bundles>
